<compile_context>
chip_gen: v7x
topology: tpu7x:2x2x1
jax: 0.10.2.dev20260603
libtpu: 0.0.44.dev20260713+nightly
codegen_flags: <defaults>
</compile_context>

<pallas_src>
import functools

import jax
import jax.numpy as jnp
from jax import lax
from jax.experimental import pallas as pl
from jax.experimental.pallas import tpu as pltpu
from jax.experimental.pallas import tpu_sc as plsc

N = 10000
E = 320000
H = 128
C_OUT = 64
EPS = 1e-5

NB = 128
NC = 2
NS = 16
NW = NC * NS
T = 80
CPB = 16
NBODY = T // CPB
NCHP = NW * T
EP = NCHP * NB
NP = 10240
ROWS_PER_TILE = NP // NS

_mesh = plsc.VectorSubcoreMesh(core_axis_name="c", subcore_axis_name="s")
_f32 = jnp.float32


@functools.partial(
    pl.kernel,
    out_type=jax.ShapeDtypeStruct((NC * NP, H), _f32),
    mesh=_mesh,
    scratch_types=[
        pltpu.VMEM((CPB, NB), jnp.int32),
        pltpu.VMEM((NB, H), _f32),
        pltpu.VMEM_SHARED((NP, H), _f32),
    ],
)
def _deg_kernel(dst_hbm, zeros_hbm, ones_hbm, out_hbm, d_v, ones_v, acc):
    cid = lax.axis_index("c")
    sid = lax.axis_index("s")
    wid = sid * NC + cid
    r0 = sid * ROWS_PER_TILE
    pltpu.sync_copy(zeros_hbm, ones_v)
    for t in range(ROWS_PER_TILE // NB):
        pltpu.sync_copy(ones_v, acc.at[pl.ds(r0 + t * NB, NB)])
    pltpu.sync_copy(ones_hbm, ones_v)
    plsc.subcore_barrier()

    def body(i, carry):
        row = wid * T + i * CPB
        pltpu.sync_copy(dst_hbm.at[pl.ds(row, CPB)], d_v)
        for j in range(CPB):
            pltpu.sync_copy(ones_v, acc.at[d_v.at[j]], add=True)
        return carry

    lax.fori_loop(0, NBODY, body, 0)
    plsc.subcore_barrier()
    pltpu.sync_copy(acc.at[pl.ds(r0, ROWS_PER_TILE)],
                    out_hbm.at[pl.ds(cid * NP + r0, ROWS_PER_TILE)])


@functools.partial(
    pl.kernel,
    out_type=jax.ShapeDtypeStruct((NC * NP, H), _f32),
    mesh=_mesh,
    scratch_types=[
        pltpu.VMEM((2 * CPB, NB), jnp.int32),
        pltpu.VMEM((NB, H), _f32),
        pltpu.VMEM((NB, H), _f32),
        pltpu.VMEM_SHARED((NP, H), _f32),
        pltpu.SemaphoreType.DMA,
        pltpu.SemaphoreType.DMA,
    ],
)
def _agg_kernel(hp_hbm, sd_hbm, zeros_hbm, out_hbm,
                sd_v, rows0, rows1, acc, sem0, sem1):
    cid = lax.axis_index("c")
    sid = lax.axis_index("s")
    wid = sid * NC + cid
    r0 = sid * ROWS_PER_TILE
    pltpu.sync_copy(zeros_hbm, rows0)
    for t in range(ROWS_PER_TILE // NB):
        pltpu.sync_copy(rows0, acc.at[pl.ds(r0 + t * NB, NB)])
    plsc.subcore_barrier()

    bufs = (rows0, rows1)
    sems = (sem0, sem1)

    def body(i, carry):
        row = 2 * (wid * T + i * CPB)
        pltpu.sync_copy(sd_hbm.at[pl.ds(row, 2 * CPB)], sd_v)
        cps = [pltpu.async_copy(hp_hbm.at[sd_v.at[0]], rows0, sem0), None]
        for j in range(CPB):
            if j + 1 < CPB:
                nb = (j + 1) % 2
                cps[nb] = pltpu.async_copy(
                    hp_hbm.at[sd_v.at[2 * (j + 1)]], bufs[nb], sems[nb])
            cps[j % 2].wait()
            pltpu.sync_copy(bufs[j % 2], acc.at[sd_v.at[2 * j + 1]], add=True)
        return carry

    lax.fori_loop(0, NBODY, body, 0)
    plsc.subcore_barrier()
    pltpu.sync_copy(acc.at[pl.ds(r0, ROWS_PER_TILE)],
                    out_hbm.at[pl.ds(cid * NP + r0, ROWS_PER_TILE)])


def _prep_body(degp_ref, x_ref, dis_ref, hp_ref):
    deg = degp_ref[:N, 0:1] + degp_ref[NP:NP + N, 0:1] + 1.0
    dis = lax.rsqrt(deg)
    dis_ref[...] = dis
    hp_ref[...] = x_ref[...] * dis


_prep_tc = pl.pallas_call(
    _prep_body,
    out_shape=[
        jax.ShapeDtypeStruct((N, 1), _f32),
        jax.ShapeDtypeStruct((N, H), _f32),
    ],
)


def _layer_math(S_ref, hp_ref, dis_ref, W_ref, b_ref, g_ref, be_ref):
    dis = dis_ref[...]
    agg = dis * (S_ref[:N] + S_ref[NP:NP + N] + hp_ref[...])
    z = jnp.dot(agg, W_ref[...], preferred_element_type=_f32) + b_ref[...]
    mu = jnp.mean(z, axis=0, keepdims=True)
    d = z - mu
    var = jnp.mean(d * d, axis=0, keepdims=True)
    y = d * lax.rsqrt(var + EPS) * g_ref[...] + be_ref[...]
    return jnp.maximum(y, 0.0), dis


def _layer_body(S_ref, hp_ref, dis_ref, W_ref, b_ref, g_ref, be_ref,
                y_ref, hpn_ref):
    y, dis = _layer_math(S_ref, hp_ref, dis_ref, W_ref, b_ref, g_ref, be_ref)
    y_ref[...] = y
    hpn_ref[...] = y * dis


_layer_tc = pl.pallas_call(
    _layer_body,
    out_shape=[
        jax.ShapeDtypeStruct((N, H), _f32),
        jax.ShapeDtypeStruct((N, H), _f32),
    ],
)


def _final_body(S_ref, hp_ref, dis_ref, W_ref, b_ref, g_ref, be_ref,
                h1_ref, h2_ref, lw1_ref, lb1_ref, lw2_ref, lb2_ref, out_ref):
    h3, _ = _layer_math(S_ref, hp_ref, dis_ref, W_ref, b_ref, g_ref, be_ref)
    m = jnp.maximum(jnp.maximum(h1_ref[...], h2_ref[...]), h3)
    t = jnp.maximum(
        jnp.dot(m, lw1_ref[...], preferred_element_type=_f32) + lb1_ref[...],
        0.0)
    o = jnp.dot(t, lw2_ref[...], preferred_element_type=_f32) + lb2_ref[...]
    mx = jnp.max(o, axis=-1, keepdims=True)
    lse = jnp.log(jnp.sum(jnp.exp(o - mx), axis=-1, keepdims=True)) + mx
    out_ref[...] = o - lse


_final_tc = pl.pallas_call(
    _final_body,
    out_shape=jax.ShapeDtypeStruct((N, C_OUT), _f32),
)


def kernel(x, adj_t, W0, b0, g0, be0, W1, b1, g1, be1, W2, b2, g2, be2,
           lw1, lb1, lw2, lb2):
    src = adj_t[0]
    dst = adj_t[1]
    pad = EP - E
    srcp = jnp.concatenate([src, jnp.zeros((pad,), jnp.int32)])
    dstp = jnp.concatenate(
        [dst, N + (jnp.arange(pad, dtype=jnp.int32) % (NP - N))])
    sd_all = jnp.stack(
        [srcp.reshape(NCHP, NB), dstp.reshape(NCHP, NB)], axis=1
    ).reshape(2 * NCHP, NB)
    d_all = dstp.reshape(NCHP, NB)

    zerosH = jnp.zeros((NB, H), _f32)
    onesH = jnp.ones((NB, H), _f32)

    degp = _deg_kernel(d_all, zerosH, onesH)
    dis, hp0 = _prep_tc(degp, x)

    S = _agg_kernel(hp0, sd_all, zerosH)
    h1, hp1 = _layer_tc(S, hp0, dis, W0, b0.reshape(1, H), g0.reshape(1, H),
                        be0.reshape(1, H))
    S = _agg_kernel(hp1, sd_all, zerosH)
    h2, hp2 = _layer_tc(S, hp1, dis, W1, b1.reshape(1, H), g1.reshape(1, H),
                        be1.reshape(1, H))
    S = _agg_kernel(hp2, sd_all, zerosH)
    out = _final_tc(S, hp2, dis, W2, b2.reshape(1, H), g2.reshape(1, H),
                    be2.reshape(1, H), h1, h2, lw1, lb1.reshape(1, H), lw2,
                    lb2.reshape(1, C_OUT))
    return out

# --- scband reference (transcript-rebuilt; emitter-appended) ---
"""Pipeline reference for scband-jknet-15779709846033 (READ-ONLY COPY).

The authoritative reference and input builder live on the scoring server;
editing this copy changes nothing except your own understanding.
"""

import jax, jax.numpy as jnp
import numpy as np

N = 10000
E = 320000
D_IN = 128
H = 128
C_OUT = 64
EPS = 1e-5


def _gcn_conv(x, W, b, src, dst, n):
    h = x @ W
    loop = jnp.arange(n, dtype=src.dtype)
    s = jnp.concatenate([src, loop])
    d = jnp.concatenate([dst, loop])
    deg = jnp.zeros((n,), dtype=x.dtype).at[d].add(1.0)
    dis = jnp.where(deg > 0, jax.lax.rsqrt(jnp.where(deg > 0, deg, 1.0)), 0.0)
    norm = dis[s] * dis[d]
    msg = h[s] * norm[:, None]
    out = jnp.zeros((n, h.shape[1]), dtype=x.dtype).at[d].add(msg)
    return out + b


def _bn(x, g, be):
    mu = jnp.mean(x, axis=0)
    var = jnp.var(x, axis=0)
    return (x - mu) * jax.lax.rsqrt(var + EPS) * g + be


def _forward(x, edge_index, Ws, bs, gs, bes, lw1, lb1, lw2, lb2):
    src = edge_index[0]
    dst = edge_index[1]
    n = x.shape[0]
    xs = []
    h = x
    for W, b, g, be in zip(Ws, bs, gs, bes):
        h = _gcn_conv(h, W, b, src, dst, n)
        h = _bn(h, g, be)
        h = jax.nn.relu(h)
        xs.append(h)
    h = jnp.max(jnp.stack(xs, axis=0), axis=0)
    h = jax.nn.relu(h @ lw1 + lb1)
    h = h @ lw2 + lb2
    return jax.nn.log_softmax(h, axis=-1)


def setup_inputs(seed: int = 0):
    key = jax.random.key(seed)
    ks = jax.random.split(key, 24)
    inp = {}
    inp["x"] = jax.random.normal(ks[0], (N, D_IN), dtype=jnp.float32)
    inp["adj_t"] = jax.random.randint(ks[1], (2, E), 0, N, dtype=jnp.int32)
    dims = [(D_IN, H), (H, H), (H, H)]
    for i, (di, do) in enumerate(dims):
        s = 1.0 / np.sqrt(di)
        inp[f"W{i}"] = jax.random.uniform(ks[2 + 4 * i], (di, do), minval=-s, maxval=s, dtype=jnp.float32)
        inp[f"b{i}"] = jnp.zeros((do,), dtype=jnp.float32)
        inp[f"g{i}"] = jnp.ones((do,), dtype=jnp.float32)
        inp[f"be{i}"] = jnp.zeros((do,), dtype=jnp.float32)
    s = 1.0 / np.sqrt(H)
    inp["lw1"] = jax.random.uniform(ks[20], (H, H), minval=-s, maxval=s, dtype=jnp.float32)
    inp["lb1"] = jnp.zeros((H,), dtype=jnp.float32)
    inp["lw2"] = jax.random.uniform(ks[21], (H, C_OUT), minval=-s, maxval=s, dtype=jnp.float32)
    inp["lb2"] = jnp.zeros((C_OUT,), dtype=jnp.float32)
    return inp


def reference(x, adj_t, W0, b0, g0, be0, W1, b1, g1, be1, W2, b2, g2, be2, lw1, lb1, lw2, lb2):
    return _forward(x, adj_t, [W0, W1, W2], [b0, b1, b2], [g0, g1, g2], [be0, be1, be2], lw1, lb1, lw2, lb2)

if __name__ == "__main__":
    import jax
    _d = setup_inputs()
    print(jax.jit(kernel)(*tuple(_d.values())))

</pallas_src>

<mosaic_0001>
#map = affine_map<(d0, d1) -> (0, 0)>
module attributes {stable_mosaic.version = 14 : i64} {
  func.func @_deg_kernel(%arg0: i32, %arg1: i32, %arg2: memref<2560x128xi32, #tpu.memory_space<hbm>>, %arg3: memref<128x128xf32, #tpu.memory_space<hbm>>, %arg4: memref<128x128xf32, #tpu.memory_space<hbm>>, %arg5: memref<20480x128xf32, #tpu.memory_space<hbm>>, %arg6: memref<16x128xi32, #tpu.memory_space<vmem>>, %arg7: memref<128x128xf32, #tpu.memory_space<vmem>>, %arg8: memref<10240x128xf32, #tpu.memory_space<vmem_shared>>) attributes {dimension_semantics = [#tpu.dimension_semantics<core_parallel>, #tpu.dimension_semantics<subcore_parallel>], iteration_bounds = array<i64: 2, 16>, scalar_prefetch = 0 : i64, scratch_operands = 3 : i64, tpu.core_type = #tpu.core_type<sc_vector_subcore>, window_params = [{transform_indices = #map}, {transform_indices = #map}, {transform_indices = #map}, {transform_indices = #map}]} {
    %mul3A = arith.constant 2 : i32
    %mul3A_0 = arith.muli %arg1, %mul3A : i32
    %add3A = arith.addi %mul3A_0, %arg0 : i32
    %mul3A_1 = arith.constant 640 : i32
    %mul3A_2 = arith.muli %arg1, %mul3A_1 : i32
    "tpu.region"() ({
      %run_scoped3A = tpu.sem_alloc : memref<!tpu.dma_semaphore, #tpu.memory_space<semaphore_mem>>
      tpu.enqueue_dma source(%arg3 : memref<128x128xf32, #tpu.memory_space<hbm>>) target(%arg7 : memref<128x128xf32, #tpu.memory_space<vmem>>) target_semaphore(%run_scoped3A : memref<!tpu.dma_semaphore, #tpu.memory_space<semaphore_mem>>)
      tpu.wait_dma2 semaphore(%run_scoped3A : memref<!tpu.dma_semaphore, #tpu.memory_space<semaphore_mem>>) src(%arg3 : memref<128x128xf32, #tpu.memory_space<hbm>>) dst(%arg7 : memref<128x128xf32, #tpu.memory_space<vmem>>)
      tpu.yield
    }) : () -> ()
    %add3A_3 = arith.constant 0 : i32
    %add3A_4 = arith.addi %mul3A_2, %add3A_3 : i32
    "tpu.region"() ({
      %run_scoped3A = tpu.sem_alloc : memref<!tpu.dma_semaphore, #tpu.memory_space<semaphore_mem>>
      %dma_start3A = arith.constant 0 : i32
      %dma_start3A_22 = tpu.memref_slice %arg8[%add3A_4, %dma_start3A] : memref<10240x128xf32, #tpu.memory_space<vmem_shared>> -> memref<128x128xf32, #tpu.memory_space<vmem_shared>>
      %dma_start3A_23 = arith.constant 0 : i32
      %dma_start3A_24 = tpu.memref_slice %arg8[%add3A_4, %dma_start3A_23] : memref<10240x128xf32, #tpu.memory_space<vmem_shared>> -> memref<128x128xf32, #tpu.memory_space<vmem_shared>>
      tpu.enqueue_dma source(%arg7 : memref<128x128xf32, #tpu.memory_space<vmem>>) target(%dma_start3A_24 : memref<128x128xf32, #tpu.memory_space<vmem_shared>>) target_semaphore(%run_scoped3A : memref<!tpu.dma_semaphore, #tpu.memory_space<semaphore_mem>>)
      %dma_wait3A = arith.constant 0 : i32
      %dma_wait3A_25 = tpu.memref_slice %arg8[%add3A_4, %dma_wait3A] : memref<10240x128xf32, #tpu.memory_space<vmem_shared>> -> memref<128x128xf32, #tpu.memory_space<vmem_shared>>
      %dma_wait3A_26 = arith.constant 0 : i32
      %dma_wait3A_27 = tpu.memref_slice %arg8[%add3A_4, %dma_wait3A_26] : memref<10240x128xf32, #tpu.memory_space<vmem_shared>> -> memref<128x128xf32, #tpu.memory_space<vmem_shared>>
      tpu.wait_dma2 semaphore(%run_scoped3A : memref<!tpu.dma_semaphore, #tpu.memory_space<semaphore_mem>>) src(%arg7 : memref<128x128xf32, #tpu.memory_space<vmem>>) dst(%dma_wait3A_27 : memref<128x128xf32, #tpu.memory_space<vmem_shared>>)
      tpu.yield
    }) : () -> ()
    %add3A_5 = arith.constant 128 : i32
    %add3A_6 = arith.addi %mul3A_2, %add3A_5 : i32
    "tpu.region"() ({
      %run_scoped3A = tpu.sem_alloc : memref<!tpu.dma_semaphore, #tpu.memory_space<semaphore_mem>>
      %dma_start3A = arith.constant 0 : i32
      %dma_start3A_22 = tpu.memref_slice %arg8[%add3A_6, %dma_start3A] : memref<10240x128xf32, #tpu.memory_space<vmem_shared>> -> memref<128x128xf32, #tpu.memory_space<vmem_shared>>
      %dma_start3A_23 = arith.constant 0 : i32
      %dma_start3A_24 = tpu.memref_slice %arg8[%add3A_6, %dma_start3A_23] : memref<10240x128xf32, #tpu.memory_space<vmem_shared>> -> memref<128x128xf32, #tpu.memory_space<vmem_shared>>
      tpu.enqueue_dma source(%arg7 : memref<128x128xf32, #tpu.memory_space<vmem>>) target(%dma_start3A_24 : memref<128x128xf32, #tpu.memory_space<vmem_shared>>) target_semaphore(%run_scoped3A : memref<!tpu.dma_semaphore, #tpu.memory_space<semaphore_mem>>)
      %dma_wait3A = arith.constant 0 : i32
      %dma_wait3A_25 = tpu.memref_slice %arg8[%add3A_6, %dma_wait3A] : memref<10240x128xf32, #tpu.memory_space<vmem_shared>> -> memref<128x128xf32, #tpu.memory_space<vmem_shared>>
      %dma_wait3A_26 = arith.constant 0 : i32
      %dma_wait3A_27 = tpu.memref_slice %arg8[%add3A_6, %dma_wait3A_26] : memref<10240x128xf32, #tpu.memory_space<vmem_shared>> -> memref<128x128xf32, #tpu.memory_space<vmem_shared>>
      tpu.wait_dma2 semaphore(%run_scoped3A : memref<!tpu.dma_semaphore, #tpu.memory_space<semaphore_mem>>) src(%arg7 : memref<128x128xf32, #tpu.memory_space<vmem>>) dst(%dma_wait3A_27 : memref<128x128xf32, #tpu.memory_space<vmem_shared>>)
      tpu.yield
    }) : () -> ()
    %add3A_7 = arith.constant 256 : i32
    %add3A_8 = arith.addi %mul3A_2, %add3A_7 : i32
    "tpu.region"() ({
      %run_scoped3A = tpu.sem_alloc : memref<!tpu.dma_semaphore, #tpu.memory_space<semaphore_mem>>
      %dma_start3A = arith.constant 0 : i32
      %dma_start3A_22 = tpu.memref_slice %arg8[%add3A_8, %dma_start3A] : memref<10240x128xf32, #tpu.memory_space<vmem_shared>> -> memref<128x128xf32, #tpu.memory_space<vmem_shared>>
      %dma_start3A_23 = arith.constant 0 : i32
      %dma_start3A_24 = tpu.memref_slice %arg8[%add3A_8, %dma_start3A_23] : memref<10240x128xf32, #tpu.memory_space<vmem_shared>> -> memref<128x128xf32, #tpu.memory_space<vmem_shared>>
      tpu.enqueue_dma source(%arg7 : memref<128x128xf32, #tpu.memory_space<vmem>>) target(%dma_start3A_24 : memref<128x128xf32, #tpu.memory_space<vmem_shared>>) target_semaphore(%run_scoped3A : memref<!tpu.dma_semaphore, #tpu.memory_space<semaphore_mem>>)
      %dma_wait3A = arith.constant 0 : i32
      %dma_wait3A_25 = tpu.memref_slice %arg8[%add3A_8, %dma_wait3A] : memref<10240x128xf32, #tpu.memory_space<vmem_shared>> -> memref<128x128xf32, #tpu.memory_space<vmem_shared>>
      %dma_wait3A_26 = arith.constant 0 : i32
      %dma_wait3A_27 = tpu.memref_slice %arg8[%add3A_8, %dma_wait3A_26] : memref<10240x128xf32, #tpu.memory_space<vmem_shared>> -> memref<128x128xf32, #tpu.memory_space<vmem_shared>>
      tpu.wait_dma2 semaphore(%run_scoped3A : memref<!tpu.dma_semaphore, #tpu.memory_space<semaphore_mem>>) src(%arg7 : memref<128x128xf32, #tpu.memory_space<vmem>>) dst(%dma_wait3A_27 : memref<128x128xf32, #tpu.memory_space<vmem_shared>>)
      tpu.yield
    }) : () -> ()
    %add3A_9 = arith.constant 384 : i32
    %add3A_10 = arith.addi %mul3A_2, %add3A_9 : i32
    "tpu.region"() ({
      %run_scoped3A = tpu.sem_alloc : memref<!tpu.dma_semaphore, #tpu.memory_space<semaphore_mem>>
      %dma_start3A = arith.constant 0 : i32
      %dma_start3A_22 = tpu.memref_slice %arg8[%add3A_10, %dma_start3A] : memref<10240x128xf32, #tpu.memory_space<vmem_shared>> -> memref<128x128xf32, #tpu.memory_space<vmem_shared>>
      %dma_start3A_23 = arith.constant 0 : i32
      %dma_start3A_24 = tpu.memref_slice %arg8[%add3A_10, %dma_start3A_23] : memref<10240x128xf32, #tpu.memory_space<vmem_shared>> -> memref<128x128xf32, #tpu.memory_space<vmem_shared>>
      tpu.enqueue_dma source(%arg7 : memref<128x128xf32, #tpu.memory_space<vmem>>) target(%dma_start3A_24 : memref<128x128xf32, #tpu.memory_space<vmem_shared>>) target_semaphore(%run_scoped3A : memref<!tpu.dma_semaphore, #tpu.memory_space<semaphore_mem>>)
      %dma_wait3A = arith.constant 0 : i32
      %dma_wait3A_25 = tpu.memref_slice %arg8[%add3A_10, %dma_wait3A] : memref<10240x128xf32, #tpu.memory_space<vmem_shared>> -> memref<128x128xf32, #tpu.memory_space<vmem_shared>>
      %dma_wait3A_26 = arith.constant 0 : i32
      %dma_wait3A_27 = tpu.memref_slice %arg8[%add3A_10, %dma_wait3A_26] : memref<10240x128xf32, #tpu.memory_space<vmem_shared>> -> memref<128x128xf32, #tpu.memory_space<vmem_shared>>
      tpu.wait_dma2 semaphore(%run_scoped3A : memref<!tpu.dma_semaphore, #tpu.memory_space<semaphore_mem>>) src(%arg7 : memref<128x128xf32, #tpu.memory_space<vmem>>) dst(%dma_wait3A_27 : memref<128x128xf32, #tpu.memory_space<vmem_shared>>)
      tpu.yield
    }) : () -> ()
    %add3A_11 = arith.constant 512 : i32
    %add3A_12 = arith.addi %mul3A_2, %add3A_11 : i32
    "tpu.region"() ({
      %run_scoped3A = tpu.sem_alloc : memref<!tpu.dma_semaphore, #tpu.memory_space<semaphore_mem>>
      %dma_start3A = arith.constant 0 : i32
      %dma_start3A_22 = tpu.memref_slice %arg8[%add3A_12, %dma_start3A] : memref<10240x128xf32, #tpu.memory_space<vmem_shared>> -> memref<128x128xf32, #tpu.memory_space<vmem_shared>>
      %dma_start3A_23 = arith.constant 0 : i32
      %dma_start3A_24 = tpu.memref_slice %arg8[%add3A_12, %dma_start3A_23] : memref<10240x128xf32, #tpu.memory_space<vmem_shared>> -> memref<128x128xf32, #tpu.memory_space<vmem_shared>>
      tpu.enqueue_dma source(%arg7 : memref<128x128xf32, #tpu.memory_space<vmem>>) target(%dma_start3A_24 : memref<128x128xf32, #tpu.memory_space<vmem_shared>>) target_semaphore(%run_scoped3A : memref<!tpu.dma_semaphore, #tpu.memory_space<semaphore_mem>>)
      %dma_wait3A = arith.constant 0 : i32
      %dma_wait3A_25 = tpu.memref_slice %arg8[%add3A_12, %dma_wait3A] : memref<10240x128xf32, #tpu.memory_space<vmem_shared>> -> memref<128x128xf32, #tpu.memory_space<vmem_shared>>
      %dma_wait3A_26 = arith.constant 0 : i32
      %dma_wait3A_27 = tpu.memref_slice %arg8[%add3A_12, %dma_wait3A_26] : memref<10240x128xf32, #tpu.memory_space<vmem_shared>> -> memref<128x128xf32, #tpu.memory_space<vmem_shared>>
      tpu.wait_dma2 semaphore(%run_scoped3A : memref<!tpu.dma_semaphore, #tpu.memory_space<semaphore_mem>>) src(%arg7 : memref<128x128xf32, #tpu.memory_space<vmem>>) dst(%dma_wait3A_27 : memref<128x128xf32, #tpu.memory_space<vmem_shared>>)
      tpu.yield
    }) : () -> ()
    "tpu.region"() ({
      %run_scoped3A = tpu.sem_alloc : memref<!tpu.dma_semaphore, #tpu.memory_space<semaphore_mem>>
      tpu.enqueue_dma source(%arg4 : memref<128x128xf32, #tpu.memory_space<hbm>>) target(%arg7 : memref<128x128xf32, #tpu.memory_space<vmem>>) target_semaphore(%run_scoped3A : memref<!tpu.dma_semaphore, #tpu.memory_space<semaphore_mem>>)
      tpu.wait_dma2 semaphore(%run_scoped3A : memref<!tpu.dma_semaphore, #tpu.memory_space<semaphore_mem>>) src(%arg4 : memref<128x128xf32, #tpu.memory_space<hbm>>) dst(%arg7 : memref<128x128xf32, #tpu.memory_space<vmem>>)
      tpu.yield
    }) : () -> ()
    %barrier3A = arith.constant 0 : index
    tpu.barrier barrier_id(%barrier3A)
    %scan3A = arith.constant 0 : i32
    %scan3A_13 = arith.constant 0 : i32
    %scan3A_14 = arith.constant 5 : i32
    %scan3A_15 = arith.addi %scan3A_13, %scan3A_14 : i32
    %scan3A_16 = arith.constant 1 : i32
    scf.for %scan3A_22 = %scan3A_13 to %scan3A_15 step %scan3A_16  : i32 {
      %mul3A_23 = arith.constant 80 : i32
      %mul3A_24 = arith.muli %add3A, %mul3A_23 : i32
      %mul3A_25 = arith.constant 16 : i32
      %mul3A_26 = arith.muli %scan3A_22, %mul3A_25 : i32
      %add3A_27 = arith.addi %mul3A_24, %mul3A_26 : i32
      "tpu.region"() ({
        %run_scoped3A_43 = tpu.sem_alloc : memref<!tpu.dma_semaphore, #tpu.memory_space<semaphore_mem>>
        %dma_start3A = arith.constant 0 : i32
        %dma_start3A_44 = tpu.memref_slice %arg2[%add3A_27, %dma_start3A] : memref<2560x128xi32, #tpu.memory_space<hbm>> -> memref<16x128xi32, #tpu.memory_space<hbm>>
        %dma_start3A_45 = arith.constant 0 : i32
        %dma_start3A_46 = tpu.memref_slice %arg2[%add3A_27, %dma_start3A_45] : memref<2560x128xi32, #tpu.memory_space<hbm>> -> memref<16x128xi32, #tpu.memory_space<hbm>>
        tpu.enqueue_dma source(%dma_start3A_46 : memref<16x128xi32, #tpu.memory_space<hbm>>) target(%arg6 : memref<16x128xi32, #tpu.memory_space<vmem>>) target_semaphore(%run_scoped3A_43 : memref<!tpu.dma_semaphore, #tpu.memory_space<semaphore_mem>>)
        %dma_wait3A = arith.constant 0 : i32
        %dma_wait3A_47 = tpu.memref_slice %arg2[%add3A_27, %dma_wait3A] : memref<2560x128xi32, #tpu.memory_space<hbm>> -> memref<16x128xi32, #tpu.memory_space<hbm>>
        %dma_wait3A_48 = arith.constant 0 : i32
        %dma_wait3A_49 = tpu.memref_slice %arg2[%add3A_27, %dma_wait3A_48] : memref<2560x128xi32, #tpu.memory_space<hbm>> -> memref<16x128xi32, #tpu.memory_space<hbm>>
        tpu.wait_dma2 semaphore(%run_scoped3A_43 : memref<!tpu.dma_semaphore, #tpu.memory_space<semaphore_mem>>) src(%dma_wait3A_49 : memref<16x128xi32, #tpu.memory_space<hbm>>) dst(%arg6 : memref<16x128xi32, #tpu.memory_space<vmem>>)
        tpu.yield
      }) : () -> ()
      %run_scoped3A = arith.constant 0 : i32
      "tpu.region"() ({
        %run_scoped3A_43 = tpu.sem_alloc : memref<!tpu.dma_semaphore, #tpu.memory_space<semaphore_mem>>
        %dma_start3A = arith.constant 0 : i32
        %dma_start3A_44 = tpu.memref_slice %arg6[%run_scoped3A, %dma_start3A] : memref<16x128xi32, #tpu.memory_space<vmem>> -> memref<1x128xi32, #tpu.memory_space<vmem>>
        %dma_start3A_45 = tpu.memref_squeeze %dma_start3A_44 : memref<1x128xi32, #tpu.memory_space<vmem>> -> memref<128xi32, #tpu.memory_space<vmem>>
        %dma_start3A_46 = arith.constant 0 : i32
        %dma_start3A_47 = arith.constant 0 : i32
        %dma_start3A_48 = tpu.memref_slice %arg8[%dma_start3A_46, %dma_start3A_47] : memref<10240x128xf32, #tpu.memory_space<vmem_shared>> -> memref<10240x128xf32, #tpu.memory_space<vmem_shared>>
        tpu.enqueue_indirect_dma source(%arg7 : memref<128x128xf32, #tpu.memory_space<vmem>>) target(%dma_start3A_48 : memref<10240x128xf32, #tpu.memory_space<vmem_shared>>) offsets(%dma_start3A_45 : memref<128xi32, #tpu.memory_space<vmem>>) semaphore(%run_scoped3A_43 : memref<!tpu.dma_semaphore, #tpu.memory_space<semaphore_mem>>) {add = true}
        %dma_wait3A = arith.constant 0 : i32
        %dma_wait3A_49 = tpu.memref_slice %arg6[%run_scoped3A, %dma_wait3A] : memref<16x128xi32, #tpu.memory_space<vmem>> -> memref<1x128xi32, #tpu.memory_space<vmem>>
        %dma_wait3A_50 = tpu.memref_squeeze %dma_wait3A_49 : memref<1x128xi32, #tpu.memory_space<vmem>> -> memref<128xi32, #tpu.memory_space<vmem>>
        %dma_wait3A_51 = arith.constant 0 : i32
        %dma_wait3A_52 = arith.constant 0 : i32
        %dma_wait3A_53 = tpu.memref_slice %arg8[%dma_wait3A_51, %dma_wait3A_52] : memref<10240x128xf32, #tpu.memory_space<vmem_shared>> -> memref<10240x128xf32, #tpu.memory_space<vmem_shared>>
        tpu.wait_indirect_dma semaphore(%run_scoped3A_43 : memref<!tpu.dma_semaphore, #tpu.memory_space<semaphore_mem>>) src(%arg7 : memref<128x128xf32, #tpu.memory_space<vmem>>) dst(%dma_wait3A_53 : memref<10240x128xf32, #tpu.memory_space<vmem_shared>>)
        tpu.yield
      }) : () -> ()
      %run_scoped3A_28 = arith.constant 1 : i32
      "tpu.region"() ({
        %run_scoped3A_43 = tpu.sem_alloc : memref<!tpu.dma_semaphore, #tpu.memory_space<semaphore_mem>>
        %dma_start3A = arith.constant 0 : i32
        %dma_start3A_44 = tpu.memref_slice %arg6[%run_scoped3A_28, %dma_start3A] : memref<16x128xi32, #tpu.memory_space<vmem>> -> memref<1x128xi32, #tpu.memory_space<vmem>>
        %dma_start3A_45 = tpu.memref_squeeze %dma_start3A_44 : memref<1x128xi32, #tpu.memory_space<vmem>> -> memref<128xi32, #tpu.memory_space<vmem>>
        %dma_start3A_46 = arith.constant 0 : i32
        %dma_start3A_47 = arith.constant 0 : i32
        %dma_start3A_48 = tpu.memref_slice %arg8[%dma_start3A_46, %dma_start3A_47] : memref<10240x128xf32, #tpu.memory_space<vmem_shared>> -> memref<10240x128xf32, #tpu.memory_space<vmem_shared>>
        tpu.enqueue_indirect_dma source(%arg7 : memref<128x128xf32, #tpu.memory_space<vmem>>) target(%dma_start3A_48 : memref<10240x128xf32, #tpu.memory_space<vmem_shared>>) offsets(%dma_start3A_45 : memref<128xi32, #tpu.memory_space<vmem>>) semaphore(%run_scoped3A_43 : memref<!tpu.dma_semaphore, #tpu.memory_space<semaphore_mem>>) {add = true}
        %dma_wait3A = arith.constant 0 : i32
        %dma_wait3A_49 = tpu.memref_slice %arg6[%run_scoped3A_28, %dma_wait3A] : memref<16x128xi32, #tpu.memory_space<vmem>> -> memref<1x128xi32, #tpu.memory_space<vmem>>
        %dma_wait3A_50 = tpu.memref_squeeze %dma_wait3A_49 : memref<1x128xi32, #tpu.memory_space<vmem>> -> memref<128xi32, #tpu.memory_space<vmem>>
        %dma_wait3A_51 = arith.constant 0 : i32
        %dma_wait3A_52 = arith.constant 0 : i32
        %dma_wait3A_53 = tpu.memref_slice %arg8[%dma_wait3A_51, %dma_wait3A_52] : memref<10240x128xf32, #tpu.memory_space<vmem_shared>> -> memref<10240x128xf32, #tpu.memory_space<vmem_shared>>
        tpu.wait_indirect_dma semaphore(%run_scoped3A_43 : memref<!tpu.dma_semaphore, #tpu.memory_space<semaphore_mem>>) src(%arg7 : memref<128x128xf32, #tpu.memory_space<vmem>>) dst(%dma_wait3A_53 : memref<10240x128xf32, #tpu.memory_space<vmem_shared>>)
        tpu.yield
      }) : () -> ()
      %run_scoped3A_29 = arith.constant 2 : i32
      "tpu.region"() ({
        %run_scoped3A_43 = tpu.sem_alloc : memref<!tpu.dma_semaphore, #tpu.memory_space<semaphore_mem>>
        %dma_start3A = arith.constant 0 : i32
        %dma_start3A_44 = tpu.memref_slice %arg6[%run_scoped3A_29, %dma_start3A] : memref<16x128xi32, #tpu.memory_space<vmem>> -> memref<1x128xi32, #tpu.memory_space<vmem>>
        %dma_start3A_45 = tpu.memref_squeeze %dma_start3A_44 : memref<1x128xi32, #tpu.memory_space<vmem>> -> memref<128xi32, #tpu.memory_space<vmem>>
        %dma_start3A_46 = arith.constant 0 : i32
        %dma_start3A_47 = arith.constant 0 : i32
        %dma_start3A_48 = tpu.memref_slice %arg8[%dma_start3A_46, %dma_start3A_47] : memref<10240x128xf32, #tpu.memory_space<vmem_shared>> -> memref<10240x128xf32, #tpu.memory_space<vmem_shared>>
        tpu.enqueue_indirect_dma source(%arg7 : memref<128x128xf32, #tpu.memory_space<vmem>>) target(%dma_start3A_48 : memref<10240x128xf32, #tpu.memory_space<vmem_shared>>) offsets(%dma_start3A_45 : memref<128xi32, #tpu.memory_space<vmem>>) semaphore(%run_scoped3A_43 : memref<!tpu.dma_semaphore, #tpu.memory_space<semaphore_mem>>) {add = true}
        %dma_wait3A = arith.constant 0 : i32
        %dma_wait3A_49 = tpu.memref_slice %arg6[%run_scoped3A_29, %dma_wait3A] : memref<16x128xi32, #tpu.memory_space<vmem>> -> memref<1x128xi32, #tpu.memory_space<vmem>>
        %dma_wait3A_50 = tpu.memref_squeeze %dma_wait3A_49 : memref<1x128xi32, #tpu.memory_space<vmem>> -> memref<128xi32, #tpu.memory_space<vmem>>
        %dma_wait3A_51 = arith.constant 0 : i32
        %dma_wait3A_52 = arith.constant 0 : i32
        %dma_wait3A_53 = tpu.memref_slice %arg8[%dma_wait3A_51, %dma_wait3A_52] : memref<10240x128xf32, #tpu.memory_space<vmem_shared>> -> memref<10240x128xf32, #tpu.memory_space<vmem_shared>>
        tpu.wait_indirect_dma semaphore(%run_scoped3A_43 : memref<!tpu.dma_semaphore, #tpu.memory_space<semaphore_mem>>) src(%arg7 : memref<128x128xf32, #tpu.memory_space<vmem>>) dst(%dma_wait3A_53 : memref<10240x128xf32, #tpu.memory_space<vmem_shared>>)
        tpu.yield
      }) : () -> ()
      %run_scoped3A_30 = arith.constant 3 : i32
      "tpu.region"() ({
        %run_scoped3A_43 = tpu.sem_alloc : memref<!tpu.dma_semaphore, #tpu.memory_space<semaphore_mem>>
        %dma_start3A = arith.constant 0 : i32
        %dma_start3A_44 = tpu.memref_slice %arg6[%run_scoped3A_30, %dma_start3A] : memref<16x128xi32, #tpu.memory_space<vmem>> -> memref<1x128xi32, #tpu.memory_space<vmem>>
        %dma_start3A_45 = tpu.memref_squeeze %dma_start3A_44 : memref<1x128xi32, #tpu.memory_space<vmem>> -> memref<128xi32, #tpu.memory_space<vmem>>
        %dma_start3A_46 = arith.constant 0 : i32
        %dma_start3A_47 = arith.constant 0 : i32
        %dma_start3A_48 = tpu.memref_slice %arg8[%dma_start3A_46, %dma_start3A_47] : memref<10240x128xf32, #tpu.memory_space<vmem_shared>> -> memref<10240x128xf32, #tpu.memory_space<vmem_shared>>
        tpu.enqueue_indirect_dma source(%arg7 : memref<128x128xf32, #tpu.memory_space<vmem>>) target(%dma_start3A_48 : memref<10240x128xf32, #tpu.memory_space<vmem_shared>>) offsets(%dma_start3A_45 : memref<128xi32, #tpu.memory_space<vmem>>) semaphore(%run_scoped3A_43 : memref<!tpu.dma_semaphore, #tpu.memory_space<semaphore_mem>>) {add = true}
        %dma_wait3A = arith.constant 0 : i32
        %dma_wait3A_49 = tpu.memref_slice %arg6[%run_scoped3A_30, %dma_wait3A] : memref<16x128xi32, #tpu.memory_space<vmem>> -> memref<1x128xi32, #tpu.memory_space<vmem>>
        %dma_wait3A_50 = tpu.memref_squeeze %dma_wait3A_49 : memref<1x128xi32, #tpu.memory_space<vmem>> -> memref<128xi32, #tpu.memory_space<vmem>>
        %dma_wait3A_51 = arith.constant 0 : i32
        %dma_wait3A_52 = arith.constant 0 : i32
        %dma_wait3A_53 = tpu.memref_slice %arg8[%dma_wait3A_51, %dma_wait3A_52] : memref<10240x128xf32, #tpu.memory_space<vmem_shared>> -> memref<10240x128xf32, #tpu.memory_space<vmem_shared>>
        tpu.wait_indirect_dma semaphore(%run_scoped3A_43 : memref<!tpu.dma_semaphore, #tpu.memory_space<semaphore_mem>>) src(%arg7 : memref<128x128xf32, #tpu.memory_space<vmem>>) dst(%dma_wait3A_53 : memref<10240x128xf32, #tpu.memory_space<vmem_shared>>)
        tpu.yield
      }) : () -> ()
      %run_scoped3A_31 = arith.constant 4 : i32
      "tpu.region"() ({
        %run_scoped3A_43 = tpu.sem_alloc : memref<!tpu.dma_semaphore, #tpu.memory_space<semaphore_mem>>
        %dma_start3A = arith.constant 0 : i32
        %dma_start3A_44 = tpu.memref_slice %arg6[%run_scoped3A_31, %dma_start3A] : memref<16x128xi32, #tpu.memory_space<vmem>> -> memref<1x128xi32, #tpu.memory_space<vmem>>
        %dma_start3A_45 = tpu.memref_squeeze %dma_start3A_44 : memref<1x128xi32, #tpu.memory_space<vmem>> -> memref<128xi32, #tpu.memory_space<vmem>>
        %dma_start3A_46 = arith.constant 0 : i32
        %dma_start3A_47 = arith.constant 0 : i32
        %dma_start3A_48 = tpu.memref_slice %arg8[%dma_start3A_46, %dma_start3A_47] : memref<10240x128xf32, #tpu.memory_space<vmem_shared>> -> memref<10240x128xf32, #tpu.memory_space<vmem_shared>>
        tpu.enqueue_indirect_dma source(%arg7 : memref<128x128xf32, #tpu.memory_space<vmem>>) target(%dma_start3A_48 : memref<10240x128xf32, #tpu.memory_space<vmem_shared>>) offsets(%dma_start3A_45 : memref<128xi32, #tpu.memory_space<vmem>>) semaphore(%run_scoped3A_43 : memref<!tpu.dma_semaphore, #tpu.memory_space<semaphore_mem>>) {add = true}
        %dma_wait3A = arith.constant 0 : i32
        %dma_wait3A_49 = tpu.memref_slice %arg6[%run_scoped3A_31, %dma_wait3A] : memref<16x128xi32, #tpu.memory_space<vmem>> -> memref<1x128xi32, #tpu.memory_space<vmem>>
        %dma_wait3A_50 = tpu.memref_squeeze %dma_wait3A_49 : memref<1x128xi32, #tpu.memory_space<vmem>> -> memref<128xi32, #tpu.memory_space<vmem>>
        %dma_wait3A_51 = arith.constant 0 : i32
        %dma_wait3A_52 = arith.constant 0 : i32
        %dma_wait3A_53 = tpu.memref_slice %arg8[%dma_wait3A_51, %dma_wait3A_52] : memref<10240x128xf32, #tpu.memory_space<vmem_shared>> -> memref<10240x128xf32, #tpu.memory_space<vmem_shared>>
        tpu.wait_indirect_dma semaphore(%run_scoped3A_43 : memref<!tpu.dma_semaphore, #tpu.memory_space<semaphore_mem>>) src(%arg7 : memref<128x128xf32, #tpu.memory_space<vmem>>) dst(%dma_wait3A_53 : memref<10240x128xf32, #tpu.memory_space<vmem_shared>>)
        tpu.yield
      }) : () -> ()
      %run_scoped3A_32 = arith.constant 5 : i32
      "tpu.region"() ({
        %run_scoped3A_43 = tpu.sem_alloc : memref<!tpu.dma_semaphore, #tpu.memory_space<semaphore_mem>>
        %dma_start3A = arith.constant 0 : i32
        %dma_start3A_44 = tpu.memref_slice %arg6[%run_scoped3A_32, %dma_start3A] : memref<16x128xi32, #tpu.memory_space<vmem>> -> memref<1x128xi32, #tpu.memory_space<vmem>>
        %dma_start3A_45 = tpu.memref_squeeze %dma_start3A_44 : memref<1x128xi32, #tpu.memory_space<vmem>> -> memref<128xi32, #tpu.memory_space<vmem>>
        %dma_start3A_46 = arith.constant 0 : i32
        %dma_start3A_47 = arith.constant 0 : i32
        %dma_start3A_48 = tpu.memref_slice %arg8[%dma_start3A_46, %dma_start3A_47] : memref<10240x128xf32, #tpu.memory_space<vmem_shared>> -> memref<10240x128xf32, #tpu.memory_space<vmem_shared>>
        tpu.enqueue_indirect_dma source(%arg7 : memref<128x128xf32, #tpu.memory_space<vmem>>) target(%dma_start3A_48 : memref<10240x128xf32, #tpu.memory_space<vmem_shared>>) offsets(%dma_start3A_45 : memref<128xi32, #tpu.memory_space<vmem>>) semaphore(%run_scoped3A_43 : memref<!tpu.dma_semaphore, #tpu.memory_space<semaphore_mem>>) {add = true}
        %dma_wait3A = arith.constant 0 : i32
        %dma_wait3A_49 = tpu.memref_slice %arg6[%run_scoped3A_32, %dma_wait3A] : memref<16x128xi32, #tpu.memory_space<vmem>> -> memref<1x128xi32, #tpu.memory_space<vmem>>
        %dma_wait3A_50 = tpu.memref_squeeze %dma_wait3A_49 : memref<1x128xi32, #tpu.memory_space<vmem>> -> memref<128xi32, #tpu.memory_space<vmem>>
        %dma_wait3A_51 = arith.constant 0 : i32
        %dma_wait3A_52 = arith.constant 0 : i32
        %dma_wait3A_53 = tpu.memref_slice %arg8[%dma_wait3A_51, %dma_wait3A_52] : memref<10240x128xf32, #tpu.memory_space<vmem_shared>> -> memref<10240x128xf32, #tpu.memory_space<vmem_shared>>
        tpu.wait_indirect_dma semaphore(%run_scoped3A_43 : memref<!tpu.dma_semaphore, #tpu.memory_space<semaphore_mem>>) src(%arg7 : memref<128x128xf32, #tpu.memory_space<vmem>>) dst(%dma_wait3A_53 : memref<10240x128xf32, #tpu.memory_space<vmem_shared>>)
        tpu.yield
      }) : () -> ()
      %run_scoped3A_33 = arith.constant 6 : i32
      "tpu.region"() ({
        %run_scoped3A_43 = tpu.sem_alloc : memref<!tpu.dma_semaphore, #tpu.memory_space<semaphore_mem>>
        %dma_start3A = arith.constant 0 : i32
        %dma_start3A_44 = tpu.memref_slice %arg6[%run_scoped3A_33, %dma_start3A] : memref<16x128xi32, #tpu.memory_space<vmem>> -> memref<1x128xi32, #tpu.memory_space<vmem>>
        %dma_start3A_45 = tpu.memref_squeeze %dma_start3A_44 : memref<1x128xi32, #tpu.memory_space<vmem>> -> memref<128xi32, #tpu.memory_space<vmem>>
        %dma_start3A_46 = arith.constant 0 : i32
        %dma_start3A_47 = arith.constant 0 : i32
        %dma_start3A_48 = tpu.memref_slice %arg8[%dma_start3A_46, %dma_start3A_47] : memref<10240x128xf32, #tpu.memory_space<vmem_shared>> -> memref<10240x128xf32, #tpu.memory_space<vmem_shared>>
        tpu.enqueue_indirect_dma source(%arg7 : memref<128x128xf32, #tpu.memory_space<vmem>>) target(%dma_start3A_48 : memref<10240x128xf32, #tpu.memory_space<vmem_shared>>) offsets(%dma_start3A_45 : memref<128xi32, #tpu.memory_space<vmem>>) semaphore(%run_scoped3A_43 : memref<!tpu.dma_semaphore, #tpu.memory_space<semaphore_mem>>) {add = true}
        %dma_wait3A = arith.constant 0 : i32
        %dma_wait3A_49 = tpu.memref_slice %arg6[%run_scoped3A_33, %dma_wait3A] : memref<16x128xi32, #tpu.memory_space<vmem>> -> memref<1x128xi32, #tpu.memory_space<vmem>>
        %dma_wait3A_50 = tpu.memref_squeeze %dma_wait3A_49 : memref<1x128xi32, #tpu.memory_space<vmem>> -> memref<128xi32, #tpu.memory_space<vmem>>
        %dma_wait3A_51 = arith.constant 0 : i32
        %dma_wait3A_52 = arith.constant 0 : i32
        %dma_wait3A_53 = tpu.memref_slice %arg8[%dma_wait3A_51, %dma_wait3A_52] : memref<10240x128xf32, #tpu.memory_space<vmem_shared>> -> memref<10240x128xf32, #tpu.memory_space<vmem_shared>>
        tpu.wait_indirect_dma semaphore(%run_scoped3A_43 : memref<!tpu.dma_semaphore, #tpu.memory_space<semaphore_mem>>) src(%arg7 : memref<128x128xf32, #tpu.memory_space<vmem>>) dst(%dma_wait3A_53 : memref<10240x128xf32, #tpu.memory_space<vmem_shared>>)
        tpu.yield
      }) : () -> ()
      %run_scoped3A_34 = arith.constant 7 : i32
      "tpu.region"() ({
        %run_scoped3A_43 = tpu.sem_alloc : memref<!tpu.dma_semaphore, #tpu.memory_space<semaphore_mem>>
        %dma_start3A = arith.constant 0 : i32
        %dma_start3A_44 = tpu.memref_slice %arg6[%run_scoped3A_34, %dma_start3A] : memref<16x128xi32, #tpu.memory_space<vmem>> -> memref<1x128xi32, #tpu.memory_space<vmem>>
        %dma_start3A_45 = tpu.memref_squeeze %dma_start3A_44 : memref<1x128xi32, #tpu.memory_space<vmem>> -> memref<128xi32, #tpu.memory_space<vmem>>
        %dma_start3A_46 = arith.constant 0 : i32
        %dma_start3A_47 = arith.constant 0 : i32
        %dma_start3A_48 = tpu.memref_slice %arg8[%dma_start3A_46, %dma_start3A_47] : memref<10240x128xf32, #tpu.memory_space<vmem_shared>> -> memref<10240x128xf32, #tpu.memory_space<vmem_shared>>
        tpu.enqueue_indirect_dma source(%arg7 : memref<128x128xf32, #tpu.memory_space<vmem>>) target(%dma_start3A_48 : memref<10240x128xf32, #tpu.memory_space<vmem_shared>>) offsets(%dma_start3A_45 : memref<128xi32, #tpu.memory_space<vmem>>) semaphore(%run_scoped3A_43 : memref<!tpu.dma_semaphore, #tpu.memory_space<semaphore_mem>>) {add = true}
        %dma_wait3A = arith.constant 0 : i32
        %dma_wait3A_49 = tpu.memref_slice %arg6[%run_scoped3A_34, %dma_wait3A] : memref<16x128xi32, #tpu.memory_space<vmem>> -> memref<1x128xi32, #tpu.memory_space<vmem>>
        %dma_wait3A_50 = tpu.memref_squeeze %dma_wait3A_49 : memref<1x128xi32, #tpu.memory_space<vmem>> -> memref<128xi32, #tpu.memory_space<vmem>>
        %dma_wait3A_51 = arith.constant 0 : i32
        %dma_wait3A_52 = arith.constant 0 : i32
        %dma_wait3A_53 = tpu.memref_slice %arg8[%dma_wait3A_51, %dma_wait3A_52] : memref<10240x128xf32, #tpu.memory_space<vmem_shared>> -> memref<10240x128xf32, #tpu.memory_space<vmem_shared>>
        tpu.wait_indirect_dma semaphore(%run_scoped3A_43 : memref<!tpu.dma_semaphore, #tpu.memory_space<semaphore_mem>>) src(%arg7 : memref<128x128xf32, #tpu.memory_space<vmem>>) dst(%dma_wait3A_53 : memref<10240x128xf32, #tpu.memory_space<vmem_shared>>)
        tpu.yield
      }) : () -> ()
      %run_scoped3A_35 = arith.constant 8 : i32
      "tpu.region"() ({
        %run_scoped3A_43 = tpu.sem_alloc : memref<!tpu.dma_semaphore, #tpu.memory_space<semaphore_mem>>
        %dma_start3A = arith.constant 0 : i32
        %dma_start3A_44 = tpu.memref_slice %arg6[%run_scoped3A_35, %dma_start3A] : memref<16x128xi32, #tpu.memory_space<vmem>> -> memref<1x128xi32, #tpu.memory_space<vmem>>
        %dma_start3A_45 = tpu.memref_squeeze %dma_start3A_44 : memref<1x128xi32, #tpu.memory_space<vmem>> -> memref<128xi32, #tpu.memory_space<vmem>>
        %dma_start3A_46 = arith.constant 0 : i32
        %dma_start3A_47 = arith.constant 0 : i32
        %dma_start3A_48 = tpu.memref_slice %arg8[%dma_start3A_46, %dma_start3A_47] : memref<10240x128xf32, #tpu.memory_space<vmem_shared>> -> memref<10240x128xf32, #tpu.memory_space<vmem_shared>>
        tpu.enqueue_indirect_dma source(%arg7 : memref<128x128xf32, #tpu.memory_space<vmem>>) target(%dma_start3A_48 : memref<10240x128xf32, #tpu.memory_space<vmem_shared>>) offsets(%dma_start3A_45 : memref<128xi32, #tpu.memory_space<vmem>>) semaphore(%run_scoped3A_43 : memref<!tpu.dma_semaphore, #tpu.memory_space<semaphore_mem>>) {add = true}
        %dma_wait3A = arith.constant 0 : i32
        %dma_wait3A_49 = tpu.memref_slice %arg6[%run_scoped3A_35, %dma_wait3A] : memref<16x128xi32, #tpu.memory_space<vmem>> -> memref<1x128xi32, #tpu.memory_space<vmem>>
        %dma_wait3A_50 = tpu.memref_squeeze %dma_wait3A_49 : memref<1x128xi32, #tpu.memory_space<vmem>> -> memref<128xi32, #tpu.memory_space<vmem>>
        %dma_wait3A_51 = arith.constant 0 : i32
        %dma_wait3A_52 = arith.constant 0 : i32
        %dma_wait3A_53 = tpu.memref_slice %arg8[%dma_wait3A_51, %dma_wait3A_52] : memref<10240x128xf32, #tpu.memory_space<vmem_shared>> -> memref<10240x128xf32, #tpu.memory_space<vmem_shared>>
        tpu.wait_indirect_dma semaphore(%run_scoped3A_43 : memref<!tpu.dma_semaphore, #tpu.memory_space<semaphore_mem>>) src(%arg7 : memref<128x128xf32, #tpu.memory_space<vmem>>) dst(%dma_wait3A_53 : memref<10240x128xf32, #tpu.memory_space<vmem_shared>>)
        tpu.yield
      }) : () -> ()
      %run_scoped3A_36 = arith.constant 9 : i32
      "tpu.region"() ({
        %run_scoped3A_43 = tpu.sem_alloc : memref<!tpu.dma_semaphore, #tpu.memory_space<semaphore_mem>>
        %dma_start3A = arith.constant 0 : i32
        %dma_start3A_44 = tpu.memref_slice %arg6[%run_scoped3A_36, %dma_start3A] : memref<16x128xi32, #tpu.memory_space<vmem>> -> memref<1x128xi32, #tpu.memory_space<vmem>>
        %dma_start3A_45 = tpu.memref_squeeze %dma_start3A_44 : memref<1x128xi32, #tpu.memory_space<vmem>> -> memref<128xi32, #tpu.memory_space<vmem>>
        %dma_start3A_46 = arith.constant 0 : i32
        %dma_start3A_47 = arith.constant 0 : i32
        %dma_start3A_48 = tpu.memref_slice %arg8[%dma_start3A_46, %dma_start3A_47] : memref<10240x128xf32, #tpu.memory_space<vmem_shared>> -> memref<10240x128xf32, #tpu.memory_space<vmem_shared>>
        tpu.enqueue_indirect_dma source(%arg7 : memref<128x128xf32, #tpu.memory_space<vmem>>) target(%dma_start3A_48 : memref<10240x128xf32, #tpu.memory_space<vmem_shared>>) offsets(%dma_start3A_45 : memref<128xi32, #tpu.memory_space<vmem>>) semaphore(%run_scoped3A_43 : memref<!tpu.dma_semaphore, #tpu.memory_space<semaphore_mem>>) {add = true}
        %dma_wait3A = arith.constant 0 : i32
        %dma_wait3A_49 = tpu.memref_slice %arg6[%run_scoped3A_36, %dma_wait3A] : memref<16x128xi32, #tpu.memory_space<vmem>> -> memref<1x128xi32, #tpu.memory_space<vmem>>
        %dma_wait3A_50 = tpu.memref_squeeze %dma_wait3A_49 : memref<1x128xi32, #tpu.memory_space<vmem>> -> memref<128xi32, #tpu.memory_space<vmem>>
        %dma_wait3A_51 = arith.constant 0 : i32
        %dma_wait3A_52 = arith.constant 0 : i32
        %dma_wait3A_53 = tpu.memref_slice %arg8[%dma_wait3A_51, %dma_wait3A_52] : memref<10240x128xf32, #tpu.memory_space<vmem_shared>> -> memref<10240x128xf32, #tpu.memory_space<vmem_shared>>
        tpu.wait_indirect_dma semaphore(%run_scoped3A_43 : memref<!tpu.dma_semaphore, #tpu.memory_space<semaphore_mem>>) src(%arg7 : memref<128x128xf32, #tpu.memory_space<vmem>>) dst(%dma_wait3A_53 : memref<10240x128xf32, #tpu.memory_space<vmem_shared>>)
        tpu.yield
      }) : () -> ()
      %run_scoped3A_37 = arith.constant 10 : i32
      "tpu.region"() ({
        %run_scoped3A_43 = tpu.sem_alloc : memref<!tpu.dma_semaphore, #tpu.memory_space<semaphore_mem>>
        %dma_start3A = arith.constant 0 : i32
        %dma_start3A_44 = tpu.memref_slice %arg6[%run_scoped3A_37, %dma_start3A] : memref<16x128xi32, #tpu.memory_space<vmem>> -> memref<1x128xi32, #tpu.memory_space<vmem>>
        %dma_start3A_45 = tpu.memref_squeeze %dma_start3A_44 : memref<1x128xi32, #tpu.memory_space<vmem>> -> memref<128xi32, #tpu.memory_space<vmem>>
        %dma_start3A_46 = arith.constant 0 : i32
        %dma_start3A_47 = arith.constant 0 : i32
        %dma_start3A_48 = tpu.memref_slice %arg8[%dma_start3A_46, %dma_start3A_47] : memref<10240x128xf32, #tpu.memory_space<vmem_shared>> -> memref<10240x128xf32, #tpu.memory_space<vmem_shared>>
        tpu.enqueue_indirect_dma source(%arg7 : memref<128x128xf32, #tpu.memory_space<vmem>>) target(%dma_start3A_48 : memref<10240x128xf32, #tpu.memory_space<vmem_shared>>) offsets(%dma_start3A_45 : memref<128xi32, #tpu.memory_space<vmem>>) semaphore(%run_scoped3A_43 : memref<!tpu.dma_semaphore, #tpu.memory_space<semaphore_mem>>) {add = true}
        %dma_wait3A = arith.constant 0 : i32
        %dma_wait3A_49 = tpu.memref_slice %arg6[%run_scoped3A_37, %dma_wait3A] : memref<16x128xi32, #tpu.memory_space<vmem>> -> memref<1x128xi32, #tpu.memory_space<vmem>>
        %dma_wait3A_50 = tpu.memref_squeeze %dma_wait3A_49 : memref<1x128xi32, #tpu.memory_space<vmem>> -> memref<128xi32, #tpu.memory_space<vmem>>
        %dma_wait3A_51 = arith.constant 0 : i32
        %dma_wait3A_52 = arith.constant 0 : i32
        %dma_wait3A_53 = tpu.memref_slice %arg8[%dma_wait3A_51, %dma_wait3A_52] : memref<10240x128xf32, #tpu.memory_space<vmem_shared>> -> memref<10240x128xf32, #tpu.memory_space<vmem_shared>>
        tpu.wait_indirect_dma semaphore(%run_scoped3A_43 : memref<!tpu.dma_semaphore, #tpu.memory_space<semaphore_mem>>) src(%arg7 : memref<128x128xf32, #tpu.memory_space<vmem>>) dst(%dma_wait3A_53 : memref<10240x128xf32, #tpu.memory_space<vmem_shared>>)
        tpu.yield
      }) : () -> ()
      %run_scoped3A_38 = arith.constant 11 : i32
      "tpu.region"() ({
        %run_scoped3A_43 = tpu.sem_alloc : memref<!tpu.dma_semaphore, #tpu.memory_space<semaphore_mem>>
        %dma_start3A = arith.constant 0 : i32
        %dma_start3A_44 = tpu.memref_slice %arg6[%run_scoped3A_38, %dma_start3A] : memref<16x128xi32, #tpu.memory_space<vmem>> -> memref<1x128xi32, #tpu.memory_space<vmem>>
        %dma_start3A_45 = tpu.memref_squeeze %dma_start3A_44 : memref<1x128xi32, #tpu.memory_space<vmem>> -> memref<128xi32, #tpu.memory_space<vmem>>
        %dma_start3A_46 = arith.constant 0 : i32
        %dma_start3A_47 = arith.constant 0 : i32
        %dma_start3A_48 = tpu.memref_slice %arg8[%dma_start3A_46, %dma_start3A_47] : memref<10240x128xf32, #tpu.memory_space<vmem_shared>> -> memref<10240x128xf32, #tpu.memory_space<vmem_shared>>
        tpu.enqueue_indirect_dma source(%arg7 : memref<128x128xf32, #tpu.memory_space<vmem>>) target(%dma_start3A_48 : memref<10240x128xf32, #tpu.memory_space<vmem_shared>>) offsets(%dma_start3A_45 : memref<128xi32, #tpu.memory_space<vmem>>) semaphore(%run_scoped3A_43 : memref<!tpu.dma_semaphore, #tpu.memory_space<semaphore_mem>>) {add = true}
        %dma_wait3A = arith.constant 0 : i32
        %dma_wait3A_49 = tpu.memref_slice %arg6[%run_scoped3A_38, %dma_wait3A] : memref<16x128xi32, #tpu.memory_space<vmem>> -> memref<1x128xi32, #tpu.memory_space<vmem>>
        %dma_wait3A_50 = tpu.memref_squeeze %dma_wait3A_49 : memref<1x128xi32, #tpu.memory_space<vmem>> -> memref<128xi32, #tpu.memory_space<vmem>>
        %dma_wait3A_51 = arith.constant 0 : i32
        %dma_wait3A_52 = arith.constant 0 : i32
        %dma_wait3A_53 = tpu.memref_slice %arg8[%dma_wait3A_51, %dma_wait3A_52] : memref<10240x128xf32, #tpu.memory_space<vmem_shared>> -> memref<10240x128xf32, #tpu.memory_space<vmem_shared>>
        tpu.wait_indirect_dma semaphore(%run_scoped3A_43 : memref<!tpu.dma_semaphore, #tpu.memory_space<semaphore_mem>>) src(%arg7 : memref<128x128xf32, #tpu.memory_space<vmem>>) dst(%dma_wait3A_53 : memref<10240x128xf32, #tpu.memory_space<vmem_shared>>)
        tpu.yield
      }) : () -> ()
      %run_scoped3A_39 = arith.constant 12 : i32
      "tpu.region"() ({
        %run_scoped3A_43 = tpu.sem_alloc : memref<!tpu.dma_semaphore, #tpu.memory_space<semaphore_mem>>
        %dma_start3A = arith.constant 0 : i32
        %dma_start3A_44 = tpu.memref_slice %arg6[%run_scoped3A_39, %dma_start3A] : memref<16x128xi32, #tpu.memory_space<vmem>> -> memref<1x128xi32, #tpu.memory_space<vmem>>
        %dma_start3A_45 = tpu.memref_squeeze %dma_start3A_44 : memref<1x128xi32, #tpu.memory_space<vmem>> -> memref<128xi32, #tpu.memory_space<vmem>>
        %dma_start3A_46 = arith.constant 0 : i32
        %dma_start3A_47 = arith.constant 0 : i32
        %dma_start3A_48 = tpu.memref_slice %arg8[%dma_start3A_46, %dma_start3A_47] : memref<10240x128xf32, #tpu.memory_space<vmem_shared>> -> memref<10240x128xf32, #tpu.memory_space<vmem_shared>>
        tpu.enqueue_indirect_dma source(%arg7 : memref<128x128xf32, #tpu.memory_space<vmem>>) target(%dma_start3A_48 : memref<10240x128xf32, #tpu.memory_space<vmem_shared>>) offsets(%dma_start3A_45 : memref<128xi32, #tpu.memory_space<vmem>>) semaphore(%run_scoped3A_43 : memref<!tpu.dma_semaphore, #tpu.memory_space<semaphore_mem>>) {add = true}
        %dma_wait3A = arith.constant 0 : i32
        %dma_wait3A_49 = tpu.memref_slice %arg6[%run_scoped3A_39, %dma_wait3A] : memref<16x128xi32, #tpu.memory_space<vmem>> -> memref<1x128xi32, #tpu.memory_space<vmem>>
        %dma_wait3A_50 = tpu.memref_squeeze %dma_wait3A_49 : memref<1x128xi32, #tpu.memory_space<vmem>> -> memref<128xi32, #tpu.memory_space<vmem>>
        %dma_wait3A_51 = arith.constant 0 : i32
        %dma_wait3A_52 = arith.constant 0 : i32
        %dma_wait3A_53 = tpu.memref_slice %arg8[%dma_wait3A_51, %dma_wait3A_52] : memref<10240x128xf32, #tpu.memory_space<vmem_shared>> -> memref<10240x128xf32, #tpu.memory_space<vmem_shared>>
        tpu.wait_indirect_dma semaphore(%run_scoped3A_43 : memref<!tpu.dma_semaphore, #tpu.memory_space<semaphore_mem>>) src(%arg7 : memref<128x128xf32, #tpu.memory_space<vmem>>) dst(%dma_wait3A_53 : memref<10240x128xf32, #tpu.memory_space<vmem_shared>>)
        tpu.yield
      }) : () -> ()
      %run_scoped3A_40 = arith.constant 13 : i32
      "tpu.region"() ({
        %run_scoped3A_43 = tpu.sem_alloc : memref<!tpu.dma_semaphore, #tpu.memory_space<semaphore_mem>>
        %dma_start3A = arith.constant 0 : i32
        %dma_start3A_44 = tpu.memref_slice %arg6[%run_scoped3A_40, %dma_start3A] : memref<16x128xi32, #tpu.memory_space<vmem>> -> memref<1x128xi32, #tpu.memory_space<vmem>>
        %dma_start3A_45 = tpu.memref_squeeze %dma_start3A_44 : memref<1x128xi32, #tpu.memory_space<vmem>> -> memref<128xi32, #tpu.memory_space<vmem>>
        %dma_start3A_46 = arith.constant 0 : i32
        %dma_start3A_47 = arith.constant 0 : i32
        %dma_start3A_48 = tpu.memref_slice %arg8[%dma_start3A_46, %dma_start3A_47] : memref<10240x128xf32, #tpu.memory_space<vmem_shared>> -> memref<10240x128xf32, #tpu.memory_space<vmem_shared>>
        tpu.enqueue_indirect_dma source(%arg7 : memref<128x128xf32, #tpu.memory_space<vmem>>) target(%dma_start3A_48 : memref<10240x128xf32, #tpu.memory_space<vmem_shared>>) offsets(%dma_start3A_45 : memref<128xi32, #tpu.memory_space<vmem>>) semaphore(%run_scoped3A_43 : memref<!tpu.dma_semaphore, #tpu.memory_space<semaphore_mem>>) {add = true}
        %dma_wait3A = arith.constant 0 : i32
        %dma_wait3A_49 = tpu.memref_slice %arg6[%run_scoped3A_40, %dma_wait3A] : memref<16x128xi32, #tpu.memory_space<vmem>> -> memref<1x128xi32, #tpu.memory_space<vmem>>
        %dma_wait3A_50 = tpu.memref_squeeze %dma_wait3A_49 : memref<1x128xi32, #tpu.memory_space<vmem>> -> memref<128xi32, #tpu.memory_space<vmem>>
        %dma_wait3A_51 = arith.constant 0 : i32
        %dma_wait3A_52 = arith.constant 0 : i32
        %dma_wait3A_53 = tpu.memref_slice %arg8[%dma_wait3A_51, %dma_wait3A_52] : memref<10240x128xf32, #tpu.memory_space<vmem_shared>> -> memref<10240x128xf32, #tpu.memory_space<vmem_shared>>
        tpu.wait_indirect_dma semaphore(%run_scoped3A_43 : memref<!tpu.dma_semaphore, #tpu.memory_space<semaphore_mem>>) src(%arg7 : memref<128x128xf32, #tpu.memory_space<vmem>>) dst(%dma_wait3A_53 : memref<10240x128xf32, #tpu.memory_space<vmem_shared>>)
        tpu.yield
      }) : () -> ()
      %run_scoped3A_41 = arith.constant 14 : i32
      "tpu.region"() ({
        %run_scoped3A_43 = tpu.sem_alloc : memref<!tpu.dma_semaphore, #tpu.memory_space<semaphore_mem>>
        %dma_start3A = arith.constant 0 : i32
        %dma_start3A_44 = tpu.memref_slice %arg6[%run_scoped3A_41, %dma_start3A] : memref<16x128xi32, #tpu.memory_space<vmem>> -> memref<1x128xi32, #tpu.memory_space<vmem>>
        %dma_start3A_45 = tpu.memref_squeeze %dma_start3A_44 : memref<1x128xi32, #tpu.memory_space<vmem>> -> memref<128xi32, #tpu.memory_space<vmem>>
        %dma_start3A_46 = arith.constant 0 : i32
        %dma_start3A_47 = arith.constant 0 : i32
        %dma_start3A_48 = tpu.memref_slice %arg8[%dma_start3A_46, %dma_start3A_47] : memref<10240x128xf32, #tpu.memory_space<vmem_shared>> -> memref<10240x128xf32, #tpu.memory_space<vmem_shared>>
        tpu.enqueue_indirect_dma source(%arg7 : memref<128x128xf32, #tpu.memory_space<vmem>>) target(%dma_start3A_48 : memref<10240x128xf32, #tpu.memory_space<vmem_shared>>) offsets(%dma_start3A_45 : memref<128xi32, #tpu.memory_space<vmem>>) semaphore(%run_scoped3A_43 : memref<!tpu.dma_semaphore, #tpu.memory_space<semaphore_mem>>) {add = true}
        %dma_wait3A = arith.constant 0 : i32
        %dma_wait3A_49 = tpu.memref_slice %arg6[%run_scoped3A_41, %dma_wait3A] : memref<16x128xi32, #tpu.memory_space<vmem>> -> memref<1x128xi32, #tpu.memory_space<vmem>>
        %dma_wait3A_50 = tpu.memref_squeeze %dma_wait3A_49 : memref<1x128xi32, #tpu.memory_space<vmem>> -> memref<128xi32, #tpu.memory_space<vmem>>
        %dma_wait3A_51 = arith.constant 0 : i32
        %dma_wait3A_52 = arith.constant 0 : i32
        %dma_wait3A_53 = tpu.memref_slice %arg8[%dma_wait3A_51, %dma_wait3A_52] : memref<10240x128xf32, #tpu.memory_space<vmem_shared>> -> memref<10240x128xf32, #tpu.memory_space<vmem_shared>>
        tpu.wait_indirect_dma semaphore(%run_scoped3A_43 : memref<!tpu.dma_semaphore, #tpu.memory_space<semaphore_mem>>) src(%arg7 : memref<128x128xf32, #tpu.memory_space<vmem>>) dst(%dma_wait3A_53 : memref<10240x128xf32, #tpu.memory_space<vmem_shared>>)
        tpu.yield
      }) : () -> ()
      %run_scoped3A_42 = arith.constant 15 : i32
      "tpu.region"() ({
        %run_scoped3A_43 = tpu.sem_alloc : memref<!tpu.dma_semaphore, #tpu.memory_space<semaphore_mem>>
        %dma_start3A = arith.constant 0 : i32
        %dma_start3A_44 = tpu.memref_slice %arg6[%run_scoped3A_42, %dma_start3A] : memref<16x128xi32, #tpu.memory_space<vmem>> -> memref<1x128xi32, #tpu.memory_space<vmem>>
        %dma_start3A_45 = tpu.memref_squeeze %dma_start3A_44 : memref<1x128xi32, #tpu.memory_space<vmem>> -> memref<128xi32, #tpu.memory_space<vmem>>
        %dma_start3A_46 = arith.constant 0 : i32
        %dma_start3A_47 = arith.constant 0 : i32
        %dma_start3A_48 = tpu.memref_slice %arg8[%dma_start3A_46, %dma_start3A_47] : memref<10240x128xf32, #tpu.memory_space<vmem_shared>> -> memref<10240x128xf32, #tpu.memory_space<vmem_shared>>
        tpu.enqueue_indirect_dma source(%arg7 : memref<128x128xf32, #tpu.memory_space<vmem>>) target(%dma_start3A_48 : memref<10240x128xf32, #tpu.memory_space<vmem_shared>>) offsets(%dma_start3A_45 : memref<128xi32, #tpu.memory_space<vmem>>) semaphore(%run_scoped3A_43 : memref<!tpu.dma_semaphore, #tpu.memory_space<semaphore_mem>>) {add = true}
        %dma_wait3A = arith.constant 0 : i32
        %dma_wait3A_49 = tpu.memref_slice %arg6[%run_scoped3A_42, %dma_wait3A] : memref<16x128xi32, #tpu.memory_space<vmem>> -> memref<1x128xi32, #tpu.memory_space<vmem>>
        %dma_wait3A_50 = tpu.memref_squeeze %dma_wait3A_49 : memref<1x128xi32, #tpu.memory_space<vmem>> -> memref<128xi32, #tpu.memory_space<vmem>>
        %dma_wait3A_51 = arith.constant 0 : i32
        %dma_wait3A_52 = arith.constant 0 : i32
        %dma_wait3A_53 = tpu.memref_slice %arg8[%dma_wait3A_51, %dma_wait3A_52] : memref<10240x128xf32, #tpu.memory_space<vmem_shared>> -> memref<10240x128xf32, #tpu.memory_space<vmem_shared>>
        tpu.wait_indirect_dma semaphore(%run_scoped3A_43 : memref<!tpu.dma_semaphore, #tpu.memory_space<semaphore_mem>>) src(%arg7 : memref<128x128xf32, #tpu.memory_space<vmem>>) dst(%dma_wait3A_53 : memref<10240x128xf32, #tpu.memory_space<vmem_shared>>)
        tpu.yield
      }) : () -> ()
    }
    %scan3A_17 = arith.constant 5 : i32
    %barrier3A_18 = arith.constant 0 : index
    tpu.barrier barrier_id(%barrier3A_18)
    %mul3A_19 = arith.constant 10240 : i32
    %mul3A_20 = arith.muli %arg0, %mul3A_19 : i32
    %add3A_21 = arith.addi %mul3A_20, %mul3A_2 : i32
    "tpu.region"() ({
      %run_scoped3A = tpu.sem_alloc : memref<!tpu.dma_semaphore, #tpu.memory_space<semaphore_mem>>
      %dma_start3A = arith.constant 0 : i32
      %dma_start3A_22 = tpu.memref_slice %arg5[%add3A_21, %dma_start3A] : memref<20480x128xf32, #tpu.memory_space<hbm>> -> memref<640x128xf32, #tpu.memory_space<hbm>>
      %dma_start3A_23 = arith.constant 0 : i32
      %dma_start3A_24 = tpu.memref_slice %arg8[%mul3A_2, %dma_start3A_23] : memref<10240x128xf32, #tpu.memory_space<vmem_shared>> -> memref<640x128xf32, #tpu.memory_space<vmem_shared>>
      tpu.enqueue_dma source(%dma_start3A_24 : memref<640x128xf32, #tpu.memory_space<vmem_shared>>) target(%dma_start3A_22 : memref<640x128xf32, #tpu.memory_space<hbm>>) target_semaphore(%run_scoped3A : memref<!tpu.dma_semaphore, #tpu.memory_space<semaphore_mem>>)
      %dma_wait3A = arith.constant 0 : i32
      %dma_wait3A_25 = tpu.memref_slice %arg5[%add3A_21, %dma_wait3A] : memref<20480x128xf32, #tpu.memory_space<hbm>> -> memref<640x128xf32, #tpu.memory_space<hbm>>
      %dma_wait3A_26 = arith.constant 0 : i32
      %dma_wait3A_27 = tpu.memref_slice %arg8[%mul3A_2, %dma_wait3A_26] : memref<10240x128xf32, #tpu.memory_space<vmem_shared>> -> memref<640x128xf32, #tpu.memory_space<vmem_shared>>
      tpu.wait_dma2 semaphore(%run_scoped3A : memref<!tpu.dma_semaphore, #tpu.memory_space<semaphore_mem>>) src(%dma_wait3A_27 : memref<640x128xf32, #tpu.memory_space<vmem_shared>>) dst(%dma_wait3A_25 : memref<640x128xf32, #tpu.memory_space<hbm>>)
      tpu.yield
    }) : () -> ()
    return
  }
}

#map = affine_map<(d0, d1) -> (0, 0)>
module attributes {stable_mosaic.version = 14 : i64} {
  func.func @_agg_kernel(%arg0: i32, %arg1: i32, %arg2: memref<10000x128xf32, #tpu.memory_space<hbm>>, %arg3: memref<5120x128xi32, #tpu.memory_space<hbm>>, %arg4: memref<128x128xf32, #tpu.memory_space<hbm>>, %arg5: memref<20480x128xf32, #tpu.memory_space<hbm>>, %arg6: memref<32x128xi32, #tpu.memory_space<vmem>>, %arg7: memref<128x128xf32, #tpu.memory_space<vmem>>, %arg8: memref<128x128xf32, #tpu.memory_space<vmem>>, %arg9: memref<10240x128xf32, #tpu.memory_space<vmem_shared>>, %arg10: memref<!tpu.dma_semaphore, #tpu.memory_space<semaphore_mem>>, %arg11: memref<!tpu.dma_semaphore, #tpu.memory_space<semaphore_mem>>) attributes {dimension_semantics = [#tpu.dimension_semantics<core_parallel>, #tpu.dimension_semantics<subcore_parallel>], iteration_bounds = array<i64: 2, 16>, scalar_prefetch = 0 : i64, scratch_operands = 6 : i64, tpu.core_type = #tpu.core_type<sc_vector_subcore>, window_params = [{transform_indices = #map}, {transform_indices = #map}, {transform_indices = #map}, {transform_indices = #map}]} {
    %mul3A = arith.constant 2 : i32
    %mul3A_0 = arith.muli %arg1, %mul3A : i32
    %add3A = arith.addi %mul3A_0, %arg0 : i32
    %mul3A_1 = arith.constant 640 : i32
    %mul3A_2 = arith.muli %arg1, %mul3A_1 : i32
    "tpu.region"() ({
      %run_scoped3A = tpu.sem_alloc : memref<!tpu.dma_semaphore, #tpu.memory_space<semaphore_mem>>
      tpu.enqueue_dma source(%arg4 : memref<128x128xf32, #tpu.memory_space<hbm>>) target(%arg7 : memref<128x128xf32, #tpu.memory_space<vmem>>) target_semaphore(%run_scoped3A : memref<!tpu.dma_semaphore, #tpu.memory_space<semaphore_mem>>)
      tpu.wait_dma2 semaphore(%run_scoped3A : memref<!tpu.dma_semaphore, #tpu.memory_space<semaphore_mem>>) src(%arg4 : memref<128x128xf32, #tpu.memory_space<hbm>>) dst(%arg7 : memref<128x128xf32, #tpu.memory_space<vmem>>)
      tpu.yield
    }) : () -> ()
    %add3A_3 = arith.constant 0 : i32
    %add3A_4 = arith.addi %mul3A_2, %add3A_3 : i32
    "tpu.region"() ({
      %run_scoped3A = tpu.sem_alloc : memref<!tpu.dma_semaphore, #tpu.memory_space<semaphore_mem>>
      %dma_start3A = arith.constant 0 : i32
      %dma_start3A_22 = tpu.memref_slice %arg9[%add3A_4, %dma_start3A] : memref<10240x128xf32, #tpu.memory_space<vmem_shared>> -> memref<128x128xf32, #tpu.memory_space<vmem_shared>>
      %dma_start3A_23 = arith.constant 0 : i32
      %dma_start3A_24 = tpu.memref_slice %arg9[%add3A_4, %dma_start3A_23] : memref<10240x128xf32, #tpu.memory_space<vmem_shared>> -> memref<128x128xf32, #tpu.memory_space<vmem_shared>>
      tpu.enqueue_dma source(%arg7 : memref<128x128xf32, #tpu.memory_space<vmem>>) target(%dma_start3A_24 : memref<128x128xf32, #tpu.memory_space<vmem_shared>>) target_semaphore(%run_scoped3A : memref<!tpu.dma_semaphore, #tpu.memory_space<semaphore_mem>>)
      %dma_wait3A = arith.constant 0 : i32
      %dma_wait3A_25 = tpu.memref_slice %arg9[%add3A_4, %dma_wait3A] : memref<10240x128xf32, #tpu.memory_space<vmem_shared>> -> memref<128x128xf32, #tpu.memory_space<vmem_shared>>
      %dma_wait3A_26 = arith.constant 0 : i32
      %dma_wait3A_27 = tpu.memref_slice %arg9[%add3A_4, %dma_wait3A_26] : memref<10240x128xf32, #tpu.memory_space<vmem_shared>> -> memref<128x128xf32, #tpu.memory_space<vmem_shared>>
      tpu.wait_dma2 semaphore(%run_scoped3A : memref<!tpu.dma_semaphore, #tpu.memory_space<semaphore_mem>>) src(%arg7 : memref<128x128xf32, #tpu.memory_space<vmem>>) dst(%dma_wait3A_27 : memref<128x128xf32, #tpu.memory_space<vmem_shared>>)
      tpu.yield
    }) : () -> ()
    %add3A_5 = arith.constant 128 : i32
    %add3A_6 = arith.addi %mul3A_2, %add3A_5 : i32
    "tpu.region"() ({
      %run_scoped3A = tpu.sem_alloc : memref<!tpu.dma_semaphore, #tpu.memory_space<semaphore_mem>>
      %dma_start3A = arith.constant 0 : i32
      %dma_start3A_22 = tpu.memref_slice %arg9[%add3A_6, %dma_start3A] : memref<10240x128xf32, #tpu.memory_space<vmem_shared>> -> memref<128x128xf32, #tpu.memory_space<vmem_shared>>
      %dma_start3A_23 = arith.constant 0 : i32
      %dma_start3A_24 = tpu.memref_slice %arg9[%add3A_6, %dma_start3A_23] : memref<10240x128xf32, #tpu.memory_space<vmem_shared>> -> memref<128x128xf32, #tpu.memory_space<vmem_shared>>
      tpu.enqueue_dma source(%arg7 : memref<128x128xf32, #tpu.memory_space<vmem>>) target(%dma_start3A_24 : memref<128x128xf32, #tpu.memory_space<vmem_shared>>) target_semaphore(%run_scoped3A : memref<!tpu.dma_semaphore, #tpu.memory_space<semaphore_mem>>)
      %dma_wait3A = arith.constant 0 : i32
      %dma_wait3A_25 = tpu.memref_slice %arg9[%add3A_6, %dma_wait3A] : memref<10240x128xf32, #tpu.memory_space<vmem_shared>> -> memref<128x128xf32, #tpu.memory_space<vmem_shared>>
      %dma_wait3A_26 = arith.constant 0 : i32
      %dma_wait3A_27 = tpu.memref_slice %arg9[%add3A_6, %dma_wait3A_26] : memref<10240x128xf32, #tpu.memory_space<vmem_shared>> -> memref<128x128xf32, #tpu.memory_space<vmem_shared>>
      tpu.wait_dma2 semaphore(%run_scoped3A : memref<!tpu.dma_semaphore, #tpu.memory_space<semaphore_mem>>) src(%arg7 : memref<128x128xf32, #tpu.memory_space<vmem>>) dst(%dma_wait3A_27 : memref<128x128xf32, #tpu.memory_space<vmem_shared>>)
      tpu.yield
    }) : () -> ()
    %add3A_7 = arith.constant 256 : i32
    %add3A_8 = arith.addi %mul3A_2, %add3A_7 : i32
    "tpu.region"() ({
      %run_scoped3A = tpu.sem_alloc : memref<!tpu.dma_semaphore, #tpu.memory_space<semaphore_mem>>
      %dma_start3A = arith.constant 0 : i32
      %dma_start3A_22 = tpu.memref_slice %arg9[%add3A_8, %dma_start3A] : memref<10240x128xf32, #tpu.memory_space<vmem_shared>> -> memref<128x128xf32, #tpu.memory_space<vmem_shared>>
      %dma_start3A_23 = arith.constant 0 : i32
      %dma_start3A_24 = tpu.memref_slice %arg9[%add3A_8, %dma_start3A_23] : memref<10240x128xf32, #tpu.memory_space<vmem_shared>> -> memref<128x128xf32, #tpu.memory_space<vmem_shared>>
      tpu.enqueue_dma source(%arg7 : memref<128x128xf32, #tpu.memory_space<vmem>>) target(%dma_start3A_24 : memref<128x128xf32, #tpu.memory_space<vmem_shared>>) target_semaphore(%run_scoped3A : memref<!tpu.dma_semaphore, #tpu.memory_space<semaphore_mem>>)
      %dma_wait3A = arith.constant 0 : i32
      %dma_wait3A_25 = tpu.memref_slice %arg9[%add3A_8, %dma_wait3A] : memref<10240x128xf32, #tpu.memory_space<vmem_shared>> -> memref<128x128xf32, #tpu.memory_space<vmem_shared>>
      %dma_wait3A_26 = arith.constant 0 : i32
      %dma_wait3A_27 = tpu.memref_slice %arg9[%add3A_8, %dma_wait3A_26] : memref<10240x128xf32, #tpu.memory_space<vmem_shared>> -> memref<128x128xf32, #tpu.memory_space<vmem_shared>>
      tpu.wait_dma2 semaphore(%run_scoped3A : memref<!tpu.dma_semaphore, #tpu.memory_space<semaphore_mem>>) src(%arg7 : memref<128x128xf32, #tpu.memory_space<vmem>>) dst(%dma_wait3A_27 : memref<128x128xf32, #tpu.memory_space<vmem_shared>>)
      tpu.yield
    }) : () -> ()
    %add3A_9 = arith.constant 384 : i32
    %add3A_10 = arith.addi %mul3A_2, %add3A_9 : i32
    "tpu.region"() ({
      %run_scoped3A = tpu.sem_alloc : memref<!tpu.dma_semaphore, #tpu.memory_space<semaphore_mem>>
      %dma_start3A = arith.constant 0 : i32
      %dma_start3A_22 = tpu.memref_slice %arg9[%add3A_10, %dma_start3A] : memref<10240x128xf32, #tpu.memory_space<vmem_shared>> -> memref<128x128xf32, #tpu.memory_space<vmem_shared>>
      %dma_start3A_23 = arith.constant 0 : i32
      %dma_start3A_24 = tpu.memref_slice %arg9[%add3A_10, %dma_start3A_23] : memref<10240x128xf32, #tpu.memory_space<vmem_shared>> -> memref<128x128xf32, #tpu.memory_space<vmem_shared>>
      tpu.enqueue_dma source(%arg7 : memref<128x128xf32, #tpu.memory_space<vmem>>) target(%dma_start3A_24 : memref<128x128xf32, #tpu.memory_space<vmem_shared>>) target_semaphore(%run_scoped3A : memref<!tpu.dma_semaphore, #tpu.memory_space<semaphore_mem>>)
      %dma_wait3A = arith.constant 0 : i32
      %dma_wait3A_25 = tpu.memref_slice %arg9[%add3A_10, %dma_wait3A] : memref<10240x128xf32, #tpu.memory_space<vmem_shared>> -> memref<128x128xf32, #tpu.memory_space<vmem_shared>>
      %dma_wait3A_26 = arith.constant 0 : i32
      %dma_wait3A_27 = tpu.memref_slice %arg9[%add3A_10, %dma_wait3A_26] : memref<10240x128xf32, #tpu.memory_space<vmem_shared>> -> memref<128x128xf32, #tpu.memory_space<vmem_shared>>
      tpu.wait_dma2 semaphore(%run_scoped3A : memref<!tpu.dma_semaphore, #tpu.memory_space<semaphore_mem>>) src(%arg7 : memref<128x128xf32, #tpu.memory_space<vmem>>) dst(%dma_wait3A_27 : memref<128x128xf32, #tpu.memory_space<vmem_shared>>)
      tpu.yield
    }) : () -> ()
    %add3A_11 = arith.constant 512 : i32
    %add3A_12 = arith.addi %mul3A_2, %add3A_11 : i32
    "tpu.region"() ({
      %run_scoped3A = tpu.sem_alloc : memref<!tpu.dma_semaphore, #tpu.memory_space<semaphore_mem>>
      %dma_start3A = arith.constant 0 : i32
      %dma_start3A_22 = tpu.memref_slice %arg9[%add3A_12, %dma_start3A] : memref<10240x128xf32, #tpu.memory_space<vmem_shared>> -> memref<128x128xf32, #tpu.memory_space<vmem_shared>>
      %dma_start3A_23 = arith.constant 0 : i32
      %dma_start3A_24 = tpu.memref_slice %arg9[%add3A_12, %dma_start3A_23] : memref<10240x128xf32, #tpu.memory_space<vmem_shared>> -> memref<128x128xf32, #tpu.memory_space<vmem_shared>>
      tpu.enqueue_dma source(%arg7 : memref<128x128xf32, #tpu.memory_space<vmem>>) target(%dma_start3A_24 : memref<128x128xf32, #tpu.memory_space<vmem_shared>>) target_semaphore(%run_scoped3A : memref<!tpu.dma_semaphore, #tpu.memory_space<semaphore_mem>>)
      %dma_wait3A = arith.constant 0 : i32
      %dma_wait3A_25 = tpu.memref_slice %arg9[%add3A_12, %dma_wait3A] : memref<10240x128xf32, #tpu.memory_space<vmem_shared>> -> memref<128x128xf32, #tpu.memory_space<vmem_shared>>
      %dma_wait3A_26 = arith.constant 0 : i32
      %dma_wait3A_27 = tpu.memref_slice %arg9[%add3A_12, %dma_wait3A_26] : memref<10240x128xf32, #tpu.memory_space<vmem_shared>> -> memref<128x128xf32, #tpu.memory_space<vmem_shared>>
      tpu.wait_dma2 semaphore(%run_scoped3A : memref<!tpu.dma_semaphore, #tpu.memory_space<semaphore_mem>>) src(%arg7 : memref<128x128xf32, #tpu.memory_space<vmem>>) dst(%dma_wait3A_27 : memref<128x128xf32, #tpu.memory_space<vmem_shared>>)
      tpu.yield
    }) : () -> ()
    %barrier3A = arith.constant 0 : index
    tpu.barrier barrier_id(%barrier3A)
    %scan3A = arith.constant 0 : i32
    %scan3A_13 = arith.constant 0 : i32
    %scan3A_14 = arith.constant 5 : i32
    %scan3A_15 = arith.addi %scan3A_13, %scan3A_14 : i32
    %scan3A_16 = arith.constant 1 : i32
    scf.for %scan3A_22 = %scan3A_13 to %scan3A_15 step %scan3A_16  : i32 {
      %mul3A_23 = arith.constant 80 : i32
      %mul3A_24 = arith.muli %add3A, %mul3A_23 : i32
      %mul3A_25 = arith.constant 16 : i32
      %mul3A_26 = arith.muli %scan3A_22, %mul3A_25 : i32
      %add3A_27 = arith.addi %mul3A_24, %mul3A_26 : i32
      %mul3A_28 = arith.constant 2 : i32
      %mul3A_29 = arith.muli %mul3A_28, %add3A_27 : i32
      "tpu.region"() ({
        %run_scoped3A_267 = tpu.sem_alloc : memref<!tpu.dma_semaphore, #tpu.memory_space<semaphore_mem>>
        %dma_start3A_268 = arith.constant 0 : i32
        %dma_start3A_269 = tpu.memref_slice %arg3[%mul3A_29, %dma_start3A_268] : memref<5120x128xi32, #tpu.memory_space<hbm>> -> memref<32x128xi32, #tpu.memory_space<hbm>>
        %dma_start3A_270 = arith.constant 0 : i32
        %dma_start3A_271 = tpu.memref_slice %arg3[%mul3A_29, %dma_start3A_270] : memref<5120x128xi32, #tpu.memory_space<hbm>> -> memref<32x128xi32, #tpu.memory_space<hbm>>
        tpu.enqueue_dma source(%dma_start3A_271 : memref<32x128xi32, #tpu.memory_space<hbm>>) target(%arg6 : memref<32x128xi32, #tpu.memory_space<vmem>>) target_semaphore(%run_scoped3A_267 : memref<!tpu.dma_semaphore, #tpu.memory_space<semaphore_mem>>)
        %dma_wait3A_272 = arith.constant 0 : i32
        %dma_wait3A_273 = tpu.memref_slice %arg3[%mul3A_29, %dma_wait3A_272] : memref<5120x128xi32, #tpu.memory_space<hbm>> -> memref<32x128xi32, #tpu.memory_space<hbm>>
        %dma_wait3A_274 = arith.constant 0 : i32
        %dma_wait3A_275 = tpu.memref_slice %arg3[%mul3A_29, %dma_wait3A_274] : memref<5120x128xi32, #tpu.memory_space<hbm>> -> memref<32x128xi32, #tpu.memory_space<hbm>>
        tpu.wait_dma2 semaphore(%run_scoped3A_267 : memref<!tpu.dma_semaphore, #tpu.memory_space<semaphore_mem>>) src(%dma_wait3A_275 : memref<32x128xi32, #tpu.memory_space<hbm>>) dst(%arg6 : memref<32x128xi32, #tpu.memory_space<vmem>>)
        tpu.yield
      }) : () -> ()
      %dma_start3A = arith.constant 0 : i32
      %dma_start3A_30 = arith.constant 0 : i32
      %dma_start3A_31 = tpu.memref_slice %arg6[%dma_start3A, %dma_start3A_30] : memref<32x128xi32, #tpu.memory_space<vmem>> -> memref<1x128xi32, #tpu.memory_space<vmem>>
      %dma_start3A_32 = tpu.memref_squeeze %dma_start3A_31 : memref<1x128xi32, #tpu.memory_space<vmem>> -> memref<128xi32, #tpu.memory_space<vmem>>
      %dma_start3A_33 = arith.constant 0 : i32
      %dma_start3A_34 = arith.constant 0 : i32
      %dma_start3A_35 = tpu.memref_slice %arg2[%dma_start3A_33, %dma_start3A_34] : memref<10000x128xf32, #tpu.memory_space<hbm>> -> memref<10000x128xf32, #tpu.memory_space<hbm>>
      tpu.enqueue_indirect_dma source(%dma_start3A_35 : memref<10000x128xf32, #tpu.memory_space<hbm>>) target(%arg7 : memref<128x128xf32, #tpu.memory_space<vmem>>) offsets(%dma_start3A_32 : memref<128xi32, #tpu.memory_space<vmem>>) semaphore(%arg10 : memref<!tpu.dma_semaphore, #tpu.memory_space<semaphore_mem>>)
      %dma_start3A_36 = arith.constant 2 : i32
      %dma_start3A_37 = arith.constant 0 : i32
      %dma_start3A_38 = tpu.memref_slice %arg6[%dma_start3A_36, %dma_start3A_37] : memref<32x128xi32, #tpu.memory_space<vmem>> -> memref<1x128xi32, #tpu.memory_space<vmem>>
      %dma_start3A_39 = tpu.memref_squeeze %dma_start3A_38 : memref<1x128xi32, #tpu.memory_space<vmem>> -> memref<128xi32, #tpu.memory_space<vmem>>
      %dma_start3A_40 = arith.constant 0 : i32
      %dma_start3A_41 = arith.constant 0 : i32
      %dma_start3A_42 = tpu.memref_slice %arg2[%dma_start3A_40, %dma_start3A_41] : memref<10000x128xf32, #tpu.memory_space<hbm>> -> memref<10000x128xf32, #tpu.memory_space<hbm>>
      tpu.enqueue_indirect_dma source(%dma_start3A_42 : memref<10000x128xf32, #tpu.memory_space<hbm>>) target(%arg8 : memref<128x128xf32, #tpu.memory_space<vmem>>) offsets(%dma_start3A_39 : memref<128xi32, #tpu.memory_space<vmem>>) semaphore(%arg11 : memref<!tpu.dma_semaphore, #tpu.memory_space<semaphore_mem>>)
      %dma_wait3A = arith.constant 0 : i32
      %dma_wait3A_43 = arith.constant 0 : i32
      %dma_wait3A_44 = tpu.memref_slice %arg6[%dma_wait3A, %dma_wait3A_43] : memref<32x128xi32, #tpu.memory_space<vmem>> -> memref<1x128xi32, #tpu.memory_space<vmem>>
      %dma_wait3A_45 = tpu.memref_squeeze %dma_wait3A_44 : memref<1x128xi32, #tpu.memory_space<vmem>> -> memref<128xi32, #tpu.memory_space<vmem>>
      %dma_wait3A_46 = arith.constant 0 : i32
      %dma_wait3A_47 = arith.constant 0 : i32
      %dma_wait3A_48 = tpu.memref_slice %arg2[%dma_wait3A_46, %dma_wait3A_47] : memref<10000x128xf32, #tpu.memory_space<hbm>> -> memref<10000x128xf32, #tpu.memory_space<hbm>>
      tpu.wait_indirect_dma semaphore(%arg10 : memref<!tpu.dma_semaphore, #tpu.memory_space<semaphore_mem>>) src(%dma_wait3A_48 : memref<10000x128xf32, #tpu.memory_space<hbm>>) dst(%arg7 : memref<128x128xf32, #tpu.memory_space<vmem>>)
      %run_scoped3A = arith.constant 1 : i32
      "tpu.region"() ({
        %run_scoped3A_267 = tpu.sem_alloc : memref<!tpu.dma_semaphore, #tpu.memory_space<semaphore_mem>>
        %dma_start3A_268 = arith.constant 0 : i32
        %dma_start3A_269 = tpu.memref_slice %arg6[%run_scoped3A, %dma_start3A_268] : memref<32x128xi32, #tpu.memory_space<vmem>> -> memref<1x128xi32, #tpu.memory_space<vmem>>
        %dma_start3A_270 = tpu.memref_squeeze %dma_start3A_269 : memref<1x128xi32, #tpu.memory_space<vmem>> -> memref<128xi32, #tpu.memory_space<vmem>>
        %dma_start3A_271 = arith.constant 0 : i32
        %dma_start3A_272 = arith.constant 0 : i32
        %dma_start3A_273 = tpu.memref_slice %arg9[%dma_start3A_271, %dma_start3A_272] : memref<10240x128xf32, #tpu.memory_space<vmem_shared>> -> memref<10240x128xf32, #tpu.memory_space<vmem_shared>>
        tpu.enqueue_indirect_dma source(%arg7 : memref<128x128xf32, #tpu.memory_space<vmem>>) target(%dma_start3A_273 : memref<10240x128xf32, #tpu.memory_space<vmem_shared>>) offsets(%dma_start3A_270 : memref<128xi32, #tpu.memory_space<vmem>>) semaphore(%run_scoped3A_267 : memref<!tpu.dma_semaphore, #tpu.memory_space<semaphore_mem>>) {add = true}
        %dma_wait3A_274 = arith.constant 0 : i32
        %dma_wait3A_275 = tpu.memref_slice %arg6[%run_scoped3A, %dma_wait3A_274] : memref<32x128xi32, #tpu.memory_space<vmem>> -> memref<1x128xi32, #tpu.memory_space<vmem>>
        %dma_wait3A_276 = tpu.memref_squeeze %dma_wait3A_275 : memref<1x128xi32, #tpu.memory_space<vmem>> -> memref<128xi32, #tpu.memory_space<vmem>>
        %dma_wait3A_277 = arith.constant 0 : i32
        %dma_wait3A_278 = arith.constant 0 : i32
        %dma_wait3A_279 = tpu.memref_slice %arg9[%dma_wait3A_277, %dma_wait3A_278] : memref<10240x128xf32, #tpu.memory_space<vmem_shared>> -> memref<10240x128xf32, #tpu.memory_space<vmem_shared>>
        tpu.wait_indirect_dma semaphore(%run_scoped3A_267 : memref<!tpu.dma_semaphore, #tpu.memory_space<semaphore_mem>>) src(%arg7 : memref<128x128xf32, #tpu.memory_space<vmem>>) dst(%dma_wait3A_279 : memref<10240x128xf32, #tpu.memory_space<vmem_shared>>)
        tpu.yield
      }) : () -> ()
      %dma_start3A_49 = arith.constant 4 : i32
      %dma_start3A_50 = arith.constant 0 : i32
      %dma_start3A_51 = tpu.memref_slice %arg6[%dma_start3A_49, %dma_start3A_50] : memref<32x128xi32, #tpu.memory_space<vmem>> -> memref<1x128xi32, #tpu.memory_space<vmem>>
      %dma_start3A_52 = tpu.memref_squeeze %dma_start3A_51 : memref<1x128xi32, #tpu.memory_space<vmem>> -> memref<128xi32, #tpu.memory_space<vmem>>
      %dma_start3A_53 = arith.constant 0 : i32
      %dma_start3A_54 = arith.constant 0 : i32
      %dma_start3A_55 = tpu.memref_slice %arg2[%dma_start3A_53, %dma_start3A_54] : memref<10000x128xf32, #tpu.memory_space<hbm>> -> memref<10000x128xf32, #tpu.memory_space<hbm>>
      tpu.enqueue_indirect_dma source(%dma_start3A_55 : memref<10000x128xf32, #tpu.memory_space<hbm>>) target(%arg7 : memref<128x128xf32, #tpu.memory_space<vmem>>) offsets(%dma_start3A_52 : memref<128xi32, #tpu.memory_space<vmem>>) semaphore(%arg10 : memref<!tpu.dma_semaphore, #tpu.memory_space<semaphore_mem>>)
      %dma_wait3A_56 = arith.constant 2 : i32
      %dma_wait3A_57 = arith.constant 0 : i32
      %dma_wait3A_58 = tpu.memref_slice %arg6[%dma_wait3A_56, %dma_wait3A_57] : memref<32x128xi32, #tpu.memory_space<vmem>> -> memref<1x128xi32, #tpu.memory_space<vmem>>
      %dma_wait3A_59 = tpu.memref_squeeze %dma_wait3A_58 : memref<1x128xi32, #tpu.memory_space<vmem>> -> memref<128xi32, #tpu.memory_space<vmem>>
      %dma_wait3A_60 = arith.constant 0 : i32
      %dma_wait3A_61 = arith.constant 0 : i32
      %dma_wait3A_62 = tpu.memref_slice %arg2[%dma_wait3A_60, %dma_wait3A_61] : memref<10000x128xf32, #tpu.memory_space<hbm>> -> memref<10000x128xf32, #tpu.memory_space<hbm>>
      tpu.wait_indirect_dma semaphore(%arg11 : memref<!tpu.dma_semaphore, #tpu.memory_space<semaphore_mem>>) src(%dma_wait3A_62 : memref<10000x128xf32, #tpu.memory_space<hbm>>) dst(%arg8 : memref<128x128xf32, #tpu.memory_space<vmem>>)
      %run_scoped3A_63 = arith.constant 3 : i32
      "tpu.region"() ({
        %run_scoped3A_267 = tpu.sem_alloc : memref<!tpu.dma_semaphore, #tpu.memory_space<semaphore_mem>>
        %dma_start3A_268 = arith.constant 0 : i32
        %dma_start3A_269 = tpu.memref_slice %arg6[%run_scoped3A_63, %dma_start3A_268] : memref<32x128xi32, #tpu.memory_space<vmem>> -> memref<1x128xi32, #tpu.memory_space<vmem>>
        %dma_start3A_270 = tpu.memref_squeeze %dma_start3A_269 : memref<1x128xi32, #tpu.memory_space<vmem>> -> memref<128xi32, #tpu.memory_space<vmem>>
        %dma_start3A_271 = arith.constant 0 : i32
        %dma_start3A_272 = arith.constant 0 : i32
        %dma_start3A_273 = tpu.memref_slice %arg9[%dma_start3A_271, %dma_start3A_272] : memref<10240x128xf32, #tpu.memory_space<vmem_shared>> -> memref<10240x128xf32, #tpu.memory_space<vmem_shared>>
        tpu.enqueue_indirect_dma source(%arg8 : memref<128x128xf32, #tpu.memory_space<vmem>>) target(%dma_start3A_273 : memref<10240x128xf32, #tpu.memory_space<vmem_shared>>) offsets(%dma_start3A_270 : memref<128xi32, #tpu.memory_space<vmem>>) semaphore(%run_scoped3A_267 : memref<!tpu.dma_semaphore, #tpu.memory_space<semaphore_mem>>) {add = true}
        %dma_wait3A_274 = arith.constant 0 : i32
        %dma_wait3A_275 = tpu.memref_slice %arg6[%run_scoped3A_63, %dma_wait3A_274] : memref<32x128xi32, #tpu.memory_space<vmem>> -> memref<1x128xi32, #tpu.memory_space<vmem>>
        %dma_wait3A_276 = tpu.memref_squeeze %dma_wait3A_275 : memref<1x128xi32, #tpu.memory_space<vmem>> -> memref<128xi32, #tpu.memory_space<vmem>>
        %dma_wait3A_277 = arith.constant 0 : i32
        %dma_wait3A_278 = arith.constant 0 : i32
        %dma_wait3A_279 = tpu.memref_slice %arg9[%dma_wait3A_277, %dma_wait3A_278] : memref<10240x128xf32, #tpu.memory_space<vmem_shared>> -> memref<10240x128xf32, #tpu.memory_space<vmem_shared>>
        tpu.wait_indirect_dma semaphore(%run_scoped3A_267 : memref<!tpu.dma_semaphore, #tpu.memory_space<semaphore_mem>>) src(%arg8 : memref<128x128xf32, #tpu.memory_space<vmem>>) dst(%dma_wait3A_279 : memref<10240x128xf32, #tpu.memory_space<vmem_shared>>)
        tpu.yield
      }) : () -> ()
      %dma_start3A_64 = arith.constant 6 : i32
      %dma_start3A_65 = arith.constant 0 : i32
      %dma_start3A_66 = tpu.memref_slice %arg6[%dma_start3A_64, %dma_start3A_65] : memref<32x128xi32, #tpu.memory_space<vmem>> -> memref<1x128xi32, #tpu.memory_space<vmem>>
      %dma_start3A_67 = tpu.memref_squeeze %dma_start3A_66 : memref<1x128xi32, #tpu.memory_space<vmem>> -> memref<128xi32, #tpu.memory_space<vmem>>
      %dma_start3A_68 = arith.constant 0 : i32
      %dma_start3A_69 = arith.constant 0 : i32
      %dma_start3A_70 = tpu.memref_slice %arg2[%dma_start3A_68, %dma_start3A_69] : memref<10000x128xf32, #tpu.memory_space<hbm>> -> memref<10000x128xf32, #tpu.memory_space<hbm>>
      tpu.enqueue_indirect_dma source(%dma_start3A_70 : memref<10000x128xf32, #tpu.memory_space<hbm>>) target(%arg8 : memref<128x128xf32, #tpu.memory_space<vmem>>) offsets(%dma_start3A_67 : memref<128xi32, #tpu.memory_space<vmem>>) semaphore(%arg11 : memref<!tpu.dma_semaphore, #tpu.memory_space<semaphore_mem>>)
      %dma_wait3A_71 = arith.constant 4 : i32
      %dma_wait3A_72 = arith.constant 0 : i32
      %dma_wait3A_73 = tpu.memref_slice %arg6[%dma_wait3A_71, %dma_wait3A_72] : memref<32x128xi32, #tpu.memory_space<vmem>> -> memref<1x128xi32, #tpu.memory_space<vmem>>
      %dma_wait3A_74 = tpu.memref_squeeze %dma_wait3A_73 : memref<1x128xi32, #tpu.memory_space<vmem>> -> memref<128xi32, #tpu.memory_space<vmem>>
      %dma_wait3A_75 = arith.constant 0 : i32
      %dma_wait3A_76 = arith.constant 0 : i32
      %dma_wait3A_77 = tpu.memref_slice %arg2[%dma_wait3A_75, %dma_wait3A_76] : memref<10000x128xf32, #tpu.memory_space<hbm>> -> memref<10000x128xf32, #tpu.memory_space<hbm>>
      tpu.wait_indirect_dma semaphore(%arg10 : memref<!tpu.dma_semaphore, #tpu.memory_space<semaphore_mem>>) src(%dma_wait3A_77 : memref<10000x128xf32, #tpu.memory_space<hbm>>) dst(%arg7 : memref<128x128xf32, #tpu.memory_space<vmem>>)
      %run_scoped3A_78 = arith.constant 5 : i32
      "tpu.region"() ({
        %run_scoped3A_267 = tpu.sem_alloc : memref<!tpu.dma_semaphore, #tpu.memory_space<semaphore_mem>>
        %dma_start3A_268 = arith.constant 0 : i32
        %dma_start3A_269 = tpu.memref_slice %arg6[%run_scoped3A_78, %dma_start3A_268] : memref<32x128xi32, #tpu.memory_space<vmem>> -> memref<1x128xi32, #tpu.memory_space<vmem>>
        %dma_start3A_270 = tpu.memref_squeeze %dma_start3A_269 : memref<1x128xi32, #tpu.memory_space<vmem>> -> memref<128xi32, #tpu.memory_space<vmem>>
        %dma_start3A_271 = arith.constant 0 : i32
        %dma_start3A_272 = arith.constant 0 : i32
        %dma_start3A_273 = tpu.memref_slice %arg9[%dma_start3A_271, %dma_start3A_272] : memref<10240x128xf32, #tpu.memory_space<vmem_shared>> -> memref<10240x128xf32, #tpu.memory_space<vmem_shared>>
        tpu.enqueue_indirect_dma source(%arg7 : memref<128x128xf32, #tpu.memory_space<vmem>>) target(%dma_start3A_273 : memref<10240x128xf32, #tpu.memory_space<vmem_shared>>) offsets(%dma_start3A_270 : memref<128xi32, #tpu.memory_space<vmem>>) semaphore(%run_scoped3A_267 : memref<!tpu.dma_semaphore, #tpu.memory_space<semaphore_mem>>) {add = true}
        %dma_wait3A_274 = arith.constant 0 : i32
        %dma_wait3A_275 = tpu.memref_slice %arg6[%run_scoped3A_78, %dma_wait3A_274] : memref<32x128xi32, #tpu.memory_space<vmem>> -> memref<1x128xi32, #tpu.memory_space<vmem>>
        %dma_wait3A_276 = tpu.memref_squeeze %dma_wait3A_275 : memref<1x128xi32, #tpu.memory_space<vmem>> -> memref<128xi32, #tpu.memory_space<vmem>>
        %dma_wait3A_277 = arith.constant 0 : i32
        %dma_wait3A_278 = arith.constant 0 : i32
        %dma_wait3A_279 = tpu.memref_slice %arg9[%dma_wait3A_277, %dma_wait3A_278] : memref<10240x128xf32, #tpu.memory_space<vmem_shared>> -> memref<10240x128xf32, #tpu.memory_space<vmem_shared>>
        tpu.wait_indirect_dma semaphore(%run_scoped3A_267 : memref<!tpu.dma_semaphore, #tpu.memory_space<semaphore_mem>>) src(%arg7 : memref<128x128xf32, #tpu.memory_space<vmem>>) dst(%dma_wait3A_279 : memref<10240x128xf32, #tpu.memory_space<vmem_shared>>)
        tpu.yield
      }) : () -> ()
      %dma_start3A_79 = arith.constant 8 : i32
      %dma_start3A_80 = arith.constant 0 : i32
      %dma_start3A_81 = tpu.memref_slice %arg6[%dma_start3A_79, %dma_start3A_80] : memref<32x128xi32, #tpu.memory_space<vmem>> -> memref<1x128xi32, #tpu.memory_space<vmem>>
      %dma_start3A_82 = tpu.memref_squeeze %dma_start3A_81 : memref<1x128xi32, #tpu.memory_space<vmem>> -> memref<128xi32, #tpu.memory_space<vmem>>
      %dma_start3A_83 = arith.constant 0 : i32
      %dma_start3A_84 = arith.constant 0 : i32
      %dma_start3A_85 = tpu.memref_slice %arg2[%dma_start3A_83, %dma_start3A_84] : memref<10000x128xf32, #tpu.memory_space<hbm>> -> memref<10000x128xf32, #tpu.memory_space<hbm>>
      tpu.enqueue_indirect_dma source(%dma_start3A_85 : memref<10000x128xf32, #tpu.memory_space<hbm>>) target(%arg7 : memref<128x128xf32, #tpu.memory_space<vmem>>) offsets(%dma_start3A_82 : memref<128xi32, #tpu.memory_space<vmem>>) semaphore(%arg10 : memref<!tpu.dma_semaphore, #tpu.memory_space<semaphore_mem>>)
      %dma_wait3A_86 = arith.constant 6 : i32
      %dma_wait3A_87 = arith.constant 0 : i32
      %dma_wait3A_88 = tpu.memref_slice %arg6[%dma_wait3A_86, %dma_wait3A_87] : memref<32x128xi32, #tpu.memory_space<vmem>> -> memref<1x128xi32, #tpu.memory_space<vmem>>
      %dma_wait3A_89 = tpu.memref_squeeze %dma_wait3A_88 : memref<1x128xi32, #tpu.memory_space<vmem>> -> memref<128xi32, #tpu.memory_space<vmem>>
      %dma_wait3A_90 = arith.constant 0 : i32
      %dma_wait3A_91 = arith.constant 0 : i32
      %dma_wait3A_92 = tpu.memref_slice %arg2[%dma_wait3A_90, %dma_wait3A_91] : memref<10000x128xf32, #tpu.memory_space<hbm>> -> memref<10000x128xf32, #tpu.memory_space<hbm>>
      tpu.wait_indirect_dma semaphore(%arg11 : memref<!tpu.dma_semaphore, #tpu.memory_space<semaphore_mem>>) src(%dma_wait3A_92 : memref<10000x128xf32, #tpu.memory_space<hbm>>) dst(%arg8 : memref<128x128xf32, #tpu.memory_space<vmem>>)
      %run_scoped3A_93 = arith.constant 7 : i32
      "tpu.region"() ({
        %run_scoped3A_267 = tpu.sem_alloc : memref<!tpu.dma_semaphore, #tpu.memory_space<semaphore_mem>>
        %dma_start3A_268 = arith.constant 0 : i32
        %dma_start3A_269 = tpu.memref_slice %arg6[%run_scoped3A_93, %dma_start3A_268] : memref<32x128xi32, #tpu.memory_space<vmem>> -> memref<1x128xi32, #tpu.memory_space<vmem>>
        %dma_start3A_270 = tpu.memref_squeeze %dma_start3A_269 : memref<1x128xi32, #tpu.memory_space<vmem>> -> memref<128xi32, #tpu.memory_space<vmem>>
        %dma_start3A_271 = arith.constant 0 : i32
        %dma_start3A_272 = arith.constant 0 : i32
        %dma_start3A_273 = tpu.memref_slice %arg9[%dma_start3A_271, %dma_start3A_272] : memref<10240x128xf32, #tpu.memory_space<vmem_shared>> -> memref<10240x128xf32, #tpu.memory_space<vmem_shared>>
        tpu.enqueue_indirect_dma source(%arg8 : memref<128x128xf32, #tpu.memory_space<vmem>>) target(%dma_start3A_273 : memref<10240x128xf32, #tpu.memory_space<vmem_shared>>) offsets(%dma_start3A_270 : memref<128xi32, #tpu.memory_space<vmem>>) semaphore(%run_scoped3A_267 : memref<!tpu.dma_semaphore, #tpu.memory_space<semaphore_mem>>) {add = true}
        %dma_wait3A_274 = arith.constant 0 : i32
        %dma_wait3A_275 = tpu.memref_slice %arg6[%run_scoped3A_93, %dma_wait3A_274] : memref<32x128xi32, #tpu.memory_space<vmem>> -> memref<1x128xi32, #tpu.memory_space<vmem>>
        %dma_wait3A_276 = tpu.memref_squeeze %dma_wait3A_275 : memref<1x128xi32, #tpu.memory_space<vmem>> -> memref<128xi32, #tpu.memory_space<vmem>>
        %dma_wait3A_277 = arith.constant 0 : i32
        %dma_wait3A_278 = arith.constant 0 : i32
        %dma_wait3A_279 = tpu.memref_slice %arg9[%dma_wait3A_277, %dma_wait3A_278] : memref<10240x128xf32, #tpu.memory_space<vmem_shared>> -> memref<10240x128xf32, #tpu.memory_space<vmem_shared>>
        tpu.wait_indirect_dma semaphore(%run_scoped3A_267 : memref<!tpu.dma_semaphore, #tpu.memory_space<semaphore_mem>>) src(%arg8 : memref<128x128xf32, #tpu.memory_space<vmem>>) dst(%dma_wait3A_279 : memref<10240x128xf32, #tpu.memory_space<vmem_shared>>)
        tpu.yield
      }) : () -> ()
      %dma_start3A_94 = arith.constant 10 : i32
      %dma_start3A_95 = arith.constant 0 : i32
      %dma_start3A_96 = tpu.memref_slice %arg6[%dma_start3A_94, %dma_start3A_95] : memref<32x128xi32, #tpu.memory_space<vmem>> -> memref<1x128xi32, #tpu.memory_space<vmem>>
      %dma_start3A_97 = tpu.memref_squeeze %dma_start3A_96 : memref<1x128xi32, #tpu.memory_space<vmem>> -> memref<128xi32, #tpu.memory_space<vmem>>
      %dma_start3A_98 = arith.constant 0 : i32
      %dma_start3A_99 = arith.constant 0 : i32
      %dma_start3A_100 = tpu.memref_slice %arg2[%dma_start3A_98, %dma_start3A_99] : memref<10000x128xf32, #tpu.memory_space<hbm>> -> memref<10000x128xf32, #tpu.memory_space<hbm>>
      tpu.enqueue_indirect_dma source(%dma_start3A_100 : memref<10000x128xf32, #tpu.memory_space<hbm>>) target(%arg8 : memref<128x128xf32, #tpu.memory_space<vmem>>) offsets(%dma_start3A_97 : memref<128xi32, #tpu.memory_space<vmem>>) semaphore(%arg11 : memref<!tpu.dma_semaphore, #tpu.memory_space<semaphore_mem>>)
      %dma_wait3A_101 = arith.constant 8 : i32
      %dma_wait3A_102 = arith.constant 0 : i32
      %dma_wait3A_103 = tpu.memref_slice %arg6[%dma_wait3A_101, %dma_wait3A_102] : memref<32x128xi32, #tpu.memory_space<vmem>> -> memref<1x128xi32, #tpu.memory_space<vmem>>
      %dma_wait3A_104 = tpu.memref_squeeze %dma_wait3A_103 : memref<1x128xi32, #tpu.memory_space<vmem>> -> memref<128xi32, #tpu.memory_space<vmem>>
      %dma_wait3A_105 = arith.constant 0 : i32
      %dma_wait3A_106 = arith.constant 0 : i32
      %dma_wait3A_107 = tpu.memref_slice %arg2[%dma_wait3A_105, %dma_wait3A_106] : memref<10000x128xf32, #tpu.memory_space<hbm>> -> memref<10000x128xf32, #tpu.memory_space<hbm>>
      tpu.wait_indirect_dma semaphore(%arg10 : memref<!tpu.dma_semaphore, #tpu.memory_space<semaphore_mem>>) src(%dma_wait3A_107 : memref<10000x128xf32, #tpu.memory_space<hbm>>) dst(%arg7 : memref<128x128xf32, #tpu.memory_space<vmem>>)
      %run_scoped3A_108 = arith.constant 9 : i32
      "tpu.region"() ({
        %run_scoped3A_267 = tpu.sem_alloc : memref<!tpu.dma_semaphore, #tpu.memory_space<semaphore_mem>>
        %dma_start3A_268 = arith.constant 0 : i32
        %dma_start3A_269 = tpu.memref_slice %arg6[%run_scoped3A_108, %dma_start3A_268] : memref<32x128xi32, #tpu.memory_space<vmem>> -> memref<1x128xi32, #tpu.memory_space<vmem>>
        %dma_start3A_270 = tpu.memref_squeeze %dma_start3A_269 : memref<1x128xi32, #tpu.memory_space<vmem>> -> memref<128xi32, #tpu.memory_space<vmem>>
        %dma_start3A_271 = arith.constant 0 : i32
        %dma_start3A_272 = arith.constant 0 : i32
        %dma_start3A_273 = tpu.memref_slice %arg9[%dma_start3A_271, %dma_start3A_272] : memref<10240x128xf32, #tpu.memory_space<vmem_shared>> -> memref<10240x128xf32, #tpu.memory_space<vmem_shared>>
        tpu.enqueue_indirect_dma source(%arg7 : memref<128x128xf32, #tpu.memory_space<vmem>>) target(%dma_start3A_273 : memref<10240x128xf32, #tpu.memory_space<vmem_shared>>) offsets(%dma_start3A_270 : memref<128xi32, #tpu.memory_space<vmem>>) semaphore(%run_scoped3A_267 : memref<!tpu.dma_semaphore, #tpu.memory_space<semaphore_mem>>) {add = true}
        %dma_wait3A_274 = arith.constant 0 : i32
        %dma_wait3A_275 = tpu.memref_slice %arg6[%run_scoped3A_108, %dma_wait3A_274] : memref<32x128xi32, #tpu.memory_space<vmem>> -> memref<1x128xi32, #tpu.memory_space<vmem>>
        %dma_wait3A_276 = tpu.memref_squeeze %dma_wait3A_275 : memref<1x128xi32, #tpu.memory_space<vmem>> -> memref<128xi32, #tpu.memory_space<vmem>>
        %dma_wait3A_277 = arith.constant 0 : i32
        %dma_wait3A_278 = arith.constant 0 : i32
        %dma_wait3A_279 = tpu.memref_slice %arg9[%dma_wait3A_277, %dma_wait3A_278] : memref<10240x128xf32, #tpu.memory_space<vmem_shared>> -> memref<10240x128xf32, #tpu.memory_space<vmem_shared>>
        tpu.wait_indirect_dma semaphore(%run_scoped3A_267 : memref<!tpu.dma_semaphore, #tpu.memory_space<semaphore_mem>>) src(%arg7 : memref<128x128xf32, #tpu.memory_space<vmem>>) dst(%dma_wait3A_279 : memref<10240x128xf32, #tpu.memory_space<vmem_shared>>)
        tpu.yield
      }) : () -> ()
      %dma_start3A_109 = arith.constant 12 : i32
      %dma_start3A_110 = arith.constant 0 : i32
      %dma_start3A_111 = tpu.memref_slice %arg6[%dma_start3A_109, %dma_start3A_110] : memref<32x128xi32, #tpu.memory_space<vmem>> -> memref<1x128xi32, #tpu.memory_space<vmem>>
      %dma_start3A_112 = tpu.memref_squeeze %dma_start3A_111 : memref<1x128xi32, #tpu.memory_space<vmem>> -> memref<128xi32, #tpu.memory_space<vmem>>
      %dma_start3A_113 = arith.constant 0 : i32
      %dma_start3A_114 = arith.constant 0 : i32
      %dma_start3A_115 = tpu.memref_slice %arg2[%dma_start3A_113, %dma_start3A_114] : memref<10000x128xf32, #tpu.memory_space<hbm>> -> memref<10000x128xf32, #tpu.memory_space<hbm>>
      tpu.enqueue_indirect_dma source(%dma_start3A_115 : memref<10000x128xf32, #tpu.memory_space<hbm>>) target(%arg7 : memref<128x128xf32, #tpu.memory_space<vmem>>) offsets(%dma_start3A_112 : memref<128xi32, #tpu.memory_space<vmem>>) semaphore(%arg10 : memref<!tpu.dma_semaphore, #tpu.memory_space<semaphore_mem>>)
      %dma_wait3A_116 = arith.constant 10 : i32
      %dma_wait3A_117 = arith.constant 0 : i32
      %dma_wait3A_118 = tpu.memref_slice %arg6[%dma_wait3A_116, %dma_wait3A_117] : memref<32x128xi32, #tpu.memory_space<vmem>> -> memref<1x128xi32, #tpu.memory_space<vmem>>
      %dma_wait3A_119 = tpu.memref_squeeze %dma_wait3A_118 : memref<1x128xi32, #tpu.memory_space<vmem>> -> memref<128xi32, #tpu.memory_space<vmem>>
      %dma_wait3A_120 = arith.constant 0 : i32
      %dma_wait3A_121 = arith.constant 0 : i32
      %dma_wait3A_122 = tpu.memref_slice %arg2[%dma_wait3A_120, %dma_wait3A_121] : memref<10000x128xf32, #tpu.memory_space<hbm>> -> memref<10000x128xf32, #tpu.memory_space<hbm>>
      tpu.wait_indirect_dma semaphore(%arg11 : memref<!tpu.dma_semaphore, #tpu.memory_space<semaphore_mem>>) src(%dma_wait3A_122 : memref<10000x128xf32, #tpu.memory_space<hbm>>) dst(%arg8 : memref<128x128xf32, #tpu.memory_space<vmem>>)
      %run_scoped3A_123 = arith.constant 11 : i32
      "tpu.region"() ({
        %run_scoped3A_267 = tpu.sem_alloc : memref<!tpu.dma_semaphore, #tpu.memory_space<semaphore_mem>>
        %dma_start3A_268 = arith.constant 0 : i32
        %dma_start3A_269 = tpu.memref_slice %arg6[%run_scoped3A_123, %dma_start3A_268] : memref<32x128xi32, #tpu.memory_space<vmem>> -> memref<1x128xi32, #tpu.memory_space<vmem>>
        %dma_start3A_270 = tpu.memref_squeeze %dma_start3A_269 : memref<1x128xi32, #tpu.memory_space<vmem>> -> memref<128xi32, #tpu.memory_space<vmem>>
        %dma_start3A_271 = arith.constant 0 : i32
        %dma_start3A_272 = arith.constant 0 : i32
        %dma_start3A_273 = tpu.memref_slice %arg9[%dma_start3A_271, %dma_start3A_272] : memref<10240x128xf32, #tpu.memory_space<vmem_shared>> -> memref<10240x128xf32, #tpu.memory_space<vmem_shared>>
        tpu.enqueue_indirect_dma source(%arg8 : memref<128x128xf32, #tpu.memory_space<vmem>>) target(%dma_start3A_273 : memref<10240x128xf32, #tpu.memory_space<vmem_shared>>) offsets(%dma_start3A_270 : memref<128xi32, #tpu.memory_space<vmem>>) semaphore(%run_scoped3A_267 : memref<!tpu.dma_semaphore, #tpu.memory_space<semaphore_mem>>) {add = true}
        %dma_wait3A_274 = arith.constant 0 : i32
        %dma_wait3A_275 = tpu.memref_slice %arg6[%run_scoped3A_123, %dma_wait3A_274] : memref<32x128xi32, #tpu.memory_space<vmem>> -> memref<1x128xi32, #tpu.memory_space<vmem>>
        %dma_wait3A_276 = tpu.memref_squeeze %dma_wait3A_275 : memref<1x128xi32, #tpu.memory_space<vmem>> -> memref<128xi32, #tpu.memory_space<vmem>>
        %dma_wait3A_277 = arith.constant 0 : i32
        %dma_wait3A_278 = arith.constant 0 : i32
        %dma_wait3A_279 = tpu.memref_slice %arg9[%dma_wait3A_277, %dma_wait3A_278] : memref<10240x128xf32, #tpu.memory_space<vmem_shared>> -> memref<10240x128xf32, #tpu.memory_space<vmem_shared>>
        tpu.wait_indirect_dma semaphore(%run_scoped3A_267 : memref<!tpu.dma_semaphore, #tpu.memory_space<semaphore_mem>>) src(%arg8 : memref<128x128xf32, #tpu.memory_space<vmem>>) dst(%dma_wait3A_279 : memref<10240x128xf32, #tpu.memory_space<vmem_shared>>)
        tpu.yield
      }) : () -> ()
      %dma_start3A_124 = arith.constant 14 : i32
      %dma_start3A_125 = arith.constant 0 : i32
      %dma_start3A_126 = tpu.memref_slice %arg6[%dma_start3A_124, %dma_start3A_125] : memref<32x128xi32, #tpu.memory_space<vmem>> -> memref<1x128xi32, #tpu.memory_space<vmem>>
      %dma_start3A_127 = tpu.memref_squeeze %dma_start3A_126 : memref<1x128xi32, #tpu.memory_space<vmem>> -> memref<128xi32, #tpu.memory_space<vmem>>
      %dma_start3A_128 = arith.constant 0 : i32
      %dma_start3A_129 = arith.constant 0 : i32
      %dma_start3A_130 = tpu.memref_slice %arg2[%dma_start3A_128, %dma_start3A_129] : memref<10000x128xf32, #tpu.memory_space<hbm>> -> memref<10000x128xf32, #tpu.memory_space<hbm>>
      tpu.enqueue_indirect_dma source(%dma_start3A_130 : memref<10000x128xf32, #tpu.memory_space<hbm>>) target(%arg8 : memref<128x128xf32, #tpu.memory_space<vmem>>) offsets(%dma_start3A_127 : memref<128xi32, #tpu.memory_space<vmem>>) semaphore(%arg11 : memref<!tpu.dma_semaphore, #tpu.memory_space<semaphore_mem>>)
      %dma_wait3A_131 = arith.constant 12 : i32
      %dma_wait3A_132 = arith.constant 0 : i32
      %dma_wait3A_133 = tpu.memref_slice %arg6[%dma_wait3A_131, %dma_wait3A_132] : memref<32x128xi32, #tpu.memory_space<vmem>> -> memref<1x128xi32, #tpu.memory_space<vmem>>
      %dma_wait3A_134 = tpu.memref_squeeze %dma_wait3A_133 : memref<1x128xi32, #tpu.memory_space<vmem>> -> memref<128xi32, #tpu.memory_space<vmem>>
      %dma_wait3A_135 = arith.constant 0 : i32
      %dma_wait3A_136 = arith.constant 0 : i32
      %dma_wait3A_137 = tpu.memref_slice %arg2[%dma_wait3A_135, %dma_wait3A_136] : memref<10000x128xf32, #tpu.memory_space<hbm>> -> memref<10000x128xf32, #tpu.memory_space<hbm>>
      tpu.wait_indirect_dma semaphore(%arg10 : memref<!tpu.dma_semaphore, #tpu.memory_space<semaphore_mem>>) src(%dma_wait3A_137 : memref<10000x128xf32, #tpu.memory_space<hbm>>) dst(%arg7 : memref<128x128xf32, #tpu.memory_space<vmem>>)
      %run_scoped3A_138 = arith.constant 13 : i32
      "tpu.region"() ({
        %run_scoped3A_267 = tpu.sem_alloc : memref<!tpu.dma_semaphore, #tpu.memory_space<semaphore_mem>>
        %dma_start3A_268 = arith.constant 0 : i32
        %dma_start3A_269 = tpu.memref_slice %arg6[%run_scoped3A_138, %dma_start3A_268] : memref<32x128xi32, #tpu.memory_space<vmem>> -> memref<1x128xi32, #tpu.memory_space<vmem>>
        %dma_start3A_270 = tpu.memref_squeeze %dma_start3A_269 : memref<1x128xi32, #tpu.memory_space<vmem>> -> memref<128xi32, #tpu.memory_space<vmem>>
        %dma_start3A_271 = arith.constant 0 : i32
        %dma_start3A_272 = arith.constant 0 : i32
        %dma_start3A_273 = tpu.memref_slice %arg9[%dma_start3A_271, %dma_start3A_272] : memref<10240x128xf32, #tpu.memory_space<vmem_shared>> -> memref<10240x128xf32, #tpu.memory_space<vmem_shared>>
        tpu.enqueue_indirect_dma source(%arg7 : memref<128x128xf32, #tpu.memory_space<vmem>>) target(%dma_start3A_273 : memref<10240x128xf32, #tpu.memory_space<vmem_shared>>) offsets(%dma_start3A_270 : memref<128xi32, #tpu.memory_space<vmem>>) semaphore(%run_scoped3A_267 : memref<!tpu.dma_semaphore, #tpu.memory_space<semaphore_mem>>) {add = true}
        %dma_wait3A_274 = arith.constant 0 : i32
        %dma_wait3A_275 = tpu.memref_slice %arg6[%run_scoped3A_138, %dma_wait3A_274] : memref<32x128xi32, #tpu.memory_space<vmem>> -> memref<1x128xi32, #tpu.memory_space<vmem>>
        %dma_wait3A_276 = tpu.memref_squeeze %dma_wait3A_275 : memref<1x128xi32, #tpu.memory_space<vmem>> -> memref<128xi32, #tpu.memory_space<vmem>>
        %dma_wait3A_277 = arith.constant 0 : i32
        %dma_wait3A_278 = arith.constant 0 : i32
        %dma_wait3A_279 = tpu.memref_slice %arg9[%dma_wait3A_277, %dma_wait3A_278] : memref<10240x128xf32, #tpu.memory_space<vmem_shared>> -> memref<10240x128xf32, #tpu.memory_space<vmem_shared>>
        tpu.wait_indirect_dma semaphore(%run_scoped3A_267 : memref<!tpu.dma_semaphore, #tpu.memory_space<semaphore_mem>>) src(%arg7 : memref<128x128xf32, #tpu.memory_space<vmem>>) dst(%dma_wait3A_279 : memref<10240x128xf32, #tpu.memory_space<vmem_shared>>)
        tpu.yield
      }) : () -> ()
      %dma_start3A_139 = arith.constant 16 : i32
      %dma_start3A_140 = arith.constant 0 : i32
      %dma_start3A_141 = tpu.memref_slice %arg6[%dma_start3A_139, %dma_start3A_140] : memref<32x128xi32, #tpu.memory_space<vmem>> -> memref<1x128xi32, #tpu.memory_space<vmem>>
      %dma_start3A_142 = tpu.memref_squeeze %dma_start3A_141 : memref<1x128xi32, #tpu.memory_space<vmem>> -> memref<128xi32, #tpu.memory_space<vmem>>
      %dma_start3A_143 = arith.constant 0 : i32
      %dma_start3A_144 = arith.constant 0 : i32
      %dma_start3A_145 = tpu.memref_slice %arg2[%dma_start3A_143, %dma_start3A_144] : memref<10000x128xf32, #tpu.memory_space<hbm>> -> memref<10000x128xf32, #tpu.memory_space<hbm>>
      tpu.enqueue_indirect_dma source(%dma_start3A_145 : memref<10000x128xf32, #tpu.memory_space<hbm>>) target(%arg7 : memref<128x128xf32, #tpu.memory_space<vmem>>) offsets(%dma_start3A_142 : memref<128xi32, #tpu.memory_space<vmem>>) semaphore(%arg10 : memref<!tpu.dma_semaphore, #tpu.memory_space<semaphore_mem>>)
      %dma_wait3A_146 = arith.constant 14 : i32
      %dma_wait3A_147 = arith.constant 0 : i32
      %dma_wait3A_148 = tpu.memref_slice %arg6[%dma_wait3A_146, %dma_wait3A_147] : memref<32x128xi32, #tpu.memory_space<vmem>> -> memref<1x128xi32, #tpu.memory_space<vmem>>
      %dma_wait3A_149 = tpu.memref_squeeze %dma_wait3A_148 : memref<1x128xi32, #tpu.memory_space<vmem>> -> memref<128xi32, #tpu.memory_space<vmem>>
      %dma_wait3A_150 = arith.constant 0 : i32
      %dma_wait3A_151 = arith.constant 0 : i32
      %dma_wait3A_152 = tpu.memref_slice %arg2[%dma_wait3A_150, %dma_wait3A_151] : memref<10000x128xf32, #tpu.memory_space<hbm>> -> memref<10000x128xf32, #tpu.memory_space<hbm>>
      tpu.wait_indirect_dma semaphore(%arg11 : memref<!tpu.dma_semaphore, #tpu.memory_space<semaphore_mem>>) src(%dma_wait3A_152 : memref<10000x128xf32, #tpu.memory_space<hbm>>) dst(%arg8 : memref<128x128xf32, #tpu.memory_space<vmem>>)
      %run_scoped3A_153 = arith.constant 15 : i32
      "tpu.region"() ({
        %run_scoped3A_267 = tpu.sem_alloc : memref<!tpu.dma_semaphore, #tpu.memory_space<semaphore_mem>>
        %dma_start3A_268 = arith.constant 0 : i32
        %dma_start3A_269 = tpu.memref_slice %arg6[%run_scoped3A_153, %dma_start3A_268] : memref<32x128xi32, #tpu.memory_space<vmem>> -> memref<1x128xi32, #tpu.memory_space<vmem>>
        %dma_start3A_270 = tpu.memref_squeeze %dma_start3A_269 : memref<1x128xi32, #tpu.memory_space<vmem>> -> memref<128xi32, #tpu.memory_space<vmem>>
        %dma_start3A_271 = arith.constant 0 : i32
        %dma_start3A_272 = arith.constant 0 : i32
        %dma_start3A_273 = tpu.memref_slice %arg9[%dma_start3A_271, %dma_start3A_272] : memref<10240x128xf32, #tpu.memory_space<vmem_shared>> -> memref<10240x128xf32, #tpu.memory_space<vmem_shared>>
        tpu.enqueue_indirect_dma source(%arg8 : memref<128x128xf32, #tpu.memory_space<vmem>>) target(%dma_start3A_273 : memref<10240x128xf32, #tpu.memory_space<vmem_shared>>) offsets(%dma_start3A_270 : memref<128xi32, #tpu.memory_space<vmem>>) semaphore(%run_scoped3A_267 : memref<!tpu.dma_semaphore, #tpu.memory_space<semaphore_mem>>) {add = true}
        %dma_wait3A_274 = arith.constant 0 : i32
        %dma_wait3A_275 = tpu.memref_slice %arg6[%run_scoped3A_153, %dma_wait3A_274] : memref<32x128xi32, #tpu.memory_space<vmem>> -> memref<1x128xi32, #tpu.memory_space<vmem>>
        %dma_wait3A_276 = tpu.memref_squeeze %dma_wait3A_275 : memref<1x128xi32, #tpu.memory_space<vmem>> -> memref<128xi32, #tpu.memory_space<vmem>>
        %dma_wait3A_277 = arith.constant 0 : i32
        %dma_wait3A_278 = arith.constant 0 : i32
        %dma_wait3A_279 = tpu.memref_slice %arg9[%dma_wait3A_277, %dma_wait3A_278] : memref<10240x128xf32, #tpu.memory_space<vmem_shared>> -> memref<10240x128xf32, #tpu.memory_space<vmem_shared>>
        tpu.wait_indirect_dma semaphore(%run_scoped3A_267 : memref<!tpu.dma_semaphore, #tpu.memory_space<semaphore_mem>>) src(%arg8 : memref<128x128xf32, #tpu.memory_space<vmem>>) dst(%dma_wait3A_279 : memref<10240x128xf32, #tpu.memory_space<vmem_shared>>)
        tpu.yield
      }) : () -> ()
      %dma_start3A_154 = arith.constant 18 : i32
      %dma_start3A_155 = arith.constant 0 : i32
      %dma_start3A_156 = tpu.memref_slice %arg6[%dma_start3A_154, %dma_start3A_155] : memref<32x128xi32, #tpu.memory_space<vmem>> -> memref<1x128xi32, #tpu.memory_space<vmem>>
      %dma_start3A_157 = tpu.memref_squeeze %dma_start3A_156 : memref<1x128xi32, #tpu.memory_space<vmem>> -> memref<128xi32, #tpu.memory_space<vmem>>
      %dma_start3A_158 = arith.constant 0 : i32
      %dma_start3A_159 = arith.constant 0 : i32
      %dma_start3A_160 = tpu.memref_slice %arg2[%dma_start3A_158, %dma_start3A_159] : memref<10000x128xf32, #tpu.memory_space<hbm>> -> memref<10000x128xf32, #tpu.memory_space<hbm>>
      tpu.enqueue_indirect_dma source(%dma_start3A_160 : memref<10000x128xf32, #tpu.memory_space<hbm>>) target(%arg8 : memref<128x128xf32, #tpu.memory_space<vmem>>) offsets(%dma_start3A_157 : memref<128xi32, #tpu.memory_space<vmem>>) semaphore(%arg11 : memref<!tpu.dma_semaphore, #tpu.memory_space<semaphore_mem>>)
      %dma_wait3A_161 = arith.constant 16 : i32
      %dma_wait3A_162 = arith.constant 0 : i32
      %dma_wait3A_163 = tpu.memref_slice %arg6[%dma_wait3A_161, %dma_wait3A_162] : memref<32x128xi32, #tpu.memory_space<vmem>> -> memref<1x128xi32, #tpu.memory_space<vmem>>
      %dma_wait3A_164 = tpu.memref_squeeze %dma_wait3A_163 : memref<1x128xi32, #tpu.memory_space<vmem>> -> memref<128xi32, #tpu.memory_space<vmem>>
      %dma_wait3A_165 = arith.constant 0 : i32
      %dma_wait3A_166 = arith.constant 0 : i32
      %dma_wait3A_167 = tpu.memref_slice %arg2[%dma_wait3A_165, %dma_wait3A_166] : memref<10000x128xf32, #tpu.memory_space<hbm>> -> memref<10000x128xf32, #tpu.memory_space<hbm>>
      tpu.wait_indirect_dma semaphore(%arg10 : memref<!tpu.dma_semaphore, #tpu.memory_space<semaphore_mem>>) src(%dma_wait3A_167 : memref<10000x128xf32, #tpu.memory_space<hbm>>) dst(%arg7 : memref<128x128xf32, #tpu.memory_space<vmem>>)
      %run_scoped3A_168 = arith.constant 17 : i32
      "tpu.region"() ({
        %run_scoped3A_267 = tpu.sem_alloc : memref<!tpu.dma_semaphore, #tpu.memory_space<semaphore_mem>>
        %dma_start3A_268 = arith.constant 0 : i32
        %dma_start3A_269 = tpu.memref_slice %arg6[%run_scoped3A_168, %dma_start3A_268] : memref<32x128xi32, #tpu.memory_space<vmem>> -> memref<1x128xi32, #tpu.memory_space<vmem>>
        %dma_start3A_270 = tpu.memref_squeeze %dma_start3A_269 : memref<1x128xi32, #tpu.memory_space<vmem>> -> memref<128xi32, #tpu.memory_space<vmem>>
        %dma_start3A_271 = arith.constant 0 : i32
        %dma_start3A_272 = arith.constant 0 : i32
        %dma_start3A_273 = tpu.memref_slice %arg9[%dma_start3A_271, %dma_start3A_272] : memref<10240x128xf32, #tpu.memory_space<vmem_shared>> -> memref<10240x128xf32, #tpu.memory_space<vmem_shared>>
        tpu.enqueue_indirect_dma source(%arg7 : memref<128x128xf32, #tpu.memory_space<vmem>>) target(%dma_start3A_273 : memref<10240x128xf32, #tpu.memory_space<vmem_shared>>) offsets(%dma_start3A_270 : memref<128xi32, #tpu.memory_space<vmem>>) semaphore(%run_scoped3A_267 : memref<!tpu.dma_semaphore, #tpu.memory_space<semaphore_mem>>) {add = true}
        %dma_wait3A_274 = arith.constant 0 : i32
        %dma_wait3A_275 = tpu.memref_slice %arg6[%run_scoped3A_168, %dma_wait3A_274] : memref<32x128xi32, #tpu.memory_space<vmem>> -> memref<1x128xi32, #tpu.memory_space<vmem>>
        %dma_wait3A_276 = tpu.memref_squeeze %dma_wait3A_275 : memref<1x128xi32, #tpu.memory_space<vmem>> -> memref<128xi32, #tpu.memory_space<vmem>>
        %dma_wait3A_277 = arith.constant 0 : i32
        %dma_wait3A_278 = arith.constant 0 : i32
        %dma_wait3A_279 = tpu.memref_slice %arg9[%dma_wait3A_277, %dma_wait3A_278] : memref<10240x128xf32, #tpu.memory_space<vmem_shared>> -> memref<10240x128xf32, #tpu.memory_space<vmem_shared>>
        tpu.wait_indirect_dma semaphore(%run_scoped3A_267 : memref<!tpu.dma_semaphore, #tpu.memory_space<semaphore_mem>>) src(%arg7 : memref<128x128xf32, #tpu.memory_space<vmem>>) dst(%dma_wait3A_279 : memref<10240x128xf32, #tpu.memory_space<vmem_shared>>)
        tpu.yield
      }) : () -> ()
      %dma_start3A_169 = arith.constant 20 : i32
      %dma_start3A_170 = arith.constant 0 : i32
      %dma_start3A_171 = tpu.memref_slice %arg6[%dma_start3A_169, %dma_start3A_170] : memref<32x128xi32, #tpu.memory_space<vmem>> -> memref<1x128xi32, #tpu.memory_space<vmem>>
      %dma_start3A_172 = tpu.memref_squeeze %dma_start3A_171 : memref<1x128xi32, #tpu.memory_space<vmem>> -> memref<128xi32, #tpu.memory_space<vmem>>
      %dma_start3A_173 = arith.constant 0 : i32
      %dma_start3A_174 = arith.constant 0 : i32
      %dma_start3A_175 = tpu.memref_slice %arg2[%dma_start3A_173, %dma_start3A_174] : memref<10000x128xf32, #tpu.memory_space<hbm>> -> memref<10000x128xf32, #tpu.memory_space<hbm>>
      tpu.enqueue_indirect_dma source(%dma_start3A_175 : memref<10000x128xf32, #tpu.memory_space<hbm>>) target(%arg7 : memref<128x128xf32, #tpu.memory_space<vmem>>) offsets(%dma_start3A_172 : memref<128xi32, #tpu.memory_space<vmem>>) semaphore(%arg10 : memref<!tpu.dma_semaphore, #tpu.memory_space<semaphore_mem>>)
      %dma_wait3A_176 = arith.constant 18 : i32
      %dma_wait3A_177 = arith.constant 0 : i32
      %dma_wait3A_178 = tpu.memref_slice %arg6[%dma_wait3A_176, %dma_wait3A_177] : memref<32x128xi32, #tpu.memory_space<vmem>> -> memref<1x128xi32, #tpu.memory_space<vmem>>
      %dma_wait3A_179 = tpu.memref_squeeze %dma_wait3A_178 : memref<1x128xi32, #tpu.memory_space<vmem>> -> memref<128xi32, #tpu.memory_space<vmem>>
      %dma_wait3A_180 = arith.constant 0 : i32
      %dma_wait3A_181 = arith.constant 0 : i32
      %dma_wait3A_182 = tpu.memref_slice %arg2[%dma_wait3A_180, %dma_wait3A_181] : memref<10000x128xf32, #tpu.memory_space<hbm>> -> memref<10000x128xf32, #tpu.memory_space<hbm>>
      tpu.wait_indirect_dma semaphore(%arg11 : memref<!tpu.dma_semaphore, #tpu.memory_space<semaphore_mem>>) src(%dma_wait3A_182 : memref<10000x128xf32, #tpu.memory_space<hbm>>) dst(%arg8 : memref<128x128xf32, #tpu.memory_space<vmem>>)
      %run_scoped3A_183 = arith.constant 19 : i32
      "tpu.region"() ({
        %run_scoped3A_267 = tpu.sem_alloc : memref<!tpu.dma_semaphore, #tpu.memory_space<semaphore_mem>>
        %dma_start3A_268 = arith.constant 0 : i32
        %dma_start3A_269 = tpu.memref_slice %arg6[%run_scoped3A_183, %dma_start3A_268] : memref<32x128xi32, #tpu.memory_space<vmem>> -> memref<1x128xi32, #tpu.memory_space<vmem>>
        %dma_start3A_270 = tpu.memref_squeeze %dma_start3A_269 : memref<1x128xi32, #tpu.memory_space<vmem>> -> memref<128xi32, #tpu.memory_space<vmem>>
        %dma_start3A_271 = arith.constant 0 : i32
        %dma_start3A_272 = arith.constant 0 : i32
        %dma_start3A_273 = tpu.memref_slice %arg9[%dma_start3A_271, %dma_start3A_272] : memref<10240x128xf32, #tpu.memory_space<vmem_shared>> -> memref<10240x128xf32, #tpu.memory_space<vmem_shared>>
        tpu.enqueue_indirect_dma source(%arg8 : memref<128x128xf32, #tpu.memory_space<vmem>>) target(%dma_start3A_273 : memref<10240x128xf32, #tpu.memory_space<vmem_shared>>) offsets(%dma_start3A_270 : memref<128xi32, #tpu.memory_space<vmem>>) semaphore(%run_scoped3A_267 : memref<!tpu.dma_semaphore, #tpu.memory_space<semaphore_mem>>) {add = true}
        %dma_wait3A_274 = arith.constant 0 : i32
        %dma_wait3A_275 = tpu.memref_slice %arg6[%run_scoped3A_183, %dma_wait3A_274] : memref<32x128xi32, #tpu.memory_space<vmem>> -> memref<1x128xi32, #tpu.memory_space<vmem>>
        %dma_wait3A_276 = tpu.memref_squeeze %dma_wait3A_275 : memref<1x128xi32, #tpu.memory_space<vmem>> -> memref<128xi32, #tpu.memory_space<vmem>>
        %dma_wait3A_277 = arith.constant 0 : i32
        %dma_wait3A_278 = arith.constant 0 : i32
        %dma_wait3A_279 = tpu.memref_slice %arg9[%dma_wait3A_277, %dma_wait3A_278] : memref<10240x128xf32, #tpu.memory_space<vmem_shared>> -> memref<10240x128xf32, #tpu.memory_space<vmem_shared>>
        tpu.wait_indirect_dma semaphore(%run_scoped3A_267 : memref<!tpu.dma_semaphore, #tpu.memory_space<semaphore_mem>>) src(%arg8 : memref<128x128xf32, #tpu.memory_space<vmem>>) dst(%dma_wait3A_279 : memref<10240x128xf32, #tpu.memory_space<vmem_shared>>)
        tpu.yield
      }) : () -> ()
      %dma_start3A_184 = arith.constant 22 : i32
      %dma_start3A_185 = arith.constant 0 : i32
      %dma_start3A_186 = tpu.memref_slice %arg6[%dma_start3A_184, %dma_start3A_185] : memref<32x128xi32, #tpu.memory_space<vmem>> -> memref<1x128xi32, #tpu.memory_space<vmem>>
      %dma_start3A_187 = tpu.memref_squeeze %dma_start3A_186 : memref<1x128xi32, #tpu.memory_space<vmem>> -> memref<128xi32, #tpu.memory_space<vmem>>
      %dma_start3A_188 = arith.constant 0 : i32
      %dma_start3A_189 = arith.constant 0 : i32
      %dma_start3A_190 = tpu.memref_slice %arg2[%dma_start3A_188, %dma_start3A_189] : memref<10000x128xf32, #tpu.memory_space<hbm>> -> memref<10000x128xf32, #tpu.memory_space<hbm>>
      tpu.enqueue_indirect_dma source(%dma_start3A_190 : memref<10000x128xf32, #tpu.memory_space<hbm>>) target(%arg8 : memref<128x128xf32, #tpu.memory_space<vmem>>) offsets(%dma_start3A_187 : memref<128xi32, #tpu.memory_space<vmem>>) semaphore(%arg11 : memref<!tpu.dma_semaphore, #tpu.memory_space<semaphore_mem>>)
      %dma_wait3A_191 = arith.constant 20 : i32
      %dma_wait3A_192 = arith.constant 0 : i32
      %dma_wait3A_193 = tpu.memref_slice %arg6[%dma_wait3A_191, %dma_wait3A_192] : memref<32x128xi32, #tpu.memory_space<vmem>> -> memref<1x128xi32, #tpu.memory_space<vmem>>
      %dma_wait3A_194 = tpu.memref_squeeze %dma_wait3A_193 : memref<1x128xi32, #tpu.memory_space<vmem>> -> memref<128xi32, #tpu.memory_space<vmem>>
      %dma_wait3A_195 = arith.constant 0 : i32
      %dma_wait3A_196 = arith.constant 0 : i32
      %dma_wait3A_197 = tpu.memref_slice %arg2[%dma_wait3A_195, %dma_wait3A_196] : memref<10000x128xf32, #tpu.memory_space<hbm>> -> memref<10000x128xf32, #tpu.memory_space<hbm>>
      tpu.wait_indirect_dma semaphore(%arg10 : memref<!tpu.dma_semaphore, #tpu.memory_space<semaphore_mem>>) src(%dma_wait3A_197 : memref<10000x128xf32, #tpu.memory_space<hbm>>) dst(%arg7 : memref<128x128xf32, #tpu.memory_space<vmem>>)
      %run_scoped3A_198 = arith.constant 21 : i32
      "tpu.region"() ({
        %run_scoped3A_267 = tpu.sem_alloc : memref<!tpu.dma_semaphore, #tpu.memory_space<semaphore_mem>>
        %dma_start3A_268 = arith.constant 0 : i32
        %dma_start3A_269 = tpu.memref_slice %arg6[%run_scoped3A_198, %dma_start3A_268] : memref<32x128xi32, #tpu.memory_space<vmem>> -> memref<1x128xi32, #tpu.memory_space<vmem>>
        %dma_start3A_270 = tpu.memref_squeeze %dma_start3A_269 : memref<1x128xi32, #tpu.memory_space<vmem>> -> memref<128xi32, #tpu.memory_space<vmem>>
        %dma_start3A_271 = arith.constant 0 : i32
        %dma_start3A_272 = arith.constant 0 : i32
        %dma_start3A_273 = tpu.memref_slice %arg9[%dma_start3A_271, %dma_start3A_272] : memref<10240x128xf32, #tpu.memory_space<vmem_shared>> -> memref<10240x128xf32, #tpu.memory_space<vmem_shared>>
        tpu.enqueue_indirect_dma source(%arg7 : memref<128x128xf32, #tpu.memory_space<vmem>>) target(%dma_start3A_273 : memref<10240x128xf32, #tpu.memory_space<vmem_shared>>) offsets(%dma_start3A_270 : memref<128xi32, #tpu.memory_space<vmem>>) semaphore(%run_scoped3A_267 : memref<!tpu.dma_semaphore, #tpu.memory_space<semaphore_mem>>) {add = true}
        %dma_wait3A_274 = arith.constant 0 : i32
        %dma_wait3A_275 = tpu.memref_slice %arg6[%run_scoped3A_198, %dma_wait3A_274] : memref<32x128xi32, #tpu.memory_space<vmem>> -> memref<1x128xi32, #tpu.memory_space<vmem>>
        %dma_wait3A_276 = tpu.memref_squeeze %dma_wait3A_275 : memref<1x128xi32, #tpu.memory_space<vmem>> -> memref<128xi32, #tpu.memory_space<vmem>>
        %dma_wait3A_277 = arith.constant 0 : i32
        %dma_wait3A_278 = arith.constant 0 : i32
        %dma_wait3A_279 = tpu.memref_slice %arg9[%dma_wait3A_277, %dma_wait3A_278] : memref<10240x128xf32, #tpu.memory_space<vmem_shared>> -> memref<10240x128xf32, #tpu.memory_space<vmem_shared>>
        tpu.wait_indirect_dma semaphore(%run_scoped3A_267 : memref<!tpu.dma_semaphore, #tpu.memory_space<semaphore_mem>>) src(%arg7 : memref<128x128xf32, #tpu.memory_space<vmem>>) dst(%dma_wait3A_279 : memref<10240x128xf32, #tpu.memory_space<vmem_shared>>)
        tpu.yield
      }) : () -> ()
      %dma_start3A_199 = arith.constant 24 : i32
      %dma_start3A_200 = arith.constant 0 : i32
      %dma_start3A_201 = tpu.memref_slice %arg6[%dma_start3A_199, %dma_start3A_200] : memref<32x128xi32, #tpu.memory_space<vmem>> -> memref<1x128xi32, #tpu.memory_space<vmem>>
      %dma_start3A_202 = tpu.memref_squeeze %dma_start3A_201 : memref<1x128xi32, #tpu.memory_space<vmem>> -> memref<128xi32, #tpu.memory_space<vmem>>
      %dma_start3A_203 = arith.constant 0 : i32
      %dma_start3A_204 = arith.constant 0 : i32
      %dma_start3A_205 = tpu.memref_slice %arg2[%dma_start3A_203, %dma_start3A_204] : memref<10000x128xf32, #tpu.memory_space<hbm>> -> memref<10000x128xf32, #tpu.memory_space<hbm>>
      tpu.enqueue_indirect_dma source(%dma_start3A_205 : memref<10000x128xf32, #tpu.memory_space<hbm>>) target(%arg7 : memref<128x128xf32, #tpu.memory_space<vmem>>) offsets(%dma_start3A_202 : memref<128xi32, #tpu.memory_space<vmem>>) semaphore(%arg10 : memref<!tpu.dma_semaphore, #tpu.memory_space<semaphore_mem>>)
      %dma_wait3A_206 = arith.constant 22 : i32
      %dma_wait3A_207 = arith.constant 0 : i32
      %dma_wait3A_208 = tpu.memref_slice %arg6[%dma_wait3A_206, %dma_wait3A_207] : memref<32x128xi32, #tpu.memory_space<vmem>> -> memref<1x128xi32, #tpu.memory_space<vmem>>
      %dma_wait3A_209 = tpu.memref_squeeze %dma_wait3A_208 : memref<1x128xi32, #tpu.memory_space<vmem>> -> memref<128xi32, #tpu.memory_space<vmem>>
      %dma_wait3A_210 = arith.constant 0 : i32
      %dma_wait3A_211 = arith.constant 0 : i32
      %dma_wait3A_212 = tpu.memref_slice %arg2[%dma_wait3A_210, %dma_wait3A_211] : memref<10000x128xf32, #tpu.memory_space<hbm>> -> memref<10000x128xf32, #tpu.memory_space<hbm>>
      tpu.wait_indirect_dma semaphore(%arg11 : memref<!tpu.dma_semaphore, #tpu.memory_space<semaphore_mem>>) src(%dma_wait3A_212 : memref<10000x128xf32, #tpu.memory_space<hbm>>) dst(%arg8 : memref<128x128xf32, #tpu.memory_space<vmem>>)
      %run_scoped3A_213 = arith.constant 23 : i32
      "tpu.region"() ({
        %run_scoped3A_267 = tpu.sem_alloc : memref<!tpu.dma_semaphore, #tpu.memory_space<semaphore_mem>>
        %dma_start3A_268 = arith.constant 0 : i32
        %dma_start3A_269 = tpu.memref_slice %arg6[%run_scoped3A_213, %dma_start3A_268] : memref<32x128xi32, #tpu.memory_space<vmem>> -> memref<1x128xi32, #tpu.memory_space<vmem>>
        %dma_start3A_270 = tpu.memref_squeeze %dma_start3A_269 : memref<1x128xi32, #tpu.memory_space<vmem>> -> memref<128xi32, #tpu.memory_space<vmem>>
        %dma_start3A_271 = arith.constant 0 : i32
        %dma_start3A_272 = arith.constant 0 : i32
        %dma_start3A_273 = tpu.memref_slice %arg9[%dma_start3A_271, %dma_start3A_272] : memref<10240x128xf32, #tpu.memory_space<vmem_shared>> -> memref<10240x128xf32, #tpu.memory_space<vmem_shared>>
        tpu.enqueue_indirect_dma source(%arg8 : memref<128x128xf32, #tpu.memory_space<vmem>>) target(%dma_start3A_273 : memref<10240x128xf32, #tpu.memory_space<vmem_shared>>) offsets(%dma_start3A_270 : memref<128xi32, #tpu.memory_space<vmem>>) semaphore(%run_scoped3A_267 : memref<!tpu.dma_semaphore, #tpu.memory_space<semaphore_mem>>) {add = true}
        %dma_wait3A_274 = arith.constant 0 : i32
        %dma_wait3A_275 = tpu.memref_slice %arg6[%run_scoped3A_213, %dma_wait3A_274] : memref<32x128xi32, #tpu.memory_space<vmem>> -> memref<1x128xi32, #tpu.memory_space<vmem>>
        %dma_wait3A_276 = tpu.memref_squeeze %dma_wait3A_275 : memref<1x128xi32, #tpu.memory_space<vmem>> -> memref<128xi32, #tpu.memory_space<vmem>>
        %dma_wait3A_277 = arith.constant 0 : i32
        %dma_wait3A_278 = arith.constant 0 : i32
        %dma_wait3A_279 = tpu.memref_slice %arg9[%dma_wait3A_277, %dma_wait3A_278] : memref<10240x128xf32, #tpu.memory_space<vmem_shared>> -> memref<10240x128xf32, #tpu.memory_space<vmem_shared>>
        tpu.wait_indirect_dma semaphore(%run_scoped3A_267 : memref<!tpu.dma_semaphore, #tpu.memory_space<semaphore_mem>>) src(%arg8 : memref<128x128xf32, #tpu.memory_space<vmem>>) dst(%dma_wait3A_279 : memref<10240x128xf32, #tpu.memory_space<vmem_shared>>)
        tpu.yield
      }) : () -> ()
      %dma_start3A_214 = arith.constant 26 : i32
      %dma_start3A_215 = arith.constant 0 : i32
      %dma_start3A_216 = tpu.memref_slice %arg6[%dma_start3A_214, %dma_start3A_215] : memref<32x128xi32, #tpu.memory_space<vmem>> -> memref<1x128xi32, #tpu.memory_space<vmem>>
      %dma_start3A_217 = tpu.memref_squeeze %dma_start3A_216 : memref<1x128xi32, #tpu.memory_space<vmem>> -> memref<128xi32, #tpu.memory_space<vmem>>
      %dma_start3A_218 = arith.constant 0 : i32
      %dma_start3A_219 = arith.constant 0 : i32
      %dma_start3A_220 = tpu.memref_slice %arg2[%dma_start3A_218, %dma_start3A_219] : memref<10000x128xf32, #tpu.memory_space<hbm>> -> memref<10000x128xf32, #tpu.memory_space<hbm>>
      tpu.enqueue_indirect_dma source(%dma_start3A_220 : memref<10000x128xf32, #tpu.memory_space<hbm>>) target(%arg8 : memref<128x128xf32, #tpu.memory_space<vmem>>) offsets(%dma_start3A_217 : memref<128xi32, #tpu.memory_space<vmem>>) semaphore(%arg11 : memref<!tpu.dma_semaphore, #tpu.memory_space<semaphore_mem>>)
      %dma_wait3A_221 = arith.constant 24 : i32
      %dma_wait3A_222 = arith.constant 0 : i32
      %dma_wait3A_223 = tpu.memref_slice %arg6[%dma_wait3A_221, %dma_wait3A_222] : memref<32x128xi32, #tpu.memory_space<vmem>> -> memref<1x128xi32, #tpu.memory_space<vmem>>
      %dma_wait3A_224 = tpu.memref_squeeze %dma_wait3A_223 : memref<1x128xi32, #tpu.memory_space<vmem>> -> memref<128xi32, #tpu.memory_space<vmem>>
      %dma_wait3A_225 = arith.constant 0 : i32
      %dma_wait3A_226 = arith.constant 0 : i32
      %dma_wait3A_227 = tpu.memref_slice %arg2[%dma_wait3A_225, %dma_wait3A_226] : memref<10000x128xf32, #tpu.memory_space<hbm>> -> memref<10000x128xf32, #tpu.memory_space<hbm>>
      tpu.wait_indirect_dma semaphore(%arg10 : memref<!tpu.dma_semaphore, #tpu.memory_space<semaphore_mem>>) src(%dma_wait3A_227 : memref<10000x128xf32, #tpu.memory_space<hbm>>) dst(%arg7 : memref<128x128xf32, #tpu.memory_space<vmem>>)
      %run_scoped3A_228 = arith.constant 25 : i32
      "tpu.region"() ({
        %run_scoped3A_267 = tpu.sem_alloc : memref<!tpu.dma_semaphore, #tpu.memory_space<semaphore_mem>>
        %dma_start3A_268 = arith.constant 0 : i32
        %dma_start3A_269 = tpu.memref_slice %arg6[%run_scoped3A_228, %dma_start3A_268] : memref<32x128xi32, #tpu.memory_space<vmem>> -> memref<1x128xi32, #tpu.memory_space<vmem>>
        %dma_start3A_270 = tpu.memref_squeeze %dma_start3A_269 : memref<1x128xi32, #tpu.memory_space<vmem>> -> memref<128xi32, #tpu.memory_space<vmem>>
        %dma_start3A_271 = arith.constant 0 : i32
        %dma_start3A_272 = arith.constant 0 : i32
        %dma_start3A_273 = tpu.memref_slice %arg9[%dma_start3A_271, %dma_start3A_272] : memref<10240x128xf32, #tpu.memory_space<vmem_shared>> -> memref<10240x128xf32, #tpu.memory_space<vmem_shared>>
        tpu.enqueue_indirect_dma source(%arg7 : memref<128x128xf32, #tpu.memory_space<vmem>>) target(%dma_start3A_273 : memref<10240x128xf32, #tpu.memory_space<vmem_shared>>) offsets(%dma_start3A_270 : memref<128xi32, #tpu.memory_space<vmem>>) semaphore(%run_scoped3A_267 : memref<!tpu.dma_semaphore, #tpu.memory_space<semaphore_mem>>) {add = true}
        %dma_wait3A_274 = arith.constant 0 : i32
        %dma_wait3A_275 = tpu.memref_slice %arg6[%run_scoped3A_228, %dma_wait3A_274] : memref<32x128xi32, #tpu.memory_space<vmem>> -> memref<1x128xi32, #tpu.memory_space<vmem>>
        %dma_wait3A_276 = tpu.memref_squeeze %dma_wait3A_275 : memref<1x128xi32, #tpu.memory_space<vmem>> -> memref<128xi32, #tpu.memory_space<vmem>>
        %dma_wait3A_277 = arith.constant 0 : i32
        %dma_wait3A_278 = arith.constant 0 : i32
        %dma_wait3A_279 = tpu.memref_slice %arg9[%dma_wait3A_277, %dma_wait3A_278] : memref<10240x128xf32, #tpu.memory_space<vmem_shared>> -> memref<10240x128xf32, #tpu.memory_space<vmem_shared>>
        tpu.wait_indirect_dma semaphore(%run_scoped3A_267 : memref<!tpu.dma_semaphore, #tpu.memory_space<semaphore_mem>>) src(%arg7 : memref<128x128xf32, #tpu.memory_space<vmem>>) dst(%dma_wait3A_279 : memref<10240x128xf32, #tpu.memory_space<vmem_shared>>)
        tpu.yield
      }) : () -> ()
      %dma_start3A_229 = arith.constant 28 : i32
      %dma_start3A_230 = arith.constant 0 : i32
      %dma_start3A_231 = tpu.memref_slice %arg6[%dma_start3A_229, %dma_start3A_230] : memref<32x128xi32, #tpu.memory_space<vmem>> -> memref<1x128xi32, #tpu.memory_space<vmem>>
      %dma_start3A_232 = tpu.memref_squeeze %dma_start3A_231 : memref<1x128xi32, #tpu.memory_space<vmem>> -> memref<128xi32, #tpu.memory_space<vmem>>
      %dma_start3A_233 = arith.constant 0 : i32
      %dma_start3A_234 = arith.constant 0 : i32
      %dma_start3A_235 = tpu.memref_slice %arg2[%dma_start3A_233, %dma_start3A_234] : memref<10000x128xf32, #tpu.memory_space<hbm>> -> memref<10000x128xf32, #tpu.memory_space<hbm>>
      tpu.enqueue_indirect_dma source(%dma_start3A_235 : memref<10000x128xf32, #tpu.memory_space<hbm>>) target(%arg7 : memref<128x128xf32, #tpu.memory_space<vmem>>) offsets(%dma_start3A_232 : memref<128xi32, #tpu.memory_space<vmem>>) semaphore(%arg10 : memref<!tpu.dma_semaphore, #tpu.memory_space<semaphore_mem>>)
      %dma_wait3A_236 = arith.constant 26 : i32
      %dma_wait3A_237 = arith.constant 0 : i32
      %dma_wait3A_238 = tpu.memref_slice %arg6[%dma_wait3A_236, %dma_wait3A_237] : memref<32x128xi32, #tpu.memory_space<vmem>> -> memref<1x128xi32, #tpu.memory_space<vmem>>
      %dma_wait3A_239 = tpu.memref_squeeze %dma_wait3A_238 : memref<1x128xi32, #tpu.memory_space<vmem>> -> memref<128xi32, #tpu.memory_space<vmem>>
      %dma_wait3A_240 = arith.constant 0 : i32
      %dma_wait3A_241 = arith.constant 0 : i32
      %dma_wait3A_242 = tpu.memref_slice %arg2[%dma_wait3A_240, %dma_wait3A_241] : memref<10000x128xf32, #tpu.memory_space<hbm>> -> memref<10000x128xf32, #tpu.memory_space<hbm>>
      tpu.wait_indirect_dma semaphore(%arg11 : memref<!tpu.dma_semaphore, #tpu.memory_space<semaphore_mem>>) src(%dma_wait3A_242 : memref<10000x128xf32, #tpu.memory_space<hbm>>) dst(%arg8 : memref<128x128xf32, #tpu.memory_space<vmem>>)
      %run_scoped3A_243 = arith.constant 27 : i32
      "tpu.region"() ({
        %run_scoped3A_267 = tpu.sem_alloc : memref<!tpu.dma_semaphore, #tpu.memory_space<semaphore_mem>>
        %dma_start3A_268 = arith.constant 0 : i32
        %dma_start3A_269 = tpu.memref_slice %arg6[%run_scoped3A_243, %dma_start3A_268] : memref<32x128xi32, #tpu.memory_space<vmem>> -> memref<1x128xi32, #tpu.memory_space<vmem>>
        %dma_start3A_270 = tpu.memref_squeeze %dma_start3A_269 : memref<1x128xi32, #tpu.memory_space<vmem>> -> memref<128xi32, #tpu.memory_space<vmem>>
        %dma_start3A_271 = arith.constant 0 : i32
        %dma_start3A_272 = arith.constant 0 : i32
        %dma_start3A_273 = tpu.memref_slice %arg9[%dma_start3A_271, %dma_start3A_272] : memref<10240x128xf32, #tpu.memory_space<vmem_shared>> -> memref<10240x128xf32, #tpu.memory_space<vmem_shared>>
        tpu.enqueue_indirect_dma source(%arg8 : memref<128x128xf32, #tpu.memory_space<vmem>>) target(%dma_start3A_273 : memref<10240x128xf32, #tpu.memory_space<vmem_shared>>) offsets(%dma_start3A_270 : memref<128xi32, #tpu.memory_space<vmem>>) semaphore(%run_scoped3A_267 : memref<!tpu.dma_semaphore, #tpu.memory_space<semaphore_mem>>) {add = true}
        %dma_wait3A_274 = arith.constant 0 : i32
        %dma_wait3A_275 = tpu.memref_slice %arg6[%run_scoped3A_243, %dma_wait3A_274] : memref<32x128xi32, #tpu.memory_space<vmem>> -> memref<1x128xi32, #tpu.memory_space<vmem>>
        %dma_wait3A_276 = tpu.memref_squeeze %dma_wait3A_275 : memref<1x128xi32, #tpu.memory_space<vmem>> -> memref<128xi32, #tpu.memory_space<vmem>>
        %dma_wait3A_277 = arith.constant 0 : i32
        %dma_wait3A_278 = arith.constant 0 : i32
        %dma_wait3A_279 = tpu.memref_slice %arg9[%dma_wait3A_277, %dma_wait3A_278] : memref<10240x128xf32, #tpu.memory_space<vmem_shared>> -> memref<10240x128xf32, #tpu.memory_space<vmem_shared>>
        tpu.wait_indirect_dma semaphore(%run_scoped3A_267 : memref<!tpu.dma_semaphore, #tpu.memory_space<semaphore_mem>>) src(%arg8 : memref<128x128xf32, #tpu.memory_space<vmem>>) dst(%dma_wait3A_279 : memref<10240x128xf32, #tpu.memory_space<vmem_shared>>)
        tpu.yield
      }) : () -> ()
      %dma_start3A_244 = arith.constant 30 : i32
      %dma_start3A_245 = arith.constant 0 : i32
      %dma_start3A_246 = tpu.memref_slice %arg6[%dma_start3A_244, %dma_start3A_245] : memref<32x128xi32, #tpu.memory_space<vmem>> -> memref<1x128xi32, #tpu.memory_space<vmem>>
      %dma_start3A_247 = tpu.memref_squeeze %dma_start3A_246 : memref<1x128xi32, #tpu.memory_space<vmem>> -> memref<128xi32, #tpu.memory_space<vmem>>
      %dma_start3A_248 = arith.constant 0 : i32
      %dma_start3A_249 = arith.constant 0 : i32
      %dma_start3A_250 = tpu.memref_slice %arg2[%dma_start3A_248, %dma_start3A_249] : memref<10000x128xf32, #tpu.memory_space<hbm>> -> memref<10000x128xf32, #tpu.memory_space<hbm>>
      tpu.enqueue_indirect_dma source(%dma_start3A_250 : memref<10000x128xf32, #tpu.memory_space<hbm>>) target(%arg8 : memref<128x128xf32, #tpu.memory_space<vmem>>) offsets(%dma_start3A_247 : memref<128xi32, #tpu.memory_space<vmem>>) semaphore(%arg11 : memref<!tpu.dma_semaphore, #tpu.memory_space<semaphore_mem>>)
      %dma_wait3A_251 = arith.constant 28 : i32
      %dma_wait3A_252 = arith.constant 0 : i32
      %dma_wait3A_253 = tpu.memref_slice %arg6[%dma_wait3A_251, %dma_wait3A_252] : memref<32x128xi32, #tpu.memory_space<vmem>> -> memref<1x128xi32, #tpu.memory_space<vmem>>
      %dma_wait3A_254 = tpu.memref_squeeze %dma_wait3A_253 : memref<1x128xi32, #tpu.memory_space<vmem>> -> memref<128xi32, #tpu.memory_space<vmem>>
      %dma_wait3A_255 = arith.constant 0 : i32
      %dma_wait3A_256 = arith.constant 0 : i32
      %dma_wait3A_257 = tpu.memref_slice %arg2[%dma_wait3A_255, %dma_wait3A_256] : memref<10000x128xf32, #tpu.memory_space<hbm>> -> memref<10000x128xf32, #tpu.memory_space<hbm>>
      tpu.wait_indirect_dma semaphore(%arg10 : memref<!tpu.dma_semaphore, #tpu.memory_space<semaphore_mem>>) src(%dma_wait3A_257 : memref<10000x128xf32, #tpu.memory_space<hbm>>) dst(%arg7 : memref<128x128xf32, #tpu.memory_space<vmem>>)
      %run_scoped3A_258 = arith.constant 29 : i32
      "tpu.region"() ({
        %run_scoped3A_267 = tpu.sem_alloc : memref<!tpu.dma_semaphore, #tpu.memory_space<semaphore_mem>>
        %dma_start3A_268 = arith.constant 0 : i32
        %dma_start3A_269 = tpu.memref_slice %arg6[%run_scoped3A_258, %dma_start3A_268] : memref<32x128xi32, #tpu.memory_space<vmem>> -> memref<1x128xi32, #tpu.memory_space<vmem>>
        %dma_start3A_270 = tpu.memref_squeeze %dma_start3A_269 : memref<1x128xi32, #tpu.memory_space<vmem>> -> memref<128xi32, #tpu.memory_space<vmem>>
        %dma_start3A_271 = arith.constant 0 : i32
        %dma_start3A_272 = arith.constant 0 : i32
        %dma_start3A_273 = tpu.memref_slice %arg9[%dma_start3A_271, %dma_start3A_272] : memref<10240x128xf32, #tpu.memory_space<vmem_shared>> -> memref<10240x128xf32, #tpu.memory_space<vmem_shared>>
        tpu.enqueue_indirect_dma source(%arg7 : memref<128x128xf32, #tpu.memory_space<vmem>>) target(%dma_start3A_273 : memref<10240x128xf32, #tpu.memory_space<vmem_shared>>) offsets(%dma_start3A_270 : memref<128xi32, #tpu.memory_space<vmem>>) semaphore(%run_scoped3A_267 : memref<!tpu.dma_semaphore, #tpu.memory_space<semaphore_mem>>) {add = true}
        %dma_wait3A_274 = arith.constant 0 : i32
        %dma_wait3A_275 = tpu.memref_slice %arg6[%run_scoped3A_258, %dma_wait3A_274] : memref<32x128xi32, #tpu.memory_space<vmem>> -> memref<1x128xi32, #tpu.memory_space<vmem>>
        %dma_wait3A_276 = tpu.memref_squeeze %dma_wait3A_275 : memref<1x128xi32, #tpu.memory_space<vmem>> -> memref<128xi32, #tpu.memory_space<vmem>>
        %dma_wait3A_277 = arith.constant 0 : i32
        %dma_wait3A_278 = arith.constant 0 : i32
        %dma_wait3A_279 = tpu.memref_slice %arg9[%dma_wait3A_277, %dma_wait3A_278] : memref<10240x128xf32, #tpu.memory_space<vmem_shared>> -> memref<10240x128xf32, #tpu.memory_space<vmem_shared>>
        tpu.wait_indirect_dma semaphore(%run_scoped3A_267 : memref<!tpu.dma_semaphore, #tpu.memory_space<semaphore_mem>>) src(%arg7 : memref<128x128xf32, #tpu.memory_space<vmem>>) dst(%dma_wait3A_279 : memref<10240x128xf32, #tpu.memory_space<vmem_shared>>)
        tpu.yield
      }) : () -> ()
      %dma_wait3A_259 = arith.constant 30 : i32
      %dma_wait3A_260 = arith.constant 0 : i32
      %dma_wait3A_261 = tpu.memref_slice %arg6[%dma_wait3A_259, %dma_wait3A_260] : memref<32x128xi32, #tpu.memory_space<vmem>> -> memref<1x128xi32, #tpu.memory_space<vmem>>
      %dma_wait3A_262 = tpu.memref_squeeze %dma_wait3A_261 : memref<1x128xi32, #tpu.memory_space<vmem>> -> memref<128xi32, #tpu.memory_space<vmem>>
      %dma_wait3A_263 = arith.constant 0 : i32
      %dma_wait3A_264 = arith.constant 0 : i32
      %dma_wait3A_265 = tpu.memref_slice %arg2[%dma_wait3A_263, %dma_wait3A_264] : memref<10000x128xf32, #tpu.memory_space<hbm>> -> memref<10000x128xf32, #tpu.memory_space<hbm>>
      tpu.wait_indirect_dma semaphore(%arg11 : memref<!tpu.dma_semaphore, #tpu.memory_space<semaphore_mem>>) src(%dma_wait3A_265 : memref<10000x128xf32, #tpu.memory_space<hbm>>) dst(%arg8 : memref<128x128xf32, #tpu.memory_space<vmem>>)
      %run_scoped3A_266 = arith.constant 31 : i32
      "tpu.region"() ({
        %run_scoped3A_267 = tpu.sem_alloc : memref<!tpu.dma_semaphore, #tpu.memory_space<semaphore_mem>>
        %dma_start3A_268 = arith.constant 0 : i32
        %dma_start3A_269 = tpu.memref_slice %arg6[%run_scoped3A_266, %dma_start3A_268] : memref<32x128xi32, #tpu.memory_space<vmem>> -> memref<1x128xi32, #tpu.memory_space<vmem>>
        %dma_start3A_270 = tpu.memref_squeeze %dma_start3A_269 : memref<1x128xi32, #tpu.memory_space<vmem>> -> memref<128xi32, #tpu.memory_space<vmem>>
        %dma_start3A_271 = arith.constant 0 : i32
        %dma_start3A_272 = arith.constant 0 : i32
        %dma_start3A_273 = tpu.memref_slice %arg9[%dma_start3A_271, %dma_start3A_272] : memref<10240x128xf32, #tpu.memory_space<vmem_shared>> -> memref<10240x128xf32, #tpu.memory_space<vmem_shared>>
        tpu.enqueue_indirect_dma source(%arg8 : memref<128x128xf32, #tpu.memory_space<vmem>>) target(%dma_start3A_273 : memref<10240x128xf32, #tpu.memory_space<vmem_shared>>) offsets(%dma_start3A_270 : memref<128xi32, #tpu.memory_space<vmem>>) semaphore(%run_scoped3A_267 : memref<!tpu.dma_semaphore, #tpu.memory_space<semaphore_mem>>) {add = true}
        %dma_wait3A_274 = arith.constant 0 : i32
        %dma_wait3A_275 = tpu.memref_slice %arg6[%run_scoped3A_266, %dma_wait3A_274] : memref<32x128xi32, #tpu.memory_space<vmem>> -> memref<1x128xi32, #tpu.memory_space<vmem>>
        %dma_wait3A_276 = tpu.memref_squeeze %dma_wait3A_275 : memref<1x128xi32, #tpu.memory_space<vmem>> -> memref<128xi32, #tpu.memory_space<vmem>>
        %dma_wait3A_277 = arith.constant 0 : i32
        %dma_wait3A_278 = arith.constant 0 : i32
        %dma_wait3A_279 = tpu.memref_slice %arg9[%dma_wait3A_277, %dma_wait3A_278] : memref<10240x128xf32, #tpu.memory_space<vmem_shared>> -> memref<10240x128xf32, #tpu.memory_space<vmem_shared>>
        tpu.wait_indirect_dma semaphore(%run_scoped3A_267 : memref<!tpu.dma_semaphore, #tpu.memory_space<semaphore_mem>>) src(%arg8 : memref<128x128xf32, #tpu.memory_space<vmem>>) dst(%dma_wait3A_279 : memref<10240x128xf32, #tpu.memory_space<vmem_shared>>)
        tpu.yield
      }) : () -> ()
    }
    %scan3A_17 = arith.constant 5 : i32
    %barrier3A_18 = arith.constant 0 : index
    tpu.barrier barrier_id(%barrier3A_18)
    %mul3A_19 = arith.constant 10240 : i32
    %mul3A_20 = arith.muli %arg0, %mul3A_19 : i32
    %add3A_21 = arith.addi %mul3A_20, %mul3A_2 : i32
    "tpu.region"() ({
      %run_scoped3A = tpu.sem_alloc : memref<!tpu.dma_semaphore, #tpu.memory_space<semaphore_mem>>
      %dma_start3A = arith.constant 0 : i32
      %dma_start3A_22 = tpu.memref_slice %arg5[%add3A_21, %dma_start3A] : memref<20480x128xf32, #tpu.memory_space<hbm>> -> memref<640x128xf32, #tpu.memory_space<hbm>>
      %dma_start3A_23 = arith.constant 0 : i32
      %dma_start3A_24 = tpu.memref_slice %arg9[%mul3A_2, %dma_start3A_23] : memref<10240x128xf32, #tpu.memory_space<vmem_shared>> -> memref<640x128xf32, #tpu.memory_space<vmem_shared>>
      tpu.enqueue_dma source(%dma_start3A_24 : memref<640x128xf32, #tpu.memory_space<vmem_shared>>) target(%dma_start3A_22 : memref<640x128xf32, #tpu.memory_space<hbm>>) target_semaphore(%run_scoped3A : memref<!tpu.dma_semaphore, #tpu.memory_space<semaphore_mem>>)
      %dma_wait3A = arith.constant 0 : i32
      %dma_wait3A_25 = tpu.memref_slice %arg5[%add3A_21, %dma_wait3A] : memref<20480x128xf32, #tpu.memory_space<hbm>> -> memref<640x128xf32, #tpu.memory_space<hbm>>
      %dma_wait3A_26 = arith.constant 0 : i32
      %dma_wait3A_27 = tpu.memref_slice %arg9[%mul3A_2, %dma_wait3A_26] : memref<10240x128xf32, #tpu.memory_space<vmem_shared>> -> memref<640x128xf32, #tpu.memory_space<vmem_shared>>
      tpu.wait_dma2 semaphore(%run_scoped3A : memref<!tpu.dma_semaphore, #tpu.memory_space<semaphore_mem>>) src(%dma_wait3A_27 : memref<640x128xf32, #tpu.memory_space<vmem_shared>>) dst(%dma_wait3A_25 : memref<640x128xf32, #tpu.memory_space<hbm>>)
      tpu.yield
    }) : () -> ()
    return
  }
}

#map = affine_map<(d0, d1) -> (0, 0)>
module attributes {stable_mosaic.version = 14 : i64} {
  func.func @_agg_kernel(%arg0: i32, %arg1: i32, %arg2: memref<10000x128xf32, #tpu.memory_space<hbm>>, %arg3: memref<5120x128xi32, #tpu.memory_space<hbm>>, %arg4: memref<128x128xf32, #tpu.memory_space<hbm>>, %arg5: memref<20480x128xf32, #tpu.memory_space<hbm>>, %arg6: memref<32x128xi32, #tpu.memory_space<vmem>>, %arg7: memref<128x128xf32, #tpu.memory_space<vmem>>, %arg8: memref<128x128xf32, #tpu.memory_space<vmem>>, %arg9: memref<10240x128xf32, #tpu.memory_space<vmem_shared>>, %arg10: memref<!tpu.dma_semaphore, #tpu.memory_space<semaphore_mem>>, %arg11: memref<!tpu.dma_semaphore, #tpu.memory_space<semaphore_mem>>) attributes {dimension_semantics = [#tpu.dimension_semantics<core_parallel>, #tpu.dimension_semantics<subcore_parallel>], iteration_bounds = array<i64: 2, 16>, scalar_prefetch = 0 : i64, scratch_operands = 6 : i64, tpu.core_type = #tpu.core_type<sc_vector_subcore>, window_params = [{transform_indices = #map}, {transform_indices = #map}, {transform_indices = #map}, {transform_indices = #map}]} {
    %mul3A = arith.constant 2 : i32
    %mul3A_0 = arith.muli %arg1, %mul3A : i32
    %add3A = arith.addi %mul3A_0, %arg0 : i32
    %mul3A_1 = arith.constant 640 : i32
    %mul3A_2 = arith.muli %arg1, %mul3A_1 : i32
    "tpu.region"() ({
      %run_scoped3A = tpu.sem_alloc : memref<!tpu.dma_semaphore, #tpu.memory_space<semaphore_mem>>
      tpu.enqueue_dma source(%arg4 : memref<128x128xf32, #tpu.memory_space<hbm>>) target(%arg7 : memref<128x128xf32, #tpu.memory_space<vmem>>) target_semaphore(%run_scoped3A : memref<!tpu.dma_semaphore, #tpu.memory_space<semaphore_mem>>)
      tpu.wait_dma2 semaphore(%run_scoped3A : memref<!tpu.dma_semaphore, #tpu.memory_space<semaphore_mem>>) src(%arg4 : memref<128x128xf32, #tpu.memory_space<hbm>>) dst(%arg7 : memref<128x128xf32, #tpu.memory_space<vmem>>)
      tpu.yield
    }) : () -> ()
    %add3A_3 = arith.constant 0 : i32
    %add3A_4 = arith.addi %mul3A_2, %add3A_3 : i32
    "tpu.region"() ({
      %run_scoped3A = tpu.sem_alloc : memref<!tpu.dma_semaphore, #tpu.memory_space<semaphore_mem>>
      %dma_start3A = arith.constant 0 : i32
      %dma_start3A_22 = tpu.memref_slice %arg9[%add3A_4, %dma_start3A] : memref<10240x128xf32, #tpu.memory_space<vmem_shared>> -> memref<128x128xf32, #tpu.memory_space<vmem_shared>>
      %dma_start3A_23 = arith.constant 0 : i32
      %dma_start3A_24 = tpu.memref_slice %arg9[%add3A_4, %dma_start3A_23] : memref<10240x128xf32, #tpu.memory_space<vmem_shared>> -> memref<128x128xf32, #tpu.memory_space<vmem_shared>>
      tpu.enqueue_dma source(%arg7 : memref<128x128xf32, #tpu.memory_space<vmem>>) target(%dma_start3A_24 : memref<128x128xf32, #tpu.memory_space<vmem_shared>>) target_semaphore(%run_scoped3A : memref<!tpu.dma_semaphore, #tpu.memory_space<semaphore_mem>>)
      %dma_wait3A = arith.constant 0 : i32
      %dma_wait3A_25 = tpu.memref_slice %arg9[%add3A_4, %dma_wait3A] : memref<10240x128xf32, #tpu.memory_space<vmem_shared>> -> memref<128x128xf32, #tpu.memory_space<vmem_shared>>
      %dma_wait3A_26 = arith.constant 0 : i32
      %dma_wait3A_27 = tpu.memref_slice %arg9[%add3A_4, %dma_wait3A_26] : memref<10240x128xf32, #tpu.memory_space<vmem_shared>> -> memref<128x128xf32, #tpu.memory_space<vmem_shared>>
      tpu.wait_dma2 semaphore(%run_scoped3A : memref<!tpu.dma_semaphore, #tpu.memory_space<semaphore_mem>>) src(%arg7 : memref<128x128xf32, #tpu.memory_space<vmem>>) dst(%dma_wait3A_27 : memref<128x128xf32, #tpu.memory_space<vmem_shared>>)
      tpu.yield
    }) : () -> ()
    %add3A_5 = arith.constant 128 : i32
    %add3A_6 = arith.addi %mul3A_2, %add3A_5 : i32
    "tpu.region"() ({
      %run_scoped3A = tpu.sem_alloc : memref<!tpu.dma_semaphore, #tpu.memory_space<semaphore_mem>>
      %dma_start3A = arith.constant 0 : i32
      %dma_start3A_22 = tpu.memref_slice %arg9[%add3A_6, %dma_start3A] : memref<10240x128xf32, #tpu.memory_space<vmem_shared>> -> memref<128x128xf32, #tpu.memory_space<vmem_shared>>
      %dma_start3A_23 = arith.constant 0 : i32
      %dma_start3A_24 = tpu.memref_slice %arg9[%add3A_6, %dma_start3A_23] : memref<10240x128xf32, #tpu.memory_space<vmem_shared>> -> memref<128x128xf32, #tpu.memory_space<vmem_shared>>
      tpu.enqueue_dma source(%arg7 : memref<128x128xf32, #tpu.memory_space<vmem>>) target(%dma_start3A_24 : memref<128x128xf32, #tpu.memory_space<vmem_shared>>) target_semaphore(%run_scoped3A : memref<!tpu.dma_semaphore, #tpu.memory_space<semaphore_mem>>)
      %dma_wait3A = arith.constant 0 : i32
      %dma_wait3A_25 = tpu.memref_slice %arg9[%add3A_6, %dma_wait3A] : memref<10240x128xf32, #tpu.memory_space<vmem_shared>> -> memref<128x128xf32, #tpu.memory_space<vmem_shared>>
      %dma_wait3A_26 = arith.constant 0 : i32
      %dma_wait3A_27 = tpu.memref_slice %arg9[%add3A_6, %dma_wait3A_26] : memref<10240x128xf32, #tpu.memory_space<vmem_shared>> -> memref<128x128xf32, #tpu.memory_space<vmem_shared>>
      tpu.wait_dma2 semaphore(%run_scoped3A : memref<!tpu.dma_semaphore, #tpu.memory_space<semaphore_mem>>) src(%arg7 : memref<128x128xf32, #tpu.memory_space<vmem>>) dst(%dma_wait3A_27 : memref<128x128xf32, #tpu.memory_space<vmem_shared>>)
      tpu.yield
    }) : () -> ()
    %add3A_7 = arith.constant 256 : i32
    %add3A_8 = arith.addi %mul3A_2, %add3A_7 : i32
    "tpu.region"() ({
      %run_scoped3A = tpu.sem_alloc : memref<!tpu.dma_semaphore, #tpu.memory_space<semaphore_mem>>
      %dma_start3A = arith.constant 0 : i32
      %dma_start3A_22 = tpu.memref_slice %arg9[%add3A_8, %dma_start3A] : memref<10240x128xf32, #tpu.memory_space<vmem_shared>> -> memref<128x128xf32, #tpu.memory_space<vmem_shared>>
      %dma_start3A_23 = arith.constant 0 : i32
      %dma_start3A_24 = tpu.memref_slice %arg9[%add3A_8, %dma_start3A_23] : memref<10240x128xf32, #tpu.memory_space<vmem_shared>> -> memref<128x128xf32, #tpu.memory_space<vmem_shared>>
      tpu.enqueue_dma source(%arg7 : memref<128x128xf32, #tpu.memory_space<vmem>>) target(%dma_start3A_24 : memref<128x128xf32, #tpu.memory_space<vmem_shared>>) target_semaphore(%run_scoped3A : memref<!tpu.dma_semaphore, #tpu.memory_space<semaphore_mem>>)
      %dma_wait3A = arith.constant 0 : i32
      %dma_wait3A_25 = tpu.memref_slice %arg9[%add3A_8, %dma_wait3A] : memref<10240x128xf32, #tpu.memory_space<vmem_shared>> -> memref<128x128xf32, #tpu.memory_space<vmem_shared>>
      %dma_wait3A_26 = arith.constant 0 : i32
      %dma_wait3A_27 = tpu.memref_slice %arg9[%add3A_8, %dma_wait3A_26] : memref<10240x128xf32, #tpu.memory_space<vmem_shared>> -> memref<128x128xf32, #tpu.memory_space<vmem_shared>>
      tpu.wait_dma2 semaphore(%run_scoped3A : memref<!tpu.dma_semaphore, #tpu.memory_space<semaphore_mem>>) src(%arg7 : memref<128x128xf32, #tpu.memory_space<vmem>>) dst(%dma_wait3A_27 : memref<128x128xf32, #tpu.memory_space<vmem_shared>>)
      tpu.yield
    }) : () -> ()
    %add3A_9 = arith.constant 384 : i32
    %add3A_10 = arith.addi %mul3A_2, %add3A_9 : i32
    "tpu.region"() ({
      %run_scoped3A = tpu.sem_alloc : memref<!tpu.dma_semaphore, #tpu.memory_space<semaphore_mem>>
      %dma_start3A = arith.constant 0 : i32
      %dma_start3A_22 = tpu.memref_slice %arg9[%add3A_10, %dma_start3A] : memref<10240x128xf32, #tpu.memory_space<vmem_shared>> -> memref<128x128xf32, #tpu.memory_space<vmem_shared>>
      %dma_start3A_23 = arith.constant 0 : i32
      %dma_start3A_24 = tpu.memref_slice %arg9[%add3A_10, %dma_start3A_23] : memref<10240x128xf32, #tpu.memory_space<vmem_shared>> -> memref<128x128xf32, #tpu.memory_space<vmem_shared>>
      tpu.enqueue_dma source(%arg7 : memref<128x128xf32, #tpu.memory_space<vmem>>) target(%dma_start3A_24 : memref<128x128xf32, #tpu.memory_space<vmem_shared>>) target_semaphore(%run_scoped3A : memref<!tpu.dma_semaphore, #tpu.memory_space<semaphore_mem>>)
      %dma_wait3A = arith.constant 0 : i32
      %dma_wait3A_25 = tpu.memref_slice %arg9[%add3A_10, %dma_wait3A] : memref<10240x128xf32, #tpu.memory_space<vmem_shared>> -> memref<128x128xf32, #tpu.memory_space<vmem_shared>>
      %dma_wait3A_26 = arith.constant 0 : i32
      %dma_wait3A_27 = tpu.memref_slice %arg9[%add3A_10, %dma_wait3A_26] : memref<10240x128xf32, #tpu.memory_space<vmem_shared>> -> memref<128x128xf32, #tpu.memory_space<vmem_shared>>
      tpu.wait_dma2 semaphore(%run_scoped3A : memref<!tpu.dma_semaphore, #tpu.memory_space<semaphore_mem>>) src(%arg7 : memref<128x128xf32, #tpu.memory_space<vmem>>) dst(%dma_wait3A_27 : memref<128x128xf32, #tpu.memory_space<vmem_shared>>)
      tpu.yield
    }) : () -> ()
    %add3A_11 = arith.constant 512 : i32
    %add3A_12 = arith.addi %mul3A_2, %add3A_11 : i32
    "tpu.region"() ({
      %run_scoped3A = tpu.sem_alloc : memref<!tpu.dma_semaphore, #tpu.memory_space<semaphore_mem>>
      %dma_start3A = arith.constant 0 : i32
      %dma_start3A_22 = tpu.memref_slice %arg9[%add3A_12, %dma_start3A] : memref<10240x128xf32, #tpu.memory_space<vmem_shared>> -> memref<128x128xf32, #tpu.memory_space<vmem_shared>>
      %dma_start3A_23 = arith.constant 0 : i32
      %dma_start3A_24 = tpu.memref_slice %arg9[%add3A_12, %dma_start3A_23] : memref<10240x128xf32, #tpu.memory_space<vmem_shared>> -> memref<128x128xf32, #tpu.memory_space<vmem_shared>>
      tpu.enqueue_dma source(%arg7 : memref<128x128xf32, #tpu.memory_space<vmem>>) target(%dma_start3A_24 : memref<128x128xf32, #tpu.memory_space<vmem_shared>>) target_semaphore(%run_scoped3A : memref<!tpu.dma_semaphore, #tpu.memory_space<semaphore_mem>>)
      %dma_wait3A = arith.constant 0 : i32
      %dma_wait3A_25 = tpu.memref_slice %arg9[%add3A_12, %dma_wait3A] : memref<10240x128xf32, #tpu.memory_space<vmem_shared>> -> memref<128x128xf32, #tpu.memory_space<vmem_shared>>
      %dma_wait3A_26 = arith.constant 0 : i32
      %dma_wait3A_27 = tpu.memref_slice %arg9[%add3A_12, %dma_wait3A_26] : memref<10240x128xf32, #tpu.memory_space<vmem_shared>> -> memref<128x128xf32, #tpu.memory_space<vmem_shared>>
      tpu.wait_dma2 semaphore(%run_scoped3A : memref<!tpu.dma_semaphore, #tpu.memory_space<semaphore_mem>>) src(%arg7 : memref<128x128xf32, #tpu.memory_space<vmem>>) dst(%dma_wait3A_27 : memref<128x128xf32, #tpu.memory_space<vmem_shared>>)
      tpu.yield
    }) : () -> ()
    %barrier3A = arith.constant 0 : index
    tpu.barrier barrier_id(%barrier3A)
    %scan3A = arith.constant 0 : i32
    %scan3A_13 = arith.constant 0 : i32
    %scan3A_14 = arith.constant 5 : i32
    %scan3A_15 = arith.addi %scan3A_13, %scan3A_14 : i32
    %scan3A_16 = arith.constant 1 : i32
    scf.for %scan3A_22 = %scan3A_13 to %scan3A_15 step %scan3A_16  : i32 {
      %mul3A_23 = arith.constant 80 : i32
      %mul3A_24 = arith.muli %add3A, %mul3A_23 : i32
      %mul3A_25 = arith.constant 16 : i32
      %mul3A_26 = arith.muli %scan3A_22, %mul3A_25 : i32
      %add3A_27 = arith.addi %mul3A_24, %mul3A_26 : i32
      %mul3A_28 = arith.constant 2 : i32
      %mul3A_29 = arith.muli %mul3A_28, %add3A_27 : i32
      "tpu.region"() ({
        %run_scoped3A_267 = tpu.sem_alloc : memref<!tpu.dma_semaphore, #tpu.memory_space<semaphore_mem>>
        %dma_start3A_268 = arith.constant 0 : i32
        %dma_start3A_269 = tpu.memref_slice %arg3[%mul3A_29, %dma_start3A_268] : memref<5120x128xi32, #tpu.memory_space<hbm>> -> memref<32x128xi32, #tpu.memory_space<hbm>>
        %dma_start3A_270 = arith.constant 0 : i32
        %dma_start3A_271 = tpu.memref_slice %arg3[%mul3A_29, %dma_start3A_270] : memref<5120x128xi32, #tpu.memory_space<hbm>> -> memref<32x128xi32, #tpu.memory_space<hbm>>
        tpu.enqueue_dma source(%dma_start3A_271 : memref<32x128xi32, #tpu.memory_space<hbm>>) target(%arg6 : memref<32x128xi32, #tpu.memory_space<vmem>>) target_semaphore(%run_scoped3A_267 : memref<!tpu.dma_semaphore, #tpu.memory_space<semaphore_mem>>)
        %dma_wait3A_272 = arith.constant 0 : i32
        %dma_wait3A_273 = tpu.memref_slice %arg3[%mul3A_29, %dma_wait3A_272] : memref<5120x128xi32, #tpu.memory_space<hbm>> -> memref<32x128xi32, #tpu.memory_space<hbm>>
        %dma_wait3A_274 = arith.constant 0 : i32
        %dma_wait3A_275 = tpu.memref_slice %arg3[%mul3A_29, %dma_wait3A_274] : memref<5120x128xi32, #tpu.memory_space<hbm>> -> memref<32x128xi32, #tpu.memory_space<hbm>>
        tpu.wait_dma2 semaphore(%run_scoped3A_267 : memref<!tpu.dma_semaphore, #tpu.memory_space<semaphore_mem>>) src(%dma_wait3A_275 : memref<32x128xi32, #tpu.memory_space<hbm>>) dst(%arg6 : memref<32x128xi32, #tpu.memory_space<vmem>>)
        tpu.yield
      }) : () -> ()
      %dma_start3A = arith.constant 0 : i32
      %dma_start3A_30 = arith.constant 0 : i32
      %dma_start3A_31 = tpu.memref_slice %arg6[%dma_start3A, %dma_start3A_30] : memref<32x128xi32, #tpu.memory_space<vmem>> -> memref<1x128xi32, #tpu.memory_space<vmem>>
      %dma_start3A_32 = tpu.memref_squeeze %dma_start3A_31 : memref<1x128xi32, #tpu.memory_space<vmem>> -> memref<128xi32, #tpu.memory_space<vmem>>
      %dma_start3A_33 = arith.constant 0 : i32
      %dma_start3A_34 = arith.constant 0 : i32
      %dma_start3A_35 = tpu.memref_slice %arg2[%dma_start3A_33, %dma_start3A_34] : memref<10000x128xf32, #tpu.memory_space<hbm>> -> memref<10000x128xf32, #tpu.memory_space<hbm>>
      tpu.enqueue_indirect_dma source(%dma_start3A_35 : memref<10000x128xf32, #tpu.memory_space<hbm>>) target(%arg7 : memref<128x128xf32, #tpu.memory_space<vmem>>) offsets(%dma_start3A_32 : memref<128xi32, #tpu.memory_space<vmem>>) semaphore(%arg10 : memref<!tpu.dma_semaphore, #tpu.memory_space<semaphore_mem>>)
      %dma_start3A_36 = arith.constant 2 : i32
      %dma_start3A_37 = arith.constant 0 : i32
      %dma_start3A_38 = tpu.memref_slice %arg6[%dma_start3A_36, %dma_start3A_37] : memref<32x128xi32, #tpu.memory_space<vmem>> -> memref<1x128xi32, #tpu.memory_space<vmem>>
      %dma_start3A_39 = tpu.memref_squeeze %dma_start3A_38 : memref<1x128xi32, #tpu.memory_space<vmem>> -> memref<128xi32, #tpu.memory_space<vmem>>
      %dma_start3A_40 = arith.constant 0 : i32
      %dma_start3A_41 = arith.constant 0 : i32
      %dma_start3A_42 = tpu.memref_slice %arg2[%dma_start3A_40, %dma_start3A_41] : memref<10000x128xf32, #tpu.memory_space<hbm>> -> memref<10000x128xf32, #tpu.memory_space<hbm>>
      tpu.enqueue_indirect_dma source(%dma_start3A_42 : memref<10000x128xf32, #tpu.memory_space<hbm>>) target(%arg8 : memref<128x128xf32, #tpu.memory_space<vmem>>) offsets(%dma_start3A_39 : memref<128xi32, #tpu.memory_space<vmem>>) semaphore(%arg11 : memref<!tpu.dma_semaphore, #tpu.memory_space<semaphore_mem>>)
      %dma_wait3A = arith.constant 0 : i32
      %dma_wait3A_43 = arith.constant 0 : i32
      %dma_wait3A_44 = tpu.memref_slice %arg6[%dma_wait3A, %dma_wait3A_43] : memref<32x128xi32, #tpu.memory_space<vmem>> -> memref<1x128xi32, #tpu.memory_space<vmem>>
      %dma_wait3A_45 = tpu.memref_squeeze %dma_wait3A_44 : memref<1x128xi32, #tpu.memory_space<vmem>> -> memref<128xi32, #tpu.memory_space<vmem>>
      %dma_wait3A_46 = arith.constant 0 : i32
      %dma_wait3A_47 = arith.constant 0 : i32
      %dma_wait3A_48 = tpu.memref_slice %arg2[%dma_wait3A_46, %dma_wait3A_47] : memref<10000x128xf32, #tpu.memory_space<hbm>> -> memref<10000x128xf32, #tpu.memory_space<hbm>>
      tpu.wait_indirect_dma semaphore(%arg10 : memref<!tpu.dma_semaphore, #tpu.memory_space<semaphore_mem>>) src(%dma_wait3A_48 : memref<10000x128xf32, #tpu.memory_space<hbm>>) dst(%arg7 : memref<128x128xf32, #tpu.memory_space<vmem>>)
      %run_scoped3A = arith.constant 1 : i32
      "tpu.region"() ({
        %run_scoped3A_267 = tpu.sem_alloc : memref<!tpu.dma_semaphore, #tpu.memory_space<semaphore_mem>>
        %dma_start3A_268 = arith.constant 0 : i32
        %dma_start3A_269 = tpu.memref_slice %arg6[%run_scoped3A, %dma_start3A_268] : memref<32x128xi32, #tpu.memory_space<vmem>> -> memref<1x128xi32, #tpu.memory_space<vmem>>
        %dma_start3A_270 = tpu.memref_squeeze %dma_start3A_269 : memref<1x128xi32, #tpu.memory_space<vmem>> -> memref<128xi32, #tpu.memory_space<vmem>>
        %dma_start3A_271 = arith.constant 0 : i32
        %dma_start3A_272 = arith.constant 0 : i32
        %dma_start3A_273 = tpu.memref_slice %arg9[%dma_start3A_271, %dma_start3A_272] : memref<10240x128xf32, #tpu.memory_space<vmem_shared>> -> memref<10240x128xf32, #tpu.memory_space<vmem_shared>>
        tpu.enqueue_indirect_dma source(%arg7 : memref<128x128xf32, #tpu.memory_space<vmem>>) target(%dma_start3A_273 : memref<10240x128xf32, #tpu.memory_space<vmem_shared>>) offsets(%dma_start3A_270 : memref<128xi32, #tpu.memory_space<vmem>>) semaphore(%run_scoped3A_267 : memref<!tpu.dma_semaphore, #tpu.memory_space<semaphore_mem>>) {add = true}
        %dma_wait3A_274 = arith.constant 0 : i32
        %dma_wait3A_275 = tpu.memref_slice %arg6[%run_scoped3A, %dma_wait3A_274] : memref<32x128xi32, #tpu.memory_space<vmem>> -> memref<1x128xi32, #tpu.memory_space<vmem>>
        %dma_wait3A_276 = tpu.memref_squeeze %dma_wait3A_275 : memref<1x128xi32, #tpu.memory_space<vmem>> -> memref<128xi32, #tpu.memory_space<vmem>>
        %dma_wait3A_277 = arith.constant 0 : i32
        %dma_wait3A_278 = arith.constant 0 : i32
        %dma_wait3A_279 = tpu.memref_slice %arg9[%dma_wait3A_277, %dma_wait3A_278] : memref<10240x128xf32, #tpu.memory_space<vmem_shared>> -> memref<10240x128xf32, #tpu.memory_space<vmem_shared>>
        tpu.wait_indirect_dma semaphore(%run_scoped3A_267 : memref<!tpu.dma_semaphore, #tpu.memory_space<semaphore_mem>>) src(%arg7 : memref<128x128xf32, #tpu.memory_space<vmem>>) dst(%dma_wait3A_279 : memref<10240x128xf32, #tpu.memory_space<vmem_shared>>)
        tpu.yield
      }) : () -> ()
      %dma_start3A_49 = arith.constant 4 : i32
      %dma_start3A_50 = arith.constant 0 : i32
      %dma_start3A_51 = tpu.memref_slice %arg6[%dma_start3A_49, %dma_start3A_50] : memref<32x128xi32, #tpu.memory_space<vmem>> -> memref<1x128xi32, #tpu.memory_space<vmem>>
      %dma_start3A_52 = tpu.memref_squeeze %dma_start3A_51 : memref<1x128xi32, #tpu.memory_space<vmem>> -> memref<128xi32, #tpu.memory_space<vmem>>
      %dma_start3A_53 = arith.constant 0 : i32
      %dma_start3A_54 = arith.constant 0 : i32
      %dma_start3A_55 = tpu.memref_slice %arg2[%dma_start3A_53, %dma_start3A_54] : memref<10000x128xf32, #tpu.memory_space<hbm>> -> memref<10000x128xf32, #tpu.memory_space<hbm>>
      tpu.enqueue_indirect_dma source(%dma_start3A_55 : memref<10000x128xf32, #tpu.memory_space<hbm>>) target(%arg7 : memref<128x128xf32, #tpu.memory_space<vmem>>) offsets(%dma_start3A_52 : memref<128xi32, #tpu.memory_space<vmem>>) semaphore(%arg10 : memref<!tpu.dma_semaphore, #tpu.memory_space<semaphore_mem>>)
      %dma_wait3A_56 = arith.constant 2 : i32
      %dma_wait3A_57 = arith.constant 0 : i32
      %dma_wait3A_58 = tpu.memref_slice %arg6[%dma_wait3A_56, %dma_wait3A_57] : memref<32x128xi32, #tpu.memory_space<vmem>> -> memref<1x128xi32, #tpu.memory_space<vmem>>
      %dma_wait3A_59 = tpu.memref_squeeze %dma_wait3A_58 : memref<1x128xi32, #tpu.memory_space<vmem>> -> memref<128xi32, #tpu.memory_space<vmem>>
      %dma_wait3A_60 = arith.constant 0 : i32
      %dma_wait3A_61 = arith.constant 0 : i32
      %dma_wait3A_62 = tpu.memref_slice %arg2[%dma_wait3A_60, %dma_wait3A_61] : memref<10000x128xf32, #tpu.memory_space<hbm>> -> memref<10000x128xf32, #tpu.memory_space<hbm>>
      tpu.wait_indirect_dma semaphore(%arg11 : memref<!tpu.dma_semaphore, #tpu.memory_space<semaphore_mem>>) src(%dma_wait3A_62 : memref<10000x128xf32, #tpu.memory_space<hbm>>) dst(%arg8 : memref<128x128xf32, #tpu.memory_space<vmem>>)
      %run_scoped3A_63 = arith.constant 3 : i32
      "tpu.region"() ({
        %run_scoped3A_267 = tpu.sem_alloc : memref<!tpu.dma_semaphore, #tpu.memory_space<semaphore_mem>>
        %dma_start3A_268 = arith.constant 0 : i32
        %dma_start3A_269 = tpu.memref_slice %arg6[%run_scoped3A_63, %dma_start3A_268] : memref<32x128xi32, #tpu.memory_space<vmem>> -> memref<1x128xi32, #tpu.memory_space<vmem>>
        %dma_start3A_270 = tpu.memref_squeeze %dma_start3A_269 : memref<1x128xi32, #tpu.memory_space<vmem>> -> memref<128xi32, #tpu.memory_space<vmem>>
        %dma_start3A_271 = arith.constant 0 : i32
        %dma_start3A_272 = arith.constant 0 : i32
        %dma_start3A_273 = tpu.memref_slice %arg9[%dma_start3A_271, %dma_start3A_272] : memref<10240x128xf32, #tpu.memory_space<vmem_shared>> -> memref<10240x128xf32, #tpu.memory_space<vmem_shared>>
        tpu.enqueue_indirect_dma source(%arg8 : memref<128x128xf32, #tpu.memory_space<vmem>>) target(%dma_start3A_273 : memref<10240x128xf32, #tpu.memory_space<vmem_shared>>) offsets(%dma_start3A_270 : memref<128xi32, #tpu.memory_space<vmem>>) semaphore(%run_scoped3A_267 : memref<!tpu.dma_semaphore, #tpu.memory_space<semaphore_mem>>) {add = true}
        %dma_wait3A_274 = arith.constant 0 : i32
        %dma_wait3A_275 = tpu.memref_slice %arg6[%run_scoped3A_63, %dma_wait3A_274] : memref<32x128xi32, #tpu.memory_space<vmem>> -> memref<1x128xi32, #tpu.memory_space<vmem>>
        %dma_wait3A_276 = tpu.memref_squeeze %dma_wait3A_275 : memref<1x128xi32, #tpu.memory_space<vmem>> -> memref<128xi32, #tpu.memory_space<vmem>>
        %dma_wait3A_277 = arith.constant 0 : i32
        %dma_wait3A_278 = arith.constant 0 : i32
        %dma_wait3A_279 = tpu.memref_slice %arg9[%dma_wait3A_277, %dma_wait3A_278] : memref<10240x128xf32, #tpu.memory_space<vmem_shared>> -> memref<10240x128xf32, #tpu.memory_space<vmem_shared>>
        tpu.wait_indirect_dma semaphore(%run_scoped3A_267 : memref<!tpu.dma_semaphore, #tpu.memory_space<semaphore_mem>>) src(%arg8 : memref<128x128xf32, #tpu.memory_space<vmem>>) dst(%dma_wait3A_279 : memref<10240x128xf32, #tpu.memory_space<vmem_shared>>)
        tpu.yield
      }) : () -> ()
      %dma_start3A_64 = arith.constant 6 : i32
      %dma_start3A_65 = arith.constant 0 : i32
      %dma_start3A_66 = tpu.memref_slice %arg6[%dma_start3A_64, %dma_start3A_65] : memref<32x128xi32, #tpu.memory_space<vmem>> -> memref<1x128xi32, #tpu.memory_space<vmem>>
      %dma_start3A_67 = tpu.memref_squeeze %dma_start3A_66 : memref<1x128xi32, #tpu.memory_space<vmem>> -> memref<128xi32, #tpu.memory_space<vmem>>
      %dma_start3A_68 = arith.constant 0 : i32
      %dma_start3A_69 = arith.constant 0 : i32
      %dma_start3A_70 = tpu.memref_slice %arg2[%dma_start3A_68, %dma_start3A_69] : memref<10000x128xf32, #tpu.memory_space<hbm>> -> memref<10000x128xf32, #tpu.memory_space<hbm>>
      tpu.enqueue_indirect_dma source(%dma_start3A_70 : memref<10000x128xf32, #tpu.memory_space<hbm>>) target(%arg8 : memref<128x128xf32, #tpu.memory_space<vmem>>) offsets(%dma_start3A_67 : memref<128xi32, #tpu.memory_space<vmem>>) semaphore(%arg11 : memref<!tpu.dma_semaphore, #tpu.memory_space<semaphore_mem>>)
      %dma_wait3A_71 = arith.constant 4 : i32
      %dma_wait3A_72 = arith.constant 0 : i32
      %dma_wait3A_73 = tpu.memref_slice %arg6[%dma_wait3A_71, %dma_wait3A_72] : memref<32x128xi32, #tpu.memory_space<vmem>> -> memref<1x128xi32, #tpu.memory_space<vmem>>
      %dma_wait3A_74 = tpu.memref_squeeze %dma_wait3A_73 : memref<1x128xi32, #tpu.memory_space<vmem>> -> memref<128xi32, #tpu.memory_space<vmem>>
      %dma_wait3A_75 = arith.constant 0 : i32
      %dma_wait3A_76 = arith.constant 0 : i32
      %dma_wait3A_77 = tpu.memref_slice %arg2[%dma_wait3A_75, %dma_wait3A_76] : memref<10000x128xf32, #tpu.memory_space<hbm>> -> memref<10000x128xf32, #tpu.memory_space<hbm>>
      tpu.wait_indirect_dma semaphore(%arg10 : memref<!tpu.dma_semaphore, #tpu.memory_space<semaphore_mem>>) src(%dma_wait3A_77 : memref<10000x128xf32, #tpu.memory_space<hbm>>) dst(%arg7 : memref<128x128xf32, #tpu.memory_space<vmem>>)
      %run_scoped3A_78 = arith.constant 5 : i32
      "tpu.region"() ({
        %run_scoped3A_267 = tpu.sem_alloc : memref<!tpu.dma_semaphore, #tpu.memory_space<semaphore_mem>>
        %dma_start3A_268 = arith.constant 0 : i32
        %dma_start3A_269 = tpu.memref_slice %arg6[%run_scoped3A_78, %dma_start3A_268] : memref<32x128xi32, #tpu.memory_space<vmem>> -> memref<1x128xi32, #tpu.memory_space<vmem>>
        %dma_start3A_270 = tpu.memref_squeeze %dma_start3A_269 : memref<1x128xi32, #tpu.memory_space<vmem>> -> memref<128xi32, #tpu.memory_space<vmem>>
        %dma_start3A_271 = arith.constant 0 : i32
        %dma_start3A_272 = arith.constant 0 : i32
        %dma_start3A_273 = tpu.memref_slice %arg9[%dma_start3A_271, %dma_start3A_272] : memref<10240x128xf32, #tpu.memory_space<vmem_shared>> -> memref<10240x128xf32, #tpu.memory_space<vmem_shared>>
        tpu.enqueue_indirect_dma source(%arg7 : memref<128x128xf32, #tpu.memory_space<vmem>>) target(%dma_start3A_273 : memref<10240x128xf32, #tpu.memory_space<vmem_shared>>) offsets(%dma_start3A_270 : memref<128xi32, #tpu.memory_space<vmem>>) semaphore(%run_scoped3A_267 : memref<!tpu.dma_semaphore, #tpu.memory_space<semaphore_mem>>) {add = true}
        %dma_wait3A_274 = arith.constant 0 : i32
        %dma_wait3A_275 = tpu.memref_slice %arg6[%run_scoped3A_78, %dma_wait3A_274] : memref<32x128xi32, #tpu.memory_space<vmem>> -> memref<1x128xi32, #tpu.memory_space<vmem>>
        %dma_wait3A_276 = tpu.memref_squeeze %dma_wait3A_275 : memref<1x128xi32, #tpu.memory_space<vmem>> -> memref<128xi32, #tpu.memory_space<vmem>>
        %dma_wait3A_277 = arith.constant 0 : i32
        %dma_wait3A_278 = arith.constant 0 : i32
        %dma_wait3A_279 = tpu.memref_slice %arg9[%dma_wait3A_277, %dma_wait3A_278] : memref<10240x128xf32, #tpu.memory_space<vmem_shared>> -> memref<10240x128xf32, #tpu.memory_space<vmem_shared>>
        tpu.wait_indirect_dma semaphore(%run_scoped3A_267 : memref<!tpu.dma_semaphore, #tpu.memory_space<semaphore_mem>>) src(%arg7 : memref<128x128xf32, #tpu.memory_space<vmem>>) dst(%dma_wait3A_279 : memref<10240x128xf32, #tpu.memory_space<vmem_shared>>)
        tpu.yield
      }) : () -> ()
      %dma_start3A_79 = arith.constant 8 : i32
      %dma_start3A_80 = arith.constant 0 : i32
      %dma_start3A_81 = tpu.memref_slice %arg6[%dma_start3A_79, %dma_start3A_80] : memref<32x128xi32, #tpu.memory_space<vmem>> -> memref<1x128xi32, #tpu.memory_space<vmem>>
      %dma_start3A_82 = tpu.memref_squeeze %dma_start3A_81 : memref<1x128xi32, #tpu.memory_space<vmem>> -> memref<128xi32, #tpu.memory_space<vmem>>
      %dma_start3A_83 = arith.constant 0 : i32
      %dma_start3A_84 = arith.constant 0 : i32
      %dma_start3A_85 = tpu.memref_slice %arg2[%dma_start3A_83, %dma_start3A_84] : memref<10000x128xf32, #tpu.memory_space<hbm>> -> memref<10000x128xf32, #tpu.memory_space<hbm>>
      tpu.enqueue_indirect_dma source(%dma_start3A_85 : memref<10000x128xf32, #tpu.memory_space<hbm>>) target(%arg7 : memref<128x128xf32, #tpu.memory_space<vmem>>) offsets(%dma_start3A_82 : memref<128xi32, #tpu.memory_space<vmem>>) semaphore(%arg10 : memref<!tpu.dma_semaphore, #tpu.memory_space<semaphore_mem>>)
      %dma_wait3A_86 = arith.constant 6 : i32
      %dma_wait3A_87 = arith.constant 0 : i32
      %dma_wait3A_88 = tpu.memref_slice %arg6[%dma_wait3A_86, %dma_wait3A_87] : memref<32x128xi32, #tpu.memory_space<vmem>> -> memref<1x128xi32, #tpu.memory_space<vmem>>
      %dma_wait3A_89 = tpu.memref_squeeze %dma_wait3A_88 : memref<1x128xi32, #tpu.memory_space<vmem>> -> memref<128xi32, #tpu.memory_space<vmem>>
      %dma_wait3A_90 = arith.constant 0 : i32
      %dma_wait3A_91 = arith.constant 0 : i32
      %dma_wait3A_92 = tpu.memref_slice %arg2[%dma_wait3A_90, %dma_wait3A_91] : memref<10000x128xf32, #tpu.memory_space<hbm>> -> memref<10000x128xf32, #tpu.memory_space<hbm>>
      tpu.wait_indirect_dma semaphore(%arg11 : memref<!tpu.dma_semaphore, #tpu.memory_space<semaphore_mem>>) src(%dma_wait3A_92 : memref<10000x128xf32, #tpu.memory_space<hbm>>) dst(%arg8 : memref<128x128xf32, #tpu.memory_space<vmem>>)
      %run_scoped3A_93 = arith.constant 7 : i32
      "tpu.region"() ({
        %run_scoped3A_267 = tpu.sem_alloc : memref<!tpu.dma_semaphore, #tpu.memory_space<semaphore_mem>>
        %dma_start3A_268 = arith.constant 0 : i32
        %dma_start3A_269 = tpu.memref_slice %arg6[%run_scoped3A_93, %dma_start3A_268] : memref<32x128xi32, #tpu.memory_space<vmem>> -> memref<1x128xi32, #tpu.memory_space<vmem>>
        %dma_start3A_270 = tpu.memref_squeeze %dma_start3A_269 : memref<1x128xi32, #tpu.memory_space<vmem>> -> memref<128xi32, #tpu.memory_space<vmem>>
        %dma_start3A_271 = arith.constant 0 : i32
        %dma_start3A_272 = arith.constant 0 : i32
        %dma_start3A_273 = tpu.memref_slice %arg9[%dma_start3A_271, %dma_start3A_272] : memref<10240x128xf32, #tpu.memory_space<vmem_shared>> -> memref<10240x128xf32, #tpu.memory_space<vmem_shared>>
        tpu.enqueue_indirect_dma source(%arg8 : memref<128x128xf32, #tpu.memory_space<vmem>>) target(%dma_start3A_273 : memref<10240x128xf32, #tpu.memory_space<vmem_shared>>) offsets(%dma_start3A_270 : memref<128xi32, #tpu.memory_space<vmem>>) semaphore(%run_scoped3A_267 : memref<!tpu.dma_semaphore, #tpu.memory_space<semaphore_mem>>) {add = true}
        %dma_wait3A_274 = arith.constant 0 : i32
        %dma_wait3A_275 = tpu.memref_slice %arg6[%run_scoped3A_93, %dma_wait3A_274] : memref<32x128xi32, #tpu.memory_space<vmem>> -> memref<1x128xi32, #tpu.memory_space<vmem>>
        %dma_wait3A_276 = tpu.memref_squeeze %dma_wait3A_275 : memref<1x128xi32, #tpu.memory_space<vmem>> -> memref<128xi32, #tpu.memory_space<vmem>>
        %dma_wait3A_277 = arith.constant 0 : i32
        %dma_wait3A_278 = arith.constant 0 : i32
        %dma_wait3A_279 = tpu.memref_slice %arg9[%dma_wait3A_277, %dma_wait3A_278] : memref<10240x128xf32, #tpu.memory_space<vmem_shared>> -> memref<10240x128xf32, #tpu.memory_space<vmem_shared>>
        tpu.wait_indirect_dma semaphore(%run_scoped3A_267 : memref<!tpu.dma_semaphore, #tpu.memory_space<semaphore_mem>>) src(%arg8 : memref<128x128xf32, #tpu.memory_space<vmem>>) dst(%dma_wait3A_279 : memref<10240x128xf32, #tpu.memory_space<vmem_shared>>)
        tpu.yield
      }) : () -> ()
      %dma_start3A_94 = arith.constant 10 : i32
      %dma_start3A_95 = arith.constant 0 : i32
      %dma_start3A_96 = tpu.memref_slice %arg6[%dma_start3A_94, %dma_start3A_95] : memref<32x128xi32, #tpu.memory_space<vmem>> -> memref<1x128xi32, #tpu.memory_space<vmem>>
      %dma_start3A_97 = tpu.memref_squeeze %dma_start3A_96 : memref<1x128xi32, #tpu.memory_space<vmem>> -> memref<128xi32, #tpu.memory_space<vmem>>
      %dma_start3A_98 = arith.constant 0 : i32
      %dma_start3A_99 = arith.constant 0 : i32
      %dma_start3A_100 = tpu.memref_slice %arg2[%dma_start3A_98, %dma_start3A_99] : memref<10000x128xf32, #tpu.memory_space<hbm>> -> memref<10000x128xf32, #tpu.memory_space<hbm>>
      tpu.enqueue_indirect_dma source(%dma_start3A_100 : memref<10000x128xf32, #tpu.memory_space<hbm>>) target(%arg8 : memref<128x128xf32, #tpu.memory_space<vmem>>) offsets(%dma_start3A_97 : memref<128xi32, #tpu.memory_space<vmem>>) semaphore(%arg11 : memref<!tpu.dma_semaphore, #tpu.memory_space<semaphore_mem>>)
      %dma_wait3A_101 = arith.constant 8 : i32
      %dma_wait3A_102 = arith.constant 0 : i32
      %dma_wait3A_103 = tpu.memref_slice %arg6[%dma_wait3A_101, %dma_wait3A_102] : memref<32x128xi32, #tpu.memory_space<vmem>> -> memref<1x128xi32, #tpu.memory_space<vmem>>
      %dma_wait3A_104 = tpu.memref_squeeze %dma_wait3A_103 : memref<1x128xi32, #tpu.memory_space<vmem>> -> memref<128xi32, #tpu.memory_space<vmem>>
      %dma_wait3A_105 = arith.constant 0 : i32
      %dma_wait3A_106 = arith.constant 0 : i32
      %dma_wait3A_107 = tpu.memref_slice %arg2[%dma_wait3A_105, %dma_wait3A_106] : memref<10000x128xf32, #tpu.memory_space<hbm>> -> memref<10000x128xf32, #tpu.memory_space<hbm>>
      tpu.wait_indirect_dma semaphore(%arg10 : memref<!tpu.dma_semaphore, #tpu.memory_space<semaphore_mem>>) src(%dma_wait3A_107 : memref<10000x128xf32, #tpu.memory_space<hbm>>) dst(%arg7 : memref<128x128xf32, #tpu.memory_space<vmem>>)
      %run_scoped3A_108 = arith.constant 9 : i32
      "tpu.region"() ({
        %run_scoped3A_267 = tpu.sem_alloc : memref<!tpu.dma_semaphore, #tpu.memory_space<semaphore_mem>>
        %dma_start3A_268 = arith.constant 0 : i32
        %dma_start3A_269 = tpu.memref_slice %arg6[%run_scoped3A_108, %dma_start3A_268] : memref<32x128xi32, #tpu.memory_space<vmem>> -> memref<1x128xi32, #tpu.memory_space<vmem>>
        %dma_start3A_270 = tpu.memref_squeeze %dma_start3A_269 : memref<1x128xi32, #tpu.memory_space<vmem>> -> memref<128xi32, #tpu.memory_space<vmem>>
        %dma_start3A_271 = arith.constant 0 : i32
        %dma_start3A_272 = arith.constant 0 : i32
        %dma_start3A_273 = tpu.memref_slice %arg9[%dma_start3A_271, %dma_start3A_272] : memref<10240x128xf32, #tpu.memory_space<vmem_shared>> -> memref<10240x128xf32, #tpu.memory_space<vmem_shared>>
        tpu.enqueue_indirect_dma source(%arg7 : memref<128x128xf32, #tpu.memory_space<vmem>>) target(%dma_start3A_273 : memref<10240x128xf32, #tpu.memory_space<vmem_shared>>) offsets(%dma_start3A_270 : memref<128xi32, #tpu.memory_space<vmem>>) semaphore(%run_scoped3A_267 : memref<!tpu.dma_semaphore, #tpu.memory_space<semaphore_mem>>) {add = true}
        %dma_wait3A_274 = arith.constant 0 : i32
        %dma_wait3A_275 = tpu.memref_slice %arg6[%run_scoped3A_108, %dma_wait3A_274] : memref<32x128xi32, #tpu.memory_space<vmem>> -> memref<1x128xi32, #tpu.memory_space<vmem>>
        %dma_wait3A_276 = tpu.memref_squeeze %dma_wait3A_275 : memref<1x128xi32, #tpu.memory_space<vmem>> -> memref<128xi32, #tpu.memory_space<vmem>>
        %dma_wait3A_277 = arith.constant 0 : i32
        %dma_wait3A_278 = arith.constant 0 : i32
        %dma_wait3A_279 = tpu.memref_slice %arg9[%dma_wait3A_277, %dma_wait3A_278] : memref<10240x128xf32, #tpu.memory_space<vmem_shared>> -> memref<10240x128xf32, #tpu.memory_space<vmem_shared>>
        tpu.wait_indirect_dma semaphore(%run_scoped3A_267 : memref<!tpu.dma_semaphore, #tpu.memory_space<semaphore_mem>>) src(%arg7 : memref<128x128xf32, #tpu.memory_space<vmem>>) dst(%dma_wait3A_279 : memref<10240x128xf32, #tpu.memory_space<vmem_shared>>)
        tpu.yield
      }) : () -> ()
      %dma_start3A_109 = arith.constant 12 : i32
      %dma_start3A_110 = arith.constant 0 : i32
      %dma_start3A_111 = tpu.memref_slice %arg6[%dma_start3A_109, %dma_start3A_110] : memref<32x128xi32, #tpu.memory_space<vmem>> -> memref<1x128xi32, #tpu.memory_space<vmem>>
      %dma_start3A_112 = tpu.memref_squeeze %dma_start3A_111 : memref<1x128xi32, #tpu.memory_space<vmem>> -> memref<128xi32, #tpu.memory_space<vmem>>
      %dma_start3A_113 = arith.constant 0 : i32
      %dma_start3A_114 = arith.constant 0 : i32
      %dma_start3A_115 = tpu.memref_slice %arg2[%dma_start3A_113, %dma_start3A_114] : memref<10000x128xf32, #tpu.memory_space<hbm>> -> memref<10000x128xf32, #tpu.memory_space<hbm>>
      tpu.enqueue_indirect_dma source(%dma_start3A_115 : memref<10000x128xf32, #tpu.memory_space<hbm>>) target(%arg7 : memref<128x128xf32, #tpu.memory_space<vmem>>) offsets(%dma_start3A_112 : memref<128xi32, #tpu.memory_space<vmem>>) semaphore(%arg10 : memref<!tpu.dma_semaphore, #tpu.memory_space<semaphore_mem>>)
      %dma_wait3A_116 = arith.constant 10 : i32
      %dma_wait3A_117 = arith.constant 0 : i32
      %dma_wait3A_118 = tpu.memref_slice %arg6[%dma_wait3A_116, %dma_wait3A_117] : memref<32x128xi32, #tpu.memory_space<vmem>> -> memref<1x128xi32, #tpu.memory_space<vmem>>
      %dma_wait3A_119 = tpu.memref_squeeze %dma_wait3A_118 : memref<1x128xi32, #tpu.memory_space<vmem>> -> memref<128xi32, #tpu.memory_space<vmem>>
      %dma_wait3A_120 = arith.constant 0 : i32
      %dma_wait3A_121 = arith.constant 0 : i32
      %dma_wait3A_122 = tpu.memref_slice %arg2[%dma_wait3A_120, %dma_wait3A_121] : memref<10000x128xf32, #tpu.memory_space<hbm>> -> memref<10000x128xf32, #tpu.memory_space<hbm>>
      tpu.wait_indirect_dma semaphore(%arg11 : memref<!tpu.dma_semaphore, #tpu.memory_space<semaphore_mem>>) src(%dma_wait3A_122 : memref<10000x128xf32, #tpu.memory_space<hbm>>) dst(%arg8 : memref<128x128xf32, #tpu.memory_space<vmem>>)
      %run_scoped3A_123 = arith.constant 11 : i32
      "tpu.region"() ({
        %run_scoped3A_267 = tpu.sem_alloc : memref<!tpu.dma_semaphore, #tpu.memory_space<semaphore_mem>>
        %dma_start3A_268 = arith.constant 0 : i32
        %dma_start3A_269 = tpu.memref_slice %arg6[%run_scoped3A_123, %dma_start3A_268] : memref<32x128xi32, #tpu.memory_space<vmem>> -> memref<1x128xi32, #tpu.memory_space<vmem>>
        %dma_start3A_270 = tpu.memref_squeeze %dma_start3A_269 : memref<1x128xi32, #tpu.memory_space<vmem>> -> memref<128xi32, #tpu.memory_space<vmem>>
        %dma_start3A_271 = arith.constant 0 : i32
        %dma_start3A_272 = arith.constant 0 : i32
        %dma_start3A_273 = tpu.memref_slice %arg9[%dma_start3A_271, %dma_start3A_272] : memref<10240x128xf32, #tpu.memory_space<vmem_shared>> -> memref<10240x128xf32, #tpu.memory_space<vmem_shared>>
        tpu.enqueue_indirect_dma source(%arg8 : memref<128x128xf32, #tpu.memory_space<vmem>>) target(%dma_start3A_273 : memref<10240x128xf32, #tpu.memory_space<vmem_shared>>) offsets(%dma_start3A_270 : memref<128xi32, #tpu.memory_space<vmem>>) semaphore(%run_scoped3A_267 : memref<!tpu.dma_semaphore, #tpu.memory_space<semaphore_mem>>) {add = true}
        %dma_wait3A_274 = arith.constant 0 : i32
        %dma_wait3A_275 = tpu.memref_slice %arg6[%run_scoped3A_123, %dma_wait3A_274] : memref<32x128xi32, #tpu.memory_space<vmem>> -> memref<1x128xi32, #tpu.memory_space<vmem>>
        %dma_wait3A_276 = tpu.memref_squeeze %dma_wait3A_275 : memref<1x128xi32, #tpu.memory_space<vmem>> -> memref<128xi32, #tpu.memory_space<vmem>>
        %dma_wait3A_277 = arith.constant 0 : i32
        %dma_wait3A_278 = arith.constant 0 : i32
        %dma_wait3A_279 = tpu.memref_slice %arg9[%dma_wait3A_277, %dma_wait3A_278] : memref<10240x128xf32, #tpu.memory_space<vmem_shared>> -> memref<10240x128xf32, #tpu.memory_space<vmem_shared>>
        tpu.wait_indirect_dma semaphore(%run_scoped3A_267 : memref<!tpu.dma_semaphore, #tpu.memory_space<semaphore_mem>>) src(%arg8 : memref<128x128xf32, #tpu.memory_space<vmem>>) dst(%dma_wait3A_279 : memref<10240x128xf32, #tpu.memory_space<vmem_shared>>)
        tpu.yield
      }) : () -> ()
      %dma_start3A_124 = arith.constant 14 : i32
      %dma_start3A_125 = arith.constant 0 : i32
      %dma_start3A_126 = tpu.memref_slice %arg6[%dma_start3A_124, %dma_start3A_125] : memref<32x128xi32, #tpu.memory_space<vmem>> -> memref<1x128xi32, #tpu.memory_space<vmem>>
      %dma_start3A_127 = tpu.memref_squeeze %dma_start3A_126 : memref<1x128xi32, #tpu.memory_space<vmem>> -> memref<128xi32, #tpu.memory_space<vmem>>
      %dma_start3A_128 = arith.constant 0 : i32
      %dma_start3A_129 = arith.constant 0 : i32
      %dma_start3A_130 = tpu.memref_slice %arg2[%dma_start3A_128, %dma_start3A_129] : memref<10000x128xf32, #tpu.memory_space<hbm>> -> memref<10000x128xf32, #tpu.memory_space<hbm>>
      tpu.enqueue_indirect_dma source(%dma_start3A_130 : memref<10000x128xf32, #tpu.memory_space<hbm>>) target(%arg8 : memref<128x128xf32, #tpu.memory_space<vmem>>) offsets(%dma_start3A_127 : memref<128xi32, #tpu.memory_space<vmem>>) semaphore(%arg11 : memref<!tpu.dma_semaphore, #tpu.memory_space<semaphore_mem>>)
      %dma_wait3A_131 = arith.constant 12 : i32
      %dma_wait3A_132 = arith.constant 0 : i32
      %dma_wait3A_133 = tpu.memref_slice %arg6[%dma_wait3A_131, %dma_wait3A_132] : memref<32x128xi32, #tpu.memory_space<vmem>> -> memref<1x128xi32, #tpu.memory_space<vmem>>
      %dma_wait3A_134 = tpu.memref_squeeze %dma_wait3A_133 : memref<1x128xi32, #tpu.memory_space<vmem>> -> memref<128xi32, #tpu.memory_space<vmem>>
      %dma_wait3A_135 = arith.constant 0 : i32
      %dma_wait3A_136 = arith.constant 0 : i32
      %dma_wait3A_137 = tpu.memref_slice %arg2[%dma_wait3A_135, %dma_wait3A_136] : memref<10000x128xf32, #tpu.memory_space<hbm>> -> memref<10000x128xf32, #tpu.memory_space<hbm>>
      tpu.wait_indirect_dma semaphore(%arg10 : memref<!tpu.dma_semaphore, #tpu.memory_space<semaphore_mem>>) src(%dma_wait3A_137 : memref<10000x128xf32, #tpu.memory_space<hbm>>) dst(%arg7 : memref<128x128xf32, #tpu.memory_space<vmem>>)
      %run_scoped3A_138 = arith.constant 13 : i32
      "tpu.region"() ({
        %run_scoped3A_267 = tpu.sem_alloc : memref<!tpu.dma_semaphore, #tpu.memory_space<semaphore_mem>>
        %dma_start3A_268 = arith.constant 0 : i32
        %dma_start3A_269 = tpu.memref_slice %arg6[%run_scoped3A_138, %dma_start3A_268] : memref<32x128xi32, #tpu.memory_space<vmem>> -> memref<1x128xi32, #tpu.memory_space<vmem>>
        %dma_start3A_270 = tpu.memref_squeeze %dma_start3A_269 : memref<1x128xi32, #tpu.memory_space<vmem>> -> memref<128xi32, #tpu.memory_space<vmem>>
        %dma_start3A_271 = arith.constant 0 : i32
        %dma_start3A_272 = arith.constant 0 : i32
        %dma_start3A_273 = tpu.memref_slice %arg9[%dma_start3A_271, %dma_start3A_272] : memref<10240x128xf32, #tpu.memory_space<vmem_shared>> -> memref<10240x128xf32, #tpu.memory_space<vmem_shared>>
        tpu.enqueue_indirect_dma source(%arg7 : memref<128x128xf32, #tpu.memory_space<vmem>>) target(%dma_start3A_273 : memref<10240x128xf32, #tpu.memory_space<vmem_shared>>) offsets(%dma_start3A_270 : memref<128xi32, #tpu.memory_space<vmem>>) semaphore(%run_scoped3A_267 : memref<!tpu.dma_semaphore, #tpu.memory_space<semaphore_mem>>) {add = true}
        %dma_wait3A_274 = arith.constant 0 : i32
        %dma_wait3A_275 = tpu.memref_slice %arg6[%run_scoped3A_138, %dma_wait3A_274] : memref<32x128xi32, #tpu.memory_space<vmem>> -> memref<1x128xi32, #tpu.memory_space<vmem>>
        %dma_wait3A_276 = tpu.memref_squeeze %dma_wait3A_275 : memref<1x128xi32, #tpu.memory_space<vmem>> -> memref<128xi32, #tpu.memory_space<vmem>>
        %dma_wait3A_277 = arith.constant 0 : i32
        %dma_wait3A_278 = arith.constant 0 : i32
        %dma_wait3A_279 = tpu.memref_slice %arg9[%dma_wait3A_277, %dma_wait3A_278] : memref<10240x128xf32, #tpu.memory_space<vmem_shared>> -> memref<10240x128xf32, #tpu.memory_space<vmem_shared>>
        tpu.wait_indirect_dma semaphore(%run_scoped3A_267 : memref<!tpu.dma_semaphore, #tpu.memory_space<semaphore_mem>>) src(%arg7 : memref<128x128xf32, #tpu.memory_space<vmem>>) dst(%dma_wait3A_279 : memref<10240x128xf32, #tpu.memory_space<vmem_shared>>)
        tpu.yield
      }) : () -> ()
      %dma_start3A_139 = arith.constant 16 : i32
      %dma_start3A_140 = arith.constant 0 : i32
      %dma_start3A_141 = tpu.memref_slice %arg6[%dma_start3A_139, %dma_start3A_140] : memref<32x128xi32, #tpu.memory_space<vmem>> -> memref<1x128xi32, #tpu.memory_space<vmem>>
      %dma_start3A_142 = tpu.memref_squeeze %dma_start3A_141 : memref<1x128xi32, #tpu.memory_space<vmem>> -> memref<128xi32, #tpu.memory_space<vmem>>
      %dma_start3A_143 = arith.constant 0 : i32
      %dma_start3A_144 = arith.constant 0 : i32
      %dma_start3A_145 = tpu.memref_slice %arg2[%dma_start3A_143, %dma_start3A_144] : memref<10000x128xf32, #tpu.memory_space<hbm>> -> memref<10000x128xf32, #tpu.memory_space<hbm>>
      tpu.enqueue_indirect_dma source(%dma_start3A_145 : memref<10000x128xf32, #tpu.memory_space<hbm>>) target(%arg7 : memref<128x128xf32, #tpu.memory_space<vmem>>) offsets(%dma_start3A_142 : memref<128xi32, #tpu.memory_space<vmem>>) semaphore(%arg10 : memref<!tpu.dma_semaphore, #tpu.memory_space<semaphore_mem>>)
      %dma_wait3A_146 = arith.constant 14 : i32
      %dma_wait3A_147 = arith.constant 0 : i32
      %dma_wait3A_148 = tpu.memref_slice %arg6[%dma_wait3A_146, %dma_wait3A_147] : memref<32x128xi32, #tpu.memory_space<vmem>> -> memref<1x128xi32, #tpu.memory_space<vmem>>
      %dma_wait3A_149 = tpu.memref_squeeze %dma_wait3A_148 : memref<1x128xi32, #tpu.memory_space<vmem>> -> memref<128xi32, #tpu.memory_space<vmem>>
      %dma_wait3A_150 = arith.constant 0 : i32
      %dma_wait3A_151 = arith.constant 0 : i32
      %dma_wait3A_152 = tpu.memref_slice %arg2[%dma_wait3A_150, %dma_wait3A_151] : memref<10000x128xf32, #tpu.memory_space<hbm>> -> memref<10000x128xf32, #tpu.memory_space<hbm>>
      tpu.wait_indirect_dma semaphore(%arg11 : memref<!tpu.dma_semaphore, #tpu.memory_space<semaphore_mem>>) src(%dma_wait3A_152 : memref<10000x128xf32, #tpu.memory_space<hbm>>) dst(%arg8 : memref<128x128xf32, #tpu.memory_space<vmem>>)
      %run_scoped3A_153 = arith.constant 15 : i32
      "tpu.region"() ({
        %run_scoped3A_267 = tpu.sem_alloc : memref<!tpu.dma_semaphore, #tpu.memory_space<semaphore_mem>>
        %dma_start3A_268 = arith.constant 0 : i32
        %dma_start3A_269 = tpu.memref_slice %arg6[%run_scoped3A_153, %dma_start3A_268] : memref<32x128xi32, #tpu.memory_space<vmem>> -> memref<1x128xi32, #tpu.memory_space<vmem>>
        %dma_start3A_270 = tpu.memref_squeeze %dma_start3A_269 : memref<1x128xi32, #tpu.memory_space<vmem>> -> memref<128xi32, #tpu.memory_space<vmem>>
        %dma_start3A_271 = arith.constant 0 : i32
        %dma_start3A_272 = arith.constant 0 : i32
        %dma_start3A_273 = tpu.memref_slice %arg9[%dma_start3A_271, %dma_start3A_272] : memref<10240x128xf32, #tpu.memory_space<vmem_shared>> -> memref<10240x128xf32, #tpu.memory_space<vmem_shared>>
        tpu.enqueue_indirect_dma source(%arg8 : memref<128x128xf32, #tpu.memory_space<vmem>>) target(%dma_start3A_273 : memref<10240x128xf32, #tpu.memory_space<vmem_shared>>) offsets(%dma_start3A_270 : memref<128xi32, #tpu.memory_space<vmem>>) semaphore(%run_scoped3A_267 : memref<!tpu.dma_semaphore, #tpu.memory_space<semaphore_mem>>) {add = true}
        %dma_wait3A_274 = arith.constant 0 : i32
        %dma_wait3A_275 = tpu.memref_slice %arg6[%run_scoped3A_153, %dma_wait3A_274] : memref<32x128xi32, #tpu.memory_space<vmem>> -> memref<1x128xi32, #tpu.memory_space<vmem>>
        %dma_wait3A_276 = tpu.memref_squeeze %dma_wait3A_275 : memref<1x128xi32, #tpu.memory_space<vmem>> -> memref<128xi32, #tpu.memory_space<vmem>>
        %dma_wait3A_277 = arith.constant 0 : i32
        %dma_wait3A_278 = arith.constant 0 : i32
        %dma_wait3A_279 = tpu.memref_slice %arg9[%dma_wait3A_277, %dma_wait3A_278] : memref<10240x128xf32, #tpu.memory_space<vmem_shared>> -> memref<10240x128xf32, #tpu.memory_space<vmem_shared>>
        tpu.wait_indirect_dma semaphore(%run_scoped3A_267 : memref<!tpu.dma_semaphore, #tpu.memory_space<semaphore_mem>>) src(%arg8 : memref<128x128xf32, #tpu.memory_space<vmem>>) dst(%dma_wait3A_279 : memref<10240x128xf32, #tpu.memory_space<vmem_shared>>)
        tpu.yield
      }) : () -> ()
      %dma_start3A_154 = arith.constant 18 : i32
      %dma_start3A_155 = arith.constant 0 : i32
      %dma_start3A_156 = tpu.memref_slice %arg6[%dma_start3A_154, %dma_start3A_155] : memref<32x128xi32, #tpu.memory_space<vmem>> -> memref<1x128xi32, #tpu.memory_space<vmem>>
      %dma_start3A_157 = tpu.memref_squeeze %dma_start3A_156 : memref<1x128xi32, #tpu.memory_space<vmem>> -> memref<128xi32, #tpu.memory_space<vmem>>
      %dma_start3A_158 = arith.constant 0 : i32
      %dma_start3A_159 = arith.constant 0 : i32
      %dma_start3A_160 = tpu.memref_slice %arg2[%dma_start3A_158, %dma_start3A_159] : memref<10000x128xf32, #tpu.memory_space<hbm>> -> memref<10000x128xf32, #tpu.memory_space<hbm>>
      tpu.enqueue_indirect_dma source(%dma_start3A_160 : memref<10000x128xf32, #tpu.memory_space<hbm>>) target(%arg8 : memref<128x128xf32, #tpu.memory_space<vmem>>) offsets(%dma_start3A_157 : memref<128xi32, #tpu.memory_space<vmem>>) semaphore(%arg11 : memref<!tpu.dma_semaphore, #tpu.memory_space<semaphore_mem>>)
      %dma_wait3A_161 = arith.constant 16 : i32
      %dma_wait3A_162 = arith.constant 0 : i32
      %dma_wait3A_163 = tpu.memref_slice %arg6[%dma_wait3A_161, %dma_wait3A_162] : memref<32x128xi32, #tpu.memory_space<vmem>> -> memref<1x128xi32, #tpu.memory_space<vmem>>
      %dma_wait3A_164 = tpu.memref_squeeze %dma_wait3A_163 : memref<1x128xi32, #tpu.memory_space<vmem>> -> memref<128xi32, #tpu.memory_space<vmem>>
      %dma_wait3A_165 = arith.constant 0 : i32
      %dma_wait3A_166 = arith.constant 0 : i32
      %dma_wait3A_167 = tpu.memref_slice %arg2[%dma_wait3A_165, %dma_wait3A_166] : memref<10000x128xf32, #tpu.memory_space<hbm>> -> memref<10000x128xf32, #tpu.memory_space<hbm>>
      tpu.wait_indirect_dma semaphore(%arg10 : memref<!tpu.dma_semaphore, #tpu.memory_space<semaphore_mem>>) src(%dma_wait3A_167 : memref<10000x128xf32, #tpu.memory_space<hbm>>) dst(%arg7 : memref<128x128xf32, #tpu.memory_space<vmem>>)
      %run_scoped3A_168 = arith.constant 17 : i32
      "tpu.region"() ({
        %run_scoped3A_267 = tpu.sem_alloc : memref<!tpu.dma_semaphore, #tpu.memory_space<semaphore_mem>>
        %dma_start3A_268 = arith.constant 0 : i32
        %dma_start3A_269 = tpu.memref_slice %arg6[%run_scoped3A_168, %dma_start3A_268] : memref<32x128xi32, #tpu.memory_space<vmem>> -> memref<1x128xi32, #tpu.memory_space<vmem>>
        %dma_start3A_270 = tpu.memref_squeeze %dma_start3A_269 : memref<1x128xi32, #tpu.memory_space<vmem>> -> memref<128xi32, #tpu.memory_space<vmem>>
        %dma_start3A_271 = arith.constant 0 : i32
        %dma_start3A_272 = arith.constant 0 : i32
        %dma_start3A_273 = tpu.memref_slice %arg9[%dma_start3A_271, %dma_start3A_272] : memref<10240x128xf32, #tpu.memory_space<vmem_shared>> -> memref<10240x128xf32, #tpu.memory_space<vmem_shared>>
        tpu.enqueue_indirect_dma source(%arg7 : memref<128x128xf32, #tpu.memory_space<vmem>>) target(%dma_start3A_273 : memref<10240x128xf32, #tpu.memory_space<vmem_shared>>) offsets(%dma_start3A_270 : memref<128xi32, #tpu.memory_space<vmem>>) semaphore(%run_scoped3A_267 : memref<!tpu.dma_semaphore, #tpu.memory_space<semaphore_mem>>) {add = true}
        %dma_wait3A_274 = arith.constant 0 : i32
        %dma_wait3A_275 = tpu.memref_slice %arg6[%run_scoped3A_168, %dma_wait3A_274] : memref<32x128xi32, #tpu.memory_space<vmem>> -> memref<1x128xi32, #tpu.memory_space<vmem>>
        %dma_wait3A_276 = tpu.memref_squeeze %dma_wait3A_275 : memref<1x128xi32, #tpu.memory_space<vmem>> -> memref<128xi32, #tpu.memory_space<vmem>>
        %dma_wait3A_277 = arith.constant 0 : i32
        %dma_wait3A_278 = arith.constant 0 : i32
        %dma_wait3A_279 = tpu.memref_slice %arg9[%dma_wait3A_277, %dma_wait3A_278] : memref<10240x128xf32, #tpu.memory_space<vmem_shared>> -> memref<10240x128xf32, #tpu.memory_space<vmem_shared>>
        tpu.wait_indirect_dma semaphore(%run_scoped3A_267 : memref<!tpu.dma_semaphore, #tpu.memory_space<semaphore_mem>>) src(%arg7 : memref<128x128xf32, #tpu.memory_space<vmem>>) dst(%dma_wait3A_279 : memref<10240x128xf32, #tpu.memory_space<vmem_shared>>)
        tpu.yield
      }) : () -> ()
      %dma_start3A_169 = arith.constant 20 : i32
      %dma_start3A_170 = arith.constant 0 : i32
      %dma_start3A_171 = tpu.memref_slice %arg6[%dma_start3A_169, %dma_start3A_170] : memref<32x128xi32, #tpu.memory_space<vmem>> -> memref<1x128xi32, #tpu.memory_space<vmem>>
      %dma_start3A_172 = tpu.memref_squeeze %dma_start3A_171 : memref<1x128xi32, #tpu.memory_space<vmem>> -> memref<128xi32, #tpu.memory_space<vmem>>
      %dma_start3A_173 = arith.constant 0 : i32
      %dma_start3A_174 = arith.constant 0 : i32
      %dma_start3A_175 = tpu.memref_slice %arg2[%dma_start3A_173, %dma_start3A_174] : memref<10000x128xf32, #tpu.memory_space<hbm>> -> memref<10000x128xf32, #tpu.memory_space<hbm>>
      tpu.enqueue_indirect_dma source(%dma_start3A_175 : memref<10000x128xf32, #tpu.memory_space<hbm>>) target(%arg7 : memref<128x128xf32, #tpu.memory_space<vmem>>) offsets(%dma_start3A_172 : memref<128xi32, #tpu.memory_space<vmem>>) semaphore(%arg10 : memref<!tpu.dma_semaphore, #tpu.memory_space<semaphore_mem>>)
      %dma_wait3A_176 = arith.constant 18 : i32
      %dma_wait3A_177 = arith.constant 0 : i32
      %dma_wait3A_178 = tpu.memref_slice %arg6[%dma_wait3A_176, %dma_wait3A_177] : memref<32x128xi32, #tpu.memory_space<vmem>> -> memref<1x128xi32, #tpu.memory_space<vmem>>
      %dma_wait3A_179 = tpu.memref_squeeze %dma_wait3A_178 : memref<1x128xi32, #tpu.memory_space<vmem>> -> memref<128xi32, #tpu.memory_space<vmem>>
      %dma_wait3A_180 = arith.constant 0 : i32
      %dma_wait3A_181 = arith.constant 0 : i32
      %dma_wait3A_182 = tpu.memref_slice %arg2[%dma_wait3A_180, %dma_wait3A_181] : memref<10000x128xf32, #tpu.memory_space<hbm>> -> memref<10000x128xf32, #tpu.memory_space<hbm>>
      tpu.wait_indirect_dma semaphore(%arg11 : memref<!tpu.dma_semaphore, #tpu.memory_space<semaphore_mem>>) src(%dma_wait3A_182 : memref<10000x128xf32, #tpu.memory_space<hbm>>) dst(%arg8 : memref<128x128xf32, #tpu.memory_space<vmem>>)
      %run_scoped3A_183 = arith.constant 19 : i32
      "tpu.region"() ({
        %run_scoped3A_267 = tpu.sem_alloc : memref<!tpu.dma_semaphore, #tpu.memory_space<semaphore_mem>>
        %dma_start3A_268 = arith.constant 0 : i32
        %dma_start3A_269 = tpu.memref_slice %arg6[%run_scoped3A_183, %dma_start3A_268] : memref<32x128xi32, #tpu.memory_space<vmem>> -> memref<1x128xi32, #tpu.memory_space<vmem>>
        %dma_start3A_270 = tpu.memref_squeeze %dma_start3A_269 : memref<1x128xi32, #tpu.memory_space<vmem>> -> memref<128xi32, #tpu.memory_space<vmem>>
        %dma_start3A_271 = arith.constant 0 : i32
        %dma_start3A_272 = arith.constant 0 : i32
        %dma_start3A_273 = tpu.memref_slice %arg9[%dma_start3A_271, %dma_start3A_272] : memref<10240x128xf32, #tpu.memory_space<vmem_shared>> -> memref<10240x128xf32, #tpu.memory_space<vmem_shared>>
        tpu.enqueue_indirect_dma source(%arg8 : memref<128x128xf32, #tpu.memory_space<vmem>>) target(%dma_start3A_273 : memref<10240x128xf32, #tpu.memory_space<vmem_shared>>) offsets(%dma_start3A_270 : memref<128xi32, #tpu.memory_space<vmem>>) semaphore(%run_scoped3A_267 : memref<!tpu.dma_semaphore, #tpu.memory_space<semaphore_mem>>) {add = true}
        %dma_wait3A_274 = arith.constant 0 : i32
        %dma_wait3A_275 = tpu.memref_slice %arg6[%run_scoped3A_183, %dma_wait3A_274] : memref<32x128xi32, #tpu.memory_space<vmem>> -> memref<1x128xi32, #tpu.memory_space<vmem>>
        %dma_wait3A_276 = tpu.memref_squeeze %dma_wait3A_275 : memref<1x128xi32, #tpu.memory_space<vmem>> -> memref<128xi32, #tpu.memory_space<vmem>>
        %dma_wait3A_277 = arith.constant 0 : i32
        %dma_wait3A_278 = arith.constant 0 : i32
        %dma_wait3A_279 = tpu.memref_slice %arg9[%dma_wait3A_277, %dma_wait3A_278] : memref<10240x128xf32, #tpu.memory_space<vmem_shared>> -> memref<10240x128xf32, #tpu.memory_space<vmem_shared>>
        tpu.wait_indirect_dma semaphore(%run_scoped3A_267 : memref<!tpu.dma_semaphore, #tpu.memory_space<semaphore_mem>>) src(%arg8 : memref<128x128xf32, #tpu.memory_space<vmem>>) dst(%dma_wait3A_279 : memref<10240x128xf32, #tpu.memory_space<vmem_shared>>)
        tpu.yield
      }) : () -> ()
      %dma_start3A_184 = arith.constant 22 : i32
      %dma_start3A_185 = arith.constant 0 : i32
      %dma_start3A_186 = tpu.memref_slice %arg6[%dma_start3A_184, %dma_start3A_185] : memref<32x128xi32, #tpu.memory_space<vmem>> -> memref<1x128xi32, #tpu.memory_space<vmem>>
      %dma_start3A_187 = tpu.memref_squeeze %dma_start3A_186 : memref<1x128xi32, #tpu.memory_space<vmem>> -> memref<128xi32, #tpu.memory_space<vmem>>
      %dma_start3A_188 = arith.constant 0 : i32
      %dma_start3A_189 = arith.constant 0 : i32
      %dma_start3A_190 = tpu.memref_slice %arg2[%dma_start3A_188, %dma_start3A_189] : memref<10000x128xf32, #tpu.memory_space<hbm>> -> memref<10000x128xf32, #tpu.memory_space<hbm>>
      tpu.enqueue_indirect_dma source(%dma_start3A_190 : memref<10000x128xf32, #tpu.memory_space<hbm>>) target(%arg8 : memref<128x128xf32, #tpu.memory_space<vmem>>) offsets(%dma_start3A_187 : memref<128xi32, #tpu.memory_space<vmem>>) semaphore(%arg11 : memref<!tpu.dma_semaphore, #tpu.memory_space<semaphore_mem>>)
      %dma_wait3A_191 = arith.constant 20 : i32
      %dma_wait3A_192 = arith.constant 0 : i32
      %dma_wait3A_193 = tpu.memref_slice %arg6[%dma_wait3A_191, %dma_wait3A_192] : memref<32x128xi32, #tpu.memory_space<vmem>> -> memref<1x128xi32, #tpu.memory_space<vmem>>
      %dma_wait3A_194 = tpu.memref_squeeze %dma_wait3A_193 : memref<1x128xi32, #tpu.memory_space<vmem>> -> memref<128xi32, #tpu.memory_space<vmem>>
      %dma_wait3A_195 = arith.constant 0 : i32
      %dma_wait3A_196 = arith.constant 0 : i32
      %dma_wait3A_197 = tpu.memref_slice %arg2[%dma_wait3A_195, %dma_wait3A_196] : memref<10000x128xf32, #tpu.memory_space<hbm>> -> memref<10000x128xf32, #tpu.memory_space<hbm>>
      tpu.wait_indirect_dma semaphore(%arg10 : memref<!tpu.dma_semaphore, #tpu.memory_space<semaphore_mem>>) src(%dma_wait3A_197 : memref<10000x128xf32, #tpu.memory_space<hbm>>) dst(%arg7 : memref<128x128xf32, #tpu.memory_space<vmem>>)
      %run_scoped3A_198 = arith.constant 21 : i32
      "tpu.region"() ({
        %run_scoped3A_267 = tpu.sem_alloc : memref<!tpu.dma_semaphore, #tpu.memory_space<semaphore_mem>>
        %dma_start3A_268 = arith.constant 0 : i32
        %dma_start3A_269 = tpu.memref_slice %arg6[%run_scoped3A_198, %dma_start3A_268] : memref<32x128xi32, #tpu.memory_space<vmem>> -> memref<1x128xi32, #tpu.memory_space<vmem>>
        %dma_start3A_270 = tpu.memref_squeeze %dma_start3A_269 : memref<1x128xi32, #tpu.memory_space<vmem>> -> memref<128xi32, #tpu.memory_space<vmem>>
        %dma_start3A_271 = arith.constant 0 : i32
        %dma_start3A_272 = arith.constant 0 : i32
        %dma_start3A_273 = tpu.memref_slice %arg9[%dma_start3A_271, %dma_start3A_272] : memref<10240x128xf32, #tpu.memory_space<vmem_shared>> -> memref<10240x128xf32, #tpu.memory_space<vmem_shared>>
        tpu.enqueue_indirect_dma source(%arg7 : memref<128x128xf32, #tpu.memory_space<vmem>>) target(%dma_start3A_273 : memref<10240x128xf32, #tpu.memory_space<vmem_shared>>) offsets(%dma_start3A_270 : memref<128xi32, #tpu.memory_space<vmem>>) semaphore(%run_scoped3A_267 : memref<!tpu.dma_semaphore, #tpu.memory_space<semaphore_mem>>) {add = true}
        %dma_wait3A_274 = arith.constant 0 : i32
        %dma_wait3A_275 = tpu.memref_slice %arg6[%run_scoped3A_198, %dma_wait3A_274] : memref<32x128xi32, #tpu.memory_space<vmem>> -> memref<1x128xi32, #tpu.memory_space<vmem>>
        %dma_wait3A_276 = tpu.memref_squeeze %dma_wait3A_275 : memref<1x128xi32, #tpu.memory_space<vmem>> -> memref<128xi32, #tpu.memory_space<vmem>>
        %dma_wait3A_277 = arith.constant 0 : i32
        %dma_wait3A_278 = arith.constant 0 : i32
        %dma_wait3A_279 = tpu.memref_slice %arg9[%dma_wait3A_277, %dma_wait3A_278] : memref<10240x128xf32, #tpu.memory_space<vmem_shared>> -> memref<10240x128xf32, #tpu.memory_space<vmem_shared>>
        tpu.wait_indirect_dma semaphore(%run_scoped3A_267 : memref<!tpu.dma_semaphore, #tpu.memory_space<semaphore_mem>>) src(%arg7 : memref<128x128xf32, #tpu.memory_space<vmem>>) dst(%dma_wait3A_279 : memref<10240x128xf32, #tpu.memory_space<vmem_shared>>)
        tpu.yield
      }) : () -> ()
      %dma_start3A_199 = arith.constant 24 : i32
      %dma_start3A_200 = arith.constant 0 : i32
      %dma_start3A_201 = tpu.memref_slice %arg6[%dma_start3A_199, %dma_start3A_200] : memref<32x128xi32, #tpu.memory_space<vmem>> -> memref<1x128xi32, #tpu.memory_space<vmem>>
      %dma_start3A_202 = tpu.memref_squeeze %dma_start3A_201 : memref<1x128xi32, #tpu.memory_space<vmem>> -> memref<128xi32, #tpu.memory_space<vmem>>
      %dma_start3A_203 = arith.constant 0 : i32
      %dma_start3A_204 = arith.constant 0 : i32
      %dma_start3A_205 = tpu.memref_slice %arg2[%dma_start3A_203, %dma_start3A_204] : memref<10000x128xf32, #tpu.memory_space<hbm>> -> memref<10000x128xf32, #tpu.memory_space<hbm>>
      tpu.enqueue_indirect_dma source(%dma_start3A_205 : memref<10000x128xf32, #tpu.memory_space<hbm>>) target(%arg7 : memref<128x128xf32, #tpu.memory_space<vmem>>) offsets(%dma_start3A_202 : memref<128xi32, #tpu.memory_space<vmem>>) semaphore(%arg10 : memref<!tpu.dma_semaphore, #tpu.memory_space<semaphore_mem>>)
      %dma_wait3A_206 = arith.constant 22 : i32
      %dma_wait3A_207 = arith.constant 0 : i32
      %dma_wait3A_208 = tpu.memref_slice %arg6[%dma_wait3A_206, %dma_wait3A_207] : memref<32x128xi32, #tpu.memory_space<vmem>> -> memref<1x128xi32, #tpu.memory_space<vmem>>
      %dma_wait3A_209 = tpu.memref_squeeze %dma_wait3A_208 : memref<1x128xi32, #tpu.memory_space<vmem>> -> memref<128xi32, #tpu.memory_space<vmem>>
      %dma_wait3A_210 = arith.constant 0 : i32
      %dma_wait3A_211 = arith.constant 0 : i32
      %dma_wait3A_212 = tpu.memref_slice %arg2[%dma_wait3A_210, %dma_wait3A_211] : memref<10000x128xf32, #tpu.memory_space<hbm>> -> memref<10000x128xf32, #tpu.memory_space<hbm>>
      tpu.wait_indirect_dma semaphore(%arg11 : memref<!tpu.dma_semaphore, #tpu.memory_space<semaphore_mem>>) src(%dma_wait3A_212 : memref<10000x128xf32, #tpu.memory_space<hbm>>) dst(%arg8 : memref<128x128xf32, #tpu.memory_space<vmem>>)
      %run_scoped3A_213 = arith.constant 23 : i32
      "tpu.region"() ({
        %run_scoped3A_267 = tpu.sem_alloc : memref<!tpu.dma_semaphore, #tpu.memory_space<semaphore_mem>>
        %dma_start3A_268 = arith.constant 0 : i32
        %dma_start3A_269 = tpu.memref_slice %arg6[%run_scoped3A_213, %dma_start3A_268] : memref<32x128xi32, #tpu.memory_space<vmem>> -> memref<1x128xi32, #tpu.memory_space<vmem>>
        %dma_start3A_270 = tpu.memref_squeeze %dma_start3A_269 : memref<1x128xi32, #tpu.memory_space<vmem>> -> memref<128xi32, #tpu.memory_space<vmem>>
        %dma_start3A_271 = arith.constant 0 : i32
        %dma_start3A_272 = arith.constant 0 : i32
        %dma_start3A_273 = tpu.memref_slice %arg9[%dma_start3A_271, %dma_start3A_272] : memref<10240x128xf32, #tpu.memory_space<vmem_shared>> -> memref<10240x128xf32, #tpu.memory_space<vmem_shared>>
        tpu.enqueue_indirect_dma source(%arg8 : memref<128x128xf32, #tpu.memory_space<vmem>>) target(%dma_start3A_273 : memref<10240x128xf32, #tpu.memory_space<vmem_shared>>) offsets(%dma_start3A_270 : memref<128xi32, #tpu.memory_space<vmem>>) semaphore(%run_scoped3A_267 : memref<!tpu.dma_semaphore, #tpu.memory_space<semaphore_mem>>) {add = true}
        %dma_wait3A_274 = arith.constant 0 : i32
        %dma_wait3A_275 = tpu.memref_slice %arg6[%run_scoped3A_213, %dma_wait3A_274] : memref<32x128xi32, #tpu.memory_space<vmem>> -> memref<1x128xi32, #tpu.memory_space<vmem>>
        %dma_wait3A_276 = tpu.memref_squeeze %dma_wait3A_275 : memref<1x128xi32, #tpu.memory_space<vmem>> -> memref<128xi32, #tpu.memory_space<vmem>>
        %dma_wait3A_277 = arith.constant 0 : i32
        %dma_wait3A_278 = arith.constant 0 : i32
        %dma_wait3A_279 = tpu.memref_slice %arg9[%dma_wait3A_277, %dma_wait3A_278] : memref<10240x128xf32, #tpu.memory_space<vmem_shared>> -> memref<10240x128xf32, #tpu.memory_space<vmem_shared>>
        tpu.wait_indirect_dma semaphore(%run_scoped3A_267 : memref<!tpu.dma_semaphore, #tpu.memory_space<semaphore_mem>>) src(%arg8 : memref<128x128xf32, #tpu.memory_space<vmem>>) dst(%dma_wait3A_279 : memref<10240x128xf32, #tpu.memory_space<vmem_shared>>)
        tpu.yield
      }) : () -> ()
      %dma_start3A_214 = arith.constant 26 : i32
      %dma_start3A_215 = arith.constant 0 : i32
      %dma_start3A_216 = tpu.memref_slice %arg6[%dma_start3A_214, %dma_start3A_215] : memref<32x128xi32, #tpu.memory_space<vmem>> -> memref<1x128xi32, #tpu.memory_space<vmem>>
      %dma_start3A_217 = tpu.memref_squeeze %dma_start3A_216 : memref<1x128xi32, #tpu.memory_space<vmem>> -> memref<128xi32, #tpu.memory_space<vmem>>
      %dma_start3A_218 = arith.constant 0 : i32
      %dma_start3A_219 = arith.constant 0 : i32
      %dma_start3A_220 = tpu.memref_slice %arg2[%dma_start3A_218, %dma_start3A_219] : memref<10000x128xf32, #tpu.memory_space<hbm>> -> memref<10000x128xf32, #tpu.memory_space<hbm>>
      tpu.enqueue_indirect_dma source(%dma_start3A_220 : memref<10000x128xf32, #tpu.memory_space<hbm>>) target(%arg8 : memref<128x128xf32, #tpu.memory_space<vmem>>) offsets(%dma_start3A_217 : memref<128xi32, #tpu.memory_space<vmem>>) semaphore(%arg11 : memref<!tpu.dma_semaphore, #tpu.memory_space<semaphore_mem>>)
      %dma_wait3A_221 = arith.constant 24 : i32
      %dma_wait3A_222 = arith.constant 0 : i32
      %dma_wait3A_223 = tpu.memref_slice %arg6[%dma_wait3A_221, %dma_wait3A_222] : memref<32x128xi32, #tpu.memory_space<vmem>> -> memref<1x128xi32, #tpu.memory_space<vmem>>
      %dma_wait3A_224 = tpu.memref_squeeze %dma_wait3A_223 : memref<1x128xi32, #tpu.memory_space<vmem>> -> memref<128xi32, #tpu.memory_space<vmem>>
      %dma_wait3A_225 = arith.constant 0 : i32
      %dma_wait3A_226 = arith.constant 0 : i32
      %dma_wait3A_227 = tpu.memref_slice %arg2[%dma_wait3A_225, %dma_wait3A_226] : memref<10000x128xf32, #tpu.memory_space<hbm>> -> memref<10000x128xf32, #tpu.memory_space<hbm>>
      tpu.wait_indirect_dma semaphore(%arg10 : memref<!tpu.dma_semaphore, #tpu.memory_space<semaphore_mem>>) src(%dma_wait3A_227 : memref<10000x128xf32, #tpu.memory_space<hbm>>) dst(%arg7 : memref<128x128xf32, #tpu.memory_space<vmem>>)
      %run_scoped3A_228 = arith.constant 25 : i32
      "tpu.region"() ({
        %run_scoped3A_267 = tpu.sem_alloc : memref<!tpu.dma_semaphore, #tpu.memory_space<semaphore_mem>>
        %dma_start3A_268 = arith.constant 0 : i32
        %dma_start3A_269 = tpu.memref_slice %arg6[%run_scoped3A_228, %dma_start3A_268] : memref<32x128xi32, #tpu.memory_space<vmem>> -> memref<1x128xi32, #tpu.memory_space<vmem>>
        %dma_start3A_270 = tpu.memref_squeeze %dma_start3A_269 : memref<1x128xi32, #tpu.memory_space<vmem>> -> memref<128xi32, #tpu.memory_space<vmem>>
        %dma_start3A_271 = arith.constant 0 : i32
        %dma_start3A_272 = arith.constant 0 : i32
        %dma_start3A_273 = tpu.memref_slice %arg9[%dma_start3A_271, %dma_start3A_272] : memref<10240x128xf32, #tpu.memory_space<vmem_shared>> -> memref<10240x128xf32, #tpu.memory_space<vmem_shared>>
        tpu.enqueue_indirect_dma source(%arg7 : memref<128x128xf32, #tpu.memory_space<vmem>>) target(%dma_start3A_273 : memref<10240x128xf32, #tpu.memory_space<vmem_shared>>) offsets(%dma_start3A_270 : memref<128xi32, #tpu.memory_space<vmem>>) semaphore(%run_scoped3A_267 : memref<!tpu.dma_semaphore, #tpu.memory_space<semaphore_mem>>) {add = true}
        %dma_wait3A_274 = arith.constant 0 : i32
        %dma_wait3A_275 = tpu.memref_slice %arg6[%run_scoped3A_228, %dma_wait3A_274] : memref<32x128xi32, #tpu.memory_space<vmem>> -> memref<1x128xi32, #tpu.memory_space<vmem>>
        %dma_wait3A_276 = tpu.memref_squeeze %dma_wait3A_275 : memref<1x128xi32, #tpu.memory_space<vmem>> -> memref<128xi32, #tpu.memory_space<vmem>>
        %dma_wait3A_277 = arith.constant 0 : i32
        %dma_wait3A_278 = arith.constant 0 : i32
        %dma_wait3A_279 = tpu.memref_slice %arg9[%dma_wait3A_277, %dma_wait3A_278] : memref<10240x128xf32, #tpu.memory_space<vmem_shared>> -> memref<10240x128xf32, #tpu.memory_space<vmem_shared>>
        tpu.wait_indirect_dma semaphore(%run_scoped3A_267 : memref<!tpu.dma_semaphore, #tpu.memory_space<semaphore_mem>>) src(%arg7 : memref<128x128xf32, #tpu.memory_space<vmem>>) dst(%dma_wait3A_279 : memref<10240x128xf32, #tpu.memory_space<vmem_shared>>)
        tpu.yield
      }) : () -> ()
      %dma_start3A_229 = arith.constant 28 : i32
      %dma_start3A_230 = arith.constant 0 : i32
      %dma_start3A_231 = tpu.memref_slice %arg6[%dma_start3A_229, %dma_start3A_230] : memref<32x128xi32, #tpu.memory_space<vmem>> -> memref<1x128xi32, #tpu.memory_space<vmem>>
      %dma_start3A_232 = tpu.memref_squeeze %dma_start3A_231 : memref<1x128xi32, #tpu.memory_space<vmem>> -> memref<128xi32, #tpu.memory_space<vmem>>
      %dma_start3A_233 = arith.constant 0 : i32
      %dma_start3A_234 = arith.constant 0 : i32
      %dma_start3A_235 = tpu.memref_slice %arg2[%dma_start3A_233, %dma_start3A_234] : memref<10000x128xf32, #tpu.memory_space<hbm>> -> memref<10000x128xf32, #tpu.memory_space<hbm>>
      tpu.enqueue_indirect_dma source(%dma_start3A_235 : memref<10000x128xf32, #tpu.memory_space<hbm>>) target(%arg7 : memref<128x128xf32, #tpu.memory_space<vmem>>) offsets(%dma_start3A_232 : memref<128xi32, #tpu.memory_space<vmem>>) semaphore(%arg10 : memref<!tpu.dma_semaphore, #tpu.memory_space<semaphore_mem>>)
      %dma_wait3A_236 = arith.constant 26 : i32
      %dma_wait3A_237 = arith.constant 0 : i32
      %dma_wait3A_238 = tpu.memref_slice %arg6[%dma_wait3A_236, %dma_wait3A_237] : memref<32x128xi32, #tpu.memory_space<vmem>> -> memref<1x128xi32, #tpu.memory_space<vmem>>
      %dma_wait3A_239 = tpu.memref_squeeze %dma_wait3A_238 : memref<1x128xi32, #tpu.memory_space<vmem>> -> memref<128xi32, #tpu.memory_space<vmem>>
      %dma_wait3A_240 = arith.constant 0 : i32
      %dma_wait3A_241 = arith.constant 0 : i32
      %dma_wait3A_242 = tpu.memref_slice %arg2[%dma_wait3A_240, %dma_wait3A_241] : memref<10000x128xf32, #tpu.memory_space<hbm>> -> memref<10000x128xf32, #tpu.memory_space<hbm>>
      tpu.wait_indirect_dma semaphore(%arg11 : memref<!tpu.dma_semaphore, #tpu.memory_space<semaphore_mem>>) src(%dma_wait3A_242 : memref<10000x128xf32, #tpu.memory_space<hbm>>) dst(%arg8 : memref<128x128xf32, #tpu.memory_space<vmem>>)
      %run_scoped3A_243 = arith.constant 27 : i32
      "tpu.region"() ({
        %run_scoped3A_267 = tpu.sem_alloc : memref<!tpu.dma_semaphore, #tpu.memory_space<semaphore_mem>>
        %dma_start3A_268 = arith.constant 0 : i32
        %dma_start3A_269 = tpu.memref_slice %arg6[%run_scoped3A_243, %dma_start3A_268] : memref<32x128xi32, #tpu.memory_space<vmem>> -> memref<1x128xi32, #tpu.memory_space<vmem>>
        %dma_start3A_270 = tpu.memref_squeeze %dma_start3A_269 : memref<1x128xi32, #tpu.memory_space<vmem>> -> memref<128xi32, #tpu.memory_space<vmem>>
        %dma_start3A_271 = arith.constant 0 : i32
        %dma_start3A_272 = arith.constant 0 : i32
        %dma_start3A_273 = tpu.memref_slice %arg9[%dma_start3A_271, %dma_start3A_272] : memref<10240x128xf32, #tpu.memory_space<vmem_shared>> -> memref<10240x128xf32, #tpu.memory_space<vmem_shared>>
        tpu.enqueue_indirect_dma source(%arg8 : memref<128x128xf32, #tpu.memory_space<vmem>>) target(%dma_start3A_273 : memref<10240x128xf32, #tpu.memory_space<vmem_shared>>) offsets(%dma_start3A_270 : memref<128xi32, #tpu.memory_space<vmem>>) semaphore(%run_scoped3A_267 : memref<!tpu.dma_semaphore, #tpu.memory_space<semaphore_mem>>) {add = true}
        %dma_wait3A_274 = arith.constant 0 : i32
        %dma_wait3A_275 = tpu.memref_slice %arg6[%run_scoped3A_243, %dma_wait3A_274] : memref<32x128xi32, #tpu.memory_space<vmem>> -> memref<1x128xi32, #tpu.memory_space<vmem>>
        %dma_wait3A_276 = tpu.memref_squeeze %dma_wait3A_275 : memref<1x128xi32, #tpu.memory_space<vmem>> -> memref<128xi32, #tpu.memory_space<vmem>>
        %dma_wait3A_277 = arith.constant 0 : i32
        %dma_wait3A_278 = arith.constant 0 : i32
        %dma_wait3A_279 = tpu.memref_slice %arg9[%dma_wait3A_277, %dma_wait3A_278] : memref<10240x128xf32, #tpu.memory_space<vmem_shared>> -> memref<10240x128xf32, #tpu.memory_space<vmem_shared>>
        tpu.wait_indirect_dma semaphore(%run_scoped3A_267 : memref<!tpu.dma_semaphore, #tpu.memory_space<semaphore_mem>>) src(%arg8 : memref<128x128xf32, #tpu.memory_space<vmem>>) dst(%dma_wait3A_279 : memref<10240x128xf32, #tpu.memory_space<vmem_shared>>)
        tpu.yield
      }) : () -> ()
      %dma_start3A_244 = arith.constant 30 : i32
      %dma_start3A_245 = arith.constant 0 : i32
      %dma_start3A_246 = tpu.memref_slice %arg6[%dma_start3A_244, %dma_start3A_245] : memref<32x128xi32, #tpu.memory_space<vmem>> -> memref<1x128xi32, #tpu.memory_space<vmem>>
      %dma_start3A_247 = tpu.memref_squeeze %dma_start3A_246 : memref<1x128xi32, #tpu.memory_space<vmem>> -> memref<128xi32, #tpu.memory_space<vmem>>
      %dma_start3A_248 = arith.constant 0 : i32
      %dma_start3A_249 = arith.constant 0 : i32
      %dma_start3A_250 = tpu.memref_slice %arg2[%dma_start3A_248, %dma_start3A_249] : memref<10000x128xf32, #tpu.memory_space<hbm>> -> memref<10000x128xf32, #tpu.memory_space<hbm>>
      tpu.enqueue_indirect_dma source(%dma_start3A_250 : memref<10000x128xf32, #tpu.memory_space<hbm>>) target(%arg8 : memref<128x128xf32, #tpu.memory_space<vmem>>) offsets(%dma_start3A_247 : memref<128xi32, #tpu.memory_space<vmem>>) semaphore(%arg11 : memref<!tpu.dma_semaphore, #tpu.memory_space<semaphore_mem>>)
      %dma_wait3A_251 = arith.constant 28 : i32
      %dma_wait3A_252 = arith.constant 0 : i32
      %dma_wait3A_253 = tpu.memref_slice %arg6[%dma_wait3A_251, %dma_wait3A_252] : memref<32x128xi32, #tpu.memory_space<vmem>> -> memref<1x128xi32, #tpu.memory_space<vmem>>
      %dma_wait3A_254 = tpu.memref_squeeze %dma_wait3A_253 : memref<1x128xi32, #tpu.memory_space<vmem>> -> memref<128xi32, #tpu.memory_space<vmem>>
      %dma_wait3A_255 = arith.constant 0 : i32
      %dma_wait3A_256 = arith.constant 0 : i32
      %dma_wait3A_257 = tpu.memref_slice %arg2[%dma_wait3A_255, %dma_wait3A_256] : memref<10000x128xf32, #tpu.memory_space<hbm>> -> memref<10000x128xf32, #tpu.memory_space<hbm>>
      tpu.wait_indirect_dma semaphore(%arg10 : memref<!tpu.dma_semaphore, #tpu.memory_space<semaphore_mem>>) src(%dma_wait3A_257 : memref<10000x128xf32, #tpu.memory_space<hbm>>) dst(%arg7 : memref<128x128xf32, #tpu.memory_space<vmem>>)
      %run_scoped3A_258 = arith.constant 29 : i32
      "tpu.region"() ({
        %run_scoped3A_267 = tpu.sem_alloc : memref<!tpu.dma_semaphore, #tpu.memory_space<semaphore_mem>>
        %dma_start3A_268 = arith.constant 0 : i32
        %dma_start3A_269 = tpu.memref_slice %arg6[%run_scoped3A_258, %dma_start3A_268] : memref<32x128xi32, #tpu.memory_space<vmem>> -> memref<1x128xi32, #tpu.memory_space<vmem>>
        %dma_start3A_270 = tpu.memref_squeeze %dma_start3A_269 : memref<1x128xi32, #tpu.memory_space<vmem>> -> memref<128xi32, #tpu.memory_space<vmem>>
        %dma_start3A_271 = arith.constant 0 : i32
        %dma_start3A_272 = arith.constant 0 : i32
        %dma_start3A_273 = tpu.memref_slice %arg9[%dma_start3A_271, %dma_start3A_272] : memref<10240x128xf32, #tpu.memory_space<vmem_shared>> -> memref<10240x128xf32, #tpu.memory_space<vmem_shared>>
        tpu.enqueue_indirect_dma source(%arg7 : memref<128x128xf32, #tpu.memory_space<vmem>>) target(%dma_start3A_273 : memref<10240x128xf32, #tpu.memory_space<vmem_shared>>) offsets(%dma_start3A_270 : memref<128xi32, #tpu.memory_space<vmem>>) semaphore(%run_scoped3A_267 : memref<!tpu.dma_semaphore, #tpu.memory_space<semaphore_mem>>) {add = true}
        %dma_wait3A_274 = arith.constant 0 : i32
        %dma_wait3A_275 = tpu.memref_slice %arg6[%run_scoped3A_258, %dma_wait3A_274] : memref<32x128xi32, #tpu.memory_space<vmem>> -> memref<1x128xi32, #tpu.memory_space<vmem>>
        %dma_wait3A_276 = tpu.memref_squeeze %dma_wait3A_275 : memref<1x128xi32, #tpu.memory_space<vmem>> -> memref<128xi32, #tpu.memory_space<vmem>>
        %dma_wait3A_277 = arith.constant 0 : i32
        %dma_wait3A_278 = arith.constant 0 : i32
        %dma_wait3A_279 = tpu.memref_slice %arg9[%dma_wait3A_277, %dma_wait3A_278] : memref<10240x128xf32, #tpu.memory_space<vmem_shared>> -> memref<10240x128xf32, #tpu.memory_space<vmem_shared>>
        tpu.wait_indirect_dma semaphore(%run_scoped3A_267 : memref<!tpu.dma_semaphore, #tpu.memory_space<semaphore_mem>>) src(%arg7 : memref<128x128xf32, #tpu.memory_space<vmem>>) dst(%dma_wait3A_279 : memref<10240x128xf32, #tpu.memory_space<vmem_shared>>)
        tpu.yield
      }) : () -> ()
      %dma_wait3A_259 = arith.constant 30 : i32
      %dma_wait3A_260 = arith.constant 0 : i32
      %dma_wait3A_261 = tpu.memref_slice %arg6[%dma_wait3A_259, %dma_wait3A_260] : memref<32x128xi32, #tpu.memory_space<vmem>> -> memref<1x128xi32, #tpu.memory_space<vmem>>
      %dma_wait3A_262 = tpu.memref_squeeze %dma_wait3A_261 : memref<1x128xi32, #tpu.memory_space<vmem>> -> memref<128xi32, #tpu.memory_space<vmem>>
      %dma_wait3A_263 = arith.constant 0 : i32
      %dma_wait3A_264 = arith.constant 0 : i32
      %dma_wait3A_265 = tpu.memref_slice %arg2[%dma_wait3A_263, %dma_wait3A_264] : memref<10000x128xf32, #tpu.memory_space<hbm>> -> memref<10000x128xf32, #tpu.memory_space<hbm>>
      tpu.wait_indirect_dma semaphore(%arg11 : memref<!tpu.dma_semaphore, #tpu.memory_space<semaphore_mem>>) src(%dma_wait3A_265 : memref<10000x128xf32, #tpu.memory_space<hbm>>) dst(%arg8 : memref<128x128xf32, #tpu.memory_space<vmem>>)
      %run_scoped3A_266 = arith.constant 31 : i32
      "tpu.region"() ({
        %run_scoped3A_267 = tpu.sem_alloc : memref<!tpu.dma_semaphore, #tpu.memory_space<semaphore_mem>>
        %dma_start3A_268 = arith.constant 0 : i32
        %dma_start3A_269 = tpu.memref_slice %arg6[%run_scoped3A_266, %dma_start3A_268] : memref<32x128xi32, #tpu.memory_space<vmem>> -> memref<1x128xi32, #tpu.memory_space<vmem>>
        %dma_start3A_270 = tpu.memref_squeeze %dma_start3A_269 : memref<1x128xi32, #tpu.memory_space<vmem>> -> memref<128xi32, #tpu.memory_space<vmem>>
        %dma_start3A_271 = arith.constant 0 : i32
        %dma_start3A_272 = arith.constant 0 : i32
        %dma_start3A_273 = tpu.memref_slice %arg9[%dma_start3A_271, %dma_start3A_272] : memref<10240x128xf32, #tpu.memory_space<vmem_shared>> -> memref<10240x128xf32, #tpu.memory_space<vmem_shared>>
        tpu.enqueue_indirect_dma source(%arg8 : memref<128x128xf32, #tpu.memory_space<vmem>>) target(%dma_start3A_273 : memref<10240x128xf32, #tpu.memory_space<vmem_shared>>) offsets(%dma_start3A_270 : memref<128xi32, #tpu.memory_space<vmem>>) semaphore(%run_scoped3A_267 : memref<!tpu.dma_semaphore, #tpu.memory_space<semaphore_mem>>) {add = true}
        %dma_wait3A_274 = arith.constant 0 : i32
        %dma_wait3A_275 = tpu.memref_slice %arg6[%run_scoped3A_266, %dma_wait3A_274] : memref<32x128xi32, #tpu.memory_space<vmem>> -> memref<1x128xi32, #tpu.memory_space<vmem>>
        %dma_wait3A_276 = tpu.memref_squeeze %dma_wait3A_275 : memref<1x128xi32, #tpu.memory_space<vmem>> -> memref<128xi32, #tpu.memory_space<vmem>>
        %dma_wait3A_277 = arith.constant 0 : i32
        %dma_wait3A_278 = arith.constant 0 : i32
        %dma_wait3A_279 = tpu.memref_slice %arg9[%dma_wait3A_277, %dma_wait3A_278] : memref<10240x128xf32, #tpu.memory_space<vmem_shared>> -> memref<10240x128xf32, #tpu.memory_space<vmem_shared>>
        tpu.wait_indirect_dma semaphore(%run_scoped3A_267 : memref<!tpu.dma_semaphore, #tpu.memory_space<semaphore_mem>>) src(%arg8 : memref<128x128xf32, #tpu.memory_space<vmem>>) dst(%dma_wait3A_279 : memref<10240x128xf32, #tpu.memory_space<vmem_shared>>)
        tpu.yield
      }) : () -> ()
    }
    %scan3A_17 = arith.constant 5 : i32
    %barrier3A_18 = arith.constant 0 : index
    tpu.barrier barrier_id(%barrier3A_18)
    %mul3A_19 = arith.constant 10240 : i32
    %mul3A_20 = arith.muli %arg0, %mul3A_19 : i32
    %add3A_21 = arith.addi %mul3A_20, %mul3A_2 : i32
    "tpu.region"() ({
      %run_scoped3A = tpu.sem_alloc : memref<!tpu.dma_semaphore, #tpu.memory_space<semaphore_mem>>
      %dma_start3A = arith.constant 0 : i32
      %dma_start3A_22 = tpu.memref_slice %arg5[%add3A_21, %dma_start3A] : memref<20480x128xf32, #tpu.memory_space<hbm>> -> memref<640x128xf32, #tpu.memory_space<hbm>>
      %dma_start3A_23 = arith.constant 0 : i32
      %dma_start3A_24 = tpu.memref_slice %arg9[%mul3A_2, %dma_start3A_23] : memref<10240x128xf32, #tpu.memory_space<vmem_shared>> -> memref<640x128xf32, #tpu.memory_space<vmem_shared>>
      tpu.enqueue_dma source(%dma_start3A_24 : memref<640x128xf32, #tpu.memory_space<vmem_shared>>) target(%dma_start3A_22 : memref<640x128xf32, #tpu.memory_space<hbm>>) target_semaphore(%run_scoped3A : memref<!tpu.dma_semaphore, #tpu.memory_space<semaphore_mem>>)
      %dma_wait3A = arith.constant 0 : i32
      %dma_wait3A_25 = tpu.memref_slice %arg5[%add3A_21, %dma_wait3A] : memref<20480x128xf32, #tpu.memory_space<hbm>> -> memref<640x128xf32, #tpu.memory_space<hbm>>
      %dma_wait3A_26 = arith.constant 0 : i32
      %dma_wait3A_27 = tpu.memref_slice %arg9[%mul3A_2, %dma_wait3A_26] : memref<10240x128xf32, #tpu.memory_space<vmem_shared>> -> memref<640x128xf32, #tpu.memory_space<vmem_shared>>
      tpu.wait_dma2 semaphore(%run_scoped3A : memref<!tpu.dma_semaphore, #tpu.memory_space<semaphore_mem>>) src(%dma_wait3A_27 : memref<640x128xf32, #tpu.memory_space<vmem_shared>>) dst(%dma_wait3A_25 : memref<640x128xf32, #tpu.memory_space<hbm>>)
      tpu.yield
    }) : () -> ()
    return
  }
}

#map = affine_map<(d0, d1) -> (0, 0)>
module attributes {stable_mosaic.version = 14 : i64} {
  func.func @_agg_kernel(%arg0: i32, %arg1: i32, %arg2: memref<10000x128xf32, #tpu.memory_space<hbm>>, %arg3: memref<5120x128xi32, #tpu.memory_space<hbm>>, %arg4: memref<128x128xf32, #tpu.memory_space<hbm>>, %arg5: memref<20480x128xf32, #tpu.memory_space<hbm>>, %arg6: memref<32x128xi32, #tpu.memory_space<vmem>>, %arg7: memref<128x128xf32, #tpu.memory_space<vmem>>, %arg8: memref<128x128xf32, #tpu.memory_space<vmem>>, %arg9: memref<10240x128xf32, #tpu.memory_space<vmem_shared>>, %arg10: memref<!tpu.dma_semaphore, #tpu.memory_space<semaphore_mem>>, %arg11: memref<!tpu.dma_semaphore, #tpu.memory_space<semaphore_mem>>) attributes {dimension_semantics = [#tpu.dimension_semantics<core_parallel>, #tpu.dimension_semantics<subcore_parallel>], iteration_bounds = array<i64: 2, 16>, scalar_prefetch = 0 : i64, scratch_operands = 6 : i64, tpu.core_type = #tpu.core_type<sc_vector_subcore>, window_params = [{transform_indices = #map}, {transform_indices = #map}, {transform_indices = #map}, {transform_indices = #map}]} {
    %mul3A = arith.constant 2 : i32
    %mul3A_0 = arith.muli %arg1, %mul3A : i32
    %add3A = arith.addi %mul3A_0, %arg0 : i32
    %mul3A_1 = arith.constant 640 : i32
    %mul3A_2 = arith.muli %arg1, %mul3A_1 : i32
    "tpu.region"() ({
      %run_scoped3A = tpu.sem_alloc : memref<!tpu.dma_semaphore, #tpu.memory_space<semaphore_mem>>
      tpu.enqueue_dma source(%arg4 : memref<128x128xf32, #tpu.memory_space<hbm>>) target(%arg7 : memref<128x128xf32, #tpu.memory_space<vmem>>) target_semaphore(%run_scoped3A : memref<!tpu.dma_semaphore, #tpu.memory_space<semaphore_mem>>)
      tpu.wait_dma2 semaphore(%run_scoped3A : memref<!tpu.dma_semaphore, #tpu.memory_space<semaphore_mem>>) src(%arg4 : memref<128x128xf32, #tpu.memory_space<hbm>>) dst(%arg7 : memref<128x128xf32, #tpu.memory_space<vmem>>)
      tpu.yield
    }) : () -> ()
    %add3A_3 = arith.constant 0 : i32
    %add3A_4 = arith.addi %mul3A_2, %add3A_3 : i32
    "tpu.region"() ({
      %run_scoped3A = tpu.sem_alloc : memref<!tpu.dma_semaphore, #tpu.memory_space<semaphore_mem>>
      %dma_start3A = arith.constant 0 : i32
      %dma_start3A_22 = tpu.memref_slice %arg9[%add3A_4, %dma_start3A] : memref<10240x128xf32, #tpu.memory_space<vmem_shared>> -> memref<128x128xf32, #tpu.memory_space<vmem_shared>>
      %dma_start3A_23 = arith.constant 0 : i32
      %dma_start3A_24 = tpu.memref_slice %arg9[%add3A_4, %dma_start3A_23] : memref<10240x128xf32, #tpu.memory_space<vmem_shared>> -> memref<128x128xf32, #tpu.memory_space<vmem_shared>>
      tpu.enqueue_dma source(%arg7 : memref<128x128xf32, #tpu.memory_space<vmem>>) target(%dma_start3A_24 : memref<128x128xf32, #tpu.memory_space<vmem_shared>>) target_semaphore(%run_scoped3A : memref<!tpu.dma_semaphore, #tpu.memory_space<semaphore_mem>>)
      %dma_wait3A = arith.constant 0 : i32
      %dma_wait3A_25 = tpu.memref_slice %arg9[%add3A_4, %dma_wait3A] : memref<10240x128xf32, #tpu.memory_space<vmem_shared>> -> memref<128x128xf32, #tpu.memory_space<vmem_shared>>
      %dma_wait3A_26 = arith.constant 0 : i32
      %dma_wait3A_27 = tpu.memref_slice %arg9[%add3A_4, %dma_wait3A_26] : memref<10240x128xf32, #tpu.memory_space<vmem_shared>> -> memref<128x128xf32, #tpu.memory_space<vmem_shared>>
      tpu.wait_dma2 semaphore(%run_scoped3A : memref<!tpu.dma_semaphore, #tpu.memory_space<semaphore_mem>>) src(%arg7 : memref<128x128xf32, #tpu.memory_space<vmem>>) dst(%dma_wait3A_27 : memref<128x128xf32, #tpu.memory_space<vmem_shared>>)
      tpu.yield
    }) : () -> ()
    %add3A_5 = arith.constant 128 : i32
    %add3A_6 = arith.addi %mul3A_2, %add3A_5 : i32
    "tpu.region"() ({
      %run_scoped3A = tpu.sem_alloc : memref<!tpu.dma_semaphore, #tpu.memory_space<semaphore_mem>>
      %dma_start3A = arith.constant 0 : i32
      %dma_start3A_22 = tpu.memref_slice %arg9[%add3A_6, %dma_start3A] : memref<10240x128xf32, #tpu.memory_space<vmem_shared>> -> memref<128x128xf32, #tpu.memory_space<vmem_shared>>
      %dma_start3A_23 = arith.constant 0 : i32
      %dma_start3A_24 = tpu.memref_slice %arg9[%add3A_6, %dma_start3A_23] : memref<10240x128xf32, #tpu.memory_space<vmem_shared>> -> memref<128x128xf32, #tpu.memory_space<vmem_shared>>
      tpu.enqueue_dma source(%arg7 : memref<128x128xf32, #tpu.memory_space<vmem>>) target(%dma_start3A_24 : memref<128x128xf32, #tpu.memory_space<vmem_shared>>) target_semaphore(%run_scoped3A : memref<!tpu.dma_semaphore, #tpu.memory_space<semaphore_mem>>)
      %dma_wait3A = arith.constant 0 : i32
      %dma_wait3A_25 = tpu.memref_slice %arg9[%add3A_6, %dma_wait3A] : memref<10240x128xf32, #tpu.memory_space<vmem_shared>> -> memref<128x128xf32, #tpu.memory_space<vmem_shared>>
      %dma_wait3A_26 = arith.constant 0 : i32
      %dma_wait3A_27 = tpu.memref_slice %arg9[%add3A_6, %dma_wait3A_26] : memref<10240x128xf32, #tpu.memory_space<vmem_shared>> -> memref<128x128xf32, #tpu.memory_space<vmem_shared>>
      tpu.wait_dma2 semaphore(%run_scoped3A : memref<!tpu.dma_semaphore, #tpu.memory_space<semaphore_mem>>) src(%arg7 : memref<128x128xf32, #tpu.memory_space<vmem>>) dst(%dma_wait3A_27 : memref<128x128xf32, #tpu.memory_space<vmem_shared>>)
      tpu.yield
    }) : () -> ()
    %add3A_7 = arith.constant 256 : i32
    %add3A_8 = arith.addi %mul3A_2, %add3A_7 : i32
    "tpu.region"() ({
      %run_scoped3A = tpu.sem_alloc : memref<!tpu.dma_semaphore, #tpu.memory_space<semaphore_mem>>
      %dma_start3A = arith.constant 0 : i32
      %dma_start3A_22 = tpu.memref_slice %arg9[%add3A_8, %dma_start3A] : memref<10240x128xf32, #tpu.memory_space<vmem_shared>> -> memref<128x128xf32, #tpu.memory_space<vmem_shared>>
      %dma_start3A_23 = arith.constant 0 : i32
      %dma_start3A_24 = tpu.memref_slice %arg9[%add3A_8, %dma_start3A_23] : memref<10240x128xf32, #tpu.memory_space<vmem_shared>> -> memref<128x128xf32, #tpu.memory_space<vmem_shared>>
      tpu.enqueue_dma source(%arg7 : memref<128x128xf32, #tpu.memory_space<vmem>>) target(%dma_start3A_24 : memref<128x128xf32, #tpu.memory_space<vmem_shared>>) target_semaphore(%run_scoped3A : memref<!tpu.dma_semaphore, #tpu.memory_space<semaphore_mem>>)
      %dma_wait3A = arith.constant 0 : i32
      %dma_wait3A_25 = tpu.memref_slice %arg9[%add3A_8, %dma_wait3A] : memref<10240x128xf32, #tpu.memory_space<vmem_shared>> -> memref<128x128xf32, #tpu.memory_space<vmem_shared>>
      %dma_wait3A_26 = arith.constant 0 : i32
      %dma_wait3A_27 = tpu.memref_slice %arg9[%add3A_8, %dma_wait3A_26] : memref<10240x128xf32, #tpu.memory_space<vmem_shared>> -> memref<128x128xf32, #tpu.memory_space<vmem_shared>>
      tpu.wait_dma2 semaphore(%run_scoped3A : memref<!tpu.dma_semaphore, #tpu.memory_space<semaphore_mem>>) src(%arg7 : memref<128x128xf32, #tpu.memory_space<vmem>>) dst(%dma_wait3A_27 : memref<128x128xf32, #tpu.memory_space<vmem_shared>>)
      tpu.yield
    }) : () -> ()
    %add3A_9 = arith.constant 384 : i32
    %add3A_10 = arith.addi %mul3A_2, %add3A_9 : i32
    "tpu.region"() ({
      %run_scoped3A = tpu.sem_alloc : memref<!tpu.dma_semaphore, #tpu.memory_space<semaphore_mem>>
      %dma_start3A = arith.constant 0 : i32
      %dma_start3A_22 = tpu.memref_slice %arg9[%add3A_10, %dma_start3A] : memref<10240x128xf32, #tpu.memory_space<vmem_shared>> -> memref<128x128xf32, #tpu.memory_space<vmem_shared>>
      %dma_start3A_23 = arith.constant 0 : i32
      %dma_start3A_24 = tpu.memref_slice %arg9[%add3A_10, %dma_start3A_23] : memref<10240x128xf32, #tpu.memory_space<vmem_shared>> -> memref<128x128xf32, #tpu.memory_space<vmem_shared>>
      tpu.enqueue_dma source(%arg7 : memref<128x128xf32, #tpu.memory_space<vmem>>) target(%dma_start3A_24 : memref<128x128xf32, #tpu.memory_space<vmem_shared>>) target_semaphore(%run_scoped3A : memref<!tpu.dma_semaphore, #tpu.memory_space<semaphore_mem>>)
      %dma_wait3A = arith.constant 0 : i32
      %dma_wait3A_25 = tpu.memref_slice %arg9[%add3A_10, %dma_wait3A] : memref<10240x128xf32, #tpu.memory_space<vmem_shared>> -> memref<128x128xf32, #tpu.memory_space<vmem_shared>>
      %dma_wait3A_26 = arith.constant 0 : i32
      %dma_wait3A_27 = tpu.memref_slice %arg9[%add3A_10, %dma_wait3A_26] : memref<10240x128xf32, #tpu.memory_space<vmem_shared>> -> memref<128x128xf32, #tpu.memory_space<vmem_shared>>
      tpu.wait_dma2 semaphore(%run_scoped3A : memref<!tpu.dma_semaphore, #tpu.memory_space<semaphore_mem>>) src(%arg7 : memref<128x128xf32, #tpu.memory_space<vmem>>) dst(%dma_wait3A_27 : memref<128x128xf32, #tpu.memory_space<vmem_shared>>)
      tpu.yield
    }) : () -> ()
    %add3A_11 = arith.constant 512 : i32
    %add3A_12 = arith.addi %mul3A_2, %add3A_11 : i32
    "tpu.region"() ({
      %run_scoped3A = tpu.sem_alloc : memref<!tpu.dma_semaphore, #tpu.memory_space<semaphore_mem>>
      %dma_start3A = arith.constant 0 : i32
      %dma_start3A_22 = tpu.memref_slice %arg9[%add3A_12, %dma_start3A] : memref<10240x128xf32, #tpu.memory_space<vmem_shared>> -> memref<128x128xf32, #tpu.memory_space<vmem_shared>>
      %dma_start3A_23 = arith.constant 0 : i32
      %dma_start3A_24 = tpu.memref_slice %arg9[%add3A_12, %dma_start3A_23] : memref<10240x128xf32, #tpu.memory_space<vmem_shared>> -> memref<128x128xf32, #tpu.memory_space<vmem_shared>>
      tpu.enqueue_dma source(%arg7 : memref<128x128xf32, #tpu.memory_space<vmem>>) target(%dma_start3A_24 : memref<128x128xf32, #tpu.memory_space<vmem_shared>>) target_semaphore(%run_scoped3A : memref<!tpu.dma_semaphore, #tpu.memory_space<semaphore_mem>>)
      %dma_wait3A = arith.constant 0 : i32
      %dma_wait3A_25 = tpu.memref_slice %arg9[%add3A_12, %dma_wait3A] : memref<10240x128xf32, #tpu.memory_space<vmem_shared>> -> memref<128x128xf32, #tpu.memory_space<vmem_shared>>
      %dma_wait3A_26 = arith.constant 0 : i32
      %dma_wait3A_27 = tpu.memref_slice %arg9[%add3A_12, %dma_wait3A_26] : memref<10240x128xf32, #tpu.memory_space<vmem_shared>> -> memref<128x128xf32, #tpu.memory_space<vmem_shared>>
      tpu.wait_dma2 semaphore(%run_scoped3A : memref<!tpu.dma_semaphore, #tpu.memory_space<semaphore_mem>>) src(%arg7 : memref<128x128xf32, #tpu.memory_space<vmem>>) dst(%dma_wait3A_27 : memref<128x128xf32, #tpu.memory_space<vmem_shared>>)
      tpu.yield
    }) : () -> ()
    %barrier3A = arith.constant 0 : index
    tpu.barrier barrier_id(%barrier3A)
    %scan3A = arith.constant 0 : i32
    %scan3A_13 = arith.constant 0 : i32
    %scan3A_14 = arith.constant 5 : i32
    %scan3A_15 = arith.addi %scan3A_13, %scan3A_14 : i32
    %scan3A_16 = arith.constant 1 : i32
    scf.for %scan3A_22 = %scan3A_13 to %scan3A_15 step %scan3A_16  : i32 {
      %mul3A_23 = arith.constant 80 : i32
      %mul3A_24 = arith.muli %add3A, %mul3A_23 : i32
      %mul3A_25 = arith.constant 16 : i32
      %mul3A_26 = arith.muli %scan3A_22, %mul3A_25 : i32
      %add3A_27 = arith.addi %mul3A_24, %mul3A_26 : i32
      %mul3A_28 = arith.constant 2 : i32
      %mul3A_29 = arith.muli %mul3A_28, %add3A_27 : i32
      "tpu.region"() ({
        %run_scoped3A_267 = tpu.sem_alloc : memref<!tpu.dma_semaphore, #tpu.memory_space<semaphore_mem>>
        %dma_start3A_268 = arith.constant 0 : i32
        %dma_start3A_269 = tpu.memref_slice %arg3[%mul3A_29, %dma_start3A_268] : memref<5120x128xi32, #tpu.memory_space<hbm>> -> memref<32x128xi32, #tpu.memory_space<hbm>>
        %dma_start3A_270 = arith.constant 0 : i32
        %dma_start3A_271 = tpu.memref_slice %arg3[%mul3A_29, %dma_start3A_270] : memref<5120x128xi32, #tpu.memory_space<hbm>> -> memref<32x128xi32, #tpu.memory_space<hbm>>
        tpu.enqueue_dma source(%dma_start3A_271 : memref<32x128xi32, #tpu.memory_space<hbm>>) target(%arg6 : memref<32x128xi32, #tpu.memory_space<vmem>>) target_semaphore(%run_scoped3A_267 : memref<!tpu.dma_semaphore, #tpu.memory_space<semaphore_mem>>)
        %dma_wait3A_272 = arith.constant 0 : i32
        %dma_wait3A_273 = tpu.memref_slice %arg3[%mul3A_29, %dma_wait3A_272] : memref<5120x128xi32, #tpu.memory_space<hbm>> -> memref<32x128xi32, #tpu.memory_space<hbm>>
        %dma_wait3A_274 = arith.constant 0 : i32
        %dma_wait3A_275 = tpu.memref_slice %arg3[%mul3A_29, %dma_wait3A_274] : memref<5120x128xi32, #tpu.memory_space<hbm>> -> memref<32x128xi32, #tpu.memory_space<hbm>>
        tpu.wait_dma2 semaphore(%run_scoped3A_267 : memref<!tpu.dma_semaphore, #tpu.memory_space<semaphore_mem>>) src(%dma_wait3A_275 : memref<32x128xi32, #tpu.memory_space<hbm>>) dst(%arg6 : memref<32x128xi32, #tpu.memory_space<vmem>>)
        tpu.yield
      }) : () -> ()
      %dma_start3A = arith.constant 0 : i32
      %dma_start3A_30 = arith.constant 0 : i32
      %dma_start3A_31 = tpu.memref_slice %arg6[%dma_start3A, %dma_start3A_30] : memref<32x128xi32, #tpu.memory_space<vmem>> -> memref<1x128xi32, #tpu.memory_space<vmem>>
      %dma_start3A_32 = tpu.memref_squeeze %dma_start3A_31 : memref<1x128xi32, #tpu.memory_space<vmem>> -> memref<128xi32, #tpu.memory_space<vmem>>
      %dma_start3A_33 = arith.constant 0 : i32
      %dma_start3A_34 = arith.constant 0 : i32
      %dma_start3A_35 = tpu.memref_slice %arg2[%dma_start3A_33, %dma_start3A_34] : memref<10000x128xf32, #tpu.memory_space<hbm>> -> memref<10000x128xf32, #tpu.memory_space<hbm>>
      tpu.enqueue_indirect_dma source(%dma_start3A_35 : memref<10000x128xf32, #tpu.memory_space<hbm>>) target(%arg7 : memref<128x128xf32, #tpu.memory_space<vmem>>) offsets(%dma_start3A_32 : memref<128xi32, #tpu.memory_space<vmem>>) semaphore(%arg10 : memref<!tpu.dma_semaphore, #tpu.memory_space<semaphore_mem>>)
      %dma_start3A_36 = arith.constant 2 : i32
      %dma_start3A_37 = arith.constant 0 : i32
      %dma_start3A_38 = tpu.memref_slice %arg6[%dma_start3A_36, %dma_start3A_37] : memref<32x128xi32, #tpu.memory_space<vmem>> -> memref<1x128xi32, #tpu.memory_space<vmem>>
      %dma_start3A_39 = tpu.memref_squeeze %dma_start3A_38 : memref<1x128xi32, #tpu.memory_space<vmem>> -> memref<128xi32, #tpu.memory_space<vmem>>
      %dma_start3A_40 = arith.constant 0 : i32
      %dma_start3A_41 = arith.constant 0 : i32
      %dma_start3A_42 = tpu.memref_slice %arg2[%dma_start3A_40, %dma_start3A_41] : memref<10000x128xf32, #tpu.memory_space<hbm>> -> memref<10000x128xf32, #tpu.memory_space<hbm>>
      tpu.enqueue_indirect_dma source(%dma_start3A_42 : memref<10000x128xf32, #tpu.memory_space<hbm>>) target(%arg8 : memref<128x128xf32, #tpu.memory_space<vmem>>) offsets(%dma_start3A_39 : memref<128xi32, #tpu.memory_space<vmem>>) semaphore(%arg11 : memref<!tpu.dma_semaphore, #tpu.memory_space<semaphore_mem>>)
      %dma_wait3A = arith.constant 0 : i32
      %dma_wait3A_43 = arith.constant 0 : i32
      %dma_wait3A_44 = tpu.memref_slice %arg6[%dma_wait3A, %dma_wait3A_43] : memref<32x128xi32, #tpu.memory_space<vmem>> -> memref<1x128xi32, #tpu.memory_space<vmem>>
      %dma_wait3A_45 = tpu.memref_squeeze %dma_wait3A_44 : memref<1x128xi32, #tpu.memory_space<vmem>> -> memref<128xi32, #tpu.memory_space<vmem>>
      %dma_wait3A_46 = arith.constant 0 : i32
      %dma_wait3A_47 = arith.constant 0 : i32
      %dma_wait3A_48 = tpu.memref_slice %arg2[%dma_wait3A_46, %dma_wait3A_47] : memref<10000x128xf32, #tpu.memory_space<hbm>> -> memref<10000x128xf32, #tpu.memory_space<hbm>>
      tpu.wait_indirect_dma semaphore(%arg10 : memref<!tpu.dma_semaphore, #tpu.memory_space<semaphore_mem>>) src(%dma_wait3A_48 : memref<10000x128xf32, #tpu.memory_space<hbm>>) dst(%arg7 : memref<128x128xf32, #tpu.memory_space<vmem>>)
      %run_scoped3A = arith.constant 1 : i32
      "tpu.region"() ({
        %run_scoped3A_267 = tpu.sem_alloc : memref<!tpu.dma_semaphore, #tpu.memory_space<semaphore_mem>>
        %dma_start3A_268 = arith.constant 0 : i32
        %dma_start3A_269 = tpu.memref_slice %arg6[%run_scoped3A, %dma_start3A_268] : memref<32x128xi32, #tpu.memory_space<vmem>> -> memref<1x128xi32, #tpu.memory_space<vmem>>
        %dma_start3A_270 = tpu.memref_squeeze %dma_start3A_269 : memref<1x128xi32, #tpu.memory_space<vmem>> -> memref<128xi32, #tpu.memory_space<vmem>>
        %dma_start3A_271 = arith.constant 0 : i32
        %dma_start3A_272 = arith.constant 0 : i32
        %dma_start3A_273 = tpu.memref_slice %arg9[%dma_start3A_271, %dma_start3A_272] : memref<10240x128xf32, #tpu.memory_space<vmem_shared>> -> memref<10240x128xf32, #tpu.memory_space<vmem_shared>>
        tpu.enqueue_indirect_dma source(%arg7 : memref<128x128xf32, #tpu.memory_space<vmem>>) target(%dma_start3A_273 : memref<10240x128xf32, #tpu.memory_space<vmem_shared>>) offsets(%dma_start3A_270 : memref<128xi32, #tpu.memory_space<vmem>>) semaphore(%run_scoped3A_267 : memref<!tpu.dma_semaphore, #tpu.memory_space<semaphore_mem>>) {add = true}
        %dma_wait3A_274 = arith.constant 0 : i32
        %dma_wait3A_275 = tpu.memref_slice %arg6[%run_scoped3A, %dma_wait3A_274] : memref<32x128xi32, #tpu.memory_space<vmem>> -> memref<1x128xi32, #tpu.memory_space<vmem>>
        %dma_wait3A_276 = tpu.memref_squeeze %dma_wait3A_275 : memref<1x128xi32, #tpu.memory_space<vmem>> -> memref<128xi32, #tpu.memory_space<vmem>>
        %dma_wait3A_277 = arith.constant 0 : i32
        %dma_wait3A_278 = arith.constant 0 : i32
        %dma_wait3A_279 = tpu.memref_slice %arg9[%dma_wait3A_277, %dma_wait3A_278] : memref<10240x128xf32, #tpu.memory_space<vmem_shared>> -> memref<10240x128xf32, #tpu.memory_space<vmem_shared>>
        tpu.wait_indirect_dma semaphore(%run_scoped3A_267 : memref<!tpu.dma_semaphore, #tpu.memory_space<semaphore_mem>>) src(%arg7 : memref<128x128xf32, #tpu.memory_space<vmem>>) dst(%dma_wait3A_279 : memref<10240x128xf32, #tpu.memory_space<vmem_shared>>)
        tpu.yield
      }) : () -> ()
      %dma_start3A_49 = arith.constant 4 : i32
      %dma_start3A_50 = arith.constant 0 : i32
      %dma_start3A_51 = tpu.memref_slice %arg6[%dma_start3A_49, %dma_start3A_50] : memref<32x128xi32, #tpu.memory_space<vmem>> -> memref<1x128xi32, #tpu.memory_space<vmem>>
      %dma_start3A_52 = tpu.memref_squeeze %dma_start3A_51 : memref<1x128xi32, #tpu.memory_space<vmem>> -> memref<128xi32, #tpu.memory_space<vmem>>
      %dma_start3A_53 = arith.constant 0 : i32
      %dma_start3A_54 = arith.constant 0 : i32
      %dma_start3A_55 = tpu.memref_slice %arg2[%dma_start3A_53, %dma_start3A_54] : memref<10000x128xf32, #tpu.memory_space<hbm>> -> memref<10000x128xf32, #tpu.memory_space<hbm>>
      tpu.enqueue_indirect_dma source(%dma_start3A_55 : memref<10000x128xf32, #tpu.memory_space<hbm>>) target(%arg7 : memref<128x128xf32, #tpu.memory_space<vmem>>) offsets(%dma_start3A_52 : memref<128xi32, #tpu.memory_space<vmem>>) semaphore(%arg10 : memref<!tpu.dma_semaphore, #tpu.memory_space<semaphore_mem>>)
      %dma_wait3A_56 = arith.constant 2 : i32
      %dma_wait3A_57 = arith.constant 0 : i32
      %dma_wait3A_58 = tpu.memref_slice %arg6[%dma_wait3A_56, %dma_wait3A_57] : memref<32x128xi32, #tpu.memory_space<vmem>> -> memref<1x128xi32, #tpu.memory_space<vmem>>
      %dma_wait3A_59 = tpu.memref_squeeze %dma_wait3A_58 : memref<1x128xi32, #tpu.memory_space<vmem>> -> memref<128xi32, #tpu.memory_space<vmem>>
      %dma_wait3A_60 = arith.constant 0 : i32
      %dma_wait3A_61 = arith.constant 0 : i32
      %dma_wait3A_62 = tpu.memref_slice %arg2[%dma_wait3A_60, %dma_wait3A_61] : memref<10000x128xf32, #tpu.memory_space<hbm>> -> memref<10000x128xf32, #tpu.memory_space<hbm>>
      tpu.wait_indirect_dma semaphore(%arg11 : memref<!tpu.dma_semaphore, #tpu.memory_space<semaphore_mem>>) src(%dma_wait3A_62 : memref<10000x128xf32, #tpu.memory_space<hbm>>) dst(%arg8 : memref<128x128xf32, #tpu.memory_space<vmem>>)
      %run_scoped3A_63 = arith.constant 3 : i32
      "tpu.region"() ({
        %run_scoped3A_267 = tpu.sem_alloc : memref<!tpu.dma_semaphore, #tpu.memory_space<semaphore_mem>>
        %dma_start3A_268 = arith.constant 0 : i32
        %dma_start3A_269 = tpu.memref_slice %arg6[%run_scoped3A_63, %dma_start3A_268] : memref<32x128xi32, #tpu.memory_space<vmem>> -> memref<1x128xi32, #tpu.memory_space<vmem>>
        %dma_start3A_270 = tpu.memref_squeeze %dma_start3A_269 : memref<1x128xi32, #tpu.memory_space<vmem>> -> memref<128xi32, #tpu.memory_space<vmem>>
        %dma_start3A_271 = arith.constant 0 : i32
        %dma_start3A_272 = arith.constant 0 : i32
        %dma_start3A_273 = tpu.memref_slice %arg9[%dma_start3A_271, %dma_start3A_272] : memref<10240x128xf32, #tpu.memory_space<vmem_shared>> -> memref<10240x128xf32, #tpu.memory_space<vmem_shared>>
        tpu.enqueue_indirect_dma source(%arg8 : memref<128x128xf32, #tpu.memory_space<vmem>>) target(%dma_start3A_273 : memref<10240x128xf32, #tpu.memory_space<vmem_shared>>) offsets(%dma_start3A_270 : memref<128xi32, #tpu.memory_space<vmem>>) semaphore(%run_scoped3A_267 : memref<!tpu.dma_semaphore, #tpu.memory_space<semaphore_mem>>) {add = true}
        %dma_wait3A_274 = arith.constant 0 : i32
        %dma_wait3A_275 = tpu.memref_slice %arg6[%run_scoped3A_63, %dma_wait3A_274] : memref<32x128xi32, #tpu.memory_space<vmem>> -> memref<1x128xi32, #tpu.memory_space<vmem>>
        %dma_wait3A_276 = tpu.memref_squeeze %dma_wait3A_275 : memref<1x128xi32, #tpu.memory_space<vmem>> -> memref<128xi32, #tpu.memory_space<vmem>>
        %dma_wait3A_277 = arith.constant 0 : i32
        %dma_wait3A_278 = arith.constant 0 : i32
        %dma_wait3A_279 = tpu.memref_slice %arg9[%dma_wait3A_277, %dma_wait3A_278] : memref<10240x128xf32, #tpu.memory_space<vmem_shared>> -> memref<10240x128xf32, #tpu.memory_space<vmem_shared>>
        tpu.wait_indirect_dma semaphore(%run_scoped3A_267 : memref<!tpu.dma_semaphore, #tpu.memory_space<semaphore_mem>>) src(%arg8 : memref<128x128xf32, #tpu.memory_space<vmem>>) dst(%dma_wait3A_279 : memref<10240x128xf32, #tpu.memory_space<vmem_shared>>)
        tpu.yield
      }) : () -> ()
      %dma_start3A_64 = arith.constant 6 : i32
      %dma_start3A_65 = arith.constant 0 : i32
      %dma_start3A_66 = tpu.memref_slice %arg6[%dma_start3A_64, %dma_start3A_65] : memref<32x128xi32, #tpu.memory_space<vmem>> -> memref<1x128xi32, #tpu.memory_space<vmem>>
      %dma_start3A_67 = tpu.memref_squeeze %dma_start3A_66 : memref<1x128xi32, #tpu.memory_space<vmem>> -> memref<128xi32, #tpu.memory_space<vmem>>
      %dma_start3A_68 = arith.constant 0 : i32
      %dma_start3A_69 = arith.constant 0 : i32
      %dma_start3A_70 = tpu.memref_slice %arg2[%dma_start3A_68, %dma_start3A_69] : memref<10000x128xf32, #tpu.memory_space<hbm>> -> memref<10000x128xf32, #tpu.memory_space<hbm>>
      tpu.enqueue_indirect_dma source(%dma_start3A_70 : memref<10000x128xf32, #tpu.memory_space<hbm>>) target(%arg8 : memref<128x128xf32, #tpu.memory_space<vmem>>) offsets(%dma_start3A_67 : memref<128xi32, #tpu.memory_space<vmem>>) semaphore(%arg11 : memref<!tpu.dma_semaphore, #tpu.memory_space<semaphore_mem>>)
      %dma_wait3A_71 = arith.constant 4 : i32
      %dma_wait3A_72 = arith.constant 0 : i32
      %dma_wait3A_73 = tpu.memref_slice %arg6[%dma_wait3A_71, %dma_wait3A_72] : memref<32x128xi32, #tpu.memory_space<vmem>> -> memref<1x128xi32, #tpu.memory_space<vmem>>
      %dma_wait3A_74 = tpu.memref_squeeze %dma_wait3A_73 : memref<1x128xi32, #tpu.memory_space<vmem>> -> memref<128xi32, #tpu.memory_space<vmem>>
      %dma_wait3A_75 = arith.constant 0 : i32
      %dma_wait3A_76 = arith.constant 0 : i32
      %dma_wait3A_77 = tpu.memref_slice %arg2[%dma_wait3A_75, %dma_wait3A_76] : memref<10000x128xf32, #tpu.memory_space<hbm>> -> memref<10000x128xf32, #tpu.memory_space<hbm>>
      tpu.wait_indirect_dma semaphore(%arg10 : memref<!tpu.dma_semaphore, #tpu.memory_space<semaphore_mem>>) src(%dma_wait3A_77 : memref<10000x128xf32, #tpu.memory_space<hbm>>) dst(%arg7 : memref<128x128xf32, #tpu.memory_space<vmem>>)
      %run_scoped3A_78 = arith.constant 5 : i32
      "tpu.region"() ({
        %run_scoped3A_267 = tpu.sem_alloc : memref<!tpu.dma_semaphore, #tpu.memory_space<semaphore_mem>>
        %dma_start3A_268 = arith.constant 0 : i32
        %dma_start3A_269 = tpu.memref_slice %arg6[%run_scoped3A_78, %dma_start3A_268] : memref<32x128xi32, #tpu.memory_space<vmem>> -> memref<1x128xi32, #tpu.memory_space<vmem>>
        %dma_start3A_270 = tpu.memref_squeeze %dma_start3A_269 : memref<1x128xi32, #tpu.memory_space<vmem>> -> memref<128xi32, #tpu.memory_space<vmem>>
        %dma_start3A_271 = arith.constant 0 : i32
        %dma_start3A_272 = arith.constant 0 : i32
        %dma_start3A_273 = tpu.memref_slice %arg9[%dma_start3A_271, %dma_start3A_272] : memref<10240x128xf32, #tpu.memory_space<vmem_shared>> -> memref<10240x128xf32, #tpu.memory_space<vmem_shared>>
        tpu.enqueue_indirect_dma source(%arg7 : memref<128x128xf32, #tpu.memory_space<vmem>>) target(%dma_start3A_273 : memref<10240x128xf32, #tpu.memory_space<vmem_shared>>) offsets(%dma_start3A_270 : memref<128xi32, #tpu.memory_space<vmem>>) semaphore(%run_scoped3A_267 : memref<!tpu.dma_semaphore, #tpu.memory_space<semaphore_mem>>) {add = true}
        %dma_wait3A_274 = arith.constant 0 : i32
        %dma_wait3A_275 = tpu.memref_slice %arg6[%run_scoped3A_78, %dma_wait3A_274] : memref<32x128xi32, #tpu.memory_space<vmem>> -> memref<1x128xi32, #tpu.memory_space<vmem>>
        %dma_wait3A_276 = tpu.memref_squeeze %dma_wait3A_275 : memref<1x128xi32, #tpu.memory_space<vmem>> -> memref<128xi32, #tpu.memory_space<vmem>>
        %dma_wait3A_277 = arith.constant 0 : i32
        %dma_wait3A_278 = arith.constant 0 : i32
        %dma_wait3A_279 = tpu.memref_slice %arg9[%dma_wait3A_277, %dma_wait3A_278] : memref<10240x128xf32, #tpu.memory_space<vmem_shared>> -> memref<10240x128xf32, #tpu.memory_space<vmem_shared>>
        tpu.wait_indirect_dma semaphore(%run_scoped3A_267 : memref<!tpu.dma_semaphore, #tpu.memory_space<semaphore_mem>>) src(%arg7 : memref<128x128xf32, #tpu.memory_space<vmem>>) dst(%dma_wait3A_279 : memref<10240x128xf32, #tpu.memory_space<vmem_shared>>)
        tpu.yield
      }) : () -> ()
      %dma_start3A_79 = arith.constant 8 : i32
      %dma_start3A_80 = arith.constant 0 : i32
      %dma_start3A_81 = tpu.memref_slice %arg6[%dma_start3A_79, %dma_start3A_80] : memref<32x128xi32, #tpu.memory_space<vmem>> -> memref<1x128xi32, #tpu.memory_space<vmem>>
      %dma_start3A_82 = tpu.memref_squeeze %dma_start3A_81 : memref<1x128xi32, #tpu.memory_space<vmem>> -> memref<128xi32, #tpu.memory_space<vmem>>
      %dma_start3A_83 = arith.constant 0 : i32
      %dma_start3A_84 = arith.constant 0 : i32
      %dma_start3A_85 = tpu.memref_slice %arg2[%dma_start3A_83, %dma_start3A_84] : memref<10000x128xf32, #tpu.memory_space<hbm>> -> memref<10000x128xf32, #tpu.memory_space<hbm>>
      tpu.enqueue_indirect_dma source(%dma_start3A_85 : memref<10000x128xf32, #tpu.memory_space<hbm>>) target(%arg7 : memref<128x128xf32, #tpu.memory_space<vmem>>) offsets(%dma_start3A_82 : memref<128xi32, #tpu.memory_space<vmem>>) semaphore(%arg10 : memref<!tpu.dma_semaphore, #tpu.memory_space<semaphore_mem>>)
      %dma_wait3A_86 = arith.constant 6 : i32
      %dma_wait3A_87 = arith.constant 0 : i32
      %dma_wait3A_88 = tpu.memref_slice %arg6[%dma_wait3A_86, %dma_wait3A_87] : memref<32x128xi32, #tpu.memory_space<vmem>> -> memref<1x128xi32, #tpu.memory_space<vmem>>
      %dma_wait3A_89 = tpu.memref_squeeze %dma_wait3A_88 : memref<1x128xi32, #tpu.memory_space<vmem>> -> memref<128xi32, #tpu.memory_space<vmem>>
      %dma_wait3A_90 = arith.constant 0 : i32
      %dma_wait3A_91 = arith.constant 0 : i32
      %dma_wait3A_92 = tpu.memref_slice %arg2[%dma_wait3A_90, %dma_wait3A_91] : memref<10000x128xf32, #tpu.memory_space<hbm>> -> memref<10000x128xf32, #tpu.memory_space<hbm>>
      tpu.wait_indirect_dma semaphore(%arg11 : memref<!tpu.dma_semaphore, #tpu.memory_space<semaphore_mem>>) src(%dma_wait3A_92 : memref<10000x128xf32, #tpu.memory_space<hbm>>) dst(%arg8 : memref<128x128xf32, #tpu.memory_space<vmem>>)
      %run_scoped3A_93 = arith.constant 7 : i32
      "tpu.region"() ({
        %run_scoped3A_267 = tpu.sem_alloc : memref<!tpu.dma_semaphore, #tpu.memory_space<semaphore_mem>>
        %dma_start3A_268 = arith.constant 0 : i32
        %dma_start3A_269 = tpu.memref_slice %arg6[%run_scoped3A_93, %dma_start3A_268] : memref<32x128xi32, #tpu.memory_space<vmem>> -> memref<1x128xi32, #tpu.memory_space<vmem>>
        %dma_start3A_270 = tpu.memref_squeeze %dma_start3A_269 : memref<1x128xi32, #tpu.memory_space<vmem>> -> memref<128xi32, #tpu.memory_space<vmem>>
        %dma_start3A_271 = arith.constant 0 : i32
        %dma_start3A_272 = arith.constant 0 : i32
        %dma_start3A_273 = tpu.memref_slice %arg9[%dma_start3A_271, %dma_start3A_272] : memref<10240x128xf32, #tpu.memory_space<vmem_shared>> -> memref<10240x128xf32, #tpu.memory_space<vmem_shared>>
        tpu.enqueue_indirect_dma source(%arg8 : memref<128x128xf32, #tpu.memory_space<vmem>>) target(%dma_start3A_273 : memref<10240x128xf32, #tpu.memory_space<vmem_shared>>) offsets(%dma_start3A_270 : memref<128xi32, #tpu.memory_space<vmem>>) semaphore(%run_scoped3A_267 : memref<!tpu.dma_semaphore, #tpu.memory_space<semaphore_mem>>) {add = true}
        %dma_wait3A_274 = arith.constant 0 : i32
        %dma_wait3A_275 = tpu.memref_slice %arg6[%run_scoped3A_93, %dma_wait3A_274] : memref<32x128xi32, #tpu.memory_space<vmem>> -> memref<1x128xi32, #tpu.memory_space<vmem>>
        %dma_wait3A_276 = tpu.memref_squeeze %dma_wait3A_275 : memref<1x128xi32, #tpu.memory_space<vmem>> -> memref<128xi32, #tpu.memory_space<vmem>>
        %dma_wait3A_277 = arith.constant 0 : i32
        %dma_wait3A_278 = arith.constant 0 : i32
        %dma_wait3A_279 = tpu.memref_slice %arg9[%dma_wait3A_277, %dma_wait3A_278] : memref<10240x128xf32, #tpu.memory_space<vmem_shared>> -> memref<10240x128xf32, #tpu.memory_space<vmem_shared>>
        tpu.wait_indirect_dma semaphore(%run_scoped3A_267 : memref<!tpu.dma_semaphore, #tpu.memory_space<semaphore_mem>>) src(%arg8 : memref<128x128xf32, #tpu.memory_space<vmem>>) dst(%dma_wait3A_279 : memref<10240x128xf32, #tpu.memory_space<vmem_shared>>)
        tpu.yield
      }) : () -> ()
      %dma_start3A_94 = arith.constant 10 : i32
      %dma_start3A_95 = arith.constant 0 : i32
      %dma_start3A_96 = tpu.memref_slice %arg6[%dma_start3A_94, %dma_start3A_95] : memref<32x128xi32, #tpu.memory_space<vmem>> -> memref<1x128xi32, #tpu.memory_space<vmem>>
      %dma_start3A_97 = tpu.memref_squeeze %dma_start3A_96 : memref<1x128xi32, #tpu.memory_space<vmem>> -> memref<128xi32, #tpu.memory_space<vmem>>
      %dma_start3A_98 = arith.constant 0 : i32
      %dma_start3A_99 = arith.constant 0 : i32
      %dma_start3A_100 = tpu.memref_slice %arg2[%dma_start3A_98, %dma_start3A_99] : memref<10000x128xf32, #tpu.memory_space<hbm>> -> memref<10000x128xf32, #tpu.memory_space<hbm>>
      tpu.enqueue_indirect_dma source(%dma_start3A_100 : memref<10000x128xf32, #tpu.memory_space<hbm>>) target(%arg8 : memref<128x128xf32, #tpu.memory_space<vmem>>) offsets(%dma_start3A_97 : memref<128xi32, #tpu.memory_space<vmem>>) semaphore(%arg11 : memref<!tpu.dma_semaphore, #tpu.memory_space<semaphore_mem>>)
      %dma_wait3A_101 = arith.constant 8 : i32
      %dma_wait3A_102 = arith.constant 0 : i32
      %dma_wait3A_103 = tpu.memref_slice %arg6[%dma_wait3A_101, %dma_wait3A_102] : memref<32x128xi32, #tpu.memory_space<vmem>> -> memref<1x128xi32, #tpu.memory_space<vmem>>
      %dma_wait3A_104 = tpu.memref_squeeze %dma_wait3A_103 : memref<1x128xi32, #tpu.memory_space<vmem>> -> memref<128xi32, #tpu.memory_space<vmem>>
      %dma_wait3A_105 = arith.constant 0 : i32
      %dma_wait3A_106 = arith.constant 0 : i32
      %dma_wait3A_107 = tpu.memref_slice %arg2[%dma_wait3A_105, %dma_wait3A_106] : memref<10000x128xf32, #tpu.memory_space<hbm>> -> memref<10000x128xf32, #tpu.memory_space<hbm>>
      tpu.wait_indirect_dma semaphore(%arg10 : memref<!tpu.dma_semaphore, #tpu.memory_space<semaphore_mem>>) src(%dma_wait3A_107 : memref<10000x128xf32, #tpu.memory_space<hbm>>) dst(%arg7 : memref<128x128xf32, #tpu.memory_space<vmem>>)
      %run_scoped3A_108 = arith.constant 9 : i32
      "tpu.region"() ({
        %run_scoped3A_267 = tpu.sem_alloc : memref<!tpu.dma_semaphore, #tpu.memory_space<semaphore_mem>>
        %dma_start3A_268 = arith.constant 0 : i32
        %dma_start3A_269 = tpu.memref_slice %arg6[%run_scoped3A_108, %dma_start3A_268] : memref<32x128xi32, #tpu.memory_space<vmem>> -> memref<1x128xi32, #tpu.memory_space<vmem>>
        %dma_start3A_270 = tpu.memref_squeeze %dma_start3A_269 : memref<1x128xi32, #tpu.memory_space<vmem>> -> memref<128xi32, #tpu.memory_space<vmem>>
        %dma_start3A_271 = arith.constant 0 : i32
        %dma_start3A_272 = arith.constant 0 : i32
        %dma_start3A_273 = tpu.memref_slice %arg9[%dma_start3A_271, %dma_start3A_272] : memref<10240x128xf32, #tpu.memory_space<vmem_shared>> -> memref<10240x128xf32, #tpu.memory_space<vmem_shared>>
        tpu.enqueue_indirect_dma source(%arg7 : memref<128x128xf32, #tpu.memory_space<vmem>>) target(%dma_start3A_273 : memref<10240x128xf32, #tpu.memory_space<vmem_shared>>) offsets(%dma_start3A_270 : memref<128xi32, #tpu.memory_space<vmem>>) semaphore(%run_scoped3A_267 : memref<!tpu.dma_semaphore, #tpu.memory_space<semaphore_mem>>) {add = true}
        %dma_wait3A_274 = arith.constant 0 : i32
        %dma_wait3A_275 = tpu.memref_slice %arg6[%run_scoped3A_108, %dma_wait3A_274] : memref<32x128xi32, #tpu.memory_space<vmem>> -> memref<1x128xi32, #tpu.memory_space<vmem>>
        %dma_wait3A_276 = tpu.memref_squeeze %dma_wait3A_275 : memref<1x128xi32, #tpu.memory_space<vmem>> -> memref<128xi32, #tpu.memory_space<vmem>>
        %dma_wait3A_277 = arith.constant 0 : i32
        %dma_wait3A_278 = arith.constant 0 : i32
        %dma_wait3A_279 = tpu.memref_slice %arg9[%dma_wait3A_277, %dma_wait3A_278] : memref<10240x128xf32, #tpu.memory_space<vmem_shared>> -> memref<10240x128xf32, #tpu.memory_space<vmem_shared>>
        tpu.wait_indirect_dma semaphore(%run_scoped3A_267 : memref<!tpu.dma_semaphore, #tpu.memory_space<semaphore_mem>>) src(%arg7 : memref<128x128xf32, #tpu.memory_space<vmem>>) dst(%dma_wait3A_279 : memref<10240x128xf32, #tpu.memory_space<vmem_shared>>)
        tpu.yield
      }) : () -> ()
      %dma_start3A_109 = arith.constant 12 : i32
      %dma_start3A_110 = arith.constant 0 : i32
      %dma_start3A_111 = tpu.memref_slice %arg6[%dma_start3A_109, %dma_start3A_110] : memref<32x128xi32, #tpu.memory_space<vmem>> -> memref<1x128xi32, #tpu.memory_space<vmem>>
      %dma_start3A_112 = tpu.memref_squeeze %dma_start3A_111 : memref<1x128xi32, #tpu.memory_space<vmem>> -> memref<128xi32, #tpu.memory_space<vmem>>
      %dma_start3A_113 = arith.constant 0 : i32
      %dma_start3A_114 = arith.constant 0 : i32
      %dma_start3A_115 = tpu.memref_slice %arg2[%dma_start3A_113, %dma_start3A_114] : memref<10000x128xf32, #tpu.memory_space<hbm>> -> memref<10000x128xf32, #tpu.memory_space<hbm>>
      tpu.enqueue_indirect_dma source(%dma_start3A_115 : memref<10000x128xf32, #tpu.memory_space<hbm>>) target(%arg7 : memref<128x128xf32, #tpu.memory_space<vmem>>) offsets(%dma_start3A_112 : memref<128xi32, #tpu.memory_space<vmem>>) semaphore(%arg10 : memref<!tpu.dma_semaphore, #tpu.memory_space<semaphore_mem>>)
      %dma_wait3A_116 = arith.constant 10 : i32
      %dma_wait3A_117 = arith.constant 0 : i32
      %dma_wait3A_118 = tpu.memref_slice %arg6[%dma_wait3A_116, %dma_wait3A_117] : memref<32x128xi32, #tpu.memory_space<vmem>> -> memref<1x128xi32, #tpu.memory_space<vmem>>
      %dma_wait3A_119 = tpu.memref_squeeze %dma_wait3A_118 : memref<1x128xi32, #tpu.memory_space<vmem>> -> memref<128xi32, #tpu.memory_space<vmem>>
      %dma_wait3A_120 = arith.constant 0 : i32
      %dma_wait3A_121 = arith.constant 0 : i32
      %dma_wait3A_122 = tpu.memref_slice %arg2[%dma_wait3A_120, %dma_wait3A_121] : memref<10000x128xf32, #tpu.memory_space<hbm>> -> memref<10000x128xf32, #tpu.memory_space<hbm>>
      tpu.wait_indirect_dma semaphore(%arg11 : memref<!tpu.dma_semaphore, #tpu.memory_space<semaphore_mem>>) src(%dma_wait3A_122 : memref<10000x128xf32, #tpu.memory_space<hbm>>) dst(%arg8 : memref<128x128xf32, #tpu.memory_space<vmem>>)
      %run_scoped3A_123 = arith.constant 11 : i32
      "tpu.region"() ({
        %run_scoped3A_267 = tpu.sem_alloc : memref<!tpu.dma_semaphore, #tpu.memory_space<semaphore_mem>>
        %dma_start3A_268 = arith.constant 0 : i32
        %dma_start3A_269 = tpu.memref_slice %arg6[%run_scoped3A_123, %dma_start3A_268] : memref<32x128xi32, #tpu.memory_space<vmem>> -> memref<1x128xi32, #tpu.memory_space<vmem>>
        %dma_start3A_270 = tpu.memref_squeeze %dma_start3A_269 : memref<1x128xi32, #tpu.memory_space<vmem>> -> memref<128xi32, #tpu.memory_space<vmem>>
        %dma_start3A_271 = arith.constant 0 : i32
        %dma_start3A_272 = arith.constant 0 : i32
        %dma_start3A_273 = tpu.memref_slice %arg9[%dma_start3A_271, %dma_start3A_272] : memref<10240x128xf32, #tpu.memory_space<vmem_shared>> -> memref<10240x128xf32, #tpu.memory_space<vmem_shared>>
        tpu.enqueue_indirect_dma source(%arg8 : memref<128x128xf32, #tpu.memory_space<vmem>>) target(%dma_start3A_273 : memref<10240x128xf32, #tpu.memory_space<vmem_shared>>) offsets(%dma_start3A_270 : memref<128xi32, #tpu.memory_space<vmem>>) semaphore(%run_scoped3A_267 : memref<!tpu.dma_semaphore, #tpu.memory_space<semaphore_mem>>) {add = true}
        %dma_wait3A_274 = arith.constant 0 : i32
        %dma_wait3A_275 = tpu.memref_slice %arg6[%run_scoped3A_123, %dma_wait3A_274] : memref<32x128xi32, #tpu.memory_space<vmem>> -> memref<1x128xi32, #tpu.memory_space<vmem>>
        %dma_wait3A_276 = tpu.memref_squeeze %dma_wait3A_275 : memref<1x128xi32, #tpu.memory_space<vmem>> -> memref<128xi32, #tpu.memory_space<vmem>>
        %dma_wait3A_277 = arith.constant 0 : i32
        %dma_wait3A_278 = arith.constant 0 : i32
        %dma_wait3A_279 = tpu.memref_slice %arg9[%dma_wait3A_277, %dma_wait3A_278] : memref<10240x128xf32, #tpu.memory_space<vmem_shared>> -> memref<10240x128xf32, #tpu.memory_space<vmem_shared>>
        tpu.wait_indirect_dma semaphore(%run_scoped3A_267 : memref<!tpu.dma_semaphore, #tpu.memory_space<semaphore_mem>>) src(%arg8 : memref<128x128xf32, #tpu.memory_space<vmem>>) dst(%dma_wait3A_279 : memref<10240x128xf32, #tpu.memory_space<vmem_shared>>)
        tpu.yield
      }) : () -> ()
      %dma_start3A_124 = arith.constant 14 : i32
      %dma_start3A_125 = arith.constant 0 : i32
      %dma_start3A_126 = tpu.memref_slice %arg6[%dma_start3A_124, %dma_start3A_125] : memref<32x128xi32, #tpu.memory_space<vmem>> -> memref<1x128xi32, #tpu.memory_space<vmem>>
      %dma_start3A_127 = tpu.memref_squeeze %dma_start3A_126 : memref<1x128xi32, #tpu.memory_space<vmem>> -> memref<128xi32, #tpu.memory_space<vmem>>
      %dma_start3A_128 = arith.constant 0 : i32
      %dma_start3A_129 = arith.constant 0 : i32
      %dma_start3A_130 = tpu.memref_slice %arg2[%dma_start3A_128, %dma_start3A_129] : memref<10000x128xf32, #tpu.memory_space<hbm>> -> memref<10000x128xf32, #tpu.memory_space<hbm>>
      tpu.enqueue_indirect_dma source(%dma_start3A_130 : memref<10000x128xf32, #tpu.memory_space<hbm>>) target(%arg8 : memref<128x128xf32, #tpu.memory_space<vmem>>) offsets(%dma_start3A_127 : memref<128xi32, #tpu.memory_space<vmem>>) semaphore(%arg11 : memref<!tpu.dma_semaphore, #tpu.memory_space<semaphore_mem>>)
      %dma_wait3A_131 = arith.constant 12 : i32
      %dma_wait3A_132 = arith.constant 0 : i32
      %dma_wait3A_133 = tpu.memref_slice %arg6[%dma_wait3A_131, %dma_wait3A_132] : memref<32x128xi32, #tpu.memory_space<vmem>> -> memref<1x128xi32, #tpu.memory_space<vmem>>
      %dma_wait3A_134 = tpu.memref_squeeze %dma_wait3A_133 : memref<1x128xi32, #tpu.memory_space<vmem>> -> memref<128xi32, #tpu.memory_space<vmem>>
      %dma_wait3A_135 = arith.constant 0 : i32
      %dma_wait3A_136 = arith.constant 0 : i32
      %dma_wait3A_137 = tpu.memref_slice %arg2[%dma_wait3A_135, %dma_wait3A_136] : memref<10000x128xf32, #tpu.memory_space<hbm>> -> memref<10000x128xf32, #tpu.memory_space<hbm>>
      tpu.wait_indirect_dma semaphore(%arg10 : memref<!tpu.dma_semaphore, #tpu.memory_space<semaphore_mem>>) src(%dma_wait3A_137 : memref<10000x128xf32, #tpu.memory_space<hbm>>) dst(%arg7 : memref<128x128xf32, #tpu.memory_space<vmem>>)
      %run_scoped3A_138 = arith.constant 13 : i32
      "tpu.region"() ({
        %run_scoped3A_267 = tpu.sem_alloc : memref<!tpu.dma_semaphore, #tpu.memory_space<semaphore_mem>>
        %dma_start3A_268 = arith.constant 0 : i32
        %dma_start3A_269 = tpu.memref_slice %arg6[%run_scoped3A_138, %dma_start3A_268] : memref<32x128xi32, #tpu.memory_space<vmem>> -> memref<1x128xi32, #tpu.memory_space<vmem>>
        %dma_start3A_270 = tpu.memref_squeeze %dma_start3A_269 : memref<1x128xi32, #tpu.memory_space<vmem>> -> memref<128xi32, #tpu.memory_space<vmem>>
        %dma_start3A_271 = arith.constant 0 : i32
        %dma_start3A_272 = arith.constant 0 : i32
        %dma_start3A_273 = tpu.memref_slice %arg9[%dma_start3A_271, %dma_start3A_272] : memref<10240x128xf32, #tpu.memory_space<vmem_shared>> -> memref<10240x128xf32, #tpu.memory_space<vmem_shared>>
        tpu.enqueue_indirect_dma source(%arg7 : memref<128x128xf32, #tpu.memory_space<vmem>>) target(%dma_start3A_273 : memref<10240x128xf32, #tpu.memory_space<vmem_shared>>) offsets(%dma_start3A_270 : memref<128xi32, #tpu.memory_space<vmem>>) semaphore(%run_scoped3A_267 : memref<!tpu.dma_semaphore, #tpu.memory_space<semaphore_mem>>) {add = true}
        %dma_wait3A_274 = arith.constant 0 : i32
        %dma_wait3A_275 = tpu.memref_slice %arg6[%run_scoped3A_138, %dma_wait3A_274] : memref<32x128xi32, #tpu.memory_space<vmem>> -> memref<1x128xi32, #tpu.memory_space<vmem>>
        %dma_wait3A_276 = tpu.memref_squeeze %dma_wait3A_275 : memref<1x128xi32, #tpu.memory_space<vmem>> -> memref<128xi32, #tpu.memory_space<vmem>>
        %dma_wait3A_277 = arith.constant 0 : i32
        %dma_wait3A_278 = arith.constant 0 : i32
        %dma_wait3A_279 = tpu.memref_slice %arg9[%dma_wait3A_277, %dma_wait3A_278] : memref<10240x128xf32, #tpu.memory_space<vmem_shared>> -> memref<10240x128xf32, #tpu.memory_space<vmem_shared>>
        tpu.wait_indirect_dma semaphore(%run_scoped3A_267 : memref<!tpu.dma_semaphore, #tpu.memory_space<semaphore_mem>>) src(%arg7 : memref<128x128xf32, #tpu.memory_space<vmem>>) dst(%dma_wait3A_279 : memref<10240x128xf32, #tpu.memory_space<vmem_shared>>)
        tpu.yield
      }) : () -> ()
      %dma_start3A_139 = arith.constant 16 : i32
      %dma_start3A_140 = arith.constant 0 : i32
      %dma_start3A_141 = tpu.memref_slice %arg6[%dma_start3A_139, %dma_start3A_140] : memref<32x128xi32, #tpu.memory_space<vmem>> -> memref<1x128xi32, #tpu.memory_space<vmem>>
      %dma_start3A_142 = tpu.memref_squeeze %dma_start3A_141 : memref<1x128xi32, #tpu.memory_space<vmem>> -> memref<128xi32, #tpu.memory_space<vmem>>
      %dma_start3A_143 = arith.constant 0 : i32
      %dma_start3A_144 = arith.constant 0 : i32
      %dma_start3A_145 = tpu.memref_slice %arg2[%dma_start3A_143, %dma_start3A_144] : memref<10000x128xf32, #tpu.memory_space<hbm>> -> memref<10000x128xf32, #tpu.memory_space<hbm>>
      tpu.enqueue_indirect_dma source(%dma_start3A_145 : memref<10000x128xf32, #tpu.memory_space<hbm>>) target(%arg7 : memref<128x128xf32, #tpu.memory_space<vmem>>) offsets(%dma_start3A_142 : memref<128xi32, #tpu.memory_space<vmem>>) semaphore(%arg10 : memref<!tpu.dma_semaphore, #tpu.memory_space<semaphore_mem>>)
      %dma_wait3A_146 = arith.constant 14 : i32
      %dma_wait3A_147 = arith.constant 0 : i32
      %dma_wait3A_148 = tpu.memref_slice %arg6[%dma_wait3A_146, %dma_wait3A_147] : memref<32x128xi32, #tpu.memory_space<vmem>> -> memref<1x128xi32, #tpu.memory_space<vmem>>
      %dma_wait3A_149 = tpu.memref_squeeze %dma_wait3A_148 : memref<1x128xi32, #tpu.memory_space<vmem>> -> memref<128xi32, #tpu.memory_space<vmem>>
      %dma_wait3A_150 = arith.constant 0 : i32
      %dma_wait3A_151 = arith.constant 0 : i32
      %dma_wait3A_152 = tpu.memref_slice %arg2[%dma_wait3A_150, %dma_wait3A_151] : memref<10000x128xf32, #tpu.memory_space<hbm>> -> memref<10000x128xf32, #tpu.memory_space<hbm>>
      tpu.wait_indirect_dma semaphore(%arg11 : memref<!tpu.dma_semaphore, #tpu.memory_space<semaphore_mem>>) src(%dma_wait3A_152 : memref<10000x128xf32, #tpu.memory_space<hbm>>) dst(%arg8 : memref<128x128xf32, #tpu.memory_space<vmem>>)
      %run_scoped3A_153 = arith.constant 15 : i32
      "tpu.region"() ({
        %run_scoped3A_267 = tpu.sem_alloc : memref<!tpu.dma_semaphore, #tpu.memory_space<semaphore_mem>>
        %dma_start3A_268 = arith.constant 0 : i32
        %dma_start3A_269 = tpu.memref_slice %arg6[%run_scoped3A_153, %dma_start3A_268] : memref<32x128xi32, #tpu.memory_space<vmem>> -> memref<1x128xi32, #tpu.memory_space<vmem>>
        %dma_start3A_270 = tpu.memref_squeeze %dma_start3A_269 : memref<1x128xi32, #tpu.memory_space<vmem>> -> memref<128xi32, #tpu.memory_space<vmem>>
        %dma_start3A_271 = arith.constant 0 : i32
        %dma_start3A_272 = arith.constant 0 : i32
        %dma_start3A_273 = tpu.memref_slice %arg9[%dma_start3A_271, %dma_start3A_272] : memref<10240x128xf32, #tpu.memory_space<vmem_shared>> -> memref<10240x128xf32, #tpu.memory_space<vmem_shared>>
        tpu.enqueue_indirect_dma source(%arg8 : memref<128x128xf32, #tpu.memory_space<vmem>>) target(%dma_start3A_273 : memref<10240x128xf32, #tpu.memory_space<vmem_shared>>) offsets(%dma_start3A_270 : memref<128xi32, #tpu.memory_space<vmem>>) semaphore(%run_scoped3A_267 : memref<!tpu.dma_semaphore, #tpu.memory_space<semaphore_mem>>) {add = true}
        %dma_wait3A_274 = arith.constant 0 : i32
        %dma_wait3A_275 = tpu.memref_slice %arg6[%run_scoped3A_153, %dma_wait3A_274] : memref<32x128xi32, #tpu.memory_space<vmem>> -> memref<1x128xi32, #tpu.memory_space<vmem>>
        %dma_wait3A_276 = tpu.memref_squeeze %dma_wait3A_275 : memref<1x128xi32, #tpu.memory_space<vmem>> -> memref<128xi32, #tpu.memory_space<vmem>>
        %dma_wait3A_277 = arith.constant 0 : i32
        %dma_wait3A_278 = arith.constant 0 : i32
        %dma_wait3A_279 = tpu.memref_slice %arg9[%dma_wait3A_277, %dma_wait3A_278] : memref<10240x128xf32, #tpu.memory_space<vmem_shared>> -> memref<10240x128xf32, #tpu.memory_space<vmem_shared>>
        tpu.wait_indirect_dma semaphore(%run_scoped3A_267 : memref<!tpu.dma_semaphore, #tpu.memory_space<semaphore_mem>>) src(%arg8 : memref<128x128xf32, #tpu.memory_space<vmem>>) dst(%dma_wait3A_279 : memref<10240x128xf32, #tpu.memory_space<vmem_shared>>)
        tpu.yield
      }) : () -> ()
      %dma_start3A_154 = arith.constant 18 : i32
      %dma_start3A_155 = arith.constant 0 : i32
      %dma_start3A_156 = tpu.memref_slice %arg6[%dma_start3A_154, %dma_start3A_155] : memref<32x128xi32, #tpu.memory_space<vmem>> -> memref<1x128xi32, #tpu.memory_space<vmem>>
      %dma_start3A_157 = tpu.memref_squeeze %dma_start3A_156 : memref<1x128xi32, #tpu.memory_space<vmem>> -> memref<128xi32, #tpu.memory_space<vmem>>
      %dma_start3A_158 = arith.constant 0 : i32
      %dma_start3A_159 = arith.constant 0 : i32
      %dma_start3A_160 = tpu.memref_slice %arg2[%dma_start3A_158, %dma_start3A_159] : memref<10000x128xf32, #tpu.memory_space<hbm>> -> memref<10000x128xf32, #tpu.memory_space<hbm>>
      tpu.enqueue_indirect_dma source(%dma_start3A_160 : memref<10000x128xf32, #tpu.memory_space<hbm>>) target(%arg8 : memref<128x128xf32, #tpu.memory_space<vmem>>) offsets(%dma_start3A_157 : memref<128xi32, #tpu.memory_space<vmem>>) semaphore(%arg11 : memref<!tpu.dma_semaphore, #tpu.memory_space<semaphore_mem>>)
      %dma_wait3A_161 = arith.constant 16 : i32
      %dma_wait3A_162 = arith.constant 0 : i32
      %dma_wait3A_163 = tpu.memref_slice %arg6[%dma_wait3A_161, %dma_wait3A_162] : memref<32x128xi32, #tpu.memory_space<vmem>> -> memref<1x128xi32, #tpu.memory_space<vmem>>
      %dma_wait3A_164 = tpu.memref_squeeze %dma_wait3A_163 : memref<1x128xi32, #tpu.memory_space<vmem>> -> memref<128xi32, #tpu.memory_space<vmem>>
      %dma_wait3A_165 = arith.constant 0 : i32
      %dma_wait3A_166 = arith.constant 0 : i32
      %dma_wait3A_167 = tpu.memref_slice %arg2[%dma_wait3A_165, %dma_wait3A_166] : memref<10000x128xf32, #tpu.memory_space<hbm>> -> memref<10000x128xf32, #tpu.memory_space<hbm>>
      tpu.wait_indirect_dma semaphore(%arg10 : memref<!tpu.dma_semaphore, #tpu.memory_space<semaphore_mem>>) src(%dma_wait3A_167 : memref<10000x128xf32, #tpu.memory_space<hbm>>) dst(%arg7 : memref<128x128xf32, #tpu.memory_space<vmem>>)
      %run_scoped3A_168 = arith.constant 17 : i32
      "tpu.region"() ({
        %run_scoped3A_267 = tpu.sem_alloc : memref<!tpu.dma_semaphore, #tpu.memory_space<semaphore_mem>>
        %dma_start3A_268 = arith.constant 0 : i32
        %dma_start3A_269 = tpu.memref_slice %arg6[%run_scoped3A_168, %dma_start3A_268] : memref<32x128xi32, #tpu.memory_space<vmem>> -> memref<1x128xi32, #tpu.memory_space<vmem>>
        %dma_start3A_270 = tpu.memref_squeeze %dma_start3A_269 : memref<1x128xi32, #tpu.memory_space<vmem>> -> memref<128xi32, #tpu.memory_space<vmem>>
        %dma_start3A_271 = arith.constant 0 : i32
        %dma_start3A_272 = arith.constant 0 : i32
        %dma_start3A_273 = tpu.memref_slice %arg9[%dma_start3A_271, %dma_start3A_272] : memref<10240x128xf32, #tpu.memory_space<vmem_shared>> -> memref<10240x128xf32, #tpu.memory_space<vmem_shared>>
        tpu.enqueue_indirect_dma source(%arg7 : memref<128x128xf32, #tpu.memory_space<vmem>>) target(%dma_start3A_273 : memref<10240x128xf32, #tpu.memory_space<vmem_shared>>) offsets(%dma_start3A_270 : memref<128xi32, #tpu.memory_space<vmem>>) semaphore(%run_scoped3A_267 : memref<!tpu.dma_semaphore, #tpu.memory_space<semaphore_mem>>) {add = true}
        %dma_wait3A_274 = arith.constant 0 : i32
        %dma_wait3A_275 = tpu.memref_slice %arg6[%run_scoped3A_168, %dma_wait3A_274] : memref<32x128xi32, #tpu.memory_space<vmem>> -> memref<1x128xi32, #tpu.memory_space<vmem>>
        %dma_wait3A_276 = tpu.memref_squeeze %dma_wait3A_275 : memref<1x128xi32, #tpu.memory_space<vmem>> -> memref<128xi32, #tpu.memory_space<vmem>>
        %dma_wait3A_277 = arith.constant 0 : i32
        %dma_wait3A_278 = arith.constant 0 : i32
        %dma_wait3A_279 = tpu.memref_slice %arg9[%dma_wait3A_277, %dma_wait3A_278] : memref<10240x128xf32, #tpu.memory_space<vmem_shared>> -> memref<10240x128xf32, #tpu.memory_space<vmem_shared>>
        tpu.wait_indirect_dma semaphore(%run_scoped3A_267 : memref<!tpu.dma_semaphore, #tpu.memory_space<semaphore_mem>>) src(%arg7 : memref<128x128xf32, #tpu.memory_space<vmem>>) dst(%dma_wait3A_279 : memref<10240x128xf32, #tpu.memory_space<vmem_shared>>)
        tpu.yield
      }) : () -> ()
      %dma_start3A_169 = arith.constant 20 : i32
      %dma_start3A_170 = arith.constant 0 : i32
      %dma_start3A_171 = tpu.memref_slice %arg6[%dma_start3A_169, %dma_start3A_170] : memref<32x128xi32, #tpu.memory_space<vmem>> -> memref<1x128xi32, #tpu.memory_space<vmem>>
      %dma_start3A_172 = tpu.memref_squeeze %dma_start3A_171 : memref<1x128xi32, #tpu.memory_space<vmem>> -> memref<128xi32, #tpu.memory_space<vmem>>
      %dma_start3A_173 = arith.constant 0 : i32
      %dma_start3A_174 = arith.constant 0 : i32
      %dma_start3A_175 = tpu.memref_slice %arg2[%dma_start3A_173, %dma_start3A_174] : memref<10000x128xf32, #tpu.memory_space<hbm>> -> memref<10000x128xf32, #tpu.memory_space<hbm>>
      tpu.enqueue_indirect_dma source(%dma_start3A_175 : memref<10000x128xf32, #tpu.memory_space<hbm>>) target(%arg7 : memref<128x128xf32, #tpu.memory_space<vmem>>) offsets(%dma_start3A_172 : memref<128xi32, #tpu.memory_space<vmem>>) semaphore(%arg10 : memref<!tpu.dma_semaphore, #tpu.memory_space<semaphore_mem>>)
      %dma_wait3A_176 = arith.constant 18 : i32
      %dma_wait3A_177 = arith.constant 0 : i32
      %dma_wait3A_178 = tpu.memref_slice %arg6[%dma_wait3A_176, %dma_wait3A_177] : memref<32x128xi32, #tpu.memory_space<vmem>> -> memref<1x128xi32, #tpu.memory_space<vmem>>
      %dma_wait3A_179 = tpu.memref_squeeze %dma_wait3A_178 : memref<1x128xi32, #tpu.memory_space<vmem>> -> memref<128xi32, #tpu.memory_space<vmem>>
      %dma_wait3A_180 = arith.constant 0 : i32
      %dma_wait3A_181 = arith.constant 0 : i32
      %dma_wait3A_182 = tpu.memref_slice %arg2[%dma_wait3A_180, %dma_wait3A_181] : memref<10000x128xf32, #tpu.memory_space<hbm>> -> memref<10000x128xf32, #tpu.memory_space<hbm>>
      tpu.wait_indirect_dma semaphore(%arg11 : memref<!tpu.dma_semaphore, #tpu.memory_space<semaphore_mem>>) src(%dma_wait3A_182 : memref<10000x128xf32, #tpu.memory_space<hbm>>) dst(%arg8 : memref<128x128xf32, #tpu.memory_space<vmem>>)
      %run_scoped3A_183 = arith.constant 19 : i32
      "tpu.region"() ({
        %run_scoped3A_267 = tpu.sem_alloc : memref<!tpu.dma_semaphore, #tpu.memory_space<semaphore_mem>>
        %dma_start3A_268 = arith.constant 0 : i32
        %dma_start3A_269 = tpu.memref_slice %arg6[%run_scoped3A_183, %dma_start3A_268] : memref<32x128xi32, #tpu.memory_space<vmem>> -> memref<1x128xi32, #tpu.memory_space<vmem>>
        %dma_start3A_270 = tpu.memref_squeeze %dma_start3A_269 : memref<1x128xi32, #tpu.memory_space<vmem>> -> memref<128xi32, #tpu.memory_space<vmem>>
        %dma_start3A_271 = arith.constant 0 : i32
        %dma_start3A_272 = arith.constant 0 : i32
        %dma_start3A_273 = tpu.memref_slice %arg9[%dma_start3A_271, %dma_start3A_272] : memref<10240x128xf32, #tpu.memory_space<vmem_shared>> -> memref<10240x128xf32, #tpu.memory_space<vmem_shared>>
        tpu.enqueue_indirect_dma source(%arg8 : memref<128x128xf32, #tpu.memory_space<vmem>>) target(%dma_start3A_273 : memref<10240x128xf32, #tpu.memory_space<vmem_shared>>) offsets(%dma_start3A_270 : memref<128xi32, #tpu.memory_space<vmem>>) semaphore(%run_scoped3A_267 : memref<!tpu.dma_semaphore, #tpu.memory_space<semaphore_mem>>) {add = true}
        %dma_wait3A_274 = arith.constant 0 : i32
        %dma_wait3A_275 = tpu.memref_slice %arg6[%run_scoped3A_183, %dma_wait3A_274] : memref<32x128xi32, #tpu.memory_space<vmem>> -> memref<1x128xi32, #tpu.memory_space<vmem>>
        %dma_wait3A_276 = tpu.memref_squeeze %dma_wait3A_275 : memref<1x128xi32, #tpu.memory_space<vmem>> -> memref<128xi32, #tpu.memory_space<vmem>>
        %dma_wait3A_277 = arith.constant 0 : i32
        %dma_wait3A_278 = arith.constant 0 : i32
        %dma_wait3A_279 = tpu.memref_slice %arg9[%dma_wait3A_277, %dma_wait3A_278] : memref<10240x128xf32, #tpu.memory_space<vmem_shared>> -> memref<10240x128xf32, #tpu.memory_space<vmem_shared>>
        tpu.wait_indirect_dma semaphore(%run_scoped3A_267 : memref<!tpu.dma_semaphore, #tpu.memory_space<semaphore_mem>>) src(%arg8 : memref<128x128xf32, #tpu.memory_space<vmem>>) dst(%dma_wait3A_279 : memref<10240x128xf32, #tpu.memory_space<vmem_shared>>)
        tpu.yield
      }) : () -> ()
      %dma_start3A_184 = arith.constant 22 : i32
      %dma_start3A_185 = arith.constant 0 : i32
      %dma_start3A_186 = tpu.memref_slice %arg6[%dma_start3A_184, %dma_start3A_185] : memref<32x128xi32, #tpu.memory_space<vmem>> -> memref<1x128xi32, #tpu.memory_space<vmem>>
      %dma_start3A_187 = tpu.memref_squeeze %dma_start3A_186 : memref<1x128xi32, #tpu.memory_space<vmem>> -> memref<128xi32, #tpu.memory_space<vmem>>
      %dma_start3A_188 = arith.constant 0 : i32
      %dma_start3A_189 = arith.constant 0 : i32
      %dma_start3A_190 = tpu.memref_slice %arg2[%dma_start3A_188, %dma_start3A_189] : memref<10000x128xf32, #tpu.memory_space<hbm>> -> memref<10000x128xf32, #tpu.memory_space<hbm>>
      tpu.enqueue_indirect_dma source(%dma_start3A_190 : memref<10000x128xf32, #tpu.memory_space<hbm>>) target(%arg8 : memref<128x128xf32, #tpu.memory_space<vmem>>) offsets(%dma_start3A_187 : memref<128xi32, #tpu.memory_space<vmem>>) semaphore(%arg11 : memref<!tpu.dma_semaphore, #tpu.memory_space<semaphore_mem>>)
      %dma_wait3A_191 = arith.constant 20 : i32
      %dma_wait3A_192 = arith.constant 0 : i32
      %dma_wait3A_193 = tpu.memref_slice %arg6[%dma_wait3A_191, %dma_wait3A_192] : memref<32x128xi32, #tpu.memory_space<vmem>> -> memref<1x128xi32, #tpu.memory_space<vmem>>
      %dma_wait3A_194 = tpu.memref_squeeze %dma_wait3A_193 : memref<1x128xi32, #tpu.memory_space<vmem>> -> memref<128xi32, #tpu.memory_space<vmem>>
      %dma_wait3A_195 = arith.constant 0 : i32
      %dma_wait3A_196 = arith.constant 0 : i32
      %dma_wait3A_197 = tpu.memref_slice %arg2[%dma_wait3A_195, %dma_wait3A_196] : memref<10000x128xf32, #tpu.memory_space<hbm>> -> memref<10000x128xf32, #tpu.memory_space<hbm>>
      tpu.wait_indirect_dma semaphore(%arg10 : memref<!tpu.dma_semaphore, #tpu.memory_space<semaphore_mem>>) src(%dma_wait3A_197 : memref<10000x128xf32, #tpu.memory_space<hbm>>) dst(%arg7 : memref<128x128xf32, #tpu.memory_space<vmem>>)
      %run_scoped3A_198 = arith.constant 21 : i32
      "tpu.region"() ({
        %run_scoped3A_267 = tpu.sem_alloc : memref<!tpu.dma_semaphore, #tpu.memory_space<semaphore_mem>>
        %dma_start3A_268 = arith.constant 0 : i32
        %dma_start3A_269 = tpu.memref_slice %arg6[%run_scoped3A_198, %dma_start3A_268] : memref<32x128xi32, #tpu.memory_space<vmem>> -> memref<1x128xi32, #tpu.memory_space<vmem>>
        %dma_start3A_270 = tpu.memref_squeeze %dma_start3A_269 : memref<1x128xi32, #tpu.memory_space<vmem>> -> memref<128xi32, #tpu.memory_space<vmem>>
        %dma_start3A_271 = arith.constant 0 : i32
        %dma_start3A_272 = arith.constant 0 : i32
        %dma_start3A_273 = tpu.memref_slice %arg9[%dma_start3A_271, %dma_start3A_272] : memref<10240x128xf32, #tpu.memory_space<vmem_shared>> -> memref<10240x128xf32, #tpu.memory_space<vmem_shared>>
        tpu.enqueue_indirect_dma source(%arg7 : memref<128x128xf32, #tpu.memory_space<vmem>>) target(%dma_start3A_273 : memref<10240x128xf32, #tpu.memory_space<vmem_shared>>) offsets(%dma_start3A_270 : memref<128xi32, #tpu.memory_space<vmem>>) semaphore(%run_scoped3A_267 : memref<!tpu.dma_semaphore, #tpu.memory_space<semaphore_mem>>) {add = true}
        %dma_wait3A_274 = arith.constant 0 : i32
        %dma_wait3A_275 = tpu.memref_slice %arg6[%run_scoped3A_198, %dma_wait3A_274] : memref<32x128xi32, #tpu.memory_space<vmem>> -> memref<1x128xi32, #tpu.memory_space<vmem>>
        %dma_wait3A_276 = tpu.memref_squeeze %dma_wait3A_275 : memref<1x128xi32, #tpu.memory_space<vmem>> -> memref<128xi32, #tpu.memory_space<vmem>>
        %dma_wait3A_277 = arith.constant 0 : i32
        %dma_wait3A_278 = arith.constant 0 : i32
        %dma_wait3A_279 = tpu.memref_slice %arg9[%dma_wait3A_277, %dma_wait3A_278] : memref<10240x128xf32, #tpu.memory_space<vmem_shared>> -> memref<10240x128xf32, #tpu.memory_space<vmem_shared>>
        tpu.wait_indirect_dma semaphore(%run_scoped3A_267 : memref<!tpu.dma_semaphore, #tpu.memory_space<semaphore_mem>>) src(%arg7 : memref<128x128xf32, #tpu.memory_space<vmem>>) dst(%dma_wait3A_279 : memref<10240x128xf32, #tpu.memory_space<vmem_shared>>)
        tpu.yield
      }) : () -> ()
      %dma_start3A_199 = arith.constant 24 : i32
      %dma_start3A_200 = arith.constant 0 : i32
      %dma_start3A_201 = tpu.memref_slice %arg6[%dma_start3A_199, %dma_start3A_200] : memref<32x128xi32, #tpu.memory_space<vmem>> -> memref<1x128xi32, #tpu.memory_space<vmem>>
      %dma_start3A_202 = tpu.memref_squeeze %dma_start3A_201 : memref<1x128xi32, #tpu.memory_space<vmem>> -> memref<128xi32, #tpu.memory_space<vmem>>
      %dma_start3A_203 = arith.constant 0 : i32
      %dma_start3A_204 = arith.constant 0 : i32
      %dma_start3A_205 = tpu.memref_slice %arg2[%dma_start3A_203, %dma_start3A_204] : memref<10000x128xf32, #tpu.memory_space<hbm>> -> memref<10000x128xf32, #tpu.memory_space<hbm>>
      tpu.enqueue_indirect_dma source(%dma_start3A_205 : memref<10000x128xf32, #tpu.memory_space<hbm>>) target(%arg7 : memref<128x128xf32, #tpu.memory_space<vmem>>) offsets(%dma_start3A_202 : memref<128xi32, #tpu.memory_space<vmem>>) semaphore(%arg10 : memref<!tpu.dma_semaphore, #tpu.memory_space<semaphore_mem>>)
      %dma_wait3A_206 = arith.constant 22 : i32
      %dma_wait3A_207 = arith.constant 0 : i32
      %dma_wait3A_208 = tpu.memref_slice %arg6[%dma_wait3A_206, %dma_wait3A_207] : memref<32x128xi32, #tpu.memory_space<vmem>> -> memref<1x128xi32, #tpu.memory_space<vmem>>
      %dma_wait3A_209 = tpu.memref_squeeze %dma_wait3A_208 : memref<1x128xi32, #tpu.memory_space<vmem>> -> memref<128xi32, #tpu.memory_space<vmem>>
      %dma_wait3A_210 = arith.constant 0 : i32
      %dma_wait3A_211 = arith.constant 0 : i32
      %dma_wait3A_212 = tpu.memref_slice %arg2[%dma_wait3A_210, %dma_wait3A_211] : memref<10000x128xf32, #tpu.memory_space<hbm>> -> memref<10000x128xf32, #tpu.memory_space<hbm>>
      tpu.wait_indirect_dma semaphore(%arg11 : memref<!tpu.dma_semaphore, #tpu.memory_space<semaphore_mem>>) src(%dma_wait3A_212 : memref<10000x128xf32, #tpu.memory_space<hbm>>) dst(%arg8 : memref<128x128xf32, #tpu.memory_space<vmem>>)
      %run_scoped3A_213 = arith.constant 23 : i32
      "tpu.region"() ({
        %run_scoped3A_267 = tpu.sem_alloc : memref<!tpu.dma_semaphore, #tpu.memory_space<semaphore_mem>>
        %dma_start3A_268 = arith.constant 0 : i32
        %dma_start3A_269 = tpu.memref_slice %arg6[%run_scoped3A_213, %dma_start3A_268] : memref<32x128xi32, #tpu.memory_space<vmem>> -> memref<1x128xi32, #tpu.memory_space<vmem>>
        %dma_start3A_270 = tpu.memref_squeeze %dma_start3A_269 : memref<1x128xi32, #tpu.memory_space<vmem>> -> memref<128xi32, #tpu.memory_space<vmem>>
        %dma_start3A_271 = arith.constant 0 : i32
        %dma_start3A_272 = arith.constant 0 : i32
        %dma_start3A_273 = tpu.memref_slice %arg9[%dma_start3A_271, %dma_start3A_272] : memref<10240x128xf32, #tpu.memory_space<vmem_shared>> -> memref<10240x128xf32, #tpu.memory_space<vmem_shared>>
        tpu.enqueue_indirect_dma source(%arg8 : memref<128x128xf32, #tpu.memory_space<vmem>>) target(%dma_start3A_273 : memref<10240x128xf32, #tpu.memory_space<vmem_shared>>) offsets(%dma_start3A_270 : memref<128xi32, #tpu.memory_space<vmem>>) semaphore(%run_scoped3A_267 : memref<!tpu.dma_semaphore, #tpu.memory_space<semaphore_mem>>) {add = true}
        %dma_wait3A_274 = arith.constant 0 : i32
        %dma_wait3A_275 = tpu.memref_slice %arg6[%run_scoped3A_213, %dma_wait3A_274] : memref<32x128xi32, #tpu.memory_space<vmem>> -> memref<1x128xi32, #tpu.memory_space<vmem>>
        %dma_wait3A_276 = tpu.memref_squeeze %dma_wait3A_275 : memref<1x128xi32, #tpu.memory_space<vmem>> -> memref<128xi32, #tpu.memory_space<vmem>>
        %dma_wait3A_277 = arith.constant 0 : i32
        %dma_wait3A_278 = arith.constant 0 : i32
        %dma_wait3A_279 = tpu.memref_slice %arg9[%dma_wait3A_277, %dma_wait3A_278] : memref<10240x128xf32, #tpu.memory_space<vmem_shared>> -> memref<10240x128xf32, #tpu.memory_space<vmem_shared>>
        tpu.wait_indirect_dma semaphore(%run_scoped3A_267 : memref<!tpu.dma_semaphore, #tpu.memory_space<semaphore_mem>>) src(%arg8 : memref<128x128xf32, #tpu.memory_space<vmem>>) dst(%dma_wait3A_279 : memref<10240x128xf32, #tpu.memory_space<vmem_shared>>)
        tpu.yield
      }) : () -> ()
      %dma_start3A_214 = arith.constant 26 : i32
      %dma_start3A_215 = arith.constant 0 : i32
      %dma_start3A_216 = tpu.memref_slice %arg6[%dma_start3A_214, %dma_start3A_215] : memref<32x128xi32, #tpu.memory_space<vmem>> -> memref<1x128xi32, #tpu.memory_space<vmem>>
      %dma_start3A_217 = tpu.memref_squeeze %dma_start3A_216 : memref<1x128xi32, #tpu.memory_space<vmem>> -> memref<128xi32, #tpu.memory_space<vmem>>
      %dma_start3A_218 = arith.constant 0 : i32
      %dma_start3A_219 = arith.constant 0 : i32
      %dma_start3A_220 = tpu.memref_slice %arg2[%dma_start3A_218, %dma_start3A_219] : memref<10000x128xf32, #tpu.memory_space<hbm>> -> memref<10000x128xf32, #tpu.memory_space<hbm>>
      tpu.enqueue_indirect_dma source(%dma_start3A_220 : memref<10000x128xf32, #tpu.memory_space<hbm>>) target(%arg8 : memref<128x128xf32, #tpu.memory_space<vmem>>) offsets(%dma_start3A_217 : memref<128xi32, #tpu.memory_space<vmem>>) semaphore(%arg11 : memref<!tpu.dma_semaphore, #tpu.memory_space<semaphore_mem>>)
      %dma_wait3A_221 = arith.constant 24 : i32
      %dma_wait3A_222 = arith.constant 0 : i32
      %dma_wait3A_223 = tpu.memref_slice %arg6[%dma_wait3A_221, %dma_wait3A_222] : memref<32x128xi32, #tpu.memory_space<vmem>> -> memref<1x128xi32, #tpu.memory_space<vmem>>
      %dma_wait3A_224 = tpu.memref_squeeze %dma_wait3A_223 : memref<1x128xi32, #tpu.memory_space<vmem>> -> memref<128xi32, #tpu.memory_space<vmem>>
      %dma_wait3A_225 = arith.constant 0 : i32
      %dma_wait3A_226 = arith.constant 0 : i32
      %dma_wait3A_227 = tpu.memref_slice %arg2[%dma_wait3A_225, %dma_wait3A_226] : memref<10000x128xf32, #tpu.memory_space<hbm>> -> memref<10000x128xf32, #tpu.memory_space<hbm>>
      tpu.wait_indirect_dma semaphore(%arg10 : memref<!tpu.dma_semaphore, #tpu.memory_space<semaphore_mem>>) src(%dma_wait3A_227 : memref<10000x128xf32, #tpu.memory_space<hbm>>) dst(%arg7 : memref<128x128xf32, #tpu.memory_space<vmem>>)
      %run_scoped3A_228 = arith.constant 25 : i32
      "tpu.region"() ({
        %run_scoped3A_267 = tpu.sem_alloc : memref<!tpu.dma_semaphore, #tpu.memory_space<semaphore_mem>>
        %dma_start3A_268 = arith.constant 0 : i32
        %dma_start3A_269 = tpu.memref_slice %arg6[%run_scoped3A_228, %dma_start3A_268] : memref<32x128xi32, #tpu.memory_space<vmem>> -> memref<1x128xi32, #tpu.memory_space<vmem>>
        %dma_start3A_270 = tpu.memref_squeeze %dma_start3A_269 : memref<1x128xi32, #tpu.memory_space<vmem>> -> memref<128xi32, #tpu.memory_space<vmem>>
        %dma_start3A_271 = arith.constant 0 : i32
        %dma_start3A_272 = arith.constant 0 : i32
        %dma_start3A_273 = tpu.memref_slice %arg9[%dma_start3A_271, %dma_start3A_272] : memref<10240x128xf32, #tpu.memory_space<vmem_shared>> -> memref<10240x128xf32, #tpu.memory_space<vmem_shared>>
        tpu.enqueue_indirect_dma source(%arg7 : memref<128x128xf32, #tpu.memory_space<vmem>>) target(%dma_start3A_273 : memref<10240x128xf32, #tpu.memory_space<vmem_shared>>) offsets(%dma_start3A_270 : memref<128xi32, #tpu.memory_space<vmem>>) semaphore(%run_scoped3A_267 : memref<!tpu.dma_semaphore, #tpu.memory_space<semaphore_mem>>) {add = true}
        %dma_wait3A_274 = arith.constant 0 : i32
        %dma_wait3A_275 = tpu.memref_slice %arg6[%run_scoped3A_228, %dma_wait3A_274] : memref<32x128xi32, #tpu.memory_space<vmem>> -> memref<1x128xi32, #tpu.memory_space<vmem>>
        %dma_wait3A_276 = tpu.memref_squeeze %dma_wait3A_275 : memref<1x128xi32, #tpu.memory_space<vmem>> -> memref<128xi32, #tpu.memory_space<vmem>>
        %dma_wait3A_277 = arith.constant 0 : i32
        %dma_wait3A_278 = arith.constant 0 : i32
        %dma_wait3A_279 = tpu.memref_slice %arg9[%dma_wait3A_277, %dma_wait3A_278] : memref<10240x128xf32, #tpu.memory_space<vmem_shared>> -> memref<10240x128xf32, #tpu.memory_space<vmem_shared>>
        tpu.wait_indirect_dma semaphore(%run_scoped3A_267 : memref<!tpu.dma_semaphore, #tpu.memory_space<semaphore_mem>>) src(%arg7 : memref<128x128xf32, #tpu.memory_space<vmem>>) dst(%dma_wait3A_279 : memref<10240x128xf32, #tpu.memory_space<vmem_shared>>)
        tpu.yield
      }) : () -> ()
      %dma_start3A_229 = arith.constant 28 : i32
      %dma_start3A_230 = arith.constant 0 : i32
      %dma_start3A_231 = tpu.memref_slice %arg6[%dma_start3A_229, %dma_start3A_230] : memref<32x128xi32, #tpu.memory_space<vmem>> -> memref<1x128xi32, #tpu.memory_space<vmem>>
      %dma_start3A_232 = tpu.memref_squeeze %dma_start3A_231 : memref<1x128xi32, #tpu.memory_space<vmem>> -> memref<128xi32, #tpu.memory_space<vmem>>
      %dma_start3A_233 = arith.constant 0 : i32
      %dma_start3A_234 = arith.constant 0 : i32
      %dma_start3A_235 = tpu.memref_slice %arg2[%dma_start3A_233, %dma_start3A_234] : memref<10000x128xf32, #tpu.memory_space<hbm>> -> memref<10000x128xf32, #tpu.memory_space<hbm>>
      tpu.enqueue_indirect_dma source(%dma_start3A_235 : memref<10000x128xf32, #tpu.memory_space<hbm>>) target(%arg7 : memref<128x128xf32, #tpu.memory_space<vmem>>) offsets(%dma_start3A_232 : memref<128xi32, #tpu.memory_space<vmem>>) semaphore(%arg10 : memref<!tpu.dma_semaphore, #tpu.memory_space<semaphore_mem>>)
      %dma_wait3A_236 = arith.constant 26 : i32
      %dma_wait3A_237 = arith.constant 0 : i32
      %dma_wait3A_238 = tpu.memref_slice %arg6[%dma_wait3A_236, %dma_wait3A_237] : memref<32x128xi32, #tpu.memory_space<vmem>> -> memref<1x128xi32, #tpu.memory_space<vmem>>
      %dma_wait3A_239 = tpu.memref_squeeze %dma_wait3A_238 : memref<1x128xi32, #tpu.memory_space<vmem>> -> memref<128xi32, #tpu.memory_space<vmem>>
      %dma_wait3A_240 = arith.constant 0 : i32
      %dma_wait3A_241 = arith.constant 0 : i32
      %dma_wait3A_242 = tpu.memref_slice %arg2[%dma_wait3A_240, %dma_wait3A_241] : memref<10000x128xf32, #tpu.memory_space<hbm>> -> memref<10000x128xf32, #tpu.memory_space<hbm>>
      tpu.wait_indirect_dma semaphore(%arg11 : memref<!tpu.dma_semaphore, #tpu.memory_space<semaphore_mem>>) src(%dma_wait3A_242 : memref<10000x128xf32, #tpu.memory_space<hbm>>) dst(%arg8 : memref<128x128xf32, #tpu.memory_space<vmem>>)
      %run_scoped3A_243 = arith.constant 27 : i32
      "tpu.region"() ({
        %run_scoped3A_267 = tpu.sem_alloc : memref<!tpu.dma_semaphore, #tpu.memory_space<semaphore_mem>>
        %dma_start3A_268 = arith.constant 0 : i32
        %dma_start3A_269 = tpu.memref_slice %arg6[%run_scoped3A_243, %dma_start3A_268] : memref<32x128xi32, #tpu.memory_space<vmem>> -> memref<1x128xi32, #tpu.memory_space<vmem>>
        %dma_start3A_270 = tpu.memref_squeeze %dma_start3A_269 : memref<1x128xi32, #tpu.memory_space<vmem>> -> memref<128xi32, #tpu.memory_space<vmem>>
        %dma_start3A_271 = arith.constant 0 : i32
        %dma_start3A_272 = arith.constant 0 : i32
        %dma_start3A_273 = tpu.memref_slice %arg9[%dma_start3A_271, %dma_start3A_272] : memref<10240x128xf32, #tpu.memory_space<vmem_shared>> -> memref<10240x128xf32, #tpu.memory_space<vmem_shared>>
        tpu.enqueue_indirect_dma source(%arg8 : memref<128x128xf32, #tpu.memory_space<vmem>>) target(%dma_start3A_273 : memref<10240x128xf32, #tpu.memory_space<vmem_shared>>) offsets(%dma_start3A_270 : memref<128xi32, #tpu.memory_space<vmem>>) semaphore(%run_scoped3A_267 : memref<!tpu.dma_semaphore, #tpu.memory_space<semaphore_mem>>) {add = true}
        %dma_wait3A_274 = arith.constant 0 : i32
        %dma_wait3A_275 = tpu.memref_slice %arg6[%run_scoped3A_243, %dma_wait3A_274] : memref<32x128xi32, #tpu.memory_space<vmem>> -> memref<1x128xi32, #tpu.memory_space<vmem>>
        %dma_wait3A_276 = tpu.memref_squeeze %dma_wait3A_275 : memref<1x128xi32, #tpu.memory_space<vmem>> -> memref<128xi32, #tpu.memory_space<vmem>>
        %dma_wait3A_277 = arith.constant 0 : i32
        %dma_wait3A_278 = arith.constant 0 : i32
        %dma_wait3A_279 = tpu.memref_slice %arg9[%dma_wait3A_277, %dma_wait3A_278] : memref<10240x128xf32, #tpu.memory_space<vmem_shared>> -> memref<10240x128xf32, #tpu.memory_space<vmem_shared>>
        tpu.wait_indirect_dma semaphore(%run_scoped3A_267 : memref<!tpu.dma_semaphore, #tpu.memory_space<semaphore_mem>>) src(%arg8 : memref<128x128xf32, #tpu.memory_space<vmem>>) dst(%dma_wait3A_279 : memref<10240x128xf32, #tpu.memory_space<vmem_shared>>)
        tpu.yield
      }) : () -> ()
      %dma_start3A_244 = arith.constant 30 : i32
      %dma_start3A_245 = arith.constant 0 : i32
      %dma_start3A_246 = tpu.memref_slice %arg6[%dma_start3A_244, %dma_start3A_245] : memref<32x128xi32, #tpu.memory_space<vmem>> -> memref<1x128xi32, #tpu.memory_space<vmem>>
      %dma_start3A_247 = tpu.memref_squeeze %dma_start3A_246 : memref<1x128xi32, #tpu.memory_space<vmem>> -> memref<128xi32, #tpu.memory_space<vmem>>
      %dma_start3A_248 = arith.constant 0 : i32
      %dma_start3A_249 = arith.constant 0 : i32
      %dma_start3A_250 = tpu.memref_slice %arg2[%dma_start3A_248, %dma_start3A_249] : memref<10000x128xf32, #tpu.memory_space<hbm>> -> memref<10000x128xf32, #tpu.memory_space<hbm>>
      tpu.enqueue_indirect_dma source(%dma_start3A_250 : memref<10000x128xf32, #tpu.memory_space<hbm>>) target(%arg8 : memref<128x128xf32, #tpu.memory_space<vmem>>) offsets(%dma_start3A_247 : memref<128xi32, #tpu.memory_space<vmem>>) semaphore(%arg11 : memref<!tpu.dma_semaphore, #tpu.memory_space<semaphore_mem>>)
      %dma_wait3A_251 = arith.constant 28 : i32
      %dma_wait3A_252 = arith.constant 0 : i32
      %dma_wait3A_253 = tpu.memref_slice %arg6[%dma_wait3A_251, %dma_wait3A_252] : memref<32x128xi32, #tpu.memory_space<vmem>> -> memref<1x128xi32, #tpu.memory_space<vmem>>
      %dma_wait3A_254 = tpu.memref_squeeze %dma_wait3A_253 : memref<1x128xi32, #tpu.memory_space<vmem>> -> memref<128xi32, #tpu.memory_space<vmem>>
      %dma_wait3A_255 = arith.constant 0 : i32
      %dma_wait3A_256 = arith.constant 0 : i32
      %dma_wait3A_257 = tpu.memref_slice %arg2[%dma_wait3A_255, %dma_wait3A_256] : memref<10000x128xf32, #tpu.memory_space<hbm>> -> memref<10000x128xf32, #tpu.memory_space<hbm>>
      tpu.wait_indirect_dma semaphore(%arg10 : memref<!tpu.dma_semaphore, #tpu.memory_space<semaphore_mem>>) src(%dma_wait3A_257 : memref<10000x128xf32, #tpu.memory_space<hbm>>) dst(%arg7 : memref<128x128xf32, #tpu.memory_space<vmem>>)
      %run_scoped3A_258 = arith.constant 29 : i32
      "tpu.region"() ({
        %run_scoped3A_267 = tpu.sem_alloc : memref<!tpu.dma_semaphore, #tpu.memory_space<semaphore_mem>>
        %dma_start3A_268 = arith.constant 0 : i32
        %dma_start3A_269 = tpu.memref_slice %arg6[%run_scoped3A_258, %dma_start3A_268] : memref<32x128xi32, #tpu.memory_space<vmem>> -> memref<1x128xi32, #tpu.memory_space<vmem>>
        %dma_start3A_270 = tpu.memref_squeeze %dma_start3A_269 : memref<1x128xi32, #tpu.memory_space<vmem>> -> memref<128xi32, #tpu.memory_space<vmem>>
        %dma_start3A_271 = arith.constant 0 : i32
        %dma_start3A_272 = arith.constant 0 : i32
        %dma_start3A_273 = tpu.memref_slice %arg9[%dma_start3A_271, %dma_start3A_272] : memref<10240x128xf32, #tpu.memory_space<vmem_shared>> -> memref<10240x128xf32, #tpu.memory_space<vmem_shared>>
        tpu.enqueue_indirect_dma source(%arg7 : memref<128x128xf32, #tpu.memory_space<vmem>>) target(%dma_start3A_273 : memref<10240x128xf32, #tpu.memory_space<vmem_shared>>) offsets(%dma_start3A_270 : memref<128xi32, #tpu.memory_space<vmem>>) semaphore(%run_scoped3A_267 : memref<!tpu.dma_semaphore, #tpu.memory_space<semaphore_mem>>) {add = true}
        %dma_wait3A_274 = arith.constant 0 : i32
        %dma_wait3A_275 = tpu.memref_slice %arg6[%run_scoped3A_258, %dma_wait3A_274] : memref<32x128xi32, #tpu.memory_space<vmem>> -> memref<1x128xi32, #tpu.memory_space<vmem>>
        %dma_wait3A_276 = tpu.memref_squeeze %dma_wait3A_275 : memref<1x128xi32, #tpu.memory_space<vmem>> -> memref<128xi32, #tpu.memory_space<vmem>>
        %dma_wait3A_277 = arith.constant 0 : i32
        %dma_wait3A_278 = arith.constant 0 : i32
        %dma_wait3A_279 = tpu.memref_slice %arg9[%dma_wait3A_277, %dma_wait3A_278] : memref<10240x128xf32, #tpu.memory_space<vmem_shared>> -> memref<10240x128xf32, #tpu.memory_space<vmem_shared>>
        tpu.wait_indirect_dma semaphore(%run_scoped3A_267 : memref<!tpu.dma_semaphore, #tpu.memory_space<semaphore_mem>>) src(%arg7 : memref<128x128xf32, #tpu.memory_space<vmem>>) dst(%dma_wait3A_279 : memref<10240x128xf32, #tpu.memory_space<vmem_shared>>)
        tpu.yield
      }) : () -> ()
      %dma_wait3A_259 = arith.constant 30 : i32
      %dma_wait3A_260 = arith.constant 0 : i32
      %dma_wait3A_261 = tpu.memref_slice %arg6[%dma_wait3A_259, %dma_wait3A_260] : memref<32x128xi32, #tpu.memory_space<vmem>> -> memref<1x128xi32, #tpu.memory_space<vmem>>
      %dma_wait3A_262 = tpu.memref_squeeze %dma_wait3A_261 : memref<1x128xi32, #tpu.memory_space<vmem>> -> memref<128xi32, #tpu.memory_space<vmem>>
      %dma_wait3A_263 = arith.constant 0 : i32
      %dma_wait3A_264 = arith.constant 0 : i32
      %dma_wait3A_265 = tpu.memref_slice %arg2[%dma_wait3A_263, %dma_wait3A_264] : memref<10000x128xf32, #tpu.memory_space<hbm>> -> memref<10000x128xf32, #tpu.memory_space<hbm>>
      tpu.wait_indirect_dma semaphore(%arg11 : memref<!tpu.dma_semaphore, #tpu.memory_space<semaphore_mem>>) src(%dma_wait3A_265 : memref<10000x128xf32, #tpu.memory_space<hbm>>) dst(%arg8 : memref<128x128xf32, #tpu.memory_space<vmem>>)
      %run_scoped3A_266 = arith.constant 31 : i32
      "tpu.region"() ({
        %run_scoped3A_267 = tpu.sem_alloc : memref<!tpu.dma_semaphore, #tpu.memory_space<semaphore_mem>>
        %dma_start3A_268 = arith.constant 0 : i32
        %dma_start3A_269 = tpu.memref_slice %arg6[%run_scoped3A_266, %dma_start3A_268] : memref<32x128xi32, #tpu.memory_space<vmem>> -> memref<1x128xi32, #tpu.memory_space<vmem>>
        %dma_start3A_270 = tpu.memref_squeeze %dma_start3A_269 : memref<1x128xi32, #tpu.memory_space<vmem>> -> memref<128xi32, #tpu.memory_space<vmem>>
        %dma_start3A_271 = arith.constant 0 : i32
        %dma_start3A_272 = arith.constant 0 : i32
        %dma_start3A_273 = tpu.memref_slice %arg9[%dma_start3A_271, %dma_start3A_272] : memref<10240x128xf32, #tpu.memory_space<vmem_shared>> -> memref<10240x128xf32, #tpu.memory_space<vmem_shared>>
        tpu.enqueue_indirect_dma source(%arg8 : memref<128x128xf32, #tpu.memory_space<vmem>>) target(%dma_start3A_273 : memref<10240x128xf32, #tpu.memory_space<vmem_shared>>) offsets(%dma_start3A_270 : memref<128xi32, #tpu.memory_space<vmem>>) semaphore(%run_scoped3A_267 : memref<!tpu.dma_semaphore, #tpu.memory_space<semaphore_mem>>) {add = true}
        %dma_wait3A_274 = arith.constant 0 : i32
        %dma_wait3A_275 = tpu.memref_slice %arg6[%run_scoped3A_266, %dma_wait3A_274] : memref<32x128xi32, #tpu.memory_space<vmem>> -> memref<1x128xi32, #tpu.memory_space<vmem>>
        %dma_wait3A_276 = tpu.memref_squeeze %dma_wait3A_275 : memref<1x128xi32, #tpu.memory_space<vmem>> -> memref<128xi32, #tpu.memory_space<vmem>>
        %dma_wait3A_277 = arith.constant 0 : i32
        %dma_wait3A_278 = arith.constant 0 : i32
        %dma_wait3A_279 = tpu.memref_slice %arg9[%dma_wait3A_277, %dma_wait3A_278] : memref<10240x128xf32, #tpu.memory_space<vmem_shared>> -> memref<10240x128xf32, #tpu.memory_space<vmem_shared>>
        tpu.wait_indirect_dma semaphore(%run_scoped3A_267 : memref<!tpu.dma_semaphore, #tpu.memory_space<semaphore_mem>>) src(%arg8 : memref<128x128xf32, #tpu.memory_space<vmem>>) dst(%dma_wait3A_279 : memref<10240x128xf32, #tpu.memory_space<vmem_shared>>)
        tpu.yield
      }) : () -> ()
    }
    %scan3A_17 = arith.constant 5 : i32
    %barrier3A_18 = arith.constant 0 : index
    tpu.barrier barrier_id(%barrier3A_18)
    %mul3A_19 = arith.constant 10240 : i32
    %mul3A_20 = arith.muli %arg0, %mul3A_19 : i32
    %add3A_21 = arith.addi %mul3A_20, %mul3A_2 : i32
    "tpu.region"() ({
      %run_scoped3A = tpu.sem_alloc : memref<!tpu.dma_semaphore, #tpu.memory_space<semaphore_mem>>
      %dma_start3A = arith.constant 0 : i32
      %dma_start3A_22 = tpu.memref_slice %arg5[%add3A_21, %dma_start3A] : memref<20480x128xf32, #tpu.memory_space<hbm>> -> memref<640x128xf32, #tpu.memory_space<hbm>>
      %dma_start3A_23 = arith.constant 0 : i32
      %dma_start3A_24 = tpu.memref_slice %arg9[%mul3A_2, %dma_start3A_23] : memref<10240x128xf32, #tpu.memory_space<vmem_shared>> -> memref<640x128xf32, #tpu.memory_space<vmem_shared>>
      tpu.enqueue_dma source(%dma_start3A_24 : memref<640x128xf32, #tpu.memory_space<vmem_shared>>) target(%dma_start3A_22 : memref<640x128xf32, #tpu.memory_space<hbm>>) target_semaphore(%run_scoped3A : memref<!tpu.dma_semaphore, #tpu.memory_space<semaphore_mem>>)
      %dma_wait3A = arith.constant 0 : i32
      %dma_wait3A_25 = tpu.memref_slice %arg5[%add3A_21, %dma_wait3A] : memref<20480x128xf32, #tpu.memory_space<hbm>> -> memref<640x128xf32, #tpu.memory_space<hbm>>
      %dma_wait3A_26 = arith.constant 0 : i32
      %dma_wait3A_27 = tpu.memref_slice %arg9[%mul3A_2, %dma_wait3A_26] : memref<10240x128xf32, #tpu.memory_space<vmem_shared>> -> memref<640x128xf32, #tpu.memory_space<vmem_shared>>
      tpu.wait_dma2 semaphore(%run_scoped3A : memref<!tpu.dma_semaphore, #tpu.memory_space<semaphore_mem>>) src(%dma_wait3A_27 : memref<640x128xf32, #tpu.memory_space<vmem_shared>>) dst(%dma_wait3A_25 : memref<640x128xf32, #tpu.memory_space<hbm>>)
      tpu.yield
    }) : () -> ()
    return
  }
}

module attributes {stable_mosaic.version = 14 : i64} {
  func.func @_prep_body(%arg0: memref<20480x128xf32, #tpu.memory_space<vmem>>, %arg1: memref<10000x128xf32, #tpu.memory_space<vmem>>, %arg2: memref<10000x1xf32, #tpu.memory_space<vmem>>, %arg3: memref<10000x128xf32, #tpu.memory_space<vmem>>) attributes {dimension_semantics = [], scalar_prefetch = 0 : i64, scratch_operands = 0 : i64, tpu.core_type = #tpu.core_type<tc>} {
    %get3A = arith.constant 0 : index
    %get3A_0 = arith.constant 0 : index
    %get3A_1 = vector.load %arg0[%get3A, %get3A_0] : memref<20480x128xf32, #tpu.memory_space<vmem>>, vector<10000x1xf32>
    %get3A_2 = arith.constant 10240 : index
    %get3A_3 = arith.constant 0 : index
    %get3A_4 = vector.load %arg0[%get3A_2, %get3A_3] : memref<20480x128xf32, #tpu.memory_space<vmem>>, vector<10000x1xf32>
    %add3A = arith.addf %get3A_1, %get3A_4 : vector<10000x1xf32>
    %add3A_5 = arith.constant 1.000000e+00 : f32
    %add3A_6 = vector.broadcast %add3A_5 : f32 to vector<10000x1xf32>
    %add3A_7 = arith.addf %add3A, %add3A_6 : vector<10000x1xf32>
    %rsqrt3A = math.rsqrt %add3A_7 : vector<10000x1xf32>
    %swap3A = arith.constant 0 : index
    %swap3A_8 = arith.constant 0 : index
    %swap3A_9 = vector.load %arg2[%swap3A, %swap3A_8] : memref<10000x1xf32, #tpu.memory_space<vmem>>, vector<10000x1xf32>
    tpu.vector_store %arg2[%swap3A, %swap3A_8], %rsqrt3A {strides = array<i32>} : memref<10000x1xf32, #tpu.memory_space<vmem>>, vector<10000x1xf32>,
    %get3A_10 = arith.constant 0 : index
    %get3A_11 = arith.constant 0 : index
    %get3A_12 = vector.load %arg1[%get3A_10, %get3A_11] : memref<10000x128xf32, #tpu.memory_space<vmem>>, vector<10000x128xf32>
    %mul3A = vector.broadcast %rsqrt3A : vector<10000x1xf32> to vector<10000x128xf32>
    %mul3A_13 = arith.mulf %get3A_12, %mul3A : vector<10000x128xf32>
    %swap3A_14 = arith.constant 0 : index
    %swap3A_15 = arith.constant 0 : index
    %swap3A_16 = vector.load %arg3[%swap3A_14, %swap3A_15] : memref<10000x128xf32, #tpu.memory_space<vmem>>, vector<10000x128xf32>
    tpu.vector_store %arg3[%swap3A_14, %swap3A_15], %mul3A_13 {strides = array<i32>} : memref<10000x128xf32, #tpu.memory_space<vmem>>, vector<10000x128xf32>,
    return
  }
}

module attributes {stable_mosaic.version = 14 : i64} {
  func.func @_layer_body(%arg0: memref<20480x128xf32, #tpu.memory_space<vmem>>, %arg1: memref<10000x128xf32, #tpu.memory_space<vmem>>, %arg2: memref<10000x1xf32, #tpu.memory_space<vmem>>, %arg3: memref<128x128xf32, #tpu.memory_space<vmem>>, %arg4: memref<1x128xf32, #tpu.memory_space<vmem>>, %arg5: memref<1x128xf32, #tpu.memory_space<vmem>>, %arg6: memref<1x128xf32, #tpu.memory_space<vmem>>, %arg7: memref<10000x128xf32, #tpu.memory_space<vmem>>, %arg8: memref<10000x128xf32, #tpu.memory_space<vmem>>) attributes {dimension_semantics = [], scalar_prefetch = 0 : i64, scratch_operands = 0 : i64, tpu.core_type = #tpu.core_type<tc>} {
    %get3A = arith.constant 0 : index
    %get3A_0 = arith.constant 0 : index
    %get3A_1 = vector.load %arg2[%get3A, %get3A_0] : memref<10000x1xf32, #tpu.memory_space<vmem>>, vector<10000x1xf32>
    %get3A_2 = arith.constant 0 : index
    %get3A_3 = arith.constant 0 : index
    %get3A_4 = vector.load %arg0[%get3A_2, %get3A_3] : memref<20480x128xf32, #tpu.memory_space<vmem>>, vector<10000x128xf32>
    %get3A_5 = arith.constant 10240 : index
    %get3A_6 = arith.constant 0 : index
    %get3A_7 = vector.load %arg0[%get3A_5, %get3A_6] : memref<20480x128xf32, #tpu.memory_space<vmem>>, vector<10000x128xf32>
    %add3A = arith.addf %get3A_4, %get3A_7 : vector<10000x128xf32>
    %get3A_8 = arith.constant 0 : index
    %get3A_9 = arith.constant 0 : index
    %get3A_10 = vector.load %arg1[%get3A_8, %get3A_9] : memref<10000x128xf32, #tpu.memory_space<vmem>>, vector<10000x128xf32>
    %add3A_11 = arith.addf %add3A, %get3A_10 : vector<10000x128xf32>
    %mul3A = vector.broadcast %get3A_1 : vector<10000x1xf32> to vector<10000x128xf32>
    %mul3A_12 = arith.mulf %mul3A, %add3A_11 : vector<10000x128xf32>
    %get3A_13 = arith.constant 0 : index
    %get3A_14 = arith.constant 0 : index
    %get3A_15 = vector.load %arg3[%get3A_13, %get3A_14] : memref<128x128xf32, #tpu.memory_space<vmem>>, vector<128x128xf32>
    %dot_general3A = arith.constant dense<0.000000e+00> : vector<10000x128xf32>
    %dot_general3A_16 = tpu.matmul %mul3A_12, %get3A_15, %dot_general3A {dimension_numbers = #tpu.dot_dimension_numbers<[1], [0], [0], [1], [0, 0, 1, 1], [], []>, transpose_lhs_hint = false} : vector<10000x128xf32>, vector<128x128xf32>, vector<10000x128xf32> -> vector<10000x128xf32>
    %get3A_17 = arith.constant 0 : index
    %get3A_18 = arith.constant 0 : index
    %get3A_19 = vector.load %arg4[%get3A_17, %get3A_18] : memref<1x128xf32, #tpu.memory_space<vmem>>, vector<1x128xf32>
    %add3A_20 = vector.broadcast %get3A_19 : vector<1x128xf32> to vector<10000x128xf32>
    %add3A_21 = arith.addf %dot_general3A_16, %add3A_20 : vector<10000x128xf32>
    %reduce_sum3A = arith.constant dense<0.000000e+00> : vector<128xf32>
    %reduce_sum3A_22 = vector.multi_reduction <add>, %add3A_21, %reduce_sum3A [0] : vector<10000x128xf32> to vector<128xf32>
    %broadcast_in_dim3A = vector.shape_cast %reduce_sum3A_22 : vector<128xf32> to vector<1x128xf32>
    %div3A = arith.constant 1.000000e+04 : f32
    %div3A_23 = vector.broadcast %div3A : f32 to vector<1x128xf32>
    %div3A_24 = arith.divf %broadcast_in_dim3A, %div3A_23 : vector<1x128xf32>
    %sub3A = vector.broadcast %div3A_24 : vector<1x128xf32> to vector<10000x128xf32>
    %sub3A_25 = arith.subf %add3A_21, %sub3A : vector<10000x128xf32>
    %mul3A_26 = arith.mulf %sub3A_25, %sub3A_25 : vector<10000x128xf32>
    %reduce_sum3A_27 = arith.constant dense<0.000000e+00> : vector<128xf32>
    %reduce_sum3A_28 = vector.multi_reduction <add>, %mul3A_26, %reduce_sum3A_27 [0] : vector<10000x128xf32> to vector<128xf32>
    %broadcast_in_dim3A_29 = vector.shape_cast %reduce_sum3A_28 : vector<128xf32> to vector<1x128xf32>
    %div3A_30 = arith.constant 1.000000e+04 : f32
    %div3A_31 = vector.broadcast %div3A_30 : f32 to vector<1x128xf32>
    %div3A_32 = arith.divf %broadcast_in_dim3A_29, %div3A_31 : vector<1x128xf32>
    %add3A_33 = arith.constant 9.99999974E-6 : f32
    %add3A_34 = vector.broadcast %add3A_33 : f32 to vector<1x128xf32>
    %add3A_35 = arith.addf %div3A_32, %add3A_34 : vector<1x128xf32>
    %rsqrt3A = math.rsqrt %add3A_35 : vector<1x128xf32>
    %mul3A_36 = vector.broadcast %rsqrt3A : vector<1x128xf32> to vector<10000x128xf32>
    %mul3A_37 = arith.mulf %sub3A_25, %mul3A_36 : vector<10000x128xf32>
    %get3A_38 = arith.constant 0 : index
    %get3A_39 = arith.constant 0 : index
    %get3A_40 = vector.load %arg5[%get3A_38, %get3A_39] : memref<1x128xf32, #tpu.memory_space<vmem>>, vector<1x128xf32>
    %mul3A_41 = vector.broadcast %get3A_40 : vector<1x128xf32> to vector<10000x128xf32>
    %mul3A_42 = arith.mulf %mul3A_37, %mul3A_41 : vector<10000x128xf32>
    %get3A_43 = arith.constant 0 : index
    %get3A_44 = arith.constant 0 : index
    %get3A_45 = vector.load %arg6[%get3A_43, %get3A_44] : memref<1x128xf32, #tpu.memory_space<vmem>>, vector<1x128xf32>
    %add3A_46 = vector.broadcast %get3A_45 : vector<1x128xf32> to vector<10000x128xf32>
    %add3A_47 = arith.addf %mul3A_42, %add3A_46 : vector<10000x128xf32>
    %max3A = arith.constant 0.000000e+00 : f32
    %max3A_48 = vector.broadcast %max3A : f32 to vector<10000x128xf32>
    %max3A_49 = arith.maximumf %add3A_47, %max3A_48 : vector<10000x128xf32>
    %swap3A = arith.constant 0 : index
    %swap3A_50 = arith.constant 0 : index
    %swap3A_51 = vector.load %arg7[%swap3A, %swap3A_50] : memref<10000x128xf32, #tpu.memory_space<vmem>>, vector<10000x128xf32>
    tpu.vector_store %arg7[%swap3A, %swap3A_50], %max3A_49 {strides = array<i32>} : memref<10000x128xf32, #tpu.memory_space<vmem>>, vector<10000x128xf32>,
    %mul3A_52 = vector.broadcast %get3A_1 : vector<10000x1xf32> to vector<10000x128xf32>
    %mul3A_53 = arith.mulf %max3A_49, %mul3A_52 : vector<10000x128xf32>
    %swap3A_54 = arith.constant 0 : index
    %swap3A_55 = arith.constant 0 : index
    %swap3A_56 = vector.load %arg8[%swap3A_54, %swap3A_55] : memref<10000x128xf32, #tpu.memory_space<vmem>>, vector<10000x128xf32>
    tpu.vector_store %arg8[%swap3A_54, %swap3A_55], %mul3A_53 {strides = array<i32>} : memref<10000x128xf32, #tpu.memory_space<vmem>>, vector<10000x128xf32>,
    return
  }
}

module attributes {stable_mosaic.version = 14 : i64} {
  func.func @_final_body(%arg0: memref<20480x128xf32, #tpu.memory_space<vmem>>, %arg1: memref<10000x128xf32, #tpu.memory_space<vmem>>, %arg2: memref<10000x1xf32, #tpu.memory_space<vmem>>, %arg3: memref<128x128xf32, #tpu.memory_space<vmem>>, %arg4: memref<1x128xf32, #tpu.memory_space<vmem>>, %arg5: memref<1x128xf32, #tpu.memory_space<vmem>>, %arg6: memref<1x128xf32, #tpu.memory_space<vmem>>, %arg7: memref<10000x128xf32, #tpu.memory_space<vmem>>, %arg8: memref<10000x128xf32, #tpu.memory_space<vmem>>, %arg9: memref<128x128xf32, #tpu.memory_space<vmem>>, %arg10: memref<1x128xf32, #tpu.memory_space<vmem>>, %arg11: memref<128x64xf32, #tpu.memory_space<vmem>>, %arg12: memref<1x64xf32, #tpu.memory_space<vmem>>, %arg13: memref<10000x64xf32, #tpu.memory_space<vmem>>) attributes {dimension_semantics = [], scalar_prefetch = 0 : i64, scratch_operands = 0 : i64, tpu.core_type = #tpu.core_type<tc>} {
    %get3A = arith.constant 0 : index
    %get3A_0 = arith.constant 0 : index
    %get3A_1 = vector.load %arg2[%get3A, %get3A_0] : memref<10000x1xf32, #tpu.memory_space<vmem>>, vector<10000x1xf32>
    %get3A_2 = arith.constant 0 : index
    %get3A_3 = arith.constant 0 : index
    %get3A_4 = vector.load %arg0[%get3A_2, %get3A_3] : memref<20480x128xf32, #tpu.memory_space<vmem>>, vector<10000x128xf32>
    %get3A_5 = arith.constant 10240 : index
    %get3A_6 = arith.constant 0 : index
    %get3A_7 = vector.load %arg0[%get3A_5, %get3A_6] : memref<20480x128xf32, #tpu.memory_space<vmem>>, vector<10000x128xf32>
    %add3A = arith.addf %get3A_4, %get3A_7 : vector<10000x128xf32>
    %get3A_8 = arith.constant 0 : index
    %get3A_9 = arith.constant 0 : index
    %get3A_10 = vector.load %arg1[%get3A_8, %get3A_9] : memref<10000x128xf32, #tpu.memory_space<vmem>>, vector<10000x128xf32>
    %add3A_11 = arith.addf %add3A, %get3A_10 : vector<10000x128xf32>
    %mul3A = vector.broadcast %get3A_1 : vector<10000x1xf32> to vector<10000x128xf32>
    %mul3A_12 = arith.mulf %mul3A, %add3A_11 : vector<10000x128xf32>
    %get3A_13 = arith.constant 0 : index
    %get3A_14 = arith.constant 0 : index
    %get3A_15 = vector.load %arg3[%get3A_13, %get3A_14] : memref<128x128xf32, #tpu.memory_space<vmem>>, vector<128x128xf32>
    %dot_general3A = arith.constant dense<0.000000e+00> : vector<10000x128xf32>
    %dot_general3A_16 = tpu.matmul %mul3A_12, %get3A_15, %dot_general3A {dimension_numbers = #tpu.dot_dimension_numbers<[1], [0], [0], [1], [0, 0, 1, 1], [], []>, transpose_lhs_hint = false} : vector<10000x128xf32>, vector<128x128xf32>, vector<10000x128xf32> -> vector<10000x128xf32>
    %get3A_17 = arith.constant 0 : index
    %get3A_18 = arith.constant 0 : index
    %get3A_19 = vector.load %arg4[%get3A_17, %get3A_18] : memref<1x128xf32, #tpu.memory_space<vmem>>, vector<1x128xf32>
    %add3A_20 = vector.broadcast %get3A_19 : vector<1x128xf32> to vector<10000x128xf32>
    %add3A_21 = arith.addf %dot_general3A_16, %add3A_20 : vector<10000x128xf32>
    %reduce_sum3A = arith.constant dense<0.000000e+00> : vector<128xf32>
    %reduce_sum3A_22 = vector.multi_reduction <add>, %add3A_21, %reduce_sum3A [0] : vector<10000x128xf32> to vector<128xf32>
    %broadcast_in_dim3A = vector.shape_cast %reduce_sum3A_22 : vector<128xf32> to vector<1x128xf32>
    %div3A = arith.constant 1.000000e+04 : f32
    %div3A_23 = vector.broadcast %div3A : f32 to vector<1x128xf32>
    %div3A_24 = arith.divf %broadcast_in_dim3A, %div3A_23 : vector<1x128xf32>
    %sub3A = vector.broadcast %div3A_24 : vector<1x128xf32> to vector<10000x128xf32>
    %sub3A_25 = arith.subf %add3A_21, %sub3A : vector<10000x128xf32>
    %mul3A_26 = arith.mulf %sub3A_25, %sub3A_25 : vector<10000x128xf32>
    %reduce_sum3A_27 = arith.constant dense<0.000000e+00> : vector<128xf32>
    %reduce_sum3A_28 = vector.multi_reduction <add>, %mul3A_26, %reduce_sum3A_27 [0] : vector<10000x128xf32> to vector<128xf32>
    %broadcast_in_dim3A_29 = vector.shape_cast %reduce_sum3A_28 : vector<128xf32> to vector<1x128xf32>
    %div3A_30 = arith.constant 1.000000e+04 : f32
    %div3A_31 = vector.broadcast %div3A_30 : f32 to vector<1x128xf32>
    %div3A_32 = arith.divf %broadcast_in_dim3A_29, %div3A_31 : vector<1x128xf32>
    %add3A_33 = arith.constant 9.99999974E-6 : f32
    %add3A_34 = vector.broadcast %add3A_33 : f32 to vector<1x128xf32>
    %add3A_35 = arith.addf %div3A_32, %add3A_34 : vector<1x128xf32>
    %rsqrt3A = math.rsqrt %add3A_35 : vector<1x128xf32>
    %mul3A_36 = vector.broadcast %rsqrt3A : vector<1x128xf32> to vector<10000x128xf32>
    %mul3A_37 = arith.mulf %sub3A_25, %mul3A_36 : vector<10000x128xf32>
    %get3A_38 = arith.constant 0 : index
    %get3A_39 = arith.constant 0 : index
    %get3A_40 = vector.load %arg5[%get3A_38, %get3A_39] : memref<1x128xf32, #tpu.memory_space<vmem>>, vector<1x128xf32>
    %mul3A_41 = vector.broadcast %get3A_40 : vector<1x128xf32> to vector<10000x128xf32>
    %mul3A_42 = arith.mulf %mul3A_37, %mul3A_41 : vector<10000x128xf32>
    %get3A_43 = arith.constant 0 : index
    %get3A_44 = arith.constant 0 : index
    %get3A_45 = vector.load %arg6[%get3A_43, %get3A_44] : memref<1x128xf32, #tpu.memory_space<vmem>>, vector<1x128xf32>
    %add3A_46 = vector.broadcast %get3A_45 : vector<1x128xf32> to vector<10000x128xf32>
    %add3A_47 = arith.addf %mul3A_42, %add3A_46 : vector<10000x128xf32>
    %max3A = arith.constant 0.000000e+00 : f32
    %max3A_48 = vector.broadcast %max3A : f32 to vector<10000x128xf32>
    %max3A_49 = arith.maximumf %add3A_47, %max3A_48 : vector<10000x128xf32>
    %get3A_50 = arith.constant 0 : index
    %get3A_51 = arith.constant 0 : index
    %get3A_52 = vector.load %arg7[%get3A_50, %get3A_51] : memref<10000x128xf32, #tpu.memory_space<vmem>>, vector<10000x128xf32>
    %get3A_53 = arith.constant 0 : index
    %get3A_54 = arith.constant 0 : index
    %get3A_55 = vector.load %arg8[%get3A_53, %get3A_54] : memref<10000x128xf32, #tpu.memory_space<vmem>>, vector<10000x128xf32>
    %max3A_56 = arith.maximumf %get3A_52, %get3A_55 : vector<10000x128xf32>
    %max3A_57 = arith.maximumf %max3A_56, %max3A_49 : vector<10000x128xf32>
    %get3A_58 = arith.constant 0 : index
    %get3A_59 = arith.constant 0 : index
    %get3A_60 = vector.load %arg9[%get3A_58, %get3A_59] : memref<128x128xf32, #tpu.memory_space<vmem>>, vector<128x128xf32>
    %dot_general3A_61 = arith.constant dense<0.000000e+00> : vector<10000x128xf32>
    %dot_general3A_62 = tpu.matmul %max3A_57, %get3A_60, %dot_general3A_61 {dimension_numbers = #tpu.dot_dimension_numbers<[1], [0], [0], [1], [0, 0, 1, 1], [], []>, transpose_lhs_hint = false} : vector<10000x128xf32>, vector<128x128xf32>, vector<10000x128xf32> -> vector<10000x128xf32>
    %get3A_63 = arith.constant 0 : index
    %get3A_64 = arith.constant 0 : index
    %get3A_65 = vector.load %arg10[%get3A_63, %get3A_64] : memref<1x128xf32, #tpu.memory_space<vmem>>, vector<1x128xf32>
    %add3A_66 = vector.broadcast %get3A_65 : vector<1x128xf32> to vector<10000x128xf32>
    %add3A_67 = arith.addf %dot_general3A_62, %add3A_66 : vector<10000x128xf32>
    %max3A_68 = arith.constant 0.000000e+00 : f32
    %max3A_69 = vector.broadcast %max3A_68 : f32 to vector<10000x128xf32>
    %max3A_70 = arith.maximumf %add3A_67, %max3A_69 : vector<10000x128xf32>
    %get3A_71 = arith.constant 0 : index
    %get3A_72 = arith.constant 0 : index
    %get3A_73 = vector.load %arg11[%get3A_71, %get3A_72] : memref<128x64xf32, #tpu.memory_space<vmem>>, vector<128x64xf32>
    %dot_general3A_74 = arith.constant dense<0.000000e+00> : vector<10000x64xf32>
    %dot_general3A_75 = tpu.matmul %max3A_70, %get3A_73, %dot_general3A_74 {dimension_numbers = #tpu.dot_dimension_numbers<[1], [0], [0], [1], [0, 0, 1, 1], [], []>, transpose_lhs_hint = false} : vector<10000x128xf32>, vector<128x64xf32>, vector<10000x64xf32> -> vector<10000x64xf32>
    %get3A_76 = arith.constant 0 : index
    %get3A_77 = arith.constant 0 : index
    %get3A_78 = vector.load %arg12[%get3A_76, %get3A_77] : memref<1x64xf32, #tpu.memory_space<vmem>>, vector<1x64xf32>
    %add3A_79 = vector.broadcast %get3A_78 : vector<1x64xf32> to vector<10000x64xf32>
    %add3A_80 = arith.addf %dot_general3A_75, %add3A_79 : vector<10000x64xf32>
    %reduce_max3A = arith.constant dense<0xFF800000> : vector<10000xf32>
    %reduce_max3A_81 = vector.multi_reduction <maximumf>, %add3A_80, %reduce_max3A [1] : vector<10000x64xf32> to vector<10000xf32>
    %broadcast_in_dim3A_82 = vector.shape_cast %reduce_max3A_81 : vector<10000xf32> to vector<10000x1xf32>
    %sub3A_83 = vector.broadcast %broadcast_in_dim3A_82 : vector<10000x1xf32> to vector<10000x64xf32>
    %sub3A_84 = arith.subf %add3A_80, %sub3A_83 : vector<10000x64xf32>
    %exp3A = math.exp %sub3A_84 : vector<10000x64xf32>
    %reduce_sum3A_85 = arith.constant dense<0.000000e+00> : vector<10000xf32>
    %reduce_sum3A_86 = vector.multi_reduction <add>, %exp3A, %reduce_sum3A_85 [1] : vector<10000x64xf32> to vector<10000xf32>
    %broadcast_in_dim3A_87 = vector.shape_cast %reduce_sum3A_86 : vector<10000xf32> to vector<10000x1xf32>
    %log3A = math.log %broadcast_in_dim3A_87 : vector<10000x1xf32>
    %add3A_88 = arith.addf %log3A, %broadcast_in_dim3A_82 : vector<10000x1xf32>
    %sub3A_89 = vector.broadcast %add3A_88 : vector<10000x1xf32> to vector<10000x64xf32>
    %sub3A_90 = arith.subf %add3A_80, %sub3A_89 : vector<10000x64xf32>
    %swap3A = arith.constant 0 : index
    %swap3A_91 = arith.constant 0 : index
    %swap3A_92 = vector.load %arg13[%swap3A, %swap3A_91] : memref<10000x64xf32, #tpu.memory_space<vmem>>, vector<10000x64xf32>
    tpu.vector_store %arg13[%swap3A, %swap3A_91], %sub3A_90 {strides = array<i32>} : memref<10000x64xf32, #tpu.memory_space<vmem>>, vector<10000x64xf32>,
    return
  }
}

</mosaic_0001>

<sc_bundles>
// kernel: kernel.10.cloned.1.call-start
scs
__scs_entry_jumppad:
0x0: {  	(pc) =	sbr.rel $0x88, $3  }
0x1: {  	(tag) =	ssettag $0x0;
	lr =	simm.s32 $0x1  }
0x2: {  	[smem:$0x3F8F] =	sst lr;
	_ =	strace $0xD0000000  }
0x3: {  	_ = 	snop  }
0x4: {  	_ = 	snop  }
0x5: {  	_ = 	snop  }
0x6: {  	_ = 	snop  }
0x7: {  	_ = 	snop  }
__scs_overlays_trampoline_lowered:
0x8: {  	[smem:$0x3F9E] =	sst s0  }
0x9: {  	[smem:$0x3F9F] =	sst s1  }
0xa: {  	[smem:$0x3FA0] =	sst s2  }
0xb: {  	[smem:$0x3FA1] =	sst s3  }
0xc: {  	[smem:$0x3FA2] =	sst s4  }
0xd: {  	[smem:$0x3FA3] =	sst s5  }
0xe: {  	[smem:$0x3FA4] =	sst s6  }
0xf: {  	[smem:$0x3FA5] =	sst s7  }
0x10: {  	[smem:$0x3FA6] =	sst s8  }
0x11: {  	[smem:$0x3FA7] =	sst s9;
	s0 =	simm.s32 @!p0 $0x0  }
0x12: {  	s1 =	sld [smem:$0x3F8D];
	s0 =	simm.s32 @p0 $0x1  }
0x13: {  	[smem:$0x3FA8] =	sst s0;
	s0 =	simm.s32 @!p1 $0x0  }
0x14: {  	s2 =	sld [smem:$0x3F8C];
	s0 =	simm.s32 @p1 $0x1  }
0x15: {  	[smem:$0x3FA9] =	sst s0;
	s0 =	simm.s32 @!p2 $0x0  }
0x16: {  	s3 =	sld [smem:$0x3FDB];
	s0 =	simm.s32 @p2 $0x1  }
0x17: {  	s4 =	simm.s32 $0x1BF5;
	[smem:$0x3FAB] =	sst s0  }
0x18: {  	s0 =	sld [smem:$0x3F8E];
	_ =	swait.ge [sflag:s4], $0x0  }
0x19: {  	s7 =	sld [smem:$0x3F8F]  }
0x1a: {  	s8 =	sadd.s32 $0xFFFFE003, lr  }
0x1b: {  	s9 =	sadd.s32 $0xFFFFFEF7, lr;
	s5 =	simm.s32 $0xFFFFFFFF;
	p2 =	slt.u32 s8, $0xFFFFF086  }
0x1c: {  	p1 =	slt.u32 s9, $0xF7A;
	s5 =	simm.s32 @!p2 $0x0  }
0x1d: {  	s5 =	simm.s32 @p1 $0x1;
	p0 =	seq.s32 s7, s2  }
0x1e: {  	s7 =	smul.u32 @!p0 $0xF7A, s2;
	p2 =	seq.s32 @!p0 s5, $0x0  }
0x1f: {  	s9 =	smul.u32 $0xF7A, s1;
	s8 =	simm.s32 @!p0 $0x1BF5;
	p2 =	por !p2, p0  }
0x20: {  	[sflag:s8] =	ssyncset.s32 @!p0 $0xFFFFF086;
	s6 =	sadd.s32 @!p0 s3, s7;
	s7 =	simm.s32 @!p0 $0x108  }
0x21: {  	s3 =	sadd.s32 s3, s9;
	s6 =	sadd.s32 @!p0 $0x88, s6;
	s7 =	simm.s32 @p2 $0x1082  }
0x22: {  	[simem:s7], [sflag:s8] =	dma.local @!p0 [hbm:s6], $0xF7A  }
0x23: {  	s9 =	sor.u32 $0xD0000000, s2;
	s6 =	simm.s32 $0x108;
	_ =	swait.ge @!p0 [sflag:s8], $0x0  }
0x24: {  	s3 =	sadd.s32 $0x88, s3;
	s6 =	simm.s32 @!p1 $0x1082;
	[sflag:s4] =	ssyncset.s32 $0xFFFFF086  }
0x25: {  	[simem:s6], [sflag:s4] =	dma.local [hbm:s3], $0xF7A  }
0x26: {  	[smem:$0x3F8F] =	sst s1;
	(tag) =	ssettag s2;
	_ =	strace s9  }
0x27: {  	s1 =	sld [smem:$0x3F9F]  }
0x28: {  	s2 =	sld [smem:$0x3FA0]  }
0x29: {  	s4 =	sld [smem:$0x3FA2]  }
0x2a: {  	p0 =	seq.s32 s5, $0x0;
	s5 =	sld [smem:$0x3FA3]  }
0x2b: {  	s6 =	sld [smem:$0x3FA4]  }
0x2c: {  	s7 =	sld [smem:$0x3FA5]  }
0x2d: {  	s3 =	simm.s32 $0x108;
	s8 =	sld [smem:$0x3FA6]  }
0x2e: {  	s3 =	simm.s32 @!p0 $0x1082;
	s9 =	sld [smem:$0x3FA7]  }
0x2f: {  	lr =	sadd.s32 s0, s3;
	s0 =	sld [smem:$0x3F9E]  }
0x30: {  	s3 =	sld [smem:$0x3FA1]  }
0x31: {  	[smem:$0x3FAA] =	sst s10  }
0x32: {  	s10 =	sld [smem:$0x3FA8];
	_ =	sdelay $0x3  }
0x33: {  	p0 =	seq.s32 s10, $0x1;
	s10 =	sld [smem:$0x3FAA];
	_ =	sdelay $0x3  }
0x34: {  	[smem:$0x3FAA] =	sst s10  }
0x35: {  	s10 =	sld [smem:$0x3FA9];
	_ =	sdelay $0x3  }
0x36: {  	p1 =	seq.s32 s10, $0x1;
	s10 =	sld [smem:$0x3FAA];
	_ =	sdelay $0x3  }
0x37: {  	[smem:$0x3FAA] =	sst s10  }
0x38: {  	s10 =	sld [smem:$0x3FAB]  }
0x39: {  	_ = 	snop;
	(pc) =	sbr.ind lr, $3  }
0x3a: {  	_ = 	snop  }
0x3b: {  	_ = 	snop  }
0x3c: {  	p2 =	seq.s32 s10, $0x1;
	s10 =	sld [smem:$0x3FAA]  }
0x3d: {  	_ =	shalt  }
0x3e: {  	_ =	shalt  }
0x3f: {  	_ =	shalt  }
0x40: {  	_ =	shalt  }
0x41: {  	_ =	shalt  }
0x42: {  	_ =	shalt  }
0x43: {  	_ =	shalt  }
0x44: {  	_ =	shalt  }
0x45: {  	_ =	shalt  }
0x46: {  	_ =	shalt  }
0x47: {  	_ =	shalt  }
0x48: {  	_ =	shalt  }
0x49: {  	_ =	shalt  }
0x4a: {  	_ =	shalt  }
0x4b: {  	_ =	shalt  }
0x4c: {  	_ =	shalt  }
0x4d: {  	_ =	shalt  }
0x4e: {  	_ =	shalt  }
0x4f: {  	_ =	shalt  }
0x50: {  	_ =	shalt  }
0x51: {  	_ =	shalt  }
0x52: {  	_ =	shalt  }
0x53: {  	_ =	shalt  }
0x54: {  	_ =	shalt  }
0x55: {  	_ =	shalt  }
0x56: {  	_ =	shalt  }
0x57: {  	_ =	shalt  }
0x58: {  	_ =	shalt  }
0x59: {  	_ =	shalt  }
0x5a: {  	_ =	shalt  }
0x5b: {  	_ =	shalt  }
0x5c: {  	_ =	shalt  }
0x5d: {  	_ =	shalt  }
0x5e: {  	_ =	shalt  }
0x5f: {  	_ =	shalt  }
0x60: {  	_ =	shalt  }
0x61: {  	_ =	shalt  }
0x62: {  	_ =	shalt  }
0x63: {  	_ =	shalt  }
0x64: {  	_ =	shalt  }
0x65: {  	_ =	shalt  }
0x66: {  	_ =	shalt  }
0x67: {  	_ =	shalt  }
0x68: {  	_ =	shalt  }
0x69: {  	_ =	shalt  }
0x6a: {  	_ =	shalt  }
0x6b: {  	_ =	shalt  }
0x6c: {  	_ =	shalt  }
0x6d: {  	_ =	shalt  }
0x6e: {  	_ =	shalt  }
0x6f: {  	_ =	shalt  }
0x70: {  	_ =	shalt  }
0x71: {  	_ =	shalt  }
0x72: {  	_ =	shalt  }
0x73: {  	_ =	shalt  }
0x74: {  	_ =	shalt  }
0x75: {  	_ =	shalt  }
0x76: {  	_ =	shalt  }
0x77: {  	_ =	shalt  }
0x78: {  	_ =	shalt  }
0x79: {  	_ =	shalt  }
0x7a: {  	_ =	shalt  }
0x7b: {  	_ =	shalt  }
0x7c: {  	_ =	shalt  }
0x7d: {  	_ =	shalt  }
0x7e: {  	_ =	shalt  }
0x7f: {  	_ =	shalt  }
0x80: {  	_ =	shalt  }
0x81: {  	_ =	shalt  }
0x82: {  	_ =	shalt  }
0x83: {  	_ =	shalt  }
0x84: {  	_ =	shalt  }
0x85: {  	_ =	shalt  }
0x86: {  	_ =	shalt  }
0x87: {  	_ =	shalt  }
.Lfunc_end0:
.L_simem_size_0:
called_computation_lowered:
.L_overlay_start_0:
0x88: {  	s2 =	sld [smem:$0x3FD9]  }
0x89: {  	s3 =	sld [smem:$0x3FFE];
	_ =	sdelay $0x1  }
0x8a: {  	s1 =	srdreg.scid  }
0x8b: {  	s0 =	sand.u32 $0x1, s1  }
0x8c: {  	s17 =	sshll.u32 s0, $0xA;
	s2 =	sadd.s32 s3, s2  }
0x8d: {  	s2 =	sadd.s32 s2, s17  }
0x8e: {  	[smem:$0x3FB6] =	sst s2  }
0x8f: {  	_ = 	snop  }
0x90: {  	s2 =	sld [smem:$0x3FD0];
	(tm) =	ssettm $0x1  }
0x91: {  	s18 =	sld [smem:$0x3FFB];
	_ =	sdelay $0x3  }
0x92: {  	_ =	strace s18  }
0x93: {  	s3 =	sld [smem:$0x3FFC];
	_ =	sdelay $0x3  }
0x94: {  	_ =	strace s3  }
0x95: {  	s3 =	sld [smem:$0x3FFD];
	_ =	sdelay $0x3  }
0x96: {  	_ =	strace s3  }
0x97: {  	_ =	strace $0x8FFFFFFF  }
0x98: {  	s19 =	sld [smem:$0x3FDB];
	_ =	sdelay $0x1  }
0x99: {  	s4 =	simm.s32 $_scs_section_size  }
0x9a: {  	s5 =	simm.s32 $_size__tile_overlayer_lowered;
	s6 =	simm.s32 $_tile_overlayer_lowered  }
0x9b: {  	s22 =	simm.s32 $0x1BFF;
	s21 =	sshll.u32 s6, $0x1;
	s3 =	sadd.s32 s4, s19  }
0x9c: {  	s7 =	simm.s32 $0x0;
	s20 =	sshll.u32 s5, $0x1;
	s5 =	sadd.s32 s21, s3  }
0x9d: {  	[timem:s7], [sflag:s22] =	dma.local [hbm:s5], s20  }
0x9e: {  	_ =	swait.ge [sflag:s22], s20  }
0x9f: {  	s4 =	ssub.s32 $0x0, s20;
	[sflag:s22] =	ssyncset.done $0x0  }
0xa0: {  	[sflag:s22] =	ssyncadd.s32 s4;
	_ =	sdelay $0x1  }
0xa1: {  	s23 =	simm.s32 $0x1B8B  }
0xa2: {  	_ =	swait.ge [sflag:s23], $0x1  }
0xa3: {  	[sflag:s23] =	ssyncset.done $0x0  }
0xa4: {  	s25 =	simm.s32 $0x1B8E;
	s24 =	sld [smem:$0x3FFE];
	[sflag:s23] =	ssyncadd.s32 $0xFFFFFFFF  }
0xa5: {  	s26 =	simm.s32 $execute0_lowered;
	[smem:$0x3FD2] =	sst s25  }
0xa6: {  	s5 =	sshll.u32 s26, $0x1;
	_ =	strace $0x80000046;
	[dreg:$0x1] =	wrdreg $0xFFFFFFFF  }
0xa7: {  	s28 =	simm.s32 $_size_execute0_lowered;
	s3 =	sadd.s32 s3, s5;
	[dreg:$0x0] =	wrdreg $0x0  }
0xa8: {  	s5 =	sshll.u32 s28, $0x1;
	[dreg:$0x2] =	wrdreg s3  }
0xa9: {  	[dreg:$0x3] =	wrdreg s5  }
0xaa: {  	[dreg:$0x4] =	wrdreg $0xC0  }
0xab: {  	_ =	task [dreg:s7], $0x5FFFF  }
0xac: {  	[dreg:$0x1] =	wrdreg $0xFFFFFFFF  }
0xad: {  	[dreg:$0x0] =	wrdreg $0x60  }
0xae: {  	[dreg:$0x2] =	wrdreg s2  }
0xaf: {  	[dreg:$0x3] =	wrdreg s24  }
0xb0: {  	[dreg:$0x4] =	wrdreg $0x48000  }
0xb1: {  	[dreg:$0x5] =	wrdreg $0x9  }
0xb2: {  	_ =	task.clear_ibuf [dreg:s7], $0x6FFFF;
	_ =	strace $0x90000046  }
0xb3: {  	s29 =	simm.s32 $0x9;
	_ =	strace $0x80000048  }
0xb4: {  	_ =	swait.ge [sflag:s29], $0x1  }
0xb5: {  	[sflag:s29] =	ssyncadd.s32 $0xFFFFFFFF  }
0xb6: {  	_ =	strace $0x90000048  }
0xb7: {  	_ =	sfence  }
0xb8: {  	s30 =	sld [smem:$0x0];
	_ =	sdelay $0x2  }
0xb9: {  	s31 =	sshll.u32 s1, $0xD;
	s1 =	sshrl.u32 s1, $0x2  }
0xba: {  	s3 =	sand.u32 $0x4000, s31;
	s1 =	sadd.s32 s1, s30  }
0xbb: {  	s0 =	sor.u32 s3, s0;
	s1 =	sshll.u32 s1, $0x11  }
0xbc: {  	s0 =	sor.u32 s1, s0  }
0xbd: {  	s0 =	sadd.s32 $0x8F2B, s0  }
0xbe: {  	[sflag:s0] =	ssyncadd.remote.s32 $0x1  }
0xbf: {  	_ =	sfence.sel $0xFFFF  }
0xc0: {  	[dreg:$0x0] =	wrdreg $0xFFFFFFFF;
	(pc) =	sbr.abs _section_cstart, $3  }
0xc1: {  	[dreg:$0x1] =	wrdreg $0xFFFFFFFF  }
0xc2: {  	_ =	task.clear_ibuf [dreg:s7], $0x2FFFF;
	_ =	strace $0x9FFFFFFF  }
0xc3: {  	(tm) =	ssettm $0x7FFFFFFF  }
tec
execute0_lowered:
.L_overlay_start_1:
0x0: {  	(tag) =	ssettag $0x1  }
0x1: {  	s0 =	rddreg [dreg:$0x0]  }
0x2: {  	s1 =	rddreg [dreg:$0x1]  }
0x3: {  	s2 =	rddreg [dreg:$0x2];
	s3 =	simm.s32 $0x0;
	s4 =	srdreg.scid  }
0x4: {  	s8 =	stileid.u32;
	s14 =	simm.s32 $0x800;
	s15 =	simm.s32 $0x1  }
0x5: {  	s16 =	simm.s32 $0x80;
	s17 =	simm.s32 $0x100;
	s18 =	simm.s32 $0x180  }
0x6: {  	s19 =	simm.s32 $0x200;
	s20 =	simm.s32 $0x280;
	s21 =	simm.s32 $0x300  }
0x7: {  	s28 =	simm.s32 $0x600;
	s29 =	simm.s32 $0x680;
	s30 =	simm.s32 $0x700  }
0x8: {  	[smem:$0x7FF] =	sst s3;
	s4 =	sand.u32 $0x1, s4;
	s5 =	smul.u32 $0x2800, s8  }
0x9: {  	s7 =	sadd.s32 $0x5600, s1;
	s22 =	sadd.s32 $0x5E00, s1;
	s23 =	smul.u32 $0x50000, s8  }
0xa: {  	s9 =	smul.u32 $0x5000, s8;
	_ =	strace $0x80000047;
	[dreg:$0x4] =	wrdreg s7  }
0xb: {  	s31 =	simm.s32 $0x780;
	s6 =	smul.u32 $0x28000, s4;
	[dreg:$0x5] =	wrdreg s22  }
0xc: {  	s24 =	ssub.s32 $0x2, s4;
	s4 =	smul.u32 $0x2800, s4;
	s22 =	simm.s32 $0x380  }
0xd: {  	s25 =	sshrl.u32 s24, $0x1;
	s7 =	sshrl.u32 s23, $0x2;
	s23 =	simm.s32 $0x400  }
0xe: {  	s5 =	sadd.s32 s5, s6;
	s26 =	ssub.s32 s24, s25;
	s6 =	sadd.s32 s7, s2  }
0xf: {  	s4 =	sadd.s32 s4, s9;
	s24 =	simm.s32 $0x480;
	s25 =	simm.s32 $0x500  }
0x10: {  	s1 =	sadd.s32 s5, s1;
	s7 =	sadd.s32 $0x4000, s6;
	s8 =	sadd.s32 $0x8000, s6  }
0x11: {  	s9 =	sadd.s32 $0xC000, s6;
	s10 =	sadd.s32 $0x10000, s6;
	s4 =	sshrl.u32 s4, $0x3  }
0x12: {  	s12 =	smax.u32 s26, $0x1;
	s26 =	simm.s32 $0x580;
	[dreg:$0x6] =	wrdreg s7  }
0x13: {  	s11 =	sadd.s32 $0x6600, s1;
	s13 =	sadd.s32 s4, s0;
	s0 =	simm.s32 $0x0  }
.LBB2_1:
0x14: {  	s1 =	rddreg [dreg:$0x4]  }
0x15: {  	[tilespmem:s14], [sflag:$0x1] =	stream.linear.gather [hbm4b:s1+s3], $0x4000, $0x38;
	[tilespmem:$0x18800] =	vst v63  }
0x16: {  	_ =	swait.ge [sflag:s15], $0x4000  }
0x17: {  	[sflag:s15] =	ssyncset.done $0x0  }
0x18: {  	[sflag:s15] =	ssyncadd.s32 $0xFFFFC000  }
0x19: {  	[spmem:s6] =	stream.linear.scatter [tilespmem:s14], [sflag:$0x1], $0x4000, $0x38;
	[tilespmem:$0x18800] =	vst v63  }
0x1a: {  	_ =	swait.ge [sflag:s15], $0x4000  }
0x1b: {  	[sflag:s15] =	ssyncset.done $0x0  }
0x1c: {  	s4 =	rddreg [dreg:$0x6];
	[sflag:s15] =	ssyncadd.s32 $0xFFFFC000  }
0x1d: {  	[spmem:s4] =	stream.linear.scatter [tilespmem:s14], [sflag:$0x1], $0x4000, $0x38;
	[tilespmem:$0x18800] =	vst v63  }
0x1e: {  	_ =	swait.ge [sflag:s15], $0x4000  }
0x1f: {  	[sflag:s15] =	ssyncset.done $0x0  }
0x20: {  	[sflag:s15] =	ssyncadd.s32 $0xFFFFC000  }
0x21: {  	[spmem:s8] =	stream.linear.scatter [tilespmem:s14], [sflag:$0x1], $0x4000, $0x38;
	[tilespmem:$0x18800] =	vst v63  }
0x22: {  	_ =	swait.ge [sflag:s15], $0x4000  }
0x23: {  	[sflag:s15] =	ssyncset.done $0x0  }
0x24: {  	[sflag:s15] =	ssyncadd.s32 $0xFFFFC000  }
0x25: {  	[spmem:s9] =	stream.linear.scatter [tilespmem:s14], [sflag:$0x1], $0x4000, $0x38;
	[tilespmem:$0x18800] =	vst v63  }
0x26: {  	_ =	swait.ge [sflag:s15], $0x4000  }
0x27: {  	[sflag:s15] =	ssyncset.done $0x0  }
0x28: {  	[sflag:s15] =	ssyncadd.s32 $0xFFFFC000  }
0x29: {  	[spmem:s10] =	stream.linear.scatter [tilespmem:s14], [sflag:$0x1], $0x4000, $0x38;
	[tilespmem:$0x18800] =	vst v63  }
0x2a: {  	_ =	swait.ge [sflag:s15], $0x4000  }
0x2b: {  	[sflag:s15] =	ssyncset.done $0x0  }
0x2c: {  	s5 =	rddreg [dreg:$0x5];
	[sflag:s15] =	ssyncadd.s32 $0xFFFFC000  }
0x2d: {  	[tilespmem:s14], [sflag:$0x1] =	stream.linear.gather [hbm4b:s5+s3], $0x4000, $0x38;
	[tilespmem:$0x18800] =	vst v63  }
0x2e: {  	_ =	swait.ge [sflag:s15], $0x4000  }
0x2f: {  	[sflag:s15] =	ssyncset.done $0x0  }
0x30: {  	[sflag:s15] =	ssyncadd.s32 $0xFFFFC000  }
0x31: {  	s7 =	sadd.s32 $0x0, s13;
	[bflag:$0x0] =	sbarrier.arrive $0xFFFF  }
0x32: {  	[tilespmem:s3], [sflag:$0x1] =	stream.linear.gather [hbm4b:s7+s3], $0x800, $0x38;
	[tilespmem:$0x18800] =	vst v63  }
0x33: {  	_ =	swait.ge [sflag:s15], $0x800  }
0x34: {  	[sflag:s15] =	ssyncset.done $0x0  }
0x35: {  	[sflag:s15] =	ssyncadd.s32 $0xFFFFF800  }
0x36: {  	[spmem:s2] =	stream.indirect.scatter.add.f32 [tilespmem:s14], [sflag:$0x1], $0x80, s3, s16, $0xb8;
	[tilespmem:$0x18800] =	vst v63  }
0x37: {  	_ =	swait.ge [sflag:s15], $0x4000  }
0x38: {  	[sflag:s15] =	ssyncset.done $0x0  }
0x39: {  	[sflag:s15] =	ssyncadd.s32 $0xFFFFC000  }
0x3a: {  	[spmem:s2] =	stream.indirect.scatter.add.f32 [tilespmem:s14], [sflag:$0x1], $0x80, s16, s16, $0xb8;
	[tilespmem:$0x18800] =	vst v63  }
0x3b: {  	_ =	swait.ge [sflag:s15], $0x4000  }
0x3c: {  	[sflag:s15] =	ssyncset.done $0x0  }
0x3d: {  	[sflag:s15] =	ssyncadd.s32 $0xFFFFC000  }
0x3e: {  	[spmem:s2] =	stream.indirect.scatter.add.f32 [tilespmem:s14], [sflag:$0x1], $0x80, s17, s16, $0xb8;
	[tilespmem:$0x18800] =	vst v63  }
0x3f: {  	_ =	swait.ge [sflag:s15], $0x4000  }
0x40: {  	[sflag:s15] =	ssyncset.done $0x0  }
0x41: {  	[sflag:s15] =	ssyncadd.s32 $0xFFFFC000  }
0x42: {  	[spmem:s2] =	stream.indirect.scatter.add.f32 [tilespmem:s14], [sflag:$0x1], $0x80, s18, s16, $0xb8;
	[tilespmem:$0x18800] =	vst v63  }
0x43: {  	_ =	swait.ge [sflag:s15], $0x4000  }
0x44: {  	[sflag:s15] =	ssyncset.done $0x0  }
0x45: {  	[sflag:s15] =	ssyncadd.s32 $0xFFFFC000  }
0x46: {  	[spmem:s2] =	stream.indirect.scatter.add.f32 [tilespmem:s14], [sflag:$0x1], $0x80, s19, s16, $0xb8;
	[tilespmem:$0x18800] =	vst v63  }
0x47: {  	_ =	swait.ge [sflag:s15], $0x4000  }
0x48: {  	[sflag:s15] =	ssyncset.done $0x0  }
0x49: {  	[sflag:s15] =	ssyncadd.s32 $0xFFFFC000  }
0x4a: {  	[spmem:s2] =	stream.indirect.scatter.add.f32 [tilespmem:s14], [sflag:$0x1], $0x80, s20, s16, $0xb8;
	[tilespmem:$0x18800] =	vst v63  }
0x4b: {  	_ =	swait.ge [sflag:s15], $0x4000  }
0x4c: {  	[sflag:s15] =	ssyncset.done $0x0  }
0x4d: {  	[sflag:s15] =	ssyncadd.s32 $0xFFFFC000  }
0x4e: {  	[spmem:s2] =	stream.indirect.scatter.add.f32 [tilespmem:s14], [sflag:$0x1], $0x80, s21, s16, $0xb8;
	[tilespmem:$0x18800] =	vst v63  }
0x4f: {  	_ =	swait.ge [sflag:s15], $0x4000  }
0x50: {  	[sflag:s15] =	ssyncset.done $0x0  }
0x51: {  	[sflag:s15] =	ssyncadd.s32 $0xFFFFC000  }
0x52: {  	[spmem:s2] =	stream.indirect.scatter.add.f32 [tilespmem:s14], [sflag:$0x1], $0x80, s22, s16, $0xb8;
	[tilespmem:$0x18800] =	vst v63  }
0x53: {  	_ =	swait.ge [sflag:s15], $0x4000  }
0x54: {  	[sflag:s15] =	ssyncset.done $0x0  }
0x55: {  	[sflag:s15] =	ssyncadd.s32 $0xFFFFC000  }
0x56: {  	[spmem:s2] =	stream.indirect.scatter.add.f32 [tilespmem:s14], [sflag:$0x1], $0x80, s23, s16, $0xb8;
	[tilespmem:$0x18800] =	vst v63  }
0x57: {  	_ =	swait.ge [sflag:s15], $0x4000  }
0x58: {  	[sflag:s15] =	ssyncset.done $0x0  }
0x59: {  	[sflag:s15] =	ssyncadd.s32 $0xFFFFC000  }
0x5a: {  	[spmem:s2] =	stream.indirect.scatter.add.f32 [tilespmem:s14], [sflag:$0x1], $0x80, s24, s16, $0xb8;
	[tilespmem:$0x18800] =	vst v63  }
0x5b: {  	_ =	swait.ge [sflag:s15], $0x4000  }
0x5c: {  	[sflag:s15] =	ssyncset.done $0x0  }
0x5d: {  	[sflag:s15] =	ssyncadd.s32 $0xFFFFC000  }
0x5e: {  	[spmem:s2] =	stream.indirect.scatter.add.f32 [tilespmem:s14], [sflag:$0x1], $0x80, s25, s16, $0xb8;
	[tilespmem:$0x18800] =	vst v63  }
0x5f: {  	_ =	swait.ge [sflag:s15], $0x4000  }
0x60: {  	[sflag:s15] =	ssyncset.done $0x0  }
0x61: {  	[sflag:s15] =	ssyncadd.s32 $0xFFFFC000  }
0x62: {  	[spmem:s2] =	stream.indirect.scatter.add.f32 [tilespmem:s14], [sflag:$0x1], $0x80, s26, s16, $0xb8;
	[tilespmem:$0x18800] =	vst v63  }
0x63: {  	_ =	swait.ge [sflag:s15], $0x4000  }
0x64: {  	[sflag:s15] =	ssyncset.done $0x0  }
0x65: {  	[sflag:s15] =	ssyncadd.s32 $0xFFFFC000  }
0x66: {  	[spmem:s2] =	stream.indirect.scatter.add.f32 [tilespmem:s14], [sflag:$0x1], $0x80, s28, s16, $0xb8;
	[tilespmem:$0x18800] =	vst v63  }
0x67: {  	_ =	swait.ge [sflag:s15], $0x4000  }
0x68: {  	[sflag:s15] =	ssyncset.done $0x0  }
0x69: {  	[sflag:s15] =	ssyncadd.s32 $0xFFFFC000  }
0x6a: {  	[spmem:s2] =	stream.indirect.scatter.add.f32 [tilespmem:s14], [sflag:$0x1], $0x80, s29, s16, $0xb8;
	[tilespmem:$0x18800] =	vst v63  }
0x6b: {  	_ =	swait.ge [sflag:s15], $0x4000  }
0x6c: {  	[sflag:s15] =	ssyncset.done $0x0  }
0x6d: {  	[sflag:s15] =	ssyncadd.s32 $0xFFFFC000  }
0x6e: {  	[spmem:s2] =	stream.indirect.scatter.add.f32 [tilespmem:s14], [sflag:$0x1], $0x80, s30, s16, $0xb8;
	[tilespmem:$0x18800] =	vst v63  }
0x6f: {  	_ =	swait.ge [sflag:s15], $0x4000  }
0x70: {  	[sflag:s15] =	ssyncset.done $0x0  }
0x71: {  	[sflag:s15] =	ssyncadd.s32 $0xFFFFC000  }
0x72: {  	[spmem:s2] =	stream.indirect.scatter.add.f32 [tilespmem:s14], [sflag:$0x1], $0x80, s31, s16, $0xb8;
	[tilespmem:$0x18800] =	vst v63  }
0x73: {  	_ =	swait.ge [sflag:s15], $0x4000  }
0x74: {  	s1 =	simm.s32 $0x100;
	s4 =	simm.s32 $0x200;
	[sflag:s15] =	ssyncset.done $0x0  }
.LBB2_2:
0x75: {  	s7 =	sadd.s32 s1, s13  }
0x76: {  	[sflag:s15] =	ssyncadd.s32 $0xFFFFC000;
	s1 =	smov.u32 s4;
	s5 =	sadd.s32 $0x100, s4  }
0x77: {  	[tilespmem:s3], [sflag:$0x1] =	stream.linear.gather [hbm4b:s7+s3], $0x800, $0x38;
	[tilespmem:$0x18800] =	vst v63  }
0x78: {  	p0 =	sne.s32 s4, $0x400;
	_ =	swait.ge [sflag:s15], $0x800  }
0x79: {  	[sflag:s15] =	ssyncset.done $0x0  }
0x7a: {  	[sflag:s15] =	ssyncadd.s32 $0xFFFFF800  }
0x7b: {  	[spmem:s2] =	stream.indirect.scatter.add.f32 [tilespmem:s14], [sflag:$0x1], $0x80, s3, s16, $0xb8;
	[tilespmem:$0x18800] =	vst v63  }
0x7c: {  	_ =	swait.ge [sflag:s15], $0x4000  }
0x7d: {  	[sflag:s15] =	ssyncset.done $0x0  }
0x7e: {  	[sflag:s15] =	ssyncadd.s32 $0xFFFFC000  }
0x7f: {  	[spmem:s2] =	stream.indirect.scatter.add.f32 [tilespmem:s14], [sflag:$0x1], $0x80, s16, s16, $0xb8;
	[tilespmem:$0x18800] =	vst v63  }
0x80: {  	_ =	swait.ge [sflag:s15], $0x4000  }
0x81: {  	[sflag:s15] =	ssyncset.done $0x0  }
0x82: {  	[sflag:s15] =	ssyncadd.s32 $0xFFFFC000  }
0x83: {  	[spmem:s2] =	stream.indirect.scatter.add.f32 [tilespmem:s14], [sflag:$0x1], $0x80, s17, s16, $0xb8;
	[tilespmem:$0x18800] =	vst v63  }
0x84: {  	_ =	swait.ge [sflag:s15], $0x4000  }
0x85: {  	[sflag:s15] =	ssyncset.done $0x0  }
0x86: {  	[sflag:s15] =	ssyncadd.s32 $0xFFFFC000  }
0x87: {  	[spmem:s2] =	stream.indirect.scatter.add.f32 [tilespmem:s14], [sflag:$0x1], $0x80, s18, s16, $0xb8;
	[tilespmem:$0x18800] =	vst v63  }
0x88: {  	_ =	swait.ge [sflag:s15], $0x4000  }
0x89: {  	[sflag:s15] =	ssyncset.done $0x0  }
0x8a: {  	[sflag:s15] =	ssyncadd.s32 $0xFFFFC000  }
0x8b: {  	[spmem:s2] =	stream.indirect.scatter.add.f32 [tilespmem:s14], [sflag:$0x1], $0x80, s19, s16, $0xb8;
	[tilespmem:$0x18800] =	vst v63  }
0x8c: {  	_ =	swait.ge [sflag:s15], $0x4000  }
0x8d: {  	[sflag:s15] =	ssyncset.done $0x0  }
0x8e: {  	[sflag:s15] =	ssyncadd.s32 $0xFFFFC000  }
0x8f: {  	[spmem:s2] =	stream.indirect.scatter.add.f32 [tilespmem:s14], [sflag:$0x1], $0x80, s20, s16, $0xb8;
	[tilespmem:$0x18800] =	vst v63  }
0x90: {  	_ =	swait.ge [sflag:s15], $0x4000  }
0x91: {  	[sflag:s15] =	ssyncset.done $0x0  }
0x92: {  	[sflag:s15] =	ssyncadd.s32 $0xFFFFC000  }
0x93: {  	[spmem:s2] =	stream.indirect.scatter.add.f32 [tilespmem:s14], [sflag:$0x1], $0x80, s21, s16, $0xb8;
	[tilespmem:$0x18800] =	vst v63  }
0x94: {  	_ =	swait.ge [sflag:s15], $0x4000  }
0x95: {  	[sflag:s15] =	ssyncset.done $0x0  }
0x96: {  	[sflag:s15] =	ssyncadd.s32 $0xFFFFC000  }
0x97: {  	[spmem:s2] =	stream.indirect.scatter.add.f32 [tilespmem:s14], [sflag:$0x1], $0x80, s22, s16, $0xb8;
	[tilespmem:$0x18800] =	vst v63  }
0x98: {  	_ =	swait.ge [sflag:s15], $0x4000  }
0x99: {  	[sflag:s15] =	ssyncset.done $0x0  }
0x9a: {  	[sflag:s15] =	ssyncadd.s32 $0xFFFFC000  }
0x9b: {  	[spmem:s2] =	stream.indirect.scatter.add.f32 [tilespmem:s14], [sflag:$0x1], $0x80, s23, s16, $0xb8;
	[tilespmem:$0x18800] =	vst v63  }
0x9c: {  	_ =	swait.ge [sflag:s15], $0x4000  }
0x9d: {  	[sflag:s15] =	ssyncset.done $0x0  }
0x9e: {  	[sflag:s15] =	ssyncadd.s32 $0xFFFFC000  }
0x9f: {  	[spmem:s2] =	stream.indirect.scatter.add.f32 [tilespmem:s14], [sflag:$0x1], $0x80, s24, s16, $0xb8;
	[tilespmem:$0x18800] =	vst v63  }
0xa0: {  	_ =	swait.ge [sflag:s15], $0x4000  }
0xa1: {  	[sflag:s15] =	ssyncset.done $0x0  }
0xa2: {  	[sflag:s15] =	ssyncadd.s32 $0xFFFFC000  }
0xa3: {  	[spmem:s2] =	stream.indirect.scatter.add.f32 [tilespmem:s14], [sflag:$0x1], $0x80, s25, s16, $0xb8;
	[tilespmem:$0x18800] =	vst v63  }
0xa4: {  	_ =	swait.ge [sflag:s15], $0x4000  }
0xa5: {  	[sflag:s15] =	ssyncset.done $0x0  }
0xa6: {  	[sflag:s15] =	ssyncadd.s32 $0xFFFFC000  }
0xa7: {  	[spmem:s2] =	stream.indirect.scatter.add.f32 [tilespmem:s14], [sflag:$0x1], $0x80, s26, s16, $0xb8;
	[tilespmem:$0x18800] =	vst v63  }
0xa8: {  	_ =	swait.ge [sflag:s15], $0x4000  }
0xa9: {  	[sflag:s15] =	ssyncset.done $0x0  }
0xaa: {  	[sflag:s15] =	ssyncadd.s32 $0xFFFFC000  }
0xab: {  	[spmem:s2] =	stream.indirect.scatter.add.f32 [tilespmem:s14], [sflag:$0x1], $0x80, s28, s16, $0xb8;
	[tilespmem:$0x18800] =	vst v63  }
0xac: {  	_ =	swait.ge [sflag:s15], $0x4000  }
0xad: {  	[sflag:s15] =	ssyncset.done $0x0  }
0xae: {  	[sflag:s15] =	ssyncadd.s32 $0xFFFFC000  }
0xaf: {  	[spmem:s2] =	stream.indirect.scatter.add.f32 [tilespmem:s14], [sflag:$0x1], $0x80, s29, s16, $0xb8;
	[tilespmem:$0x18800] =	vst v63  }
0xb0: {  	_ =	swait.ge [sflag:s15], $0x4000  }
0xb1: {  	[sflag:s15] =	ssyncset.done $0x0  }
0xb2: {  	[sflag:s15] =	ssyncadd.s32 $0xFFFFC000  }
0xb3: {  	[spmem:s2] =	stream.indirect.scatter.add.f32 [tilespmem:s14], [sflag:$0x1], $0x80, s30, s16, $0xb8;
	[tilespmem:$0x18800] =	vst v63  }
0xb4: {  	_ =	swait.ge [sflag:s15], $0x4000  }
.Ltmp0:
0xb5: {  	[sflag:s15] =	ssyncset.done $0x0;
	(pc) =	sbr.rel @p0 .LBB2_2-.Ltmp0, $4  }
0xb6: {  	[sflag:s15] =	ssyncadd.s32 $0xFFFFC000  }
0xb7: {  	[spmem:s2] =	stream.indirect.scatter.add.f32 [tilespmem:s14], [sflag:$0x1], $0x80, s31, s16, $0xb8;
	[tilespmem:$0x18800] =	vst v63  }
0xb8: {  	_ =	swait.ge [sflag:s15], $0x4000  }
0xb9: {  	s4 =	smov.u32 s5;
	[sflag:s15] =	ssyncset.done $0x0  }
0xba: {  	s1 =	sadd.s32 s1, s13;
	[sflag:s15] =	ssyncadd.s32 $0xFFFFC000  }
0xbb: {  	[tilespmem:s3], [sflag:$0x1] =	stream.linear.gather [hbm4b:s1+s3], $0x800, $0x38;
	[tilespmem:$0x18800] =	vst v63  }
0xbc: {  	_ =	swait.ge [sflag:s15], $0x800  }
0xbd: {  	[sflag:s15] =	ssyncset.done $0x0  }
0xbe: {  	[sflag:s15] =	ssyncadd.s32 $0xFFFFF800  }
0xbf: {  	[spmem:s2] =	stream.indirect.scatter.add.f32 [tilespmem:s14], [sflag:$0x1], $0x80, s3, s16, $0xb8;
	[tilespmem:$0x18800] =	vst v63  }
0xc0: {  	_ =	swait.ge [sflag:s15], $0x4000  }
0xc1: {  	[sflag:s15] =	ssyncset.done $0x0  }
0xc2: {  	[sflag:s15] =	ssyncadd.s32 $0xFFFFC000  }
0xc3: {  	[spmem:s2] =	stream.indirect.scatter.add.f32 [tilespmem:s14], [sflag:$0x1], $0x80, s16, s16, $0xb8;
	[tilespmem:$0x18800] =	vst v63  }
0xc4: {  	_ =	swait.ge [sflag:s15], $0x4000  }
0xc5: {  	[sflag:s15] =	ssyncset.done $0x0  }
0xc6: {  	[sflag:s15] =	ssyncadd.s32 $0xFFFFC000  }
0xc7: {  	[spmem:s2] =	stream.indirect.scatter.add.f32 [tilespmem:s14], [sflag:$0x1], $0x80, s17, s16, $0xb8;
	[tilespmem:$0x18800] =	vst v63  }
0xc8: {  	_ =	swait.ge [sflag:s15], $0x4000  }
0xc9: {  	[sflag:s15] =	ssyncset.done $0x0  }
0xca: {  	[sflag:s15] =	ssyncadd.s32 $0xFFFFC000  }
0xcb: {  	[spmem:s2] =	stream.indirect.scatter.add.f32 [tilespmem:s14], [sflag:$0x1], $0x80, s18, s16, $0xb8;
	[tilespmem:$0x18800] =	vst v63  }
0xcc: {  	_ =	swait.ge [sflag:s15], $0x4000  }
0xcd: {  	[sflag:s15] =	ssyncset.done $0x0  }
0xce: {  	[sflag:s15] =	ssyncadd.s32 $0xFFFFC000  }
0xcf: {  	[spmem:s2] =	stream.indirect.scatter.add.f32 [tilespmem:s14], [sflag:$0x1], $0x80, s19, s16, $0xb8;
	[tilespmem:$0x18800] =	vst v63  }
0xd0: {  	_ =	swait.ge [sflag:s15], $0x4000  }
0xd1: {  	[sflag:s15] =	ssyncset.done $0x0  }
0xd2: {  	[sflag:s15] =	ssyncadd.s32 $0xFFFFC000  }
0xd3: {  	[spmem:s2] =	stream.indirect.scatter.add.f32 [tilespmem:s14], [sflag:$0x1], $0x80, s20, s16, $0xb8;
	[tilespmem:$0x18800] =	vst v63  }
0xd4: {  	_ =	swait.ge [sflag:s15], $0x4000  }
0xd5: {  	[sflag:s15] =	ssyncset.done $0x0  }
0xd6: {  	[sflag:s15] =	ssyncadd.s32 $0xFFFFC000  }
0xd7: {  	[spmem:s2] =	stream.indirect.scatter.add.f32 [tilespmem:s14], [sflag:$0x1], $0x80, s21, s16, $0xb8;
	[tilespmem:$0x18800] =	vst v63  }
0xd8: {  	_ =	swait.ge [sflag:s15], $0x4000  }
0xd9: {  	[sflag:s15] =	ssyncset.done $0x0  }
0xda: {  	[sflag:s15] =	ssyncadd.s32 $0xFFFFC000  }
0xdb: {  	[spmem:s2] =	stream.indirect.scatter.add.f32 [tilespmem:s14], [sflag:$0x1], $0x80, s22, s16, $0xb8;
	[tilespmem:$0x18800] =	vst v63  }
0xdc: {  	_ =	swait.ge [sflag:s15], $0x4000  }
0xdd: {  	[sflag:s15] =	ssyncset.done $0x0  }
0xde: {  	[sflag:s15] =	ssyncadd.s32 $0xFFFFC000  }
0xdf: {  	[spmem:s2] =	stream.indirect.scatter.add.f32 [tilespmem:s14], [sflag:$0x1], $0x80, s23, s16, $0xb8;
	[tilespmem:$0x18800] =	vst v63  }
0xe0: {  	_ =	swait.ge [sflag:s15], $0x4000  }
0xe1: {  	[sflag:s15] =	ssyncset.done $0x0  }
0xe2: {  	[sflag:s15] =	ssyncadd.s32 $0xFFFFC000  }
0xe3: {  	[spmem:s2] =	stream.indirect.scatter.add.f32 [tilespmem:s14], [sflag:$0x1], $0x80, s24, s16, $0xb8;
	[tilespmem:$0x18800] =	vst v63  }
0xe4: {  	_ =	swait.ge [sflag:s15], $0x4000  }
0xe5: {  	[sflag:s15] =	ssyncset.done $0x0  }
0xe6: {  	[sflag:s15] =	ssyncadd.s32 $0xFFFFC000  }
0xe7: {  	[spmem:s2] =	stream.indirect.scatter.add.f32 [tilespmem:s14], [sflag:$0x1], $0x80, s25, s16, $0xb8;
	[tilespmem:$0x18800] =	vst v63  }
0xe8: {  	_ =	swait.ge [sflag:s15], $0x4000  }
0xe9: {  	[sflag:s15] =	ssyncset.done $0x0  }
0xea: {  	[sflag:s15] =	ssyncadd.s32 $0xFFFFC000  }
0xeb: {  	[spmem:s2] =	stream.indirect.scatter.add.f32 [tilespmem:s14], [sflag:$0x1], $0x80, s26, s16, $0xb8;
	[tilespmem:$0x18800] =	vst v63  }
0xec: {  	_ =	swait.ge [sflag:s15], $0x4000  }
0xed: {  	[sflag:s15] =	ssyncset.done $0x0  }
0xee: {  	[sflag:s15] =	ssyncadd.s32 $0xFFFFC000  }
0xef: {  	[spmem:s2] =	stream.indirect.scatter.add.f32 [tilespmem:s14], [sflag:$0x1], $0x80, s28, s16, $0xb8;
	[tilespmem:$0x18800] =	vst v63  }
0xf0: {  	_ =	swait.ge [sflag:s15], $0x4000  }
0xf1: {  	[sflag:s15] =	ssyncset.done $0x0  }
0xf2: {  	[sflag:s15] =	ssyncadd.s32 $0xFFFFC000  }
0xf3: {  	[spmem:s2] =	stream.indirect.scatter.add.f32 [tilespmem:s14], [sflag:$0x1], $0x80, s29, s16, $0xb8;
	[tilespmem:$0x18800] =	vst v63  }
0xf4: {  	_ =	swait.ge [sflag:s15], $0x4000  }
0xf5: {  	[sflag:s15] =	ssyncset.done $0x0  }
0xf6: {  	[sflag:s15] =	ssyncadd.s32 $0xFFFFC000  }
0xf7: {  	[spmem:s2] =	stream.indirect.scatter.add.f32 [tilespmem:s14], [sflag:$0x1], $0x80, s30, s16, $0xb8;
	[tilespmem:$0x18800] =	vst v63  }
0xf8: {  	_ =	swait.ge [sflag:s15], $0x4000  }
0xf9: {  	[sflag:s15] =	ssyncset.done $0x0  }
0xfa: {  	[sflag:s15] =	ssyncadd.s32 $0xFFFFC000  }
0xfb: {  	[spmem:s2] =	stream.indirect.scatter.add.f32 [tilespmem:s14], [sflag:$0x1], $0x80, s31, s16, $0xb8;
	[tilespmem:$0x18800] =	vst v63  }
0xfc: {  	s7 =	stileid.u32;
	_ =	swait.ge [sflag:s15], $0x4000  }
0xfd: {  	s4 =	sshrl.u32 s6, $0x3;
	s0 =	sadd.s32 $0x1, s0;
	[sflag:s15] =	ssyncset.done $0x0  }
0xfe: {  	s1 =	sshll.u32 s7, $0x6;
	p0 =	sne.s32 s0, s12;
	[sflag:s15] =	ssyncadd.s32 $0xFFFFC000  }
.Ltmp1:
0xff: {  	s1 =	sor.u32 $0x1C01, s1;
	[bflag:$0x0] =	sbarrier.arrive $0xFFFF;
	(pc) =	sbr.rel @p0 .LBB2_1-.Ltmp1, $4  }
0x100: {  	[hbm:s11], [sflag:s1] =	dma.local [spmem:s4], $0x2800  }
0x101: {  	_ =	swait.ge [sflag:s15], $0x2800  }
0x102: {  	[sflag:s15] =	ssyncset.done $0x0  }
0x103: {  	[sflag:s15] =	ssyncadd.s32 $0xFFFFD800  }
0x104: {  	_ =	sfence.sel $0x180000  }
0x105: {  	[bflag:$0x0] =	sbarrier.arrive $0xFFFF  }
0x106: {  	_ =	strace $0x90000047  }
0x107: {  	s0 =	stileid.u32;
	[bflag:$0x2] =	sbarrier.arrive $0xFFFF  }
0x108: {  	p0 =	sne.s32 s0, $0x0;
	s0 =	rddreg [dreg:$0x3]  }
0x109: {  	s0 =	sadd.s32 @!p0 $0x100000, s0  }
0x10a: {  	[sflag:s0] =	ssyncadd.tile.s32 @!p0 $0x1;
	_ =	shalt  }
.Lfunc_end2:
_tile_overlayer_lowered:
.L_overlay_start_2:
0x10b: {  	(tag) =	ssettag $0x2  }
0x10c: {  	s0 =	rddreg [dreg:$0x0];
	s2 =	stileid.u32  }
0x10d: {  	s1 =	rddreg [dreg:$0x1];
	p0 =	sne.s32 s2, $0x0  }
0x10e: {  	s3 =	rddreg [dreg:$0x2];
	[bflag:$0x3] =	sbarrier.arrive $0xFFFF;
	s2 =	simm.s32 @!p0 $0x1C01  }
0x10f: {  	[timem:s3], [sflag:s2] =	dma.local @!p0 [hbm:s0], s1  }
0x110: {  	s0 =	simm.s32 @!p0 $0x1  }
0x111: {  	_ =	swait.ge @!p0 [sflag:s0], s1  }
0x112: {  	s1 =	ssub.s32 @!p0 $0x0, s1;
	[sflag:s0] =	ssyncset.done @!p0 $0x0  }
0x113: {  	[sflag:s0] =	ssyncadd.s32 @!p0 s1  }
0x114: {  	[bflag:$0x3] =	sbarrier.arrive $0xFFFF  }
0x115: {  	_ =	shalt  }

// kernel: kernel.13.cloned.1.call-start
scs
__scs_entry_jumppad:
0x0: {  	(pc) =	sbr.rel $0x88, $3  }
0x1: {  	(tag) =	ssettag $0x0;
	lr =	simm.s32 $0x1  }
0x2: {  	[smem:$0x3F8F] =	sst lr;
	_ =	strace $0xD0000000  }
0x3: {  	_ = 	snop  }
0x4: {  	_ = 	snop  }
0x5: {  	_ = 	snop  }
0x6: {  	_ = 	snop  }
0x7: {  	_ = 	snop  }
__scs_overlays_trampoline_lowered:
0x8: {  	[smem:$0x3F9E] =	sst s0  }
0x9: {  	[smem:$0x3F9F] =	sst s1  }
0xa: {  	[smem:$0x3FA0] =	sst s2  }
0xb: {  	[smem:$0x3FA1] =	sst s3  }
0xc: {  	[smem:$0x3FA2] =	sst s4  }
0xd: {  	[smem:$0x3FA3] =	sst s5  }
0xe: {  	[smem:$0x3FA4] =	sst s6  }
0xf: {  	[smem:$0x3FA5] =	sst s7  }
0x10: {  	[smem:$0x3FA6] =	sst s8  }
0x11: {  	[smem:$0x3FA7] =	sst s9;
	s0 =	simm.s32 @!p0 $0x0  }
0x12: {  	s1 =	sld [smem:$0x3F8D];
	s0 =	simm.s32 @p0 $0x1  }
0x13: {  	[smem:$0x3FA8] =	sst s0;
	s0 =	simm.s32 @!p1 $0x0  }
0x14: {  	s2 =	sld [smem:$0x3F8C];
	s0 =	simm.s32 @p1 $0x1  }
0x15: {  	[smem:$0x3FA9] =	sst s0;
	s0 =	simm.s32 @!p2 $0x0  }
0x16: {  	s3 =	sld [smem:$0x3FDB];
	s0 =	simm.s32 @p2 $0x1  }
0x17: {  	s4 =	simm.s32 $0x1BF5;
	[smem:$0x3FAB] =	sst s0  }
0x18: {  	s0 =	sld [smem:$0x3F8E];
	_ =	swait.ge [sflag:s4], $0x0  }
0x19: {  	s7 =	sld [smem:$0x3F8F]  }
0x1a: {  	s8 =	sadd.s32 $0xFFFFE003, lr  }
0x1b: {  	s9 =	sadd.s32 $0xFFFFFEF7, lr;
	s5 =	simm.s32 $0xFFFFFFFF;
	p2 =	slt.u32 s8, $0xFFFFF086  }
0x1c: {  	p1 =	slt.u32 s9, $0xF7A;
	s5 =	simm.s32 @!p2 $0x0  }
0x1d: {  	s5 =	simm.s32 @p1 $0x1;
	p0 =	seq.s32 s7, s2  }
0x1e: {  	s7 =	smul.u32 @!p0 $0xF7A, s2;
	p2 =	seq.s32 @!p0 s5, $0x0  }
0x1f: {  	s9 =	smul.u32 $0xF7A, s1;
	s8 =	simm.s32 @!p0 $0x1BF5;
	p2 =	por !p2, p0  }
0x20: {  	[sflag:s8] =	ssyncset.s32 @!p0 $0xFFFFF086;
	s6 =	sadd.s32 @!p0 s3, s7;
	s7 =	simm.s32 @!p0 $0x108  }
0x21: {  	s3 =	sadd.s32 s3, s9;
	s6 =	sadd.s32 @!p0 $0x88, s6;
	s7 =	simm.s32 @p2 $0x1082  }
0x22: {  	[simem:s7], [sflag:s8] =	dma.local @!p0 [hbm:s6], $0xF7A  }
0x23: {  	s9 =	sor.u32 $0xD0000000, s2;
	s6 =	simm.s32 $0x108;
	_ =	swait.ge @!p0 [sflag:s8], $0x0  }
0x24: {  	s3 =	sadd.s32 $0x88, s3;
	s6 =	simm.s32 @!p1 $0x1082;
	[sflag:s4] =	ssyncset.s32 $0xFFFFF086  }
0x25: {  	[simem:s6], [sflag:s4] =	dma.local [hbm:s3], $0xF7A  }
0x26: {  	[smem:$0x3F8F] =	sst s1;
	(tag) =	ssettag s2;
	_ =	strace s9  }
0x27: {  	s1 =	sld [smem:$0x3F9F]  }
0x28: {  	s2 =	sld [smem:$0x3FA0]  }
0x29: {  	s4 =	sld [smem:$0x3FA2]  }
0x2a: {  	p0 =	seq.s32 s5, $0x0;
	s5 =	sld [smem:$0x3FA3]  }
0x2b: {  	s6 =	sld [smem:$0x3FA4]  }
0x2c: {  	s7 =	sld [smem:$0x3FA5]  }
0x2d: {  	s3 =	simm.s32 $0x108;
	s8 =	sld [smem:$0x3FA6]  }
0x2e: {  	s3 =	simm.s32 @!p0 $0x1082;
	s9 =	sld [smem:$0x3FA7]  }
0x2f: {  	lr =	sadd.s32 s0, s3;
	s0 =	sld [smem:$0x3F9E]  }
0x30: {  	s3 =	sld [smem:$0x3FA1]  }
0x31: {  	[smem:$0x3FAA] =	sst s10  }
0x32: {  	s10 =	sld [smem:$0x3FA8];
	_ =	sdelay $0x3  }
0x33: {  	p0 =	seq.s32 s10, $0x1;
	s10 =	sld [smem:$0x3FAA];
	_ =	sdelay $0x3  }
0x34: {  	[smem:$0x3FAA] =	sst s10  }
0x35: {  	s10 =	sld [smem:$0x3FA9];
	_ =	sdelay $0x3  }
0x36: {  	p1 =	seq.s32 s10, $0x1;
	s10 =	sld [smem:$0x3FAA];
	_ =	sdelay $0x3  }
0x37: {  	[smem:$0x3FAA] =	sst s10  }
0x38: {  	s10 =	sld [smem:$0x3FAB]  }
0x39: {  	_ = 	snop;
	(pc) =	sbr.ind lr, $3  }
0x3a: {  	_ = 	snop  }
0x3b: {  	_ = 	snop  }
0x3c: {  	p2 =	seq.s32 s10, $0x1;
	s10 =	sld [smem:$0x3FAA]  }
0x3d: {  	_ =	shalt  }
0x3e: {  	_ =	shalt  }
0x3f: {  	_ =	shalt  }
0x40: {  	_ =	shalt  }
0x41: {  	_ =	shalt  }
0x42: {  	_ =	shalt  }
0x43: {  	_ =	shalt  }
0x44: {  	_ =	shalt  }
0x45: {  	_ =	shalt  }
0x46: {  	_ =	shalt  }
0x47: {  	_ =	shalt  }
0x48: {  	_ =	shalt  }
0x49: {  	_ =	shalt  }
0x4a: {  	_ =	shalt  }
0x4b: {  	_ =	shalt  }
0x4c: {  	_ =	shalt  }
0x4d: {  	_ =	shalt  }
0x4e: {  	_ =	shalt  }
0x4f: {  	_ =	shalt  }
0x50: {  	_ =	shalt  }
0x51: {  	_ =	shalt  }
0x52: {  	_ =	shalt  }
0x53: {  	_ =	shalt  }
0x54: {  	_ =	shalt  }
0x55: {  	_ =	shalt  }
0x56: {  	_ =	shalt  }
0x57: {  	_ =	shalt  }
0x58: {  	_ =	shalt  }
0x59: {  	_ =	shalt  }
0x5a: {  	_ =	shalt  }
0x5b: {  	_ =	shalt  }
0x5c: {  	_ =	shalt  }
0x5d: {  	_ =	shalt  }
0x5e: {  	_ =	shalt  }
0x5f: {  	_ =	shalt  }
0x60: {  	_ =	shalt  }
0x61: {  	_ =	shalt  }
0x62: {  	_ =	shalt  }
0x63: {  	_ =	shalt  }
0x64: {  	_ =	shalt  }
0x65: {  	_ =	shalt  }
0x66: {  	_ =	shalt  }
0x67: {  	_ =	shalt  }
0x68: {  	_ =	shalt  }
0x69: {  	_ =	shalt  }
0x6a: {  	_ =	shalt  }
0x6b: {  	_ =	shalt  }
0x6c: {  	_ =	shalt  }
0x6d: {  	_ =	shalt  }
0x6e: {  	_ =	shalt  }
0x6f: {  	_ =	shalt  }
0x70: {  	_ =	shalt  }
0x71: {  	_ =	shalt  }
0x72: {  	_ =	shalt  }
0x73: {  	_ =	shalt  }
0x74: {  	_ =	shalt  }
0x75: {  	_ =	shalt  }
0x76: {  	_ =	shalt  }
0x77: {  	_ =	shalt  }
0x78: {  	_ =	shalt  }
0x79: {  	_ =	shalt  }
0x7a: {  	_ =	shalt  }
0x7b: {  	_ =	shalt  }
0x7c: {  	_ =	shalt  }
0x7d: {  	_ =	shalt  }
0x7e: {  	_ =	shalt  }
0x7f: {  	_ =	shalt  }
0x80: {  	_ =	shalt  }
0x81: {  	_ =	shalt  }
0x82: {  	_ =	shalt  }
0x83: {  	_ =	shalt  }
0x84: {  	_ =	shalt  }
0x85: {  	_ =	shalt  }
0x86: {  	_ =	shalt  }
0x87: {  	_ =	shalt  }
.Lfunc_end0:
.L_simem_size_0:
called_computation.1_lowered:
.L_overlay_start_0:
0x88: {  	s2 =	sld [smem:$0x3FD9]  }
0x89: {  	s3 =	sld [smem:$0x3FFE];
	_ =	sdelay $0x1  }
0x8a: {  	s1 =	srdreg.scid  }
0x8b: {  	s0 =	sand.u32 $0x1, s1  }
0x8c: {  	s16 =	sshll.u32 s0, $0xA;
	s2 =	sadd.s32 s3, s2  }
0x8d: {  	s2 =	sadd.s32 s2, s16  }
0x8e: {  	[smem:$0x3FB6] =	sst s2  }
0x8f: {  	_ = 	snop  }
0x90: {  	(tm) =	ssettm $0x1  }
0x91: {  	s17 =	sld [smem:$0x3FFB];
	_ =	sdelay $0x3  }
0x92: {  	_ =	strace s17  }
0x93: {  	s2 =	sld [smem:$0x3FFC];
	_ =	sdelay $0x3  }
0x94: {  	_ =	strace s2  }
0x95: {  	s2 =	sld [smem:$0x3FFD];
	_ =	sdelay $0x3  }
0x96: {  	_ =	strace s2  }
0x97: {  	_ =	strace $0x8FFFFFFF  }
0x98: {  	s18 =	sld [smem:$0x3FDB];
	_ =	sdelay $0x1  }
0x99: {  	s19 =	simm.s32 $_scs_section_size  }
0x9a: {  	s4 =	simm.s32 $_size__tile_overlayer_lowered;
	s5 =	simm.s32 $_tile_overlayer_lowered  }
0x9b: {  	s22 =	simm.s32 $0x1BFF;
	s21 =	sshll.u32 s5, $0x1;
	s2 =	sadd.s32 s19, s18  }
0x9c: {  	s6 =	simm.s32 $0x0;
	s20 =	sshll.u32 s4, $0x1;
	s4 =	sadd.s32 s21, s2  }
0x9d: {  	[timem:s6], [sflag:s22] =	dma.local [hbm:s4], s20  }
0x9e: {  	_ =	swait.ge [sflag:s22], s20  }
0x9f: {  	s3 =	ssub.s32 $0x0, s20;
	[sflag:s22] =	ssyncset.done $0x0  }
0xa0: {  	[sflag:s22] =	ssyncadd.s32 s3;
	_ =	sdelay $0x1  }
0xa1: {  	s23 =	simm.s32 $0x1B8B  }
0xa2: {  	_ =	swait.ge [sflag:s23], $0x1  }
0xa3: {  	[sflag:s23] =	ssyncset.done $0x0  }
0xa4: {  	s25 =	simm.s32 $0x1B8E;
	s24 =	sld [smem:$0x3FFE];
	[sflag:s23] =	ssyncadd.s32 $0xFFFFFFFF  }
0xa5: {  	s26 =	simm.s32 $execute0_lowered;
	[smem:$0x3FD2] =	sst s25  }
0xa6: {  	s4 =	sshll.u32 s26, $0x1;
	_ =	strace $0x80000049;
	[dreg:$0x1] =	wrdreg $0xFFFFFFFF  }
0xa7: {  	s28 =	simm.s32 $_size_execute0_lowered;
	s2 =	sadd.s32 s2, s4;
	[dreg:$0x0] =	wrdreg $0x0  }
0xa8: {  	s4 =	sshll.u32 s28, $0x1;
	[dreg:$0x2] =	wrdreg s2  }
0xa9: {  	[dreg:$0x3] =	wrdreg s4  }
0xaa: {  	[dreg:$0x4] =	wrdreg $0xC0  }
0xab: {  	_ =	task [dreg:s6], $0x5FFFF  }
0xac: {  	[dreg:$0x1] =	wrdreg $0xFFFFFFFF  }
0xad: {  	[dreg:$0x0] =	wrdreg $0x60  }
0xae: {  	[dreg:$0x2] =	wrdreg s24  }
0xaf: {  	[dreg:$0x3] =	wrdreg $0x90000  }
0xb0: {  	[dreg:$0x4] =	wrdreg $0x9  }
0xb1: {  	_ =	task.clear_ibuf [dreg:s6], $0x5FFFF;
	_ =	strace $0x90000049  }
0xb2: {  	s29 =	simm.s32 $0x9;
	_ =	strace $0x8000004B  }
0xb3: {  	_ =	swait.ge [sflag:s29], $0x1  }
0xb4: {  	[sflag:s29] =	ssyncadd.s32 $0xFFFFFFFF  }
0xb5: {  	_ =	strace $0x9000004B  }
0xb6: {  	_ =	sfence  }
0xb7: {  	s30 =	sld [smem:$0x0];
	_ =	sdelay $0x2  }
0xb8: {  	s31 =	sshll.u32 s1, $0xD;
	s1 =	sshrl.u32 s1, $0x2  }
0xb9: {  	s3 =	sand.u32 $0x4000, s31;
	s1 =	sadd.s32 s1, s30  }
0xba: {  	s0 =	sor.u32 s3, s0;
	s1 =	sshll.u32 s1, $0x11  }
0xbb: {  	s0 =	sor.u32 s1, s0  }
0xbc: {  	s0 =	sadd.s32 $0x8F2B, s0  }
0xbd: {  	[sflag:s0] =	ssyncadd.remote.s32 $0x1  }
0xbe: {  	_ =	sfence.sel $0xFFFF  }
0xbf: {  	[dreg:$0x0] =	wrdreg $0xFFFFFFFF;
	(pc) =	sbr.abs _section_cstart, $3  }
0xc0: {  	[dreg:$0x1] =	wrdreg $0xFFFFFFFF  }
0xc1: {  	_ =	task.clear_ibuf [dreg:s6], $0x2FFFF;
	_ =	strace $0x9FFFFFFF  }
0xc2: {  	(tm) =	ssettm $0x7FFFFFFF  }
0xc3: {  	_ =	shalt  }
tec
execute0_lowered:
.L_overlay_start_1:
0x0: {  	(tag) =	ssettag $0x1  }
0x1: {  	s0 =	srdreg.scid;
	s1 =	rddreg [dreg:$0x0]  }
0x2: {  	s8 =	stileid.u32;
	s2 =	rddreg [dreg:$0x1];
	s3 =	simm.s32 $0x0  }
0x3: {  	s14 =	simm.s32 $0x100;
	s16 =	simm.s32 $0x200;
	s18 =	simm.s32 $0x180  }
0x4: {  	s19 =	simm.s32 $0x300;
	[smem:$0x7FF] =	sst s3;
	s9 =	sadd.s32 $0x5600, s1  }
0x5: {  	s20 =	simm.s32 $0x280;
	_ =	strace $0x8000004A;
	[dreg:$0xf] =	wrdreg s9  }
0x6: {  	s21 =	simm.s32 $0x400;
	s22 =	simm.s32 $0x380;
	[dreg:$0x4] =	wrdreg s14  }
0x7: {  	s23 =	simm.s32 $0x500;
	s24 =	simm.s32 $0x480;
	[dreg:$0x5] =	wrdreg s16  }
0x8: {  	s25 =	simm.s32 $0x600;
	s28 =	simm.s32 $0xB00;
	[dreg:$0x6] =	wrdreg s18  }
0x9: {  	s29 =	simm.s32 $0xA80;
	s4 =	smul.u32 $0xA000, s8;
	[dreg:$0x7] =	wrdreg s19  }
0xa: {  	s30 =	simm.s32 $0xC00;
	s6 =	smul.u32 $0x2800, s8;
	[dreg:$0x8] =	wrdreg s20  }
0xb: {  	s0 =	sand.u32 $0x1, s0;
	s8 =	smul.u32 $0x50000, s8;
	[dreg:$0x9] =	wrdreg s21  }
0xc: {  	s31 =	simm.s32 $0xB80;
	s5 =	smul.u32 $0x5000, s0;
	[dreg:$0xa] =	wrdreg s22  }
0xd: {  	s26 =	smul.u32 $0x28000, s0;
	s0 =	ssub.s32 $0x2, s0;
	[dreg:$0xb] =	wrdreg s23  }
0xe: {  	s14 =	simm.s32 $0x3;
	s16 =	simm.s32 $0x5000;
	[dreg:$0xc] =	wrdreg s24  }
0xf: {  	s18 =	simm.s32 $0x2;
	[dreg:$0xd] =	wrdreg s25;
	s19 =	simm.s32 $0x700  }
0x10: {  	s20 =	simm.s32 $0x680;
	s21 =	simm.s32 $0x800;
	s22 =	simm.s32 $0x780  }
0x11: {  	s23 =	simm.s32 $0x900;
	s24 =	simm.s32 $0x880;
	s25 =	simm.s32 $0xA00  }
0x12: {  	s9 =	sshrl.u32 s8, $0x2;
	s10 =	sshrl.u32 s0, $0x1;
	s8 =	simm.s32 $0xF00  }
0x13: {  	s4 =	sadd.s32 s5, s4;
	s5 =	sadd.s32 s6, s26;
	s26 =	simm.s32 $0x580  }
0x14: {  	s12 =	sadd.s32 s9, s2;
	s0 =	ssub.s32 s0, s10;
	[dreg:$0xe] =	wrdreg s26  }
0x15: {  	s9 =	simm.s32 $0xE80;
	s11 =	sadd.s32 $0x4000, s12;
	[dreg:$0x10] =	wrdreg s12  }
0x16: {  	s10 =	simm.s32 $0xF80;
	s6 =	sadd.s32 $0x8000, s12;
	[dreg:$0x11] =	wrdreg s11  }
0x17: {  	s7 =	sshrl.u32 s4, $0x3;
	s15 =	sadd.s32 $0xC000, s12;
	[dreg:$0x12] =	wrdreg s6  }
0x18: {  	s4 =	sadd.s32 $0x5E00, s1;
	s17 =	sadd.s32 $0x10000, s12;
	[dreg:$0x13] =	wrdreg s15  }
0x19: {  	s0 =	smax.u32 s0, $0x1;
	s26 =	simm.s32 $0x980;
	[dreg:$0x14] =	wrdreg s17  }
0x1a: {  	s7 =	sadd.s32 s7, s1;
	s1 =	sadd.s32 s5, s1;
	[dreg:$0x16] =	wrdreg s0  }
0x1b: {  	s15 =	simm.s32 $0x80;
	s17 =	simm.s32 $0x1;
	s0 =	simm.s32 $0xC80  }
0x1c: {  	s5 =	simm.s32 $0xE00;
	s11 =	simm.s32 $0x0;
	s13 =	sadd.s32 $0x56600, s7  }
0x1d: {  	s1 =	sadd.s32 $0x6A600, s1;
	s7 =	simm.s32 $0xD80;
	[dreg:$0x3] =	wrdreg s13  }
0x1e: {  	[dreg:$0x15] =	wrdreg s1;
	s13 =	simm.s32 $0x1000;
	s1 =	simm.s32 $0xD00  }
.LBB2_1:
0x1f: {  	[dreg:$0x17] =	wrdreg s11  }
0x20: {  	s6 =	rddreg [dreg:$0xf]  }
0x21: {  	[tilespmem:s13], [sflag:$0x3] =	stream.linear.gather [hbm4b:s6+s3], $0x4000, $0x38;
	[tilespmem:$0x1D000] =	vst v63  }
0x22: {  	_ =	swait.ge [sflag:s14], $0x4000  }
0x23: {  	[sflag:s14] =	ssyncset.done $0x0  }
0x24: {  	[sflag:s14] =	ssyncadd.s32 $0xFFFFC000  }
0x25: {  	[spmem:s12] =	stream.linear.scatter [tilespmem:s13], [sflag:$0x3], $0x4000, $0x38;
	[tilespmem:$0x1D000] =	vst v63  }
0x26: {  	_ =	swait.ge [sflag:s14], $0x4000  }
0x27: {  	[sflag:s14] =	ssyncset.done $0x0  }
0x28: {  	s11 =	rddreg [dreg:$0x11];
	[sflag:s14] =	ssyncadd.s32 $0xFFFFC000  }
0x29: {  	[spmem:s11] =	stream.linear.scatter [tilespmem:s13], [sflag:$0x3], $0x4000, $0x38;
	[tilespmem:$0x1D000] =	vst v63  }
0x2a: {  	_ =	swait.ge [sflag:s14], $0x4000  }
0x2b: {  	[sflag:s14] =	ssyncset.done $0x0  }
0x2c: {  	s12 =	rddreg [dreg:$0x12];
	[sflag:s14] =	ssyncadd.s32 $0xFFFFC000  }
0x2d: {  	[spmem:s12] =	stream.linear.scatter [tilespmem:s13], [sflag:$0x3], $0x4000, $0x38;
	[tilespmem:$0x1D000] =	vst v63  }
0x2e: {  	_ =	swait.ge [sflag:s14], $0x4000  }
0x2f: {  	[sflag:s14] =	ssyncset.done $0x0  }
0x30: {  	s11 =	rddreg [dreg:$0x13];
	[sflag:s14] =	ssyncadd.s32 $0xFFFFC000  }
0x31: {  	[spmem:s11] =	stream.linear.scatter [tilespmem:s13], [sflag:$0x3], $0x4000, $0x38;
	[tilespmem:$0x1D000] =	vst v63  }
0x32: {  	_ =	swait.ge [sflag:s14], $0x4000  }
0x33: {  	[sflag:s14] =	ssyncset.done $0x0  }
0x34: {  	s12 =	rddreg [dreg:$0x14];
	[sflag:s14] =	ssyncadd.s32 $0xFFFFC000  }
0x35: {  	[spmem:s12] =	stream.linear.scatter [tilespmem:s13], [sflag:$0x3], $0x4000, $0x38;
	[tilespmem:$0x1D000] =	vst v63  }
0x36: {  	_ =	swait.ge [sflag:s14], $0x4000  }
0x37: {  	[sflag:s14] =	ssyncset.done $0x0  }
0x38: {  	[sflag:s14] =	ssyncadd.s32 $0xFFFFC000  }
0x39: {  	[bflag:$0x0] =	sbarrier.arrive $0xFFFF  }
0x3a: {  	s6 =	rddreg [dreg:$0x3]  }
0x3b: {  	s12 =	sadd.s32 $0x0, s6  }
0x3c: {  	[tilespmem:s3], [sflag:$0x3] =	stream.linear.gather [hbm4b:s12+s3], $0x1000, $0x38;
	[tilespmem:$0x1D000] =	vst v63  }
0x3d: {  	_ =	swait.ge [sflag:s14], $0x1000  }
0x3e: {  	[sflag:s14] =	ssyncset.done $0x0  }
0x3f: {  	[sflag:s14] =	ssyncadd.s32 $0xFFFFF000  }
0x40: {  	[tilespmem:s13], [sflag:$0x1] =	stream.indirect.gather [hbm4b:s4+s15], $0x80, s3, s15, $0xb8;
	[tilespmem:$0x1D000] =	vst v63  }
0x41: {  	s11 =	rddreg [dreg:$0x4]  }
0x42: {  	[tilespmem:s16], [sflag:$0x2] =	stream.indirect.gather [hbm4b:s4+s15], $0x80, s11, s15, $0xb8;
	[tilespmem:$0x1D000] =	vst v63  }
0x43: {  	_ =	swait.ge [sflag:s17], $0x4000  }
0x44: {  	[sflag:s17] =	ssyncset.done $0x0  }
0x45: {  	[sflag:s17] =	ssyncadd.s32 $0xFFFFC000  }
0x46: {  	[spmem:s2] =	stream.indirect.scatter.add.f32 [tilespmem:s13], [sflag:$0x3], $0x80, s15, s15, $0xb8;
	[tilespmem:$0x1D000] =	vst v63  }
0x47: {  	_ =	swait.ge [sflag:s14], $0x4000  }
0x48: {  	[sflag:s14] =	ssyncset.done $0x0  }
0x49: {  	s6 =	rddreg [dreg:$0x5];
	[sflag:s14] =	ssyncadd.s32 $0xFFFFC000  }
0x4a: {  	[tilespmem:s13], [sflag:$0x1] =	stream.indirect.gather [hbm4b:s4+s15], $0x80, s6, s15, $0xb8;
	[tilespmem:$0x1D000] =	vst v63  }
0x4b: {  	_ =	swait.ge [sflag:s18], $0x4000  }
0x4c: {  	[sflag:s18] =	ssyncset.done $0x0  }
0x4d: {  	s11 =	rddreg [dreg:$0x6];
	[sflag:s18] =	ssyncadd.s32 $0xFFFFC000  }
0x4e: {  	[spmem:s2] =	stream.indirect.scatter.add.f32 [tilespmem:s16], [sflag:$0x3], $0x80, s11, s15, $0xb8;
	[tilespmem:$0x1D000] =	vst v63  }
0x4f: {  	_ =	swait.ge [sflag:s14], $0x4000  }
0x50: {  	[sflag:s14] =	ssyncset.done $0x0  }
0x51: {  	s6 =	rddreg [dreg:$0x7];
	[sflag:s14] =	ssyncadd.s32 $0xFFFFC000  }
0x52: {  	[tilespmem:s16], [sflag:$0x2] =	stream.indirect.gather [hbm4b:s4+s15], $0x80, s6, s15, $0xb8;
	[tilespmem:$0x1D000] =	vst v63  }
0x53: {  	_ =	swait.ge [sflag:s17], $0x4000  }
0x54: {  	[sflag:s17] =	ssyncset.done $0x0  }
0x55: {  	s11 =	rddreg [dreg:$0x8];
	[sflag:s17] =	ssyncadd.s32 $0xFFFFC000  }
0x56: {  	[spmem:s2] =	stream.indirect.scatter.add.f32 [tilespmem:s13], [sflag:$0x3], $0x80, s11, s15, $0xb8;
	[tilespmem:$0x1D000] =	vst v63  }
0x57: {  	_ =	swait.ge [sflag:s14], $0x4000  }
0x58: {  	[sflag:s14] =	ssyncset.done $0x0  }
0x59: {  	s6 =	rddreg [dreg:$0x9];
	[sflag:s14] =	ssyncadd.s32 $0xFFFFC000  }
0x5a: {  	[tilespmem:s13], [sflag:$0x1] =	stream.indirect.gather [hbm4b:s4+s15], $0x80, s6, s15, $0xb8;
	[tilespmem:$0x1D000] =	vst v63  }
0x5b: {  	_ =	swait.ge [sflag:s18], $0x4000  }
0x5c: {  	[sflag:s18] =	ssyncset.done $0x0  }
0x5d: {  	s11 =	rddreg [dreg:$0xa];
	[sflag:s18] =	ssyncadd.s32 $0xFFFFC000  }
0x5e: {  	[spmem:s2] =	stream.indirect.scatter.add.f32 [tilespmem:s16], [sflag:$0x3], $0x80, s11, s15, $0xb8;
	[tilespmem:$0x1D000] =	vst v63  }
0x5f: {  	_ =	swait.ge [sflag:s14], $0x4000  }
0x60: {  	[sflag:s14] =	ssyncset.done $0x0  }
0x61: {  	s6 =	rddreg [dreg:$0xb];
	[sflag:s14] =	ssyncadd.s32 $0xFFFFC000  }
0x62: {  	[tilespmem:s16], [sflag:$0x2] =	stream.indirect.gather [hbm4b:s4+s15], $0x80, s6, s15, $0xb8;
	[tilespmem:$0x1D000] =	vst v63  }
0x63: {  	_ =	swait.ge [sflag:s17], $0x4000  }
0x64: {  	[sflag:s17] =	ssyncset.done $0x0  }
0x65: {  	s11 =	rddreg [dreg:$0xc];
	[sflag:s17] =	ssyncadd.s32 $0xFFFFC000  }
0x66: {  	[spmem:s2] =	stream.indirect.scatter.add.f32 [tilespmem:s13], [sflag:$0x3], $0x80, s11, s15, $0xb8;
	[tilespmem:$0x1D000] =	vst v63  }
0x67: {  	_ =	swait.ge [sflag:s14], $0x4000  }
0x68: {  	[sflag:s14] =	ssyncset.done $0x0  }
0x69: {  	s6 =	rddreg [dreg:$0xd];
	[sflag:s14] =	ssyncadd.s32 $0xFFFFC000  }
0x6a: {  	[tilespmem:s13], [sflag:$0x1] =	stream.indirect.gather [hbm4b:s4+s15], $0x80, s6, s15, $0xb8;
	[tilespmem:$0x1D000] =	vst v63  }
0x6b: {  	_ =	swait.ge [sflag:s18], $0x4000  }
0x6c: {  	[sflag:s18] =	ssyncset.done $0x0  }
0x6d: {  	s11 =	rddreg [dreg:$0xe];
	[sflag:s18] =	ssyncadd.s32 $0xFFFFC000  }
0x6e: {  	[spmem:s2] =	stream.indirect.scatter.add.f32 [tilespmem:s16], [sflag:$0x3], $0x80, s11, s15, $0xb8;
	[tilespmem:$0x1D000] =	vst v63  }
0x6f: {  	_ =	swait.ge [sflag:s14], $0x4000  }
0x70: {  	[sflag:s14] =	ssyncset.done $0x0  }
0x71: {  	[sflag:s14] =	ssyncadd.s32 $0xFFFFC000  }
0x72: {  	[tilespmem:s16], [sflag:$0x2] =	stream.indirect.gather [hbm4b:s4+s15], $0x80, s19, s15, $0xb8;
	[tilespmem:$0x1D000] =	vst v63  }
0x73: {  	_ =	swait.ge [sflag:s17], $0x4000  }
0x74: {  	[sflag:s17] =	ssyncset.done $0x0  }
0x75: {  	[sflag:s17] =	ssyncadd.s32 $0xFFFFC000  }
0x76: {  	[spmem:s2] =	stream.indirect.scatter.add.f32 [tilespmem:s13], [sflag:$0x3], $0x80, s20, s15, $0xb8;
	[tilespmem:$0x1D000] =	vst v63  }
0x77: {  	_ =	swait.ge [sflag:s14], $0x4000  }
0x78: {  	[sflag:s14] =	ssyncset.done $0x0  }
0x79: {  	[sflag:s14] =	ssyncadd.s32 $0xFFFFC000  }
0x7a: {  	[tilespmem:s13], [sflag:$0x1] =	stream.indirect.gather [hbm4b:s4+s15], $0x80, s21, s15, $0xb8;
	[tilespmem:$0x1D000] =	vst v63  }
0x7b: {  	_ =	swait.ge [sflag:s18], $0x4000  }
0x7c: {  	[sflag:s18] =	ssyncset.done $0x0  }
0x7d: {  	[sflag:s18] =	ssyncadd.s32 $0xFFFFC000  }
0x7e: {  	[spmem:s2] =	stream.indirect.scatter.add.f32 [tilespmem:s16], [sflag:$0x3], $0x80, s22, s15, $0xb8;
	[tilespmem:$0x1D000] =	vst v63  }
0x7f: {  	_ =	swait.ge [sflag:s14], $0x4000  }
0x80: {  	[sflag:s14] =	ssyncset.done $0x0  }
0x81: {  	[sflag:s14] =	ssyncadd.s32 $0xFFFFC000  }
0x82: {  	[tilespmem:s16], [sflag:$0x2] =	stream.indirect.gather [hbm4b:s4+s15], $0x80, s23, s15, $0xb8;
	[tilespmem:$0x1D000] =	vst v63  }
0x83: {  	_ =	swait.ge [sflag:s17], $0x4000  }
0x84: {  	[sflag:s17] =	ssyncset.done $0x0  }
0x85: {  	[sflag:s17] =	ssyncadd.s32 $0xFFFFC000  }
0x86: {  	[spmem:s2] =	stream.indirect.scatter.add.f32 [tilespmem:s13], [sflag:$0x3], $0x80, s24, s15, $0xb8;
	[tilespmem:$0x1D000] =	vst v63  }
0x87: {  	_ =	swait.ge [sflag:s14], $0x4000  }
0x88: {  	[sflag:s14] =	ssyncset.done $0x0  }
0x89: {  	[sflag:s14] =	ssyncadd.s32 $0xFFFFC000  }
0x8a: {  	[tilespmem:s13], [sflag:$0x1] =	stream.indirect.gather [hbm4b:s4+s15], $0x80, s25, s15, $0xb8;
	[tilespmem:$0x1D000] =	vst v63  }
0x8b: {  	_ =	swait.ge [sflag:s18], $0x4000  }
0x8c: {  	[sflag:s18] =	ssyncset.done $0x0  }
0x8d: {  	[sflag:s18] =	ssyncadd.s32 $0xFFFFC000  }
0x8e: {  	[spmem:s2] =	stream.indirect.scatter.add.f32 [tilespmem:s16], [sflag:$0x3], $0x80, s26, s15, $0xb8;
	[tilespmem:$0x1D000] =	vst v63  }
0x8f: {  	_ =	swait.ge [sflag:s14], $0x4000  }
0x90: {  	[sflag:s14] =	ssyncset.done $0x0  }
0x91: {  	[sflag:s14] =	ssyncadd.s32 $0xFFFFC000  }
0x92: {  	[tilespmem:s16], [sflag:$0x2] =	stream.indirect.gather [hbm4b:s4+s15], $0x80, s28, s15, $0xb8;
	[tilespmem:$0x1D000] =	vst v63  }
0x93: {  	_ =	swait.ge [sflag:s17], $0x4000  }
0x94: {  	[sflag:s17] =	ssyncset.done $0x0  }
0x95: {  	[sflag:s17] =	ssyncadd.s32 $0xFFFFC000  }
0x96: {  	[spmem:s2] =	stream.indirect.scatter.add.f32 [tilespmem:s13], [sflag:$0x3], $0x80, s29, s15, $0xb8;
	[tilespmem:$0x1D000] =	vst v63  }
0x97: {  	_ =	swait.ge [sflag:s14], $0x4000  }
0x98: {  	[sflag:s14] =	ssyncset.done $0x0  }
0x99: {  	[sflag:s14] =	ssyncadd.s32 $0xFFFFC000  }
0x9a: {  	[tilespmem:s13], [sflag:$0x1] =	stream.indirect.gather [hbm4b:s4+s15], $0x80, s30, s15, $0xb8;
	[tilespmem:$0x1D000] =	vst v63  }
0x9b: {  	_ =	swait.ge [sflag:s18], $0x4000  }
0x9c: {  	[sflag:s18] =	ssyncset.done $0x0  }
0x9d: {  	[sflag:s18] =	ssyncadd.s32 $0xFFFFC000  }
0x9e: {  	[spmem:s2] =	stream.indirect.scatter.add.f32 [tilespmem:s16], [sflag:$0x3], $0x80, s31, s15, $0xb8;
	[tilespmem:$0x1D000] =	vst v63  }
0x9f: {  	_ =	swait.ge [sflag:s14], $0x4000  }
0xa0: {  	[sflag:s14] =	ssyncset.done $0x0  }
0xa1: {  	[sflag:s14] =	ssyncadd.s32 $0xFFFFC000  }
0xa2: {  	[tilespmem:s16], [sflag:$0x2] =	stream.indirect.gather [hbm4b:s4+s15], $0x80, s1, s15, $0xb8;
	[tilespmem:$0x1D000] =	vst v63  }
0xa3: {  	_ =	swait.ge [sflag:s17], $0x4000  }
0xa4: {  	[sflag:s17] =	ssyncset.done $0x0  }
0xa5: {  	[sflag:s17] =	ssyncadd.s32 $0xFFFFC000  }
0xa6: {  	[spmem:s2] =	stream.indirect.scatter.add.f32 [tilespmem:s13], [sflag:$0x3], $0x80, s0, s15, $0xb8;
	[tilespmem:$0x1D000] =	vst v63  }
0xa7: {  	_ =	swait.ge [sflag:s14], $0x4000  }
0xa8: {  	[sflag:s14] =	ssyncset.done $0x0  }
0xa9: {  	[sflag:s14] =	ssyncadd.s32 $0xFFFFC000  }
0xaa: {  	[tilespmem:s13], [sflag:$0x1] =	stream.indirect.gather [hbm4b:s4+s15], $0x80, s5, s15, $0xb8;
	[tilespmem:$0x1D000] =	vst v63  }
0xab: {  	_ =	swait.ge [sflag:s18], $0x4000  }
0xac: {  	[sflag:s18] =	ssyncset.done $0x0  }
0xad: {  	[sflag:s18] =	ssyncadd.s32 $0xFFFFC000  }
0xae: {  	[spmem:s2] =	stream.indirect.scatter.add.f32 [tilespmem:s16], [sflag:$0x3], $0x80, s7, s15, $0xb8;
	[tilespmem:$0x1D000] =	vst v63  }
0xaf: {  	_ =	swait.ge [sflag:s14], $0x4000  }
0xb0: {  	[sflag:s14] =	ssyncset.done $0x0  }
0xb1: {  	[sflag:s14] =	ssyncadd.s32 $0xFFFFC000  }
0xb2: {  	[tilespmem:s16], [sflag:$0x2] =	stream.indirect.gather [hbm4b:s4+s15], $0x80, s8, s15, $0xb8;
	[tilespmem:$0x1D000] =	vst v63  }
0xb3: {  	_ =	swait.ge [sflag:s17], $0x4000  }
0xb4: {  	[sflag:s17] =	ssyncset.done $0x0  }
0xb5: {  	[sflag:s17] =	ssyncadd.s32 $0xFFFFC000  }
0xb6: {  	[spmem:s2] =	stream.indirect.scatter.add.f32 [tilespmem:s13], [sflag:$0x3], $0x80, s9, s15, $0xb8;
	[tilespmem:$0x1D000] =	vst v63  }
0xb7: {  	_ =	swait.ge [sflag:s14], $0x4000  }
0xb8: {  	[sflag:s14] =	ssyncset.done $0x0  }
0xb9: {  	[sflag:s14] =	ssyncadd.s32 $0xFFFFC000  }
0xba: {  	_ =	swait.ge [sflag:s18], $0x4000  }
0xbb: {  	[sflag:s18] =	ssyncset.done $0x0  }
0xbc: {  	[sflag:s18] =	ssyncadd.s32 $0xFFFFC000  }
0xbd: {  	[spmem:s2] =	stream.indirect.scatter.add.f32 [tilespmem:s16], [sflag:$0x3], $0x80, s10, s15, $0xb8;
	[tilespmem:$0x1D000] =	vst v63  }
0xbe: {  	s12 =	simm.s32 $0x200;
	_ =	swait.ge [sflag:s14], $0x4000  }
.LBB2_2:
0xbf: {  	s6 =	rddreg [dreg:$0x3];
	s11 =	smov.u32 s12;
	[sflag:s14] =	ssyncset.done $0x0  }
0xc0: {  	s6 =	sadd.s32 s11, s6;
	[sflag:s14] =	ssyncadd.s32 $0xFFFFC000  }
0xc1: {  	[tilespmem:s3], [sflag:$0x3] =	stream.linear.gather [hbm4b:s6+s3], $0x1000, $0x38;
	[tilespmem:$0x1D000] =	vst v63  }
0xc2: {  	_ =	swait.ge [sflag:s14], $0x1000  }
0xc3: {  	[sflag:s14] =	ssyncset.done $0x0  }
0xc4: {  	[sflag:s14] =	ssyncadd.s32 $0xFFFFF000  }
0xc5: {  	[tilespmem:s13], [sflag:$0x1] =	stream.indirect.gather [hbm4b:s4+s15], $0x80, s3, s15, $0xb8;
	[tilespmem:$0x1D000] =	vst v63  }
0xc6: {  	s11 =	rddreg [dreg:$0x4]  }
0xc7: {  	[tilespmem:s16], [sflag:$0x2] =	stream.indirect.gather [hbm4b:s4+s15], $0x80, s11, s15, $0xb8;
	[tilespmem:$0x1D000] =	vst v63  }
0xc8: {  	_ =	swait.ge [sflag:s17], $0x4000  }
0xc9: {  	[sflag:s17] =	ssyncset.done $0x0  }
0xca: {  	[sflag:s17] =	ssyncadd.s32 $0xFFFFC000  }
0xcb: {  	[spmem:s2] =	stream.indirect.scatter.add.f32 [tilespmem:s13], [sflag:$0x3], $0x80, s15, s15, $0xb8;
	[tilespmem:$0x1D000] =	vst v63  }
0xcc: {  	_ =	swait.ge [sflag:s14], $0x4000  }
0xcd: {  	[sflag:s14] =	ssyncset.done $0x0  }
0xce: {  	s11 =	rddreg [dreg:$0x5];
	[sflag:s14] =	ssyncadd.s32 $0xFFFFC000  }
0xcf: {  	[tilespmem:s13], [sflag:$0x1] =	stream.indirect.gather [hbm4b:s4+s15], $0x80, s11, s15, $0xb8;
	[tilespmem:$0x1D000] =	vst v63  }
0xd0: {  	_ =	swait.ge [sflag:s18], $0x4000  }
0xd1: {  	[sflag:s18] =	ssyncset.done $0x0  }
0xd2: {  	s11 =	rddreg [dreg:$0x6];
	[sflag:s18] =	ssyncadd.s32 $0xFFFFC000  }
0xd3: {  	[spmem:s2] =	stream.indirect.scatter.add.f32 [tilespmem:s16], [sflag:$0x3], $0x80, s11, s15, $0xb8;
	[tilespmem:$0x1D000] =	vst v63  }
0xd4: {  	_ =	swait.ge [sflag:s14], $0x4000  }
0xd5: {  	[sflag:s14] =	ssyncset.done $0x0  }
0xd6: {  	s11 =	rddreg [dreg:$0x7];
	[sflag:s14] =	ssyncadd.s32 $0xFFFFC000  }
0xd7: {  	[tilespmem:s16], [sflag:$0x2] =	stream.indirect.gather [hbm4b:s4+s15], $0x80, s11, s15, $0xb8;
	[tilespmem:$0x1D000] =	vst v63  }
0xd8: {  	_ =	swait.ge [sflag:s17], $0x4000  }
0xd9: {  	[sflag:s17] =	ssyncset.done $0x0  }
0xda: {  	s11 =	rddreg [dreg:$0x8];
	[sflag:s17] =	ssyncadd.s32 $0xFFFFC000  }
0xdb: {  	[spmem:s2] =	stream.indirect.scatter.add.f32 [tilespmem:s13], [sflag:$0x3], $0x80, s11, s15, $0xb8;
	[tilespmem:$0x1D000] =	vst v63  }
0xdc: {  	_ =	swait.ge [sflag:s14], $0x4000  }
0xdd: {  	[sflag:s14] =	ssyncset.done $0x0  }
0xde: {  	s11 =	rddreg [dreg:$0x9];
	[sflag:s14] =	ssyncadd.s32 $0xFFFFC000  }
0xdf: {  	[tilespmem:s13], [sflag:$0x1] =	stream.indirect.gather [hbm4b:s4+s15], $0x80, s11, s15, $0xb8;
	[tilespmem:$0x1D000] =	vst v63  }
0xe0: {  	_ =	swait.ge [sflag:s18], $0x4000  }
0xe1: {  	[sflag:s18] =	ssyncset.done $0x0  }
0xe2: {  	s11 =	rddreg [dreg:$0xa];
	[sflag:s18] =	ssyncadd.s32 $0xFFFFC000  }
0xe3: {  	[spmem:s2] =	stream.indirect.scatter.add.f32 [tilespmem:s16], [sflag:$0x3], $0x80, s11, s15, $0xb8;
	[tilespmem:$0x1D000] =	vst v63  }
0xe4: {  	_ =	swait.ge [sflag:s14], $0x4000  }
0xe5: {  	[sflag:s14] =	ssyncset.done $0x0  }
0xe6: {  	s11 =	rddreg [dreg:$0xb];
	[sflag:s14] =	ssyncadd.s32 $0xFFFFC000  }
0xe7: {  	[tilespmem:s16], [sflag:$0x2] =	stream.indirect.gather [hbm4b:s4+s15], $0x80, s11, s15, $0xb8;
	[tilespmem:$0x1D000] =	vst v63  }
0xe8: {  	_ =	swait.ge [sflag:s17], $0x4000  }
0xe9: {  	[sflag:s17] =	ssyncset.done $0x0  }
0xea: {  	s11 =	rddreg [dreg:$0xc];
	[sflag:s17] =	ssyncadd.s32 $0xFFFFC000  }
0xeb: {  	[spmem:s2] =	stream.indirect.scatter.add.f32 [tilespmem:s13], [sflag:$0x3], $0x80, s11, s15, $0xb8;
	[tilespmem:$0x1D000] =	vst v63  }
0xec: {  	_ =	swait.ge [sflag:s14], $0x4000  }
0xed: {  	[sflag:s14] =	ssyncset.done $0x0  }
0xee: {  	s11 =	rddreg [dreg:$0xd];
	[sflag:s14] =	ssyncadd.s32 $0xFFFFC000  }
0xef: {  	[tilespmem:s13], [sflag:$0x1] =	stream.indirect.gather [hbm4b:s4+s15], $0x80, s11, s15, $0xb8;
	[tilespmem:$0x1D000] =	vst v63  }
0xf0: {  	_ =	swait.ge [sflag:s18], $0x4000  }
0xf1: {  	[sflag:s18] =	ssyncset.done $0x0  }
0xf2: {  	s11 =	rddreg [dreg:$0xe];
	[sflag:s18] =	ssyncadd.s32 $0xFFFFC000  }
0xf3: {  	[spmem:s2] =	stream.indirect.scatter.add.f32 [tilespmem:s16], [sflag:$0x3], $0x80, s11, s15, $0xb8;
	[tilespmem:$0x1D000] =	vst v63  }
0xf4: {  	_ =	swait.ge [sflag:s14], $0x4000  }
0xf5: {  	[sflag:s14] =	ssyncset.done $0x0  }
0xf6: {  	[sflag:s14] =	ssyncadd.s32 $0xFFFFC000  }
0xf7: {  	[tilespmem:s16], [sflag:$0x2] =	stream.indirect.gather [hbm4b:s4+s15], $0x80, s19, s15, $0xb8;
	[tilespmem:$0x1D000] =	vst v63  }
0xf8: {  	_ =	swait.ge [sflag:s17], $0x4000  }
0xf9: {  	[sflag:s17] =	ssyncset.done $0x0  }
0xfa: {  	[sflag:s17] =	ssyncadd.s32 $0xFFFFC000  }
0xfb: {  	[spmem:s2] =	stream.indirect.scatter.add.f32 [tilespmem:s13], [sflag:$0x3], $0x80, s20, s15, $0xb8;
	[tilespmem:$0x1D000] =	vst v63  }
0xfc: {  	_ =	swait.ge [sflag:s14], $0x4000  }
0xfd: {  	[sflag:s14] =	ssyncset.done $0x0  }
0xfe: {  	[sflag:s14] =	ssyncadd.s32 $0xFFFFC000  }
0xff: {  	[tilespmem:s13], [sflag:$0x1] =	stream.indirect.gather [hbm4b:s4+s15], $0x80, s21, s15, $0xb8;
	[tilespmem:$0x1D000] =	vst v63  }
0x100: {  	_ =	swait.ge [sflag:s18], $0x4000  }
0x101: {  	[sflag:s18] =	ssyncset.done $0x0  }
0x102: {  	[sflag:s18] =	ssyncadd.s32 $0xFFFFC000  }
0x103: {  	[spmem:s2] =	stream.indirect.scatter.add.f32 [tilespmem:s16], [sflag:$0x3], $0x80, s22, s15, $0xb8;
	[tilespmem:$0x1D000] =	vst v63  }
0x104: {  	_ =	swait.ge [sflag:s14], $0x4000  }
0x105: {  	[sflag:s14] =	ssyncset.done $0x0  }
0x106: {  	[sflag:s14] =	ssyncadd.s32 $0xFFFFC000  }
0x107: {  	[tilespmem:s16], [sflag:$0x2] =	stream.indirect.gather [hbm4b:s4+s15], $0x80, s23, s15, $0xb8;
	[tilespmem:$0x1D000] =	vst v63  }
0x108: {  	_ =	swait.ge [sflag:s17], $0x4000  }
0x109: {  	[sflag:s17] =	ssyncset.done $0x0  }
0x10a: {  	[sflag:s17] =	ssyncadd.s32 $0xFFFFC000  }
0x10b: {  	[spmem:s2] =	stream.indirect.scatter.add.f32 [tilespmem:s13], [sflag:$0x3], $0x80, s24, s15, $0xb8;
	[tilespmem:$0x1D000] =	vst v63  }
0x10c: {  	_ =	swait.ge [sflag:s14], $0x4000  }
0x10d: {  	[sflag:s14] =	ssyncset.done $0x0  }
0x10e: {  	[sflag:s14] =	ssyncadd.s32 $0xFFFFC000  }
0x10f: {  	[tilespmem:s13], [sflag:$0x1] =	stream.indirect.gather [hbm4b:s4+s15], $0x80, s25, s15, $0xb8;
	[tilespmem:$0x1D000] =	vst v63  }
0x110: {  	_ =	swait.ge [sflag:s18], $0x4000  }
0x111: {  	[sflag:s18] =	ssyncset.done $0x0  }
0x112: {  	[sflag:s18] =	ssyncadd.s32 $0xFFFFC000  }
0x113: {  	[spmem:s2] =	stream.indirect.scatter.add.f32 [tilespmem:s16], [sflag:$0x3], $0x80, s26, s15, $0xb8;
	[tilespmem:$0x1D000] =	vst v63  }
0x114: {  	_ =	swait.ge [sflag:s14], $0x4000  }
0x115: {  	[sflag:s14] =	ssyncset.done $0x0  }
0x116: {  	[sflag:s14] =	ssyncadd.s32 $0xFFFFC000  }
0x117: {  	[tilespmem:s16], [sflag:$0x2] =	stream.indirect.gather [hbm4b:s4+s15], $0x80, s28, s15, $0xb8;
	[tilespmem:$0x1D000] =	vst v63  }
0x118: {  	_ =	swait.ge [sflag:s17], $0x4000  }
0x119: {  	[sflag:s17] =	ssyncset.done $0x0  }
0x11a: {  	[sflag:s17] =	ssyncadd.s32 $0xFFFFC000  }
0x11b: {  	[spmem:s2] =	stream.indirect.scatter.add.f32 [tilespmem:s13], [sflag:$0x3], $0x80, s29, s15, $0xb8;
	[tilespmem:$0x1D000] =	vst v63  }
0x11c: {  	_ =	swait.ge [sflag:s14], $0x4000  }
0x11d: {  	[sflag:s14] =	ssyncset.done $0x0  }
0x11e: {  	[sflag:s14] =	ssyncadd.s32 $0xFFFFC000  }
0x11f: {  	[tilespmem:s13], [sflag:$0x1] =	stream.indirect.gather [hbm4b:s4+s15], $0x80, s30, s15, $0xb8;
	[tilespmem:$0x1D000] =	vst v63  }
0x120: {  	_ =	swait.ge [sflag:s18], $0x4000  }
0x121: {  	[sflag:s18] =	ssyncset.done $0x0  }
0x122: {  	[sflag:s18] =	ssyncadd.s32 $0xFFFFC000  }
0x123: {  	[spmem:s2] =	stream.indirect.scatter.add.f32 [tilespmem:s16], [sflag:$0x3], $0x80, s31, s15, $0xb8;
	[tilespmem:$0x1D000] =	vst v63  }
0x124: {  	_ =	swait.ge [sflag:s14], $0x4000  }
0x125: {  	[sflag:s14] =	ssyncset.done $0x0  }
0x126: {  	[sflag:s14] =	ssyncadd.s32 $0xFFFFC000  }
0x127: {  	[tilespmem:s16], [sflag:$0x2] =	stream.indirect.gather [hbm4b:s4+s15], $0x80, s1, s15, $0xb8;
	[tilespmem:$0x1D000] =	vst v63  }
0x128: {  	_ =	swait.ge [sflag:s17], $0x4000  }
0x129: {  	[sflag:s17] =	ssyncset.done $0x0  }
0x12a: {  	[sflag:s17] =	ssyncadd.s32 $0xFFFFC000  }
0x12b: {  	[spmem:s2] =	stream.indirect.scatter.add.f32 [tilespmem:s13], [sflag:$0x3], $0x80, s0, s15, $0xb8;
	[tilespmem:$0x1D000] =	vst v63  }
0x12c: {  	_ =	swait.ge [sflag:s14], $0x4000  }
0x12d: {  	[sflag:s14] =	ssyncset.done $0x0  }
0x12e: {  	[sflag:s14] =	ssyncadd.s32 $0xFFFFC000  }
0x12f: {  	[tilespmem:s13], [sflag:$0x1] =	stream.indirect.gather [hbm4b:s4+s15], $0x80, s5, s15, $0xb8;
	[tilespmem:$0x1D000] =	vst v63  }
0x130: {  	_ =	swait.ge [sflag:s18], $0x4000  }
0x131: {  	[sflag:s18] =	ssyncset.done $0x0  }
0x132: {  	[sflag:s18] =	ssyncadd.s32 $0xFFFFC000  }
0x133: {  	[spmem:s2] =	stream.indirect.scatter.add.f32 [tilespmem:s16], [sflag:$0x3], $0x80, s7, s15, $0xb8;
	[tilespmem:$0x1D000] =	vst v63  }
0x134: {  	_ =	swait.ge [sflag:s14], $0x4000  }
0x135: {  	[sflag:s14] =	ssyncset.done $0x0  }
0x136: {  	[sflag:s14] =	ssyncadd.s32 $0xFFFFC000  }
0x137: {  	[tilespmem:s16], [sflag:$0x2] =	stream.indirect.gather [hbm4b:s4+s15], $0x80, s8, s15, $0xb8;
	[tilespmem:$0x1D000] =	vst v63  }
0x138: {  	_ =	swait.ge [sflag:s17], $0x4000  }
0x139: {  	[sflag:s17] =	ssyncset.done $0x0  }
0x13a: {  	[sflag:s17] =	ssyncadd.s32 $0xFFFFC000  }
0x13b: {  	[spmem:s2] =	stream.indirect.scatter.add.f32 [tilespmem:s13], [sflag:$0x3], $0x80, s9, s15, $0xb8;
	[tilespmem:$0x1D000] =	vst v63  }
0x13c: {  	_ =	swait.ge [sflag:s14], $0x4000  }
0x13d: {  	[sflag:s14] =	ssyncset.done $0x0  }
0x13e: {  	p0 =	sne.s32 s12, $0x800;
	[sflag:s14] =	ssyncadd.s32 $0xFFFFC000  }
.Ltmp0:
0x13f: {  	_ =	swait.ge [sflag:s18], $0x4000;
	(pc) =	sbr.rel @p0 .LBB2_2-.Ltmp0, $4  }
0x140: {  	[sflag:s18] =	ssyncset.done $0x0  }
0x141: {  	[sflag:s18] =	ssyncadd.s32 $0xFFFFC000  }
0x142: {  	[spmem:s2] =	stream.indirect.scatter.add.f32 [tilespmem:s16], [sflag:$0x3], $0x80, s10, s15, $0xb8;
	[tilespmem:$0x1D000] =	vst v63  }
0x143: {  	s12 =	sadd.s32 $0x200, s12;
	_ =	swait.ge [sflag:s14], $0x4000  }
0x144: {  	[sflag:s14] =	ssyncset.done $0x0;
	s6 =	stileid.u32  }
0x145: {  	[sflag:s14] =	ssyncadd.s32 $0xFFFFC000;
	s6 =	sshll.u32 s6, $0x6  }
0x146: {  	[bflag:$0x0] =	sbarrier.arrive $0xFFFF;
	s6 =	sor.u32 $0x1C03, s6  }
0x147: {  	[dreg:$0x18] =	wrdreg s6  }
0x148: {  	s12 =	rddreg [dreg:$0x10]  }
0x149: {  	s11 =	sshrl.u32 s12, $0x3;
	s12 =	rddreg [dreg:$0x15]  }
0x14a: {  	s6 =	rddreg [dreg:$0x18]  }
0x14b: {  	[hbm:s12], [sflag:s6] =	dma.local [spmem:s11], $0x2800  }
0x14c: {  	s12 =	rddreg [dreg:$0x10];
	_ =	swait.ge [sflag:s14], $0x2800  }
0x14d: {  	s6 =	rddreg [dreg:$0x17]  }
0x14e: {  	s11 =	sadd.s32 $0x1, s6;
	s6 =	rddreg [dreg:$0x16]  }
0x14f: {  	p0 =	sne.s32 s11, s6  }
.Ltmp1:
0x150: {  	_ = 	snop;
	(pc) =	sbr.rel @p0 .LBB2_1-.Ltmp1, $3  }
0x151: {  	_ =	sdelay $0x1  }
0x152: {  	[sflag:s14] =	ssyncset.done $0x0  }
0x153: {  	[sflag:s14] =	ssyncadd.s32 $0xFFFFD800  }
0x154: {  	_ =	sfence.sel $0x180000  }
0x155: {  	[bflag:$0x0] =	sbarrier.arrive $0xFFFF  }
0x156: {  	_ =	strace $0x9000004A  }
0x157: {  	s0 =	stileid.u32;
	[bflag:$0x2] =	sbarrier.arrive $0xFFFF  }
0x158: {  	p0 =	sne.s32 s0, $0x0;
	s0 =	rddreg [dreg:$0x2]  }
0x159: {  	s0 =	sadd.s32 @!p0 $0x100000, s0  }
0x15a: {  	[sflag:s0] =	ssyncadd.tile.s32 @!p0 $0x1;
	_ =	shalt  }
.Lfunc_end2:
_tile_overlayer_lowered:
.L_overlay_start_2:
0x15b: {  	(tag) =	ssettag $0x2  }
0x15c: {  	s0 =	rddreg [dreg:$0x0];
	s2 =	stileid.u32  }
0x15d: {  	s1 =	rddreg [dreg:$0x1];
	p0 =	sne.s32 s2, $0x0  }
0x15e: {  	s3 =	rddreg [dreg:$0x2];
	[bflag:$0x3] =	sbarrier.arrive $0xFFFF;
	s2 =	simm.s32 @!p0 $0x1C03  }
0x15f: {  	[timem:s3], [sflag:s2] =	dma.local @!p0 [hbm:s0], s1  }
0x160: {  	s0 =	simm.s32 @!p0 $0x3  }
0x161: {  	_ =	swait.ge @!p0 [sflag:s0], s1  }
0x162: {  	s1 =	ssub.s32 @!p0 $0x0, s1;
	[sflag:s0] =	ssyncset.done @!p0 $0x0  }
0x163: {  	[sflag:s0] =	ssyncadd.s32 @!p0 s1  }
0x164: {  	[bflag:$0x3] =	sbarrier.arrive $0xFFFF  }
0x165: {  	_ =	shalt  }

// kernel: kernel.16.cloned.1.call-start
scs
__scs_entry_jumppad:
0x0: {  	(pc) =	sbr.rel $0x88, $3  }
0x1: {  	(tag) =	ssettag $0x0;
	lr =	simm.s32 $0x1  }
0x2: {  	[smem:$0x3F8F] =	sst lr;
	_ =	strace $0xD0000000  }
0x3: {  	_ = 	snop  }
0x4: {  	_ = 	snop  }
0x5: {  	_ = 	snop  }
0x6: {  	_ = 	snop  }
0x7: {  	_ = 	snop  }
__scs_overlays_trampoline_lowered:
0x8: {  	[smem:$0x3F9E] =	sst s0  }
0x9: {  	[smem:$0x3F9F] =	sst s1  }
0xa: {  	[smem:$0x3FA0] =	sst s2  }
0xb: {  	[smem:$0x3FA1] =	sst s3  }
0xc: {  	[smem:$0x3FA2] =	sst s4  }
0xd: {  	[smem:$0x3FA3] =	sst s5  }
0xe: {  	[smem:$0x3FA4] =	sst s6  }
0xf: {  	[smem:$0x3FA5] =	sst s7  }
0x10: {  	[smem:$0x3FA6] =	sst s8  }
0x11: {  	[smem:$0x3FA7] =	sst s9;
	s0 =	simm.s32 @!p0 $0x0  }
0x12: {  	s1 =	sld [smem:$0x3F8D];
	s0 =	simm.s32 @p0 $0x1  }
0x13: {  	[smem:$0x3FA8] =	sst s0;
	s0 =	simm.s32 @!p1 $0x0  }
0x14: {  	s2 =	sld [smem:$0x3F8C];
	s0 =	simm.s32 @p1 $0x1  }
0x15: {  	[smem:$0x3FA9] =	sst s0;
	s0 =	simm.s32 @!p2 $0x0  }
0x16: {  	s3 =	sld [smem:$0x3FDB];
	s0 =	simm.s32 @p2 $0x1  }
0x17: {  	s4 =	simm.s32 $0x1BF5;
	[smem:$0x3FAB] =	sst s0  }
0x18: {  	s0 =	sld [smem:$0x3F8E];
	_ =	swait.ge [sflag:s4], $0x0  }
0x19: {  	s7 =	sld [smem:$0x3F8F]  }
0x1a: {  	s8 =	sadd.s32 $0xFFFFE003, lr  }
0x1b: {  	s9 =	sadd.s32 $0xFFFFFEF7, lr;
	s5 =	simm.s32 $0xFFFFFFFF;
	p2 =	slt.u32 s8, $0xFFFFF086  }
0x1c: {  	p1 =	slt.u32 s9, $0xF7A;
	s5 =	simm.s32 @!p2 $0x0  }
0x1d: {  	s5 =	simm.s32 @p1 $0x1;
	p0 =	seq.s32 s7, s2  }
0x1e: {  	s7 =	smul.u32 @!p0 $0xF7A, s2;
	p2 =	seq.s32 @!p0 s5, $0x0  }
0x1f: {  	s9 =	smul.u32 $0xF7A, s1;
	s8 =	simm.s32 @!p0 $0x1BF5;
	p2 =	por !p2, p0  }
0x20: {  	[sflag:s8] =	ssyncset.s32 @!p0 $0xFFFFF086;
	s6 =	sadd.s32 @!p0 s3, s7;
	s7 =	simm.s32 @!p0 $0x108  }
0x21: {  	s3 =	sadd.s32 s3, s9;
	s6 =	sadd.s32 @!p0 $0x88, s6;
	s7 =	simm.s32 @p2 $0x1082  }
0x22: {  	[simem:s7], [sflag:s8] =	dma.local @!p0 [hbm:s6], $0xF7A  }
0x23: {  	s9 =	sor.u32 $0xD0000000, s2;
	s6 =	simm.s32 $0x108;
	_ =	swait.ge @!p0 [sflag:s8], $0x0  }
0x24: {  	s3 =	sadd.s32 $0x88, s3;
	s6 =	simm.s32 @!p1 $0x1082;
	[sflag:s4] =	ssyncset.s32 $0xFFFFF086  }
0x25: {  	[simem:s6], [sflag:s4] =	dma.local [hbm:s3], $0xF7A  }
0x26: {  	[smem:$0x3F8F] =	sst s1;
	(tag) =	ssettag s2;
	_ =	strace s9  }
0x27: {  	s1 =	sld [smem:$0x3F9F]  }
0x28: {  	s2 =	sld [smem:$0x3FA0]  }
0x29: {  	s4 =	sld [smem:$0x3FA2]  }
0x2a: {  	p0 =	seq.s32 s5, $0x0;
	s5 =	sld [smem:$0x3FA3]  }
0x2b: {  	s6 =	sld [smem:$0x3FA4]  }
0x2c: {  	s7 =	sld [smem:$0x3FA5]  }
0x2d: {  	s3 =	simm.s32 $0x108;
	s8 =	sld [smem:$0x3FA6]  }
0x2e: {  	s3 =	simm.s32 @!p0 $0x1082;
	s9 =	sld [smem:$0x3FA7]  }
0x2f: {  	lr =	sadd.s32 s0, s3;
	s0 =	sld [smem:$0x3F9E]  }
0x30: {  	s3 =	sld [smem:$0x3FA1]  }
0x31: {  	[smem:$0x3FAA] =	sst s10  }
0x32: {  	s10 =	sld [smem:$0x3FA8];
	_ =	sdelay $0x3  }
0x33: {  	p0 =	seq.s32 s10, $0x1;
	s10 =	sld [smem:$0x3FAA];
	_ =	sdelay $0x3  }
0x34: {  	[smem:$0x3FAA] =	sst s10  }
0x35: {  	s10 =	sld [smem:$0x3FA9];
	_ =	sdelay $0x3  }
0x36: {  	p1 =	seq.s32 s10, $0x1;
	s10 =	sld [smem:$0x3FAA];
	_ =	sdelay $0x3  }
0x37: {  	[smem:$0x3FAA] =	sst s10  }
0x38: {  	s10 =	sld [smem:$0x3FAB]  }
0x39: {  	_ = 	snop;
	(pc) =	sbr.ind lr, $3  }
0x3a: {  	_ = 	snop  }
0x3b: {  	_ = 	snop  }
0x3c: {  	p2 =	seq.s32 s10, $0x1;
	s10 =	sld [smem:$0x3FAA]  }
0x3d: {  	_ =	shalt  }
0x3e: {  	_ =	shalt  }
0x3f: {  	_ =	shalt  }
0x40: {  	_ =	shalt  }
0x41: {  	_ =	shalt  }
0x42: {  	_ =	shalt  }
0x43: {  	_ =	shalt  }
0x44: {  	_ =	shalt  }
0x45: {  	_ =	shalt  }
0x46: {  	_ =	shalt  }
0x47: {  	_ =	shalt  }
0x48: {  	_ =	shalt  }
0x49: {  	_ =	shalt  }
0x4a: {  	_ =	shalt  }
0x4b: {  	_ =	shalt  }
0x4c: {  	_ =	shalt  }
0x4d: {  	_ =	shalt  }
0x4e: {  	_ =	shalt  }
0x4f: {  	_ =	shalt  }
0x50: {  	_ =	shalt  }
0x51: {  	_ =	shalt  }
0x52: {  	_ =	shalt  }
0x53: {  	_ =	shalt  }
0x54: {  	_ =	shalt  }
0x55: {  	_ =	shalt  }
0x56: {  	_ =	shalt  }
0x57: {  	_ =	shalt  }
0x58: {  	_ =	shalt  }
0x59: {  	_ =	shalt  }
0x5a: {  	_ =	shalt  }
0x5b: {  	_ =	shalt  }
0x5c: {  	_ =	shalt  }
0x5d: {  	_ =	shalt  }
0x5e: {  	_ =	shalt  }
0x5f: {  	_ =	shalt  }
0x60: {  	_ =	shalt  }
0x61: {  	_ =	shalt  }
0x62: {  	_ =	shalt  }
0x63: {  	_ =	shalt  }
0x64: {  	_ =	shalt  }
0x65: {  	_ =	shalt  }
0x66: {  	_ =	shalt  }
0x67: {  	_ =	shalt  }
0x68: {  	_ =	shalt  }
0x69: {  	_ =	shalt  }
0x6a: {  	_ =	shalt  }
0x6b: {  	_ =	shalt  }
0x6c: {  	_ =	shalt  }
0x6d: {  	_ =	shalt  }
0x6e: {  	_ =	shalt  }
0x6f: {  	_ =	shalt  }
0x70: {  	_ =	shalt  }
0x71: {  	_ =	shalt  }
0x72: {  	_ =	shalt  }
0x73: {  	_ =	shalt  }
0x74: {  	_ =	shalt  }
0x75: {  	_ =	shalt  }
0x76: {  	_ =	shalt  }
0x77: {  	_ =	shalt  }
0x78: {  	_ =	shalt  }
0x79: {  	_ =	shalt  }
0x7a: {  	_ =	shalt  }
0x7b: {  	_ =	shalt  }
0x7c: {  	_ =	shalt  }
0x7d: {  	_ =	shalt  }
0x7e: {  	_ =	shalt  }
0x7f: {  	_ =	shalt  }
0x80: {  	_ =	shalt  }
0x81: {  	_ =	shalt  }
0x82: {  	_ =	shalt  }
0x83: {  	_ =	shalt  }
0x84: {  	_ =	shalt  }
0x85: {  	_ =	shalt  }
0x86: {  	_ =	shalt  }
0x87: {  	_ =	shalt  }
.Lfunc_end0:
.L_simem_size_0:
called_computation.2_lowered:
.L_overlay_start_0:
0x88: {  	s2 =	sld [smem:$0x3FD9]  }
0x89: {  	s3 =	sld [smem:$0x3FFE];
	_ =	sdelay $0x1  }
0x8a: {  	s1 =	srdreg.scid  }
0x8b: {  	s0 =	sand.u32 $0x1, s1  }
0x8c: {  	s16 =	sshll.u32 s0, $0xA;
	s2 =	sadd.s32 s3, s2  }
0x8d: {  	s2 =	sadd.s32 s2, s16  }
0x8e: {  	[smem:$0x3FB6] =	sst s2  }
0x8f: {  	_ = 	snop  }
0x90: {  	(tm) =	ssettm $0x1  }
0x91: {  	s17 =	sld [smem:$0x3FFB];
	_ =	sdelay $0x3  }
0x92: {  	_ =	strace s17  }
0x93: {  	s2 =	sld [smem:$0x3FFC];
	_ =	sdelay $0x3  }
0x94: {  	_ =	strace s2  }
0x95: {  	s2 =	sld [smem:$0x3FFD];
	_ =	sdelay $0x3  }
0x96: {  	_ =	strace s2  }
0x97: {  	_ =	strace $0x8FFFFFFF  }
0x98: {  	s18 =	sld [smem:$0x3FDB];
	_ =	sdelay $0x1  }
0x99: {  	s19 =	simm.s32 $_scs_section_size  }
0x9a: {  	s4 =	simm.s32 $_size__tile_overlayer_lowered;
	s5 =	simm.s32 $_tile_overlayer_lowered  }
0x9b: {  	s22 =	simm.s32 $0x1BFF;
	s21 =	sshll.u32 s5, $0x1;
	s2 =	sadd.s32 s19, s18  }
0x9c: {  	s6 =	simm.s32 $0x0;
	s20 =	sshll.u32 s4, $0x1;
	s4 =	sadd.s32 s21, s2  }
0x9d: {  	[timem:s6], [sflag:s22] =	dma.local [hbm:s4], s20  }
0x9e: {  	_ =	swait.ge [sflag:s22], s20  }
0x9f: {  	s3 =	ssub.s32 $0x0, s20;
	[sflag:s22] =	ssyncset.done $0x0  }
0xa0: {  	[sflag:s22] =	ssyncadd.s32 s3;
	_ =	sdelay $0x1  }
0xa1: {  	s23 =	simm.s32 $0x1B8B  }
0xa2: {  	_ =	swait.ge [sflag:s23], $0x1  }
0xa3: {  	[sflag:s23] =	ssyncset.done $0x0  }
0xa4: {  	s25 =	simm.s32 $0x1B8E;
	s24 =	sld [smem:$0x3FFE];
	[sflag:s23] =	ssyncadd.s32 $0xFFFFFFFF  }
0xa5: {  	s26 =	simm.s32 $execute0_lowered;
	[smem:$0x3FD2] =	sst s25  }
0xa6: {  	s4 =	sshll.u32 s26, $0x1;
	_ =	strace $0x8000004C;
	[dreg:$0x1] =	wrdreg $0xFFFFFFFF  }
0xa7: {  	s28 =	simm.s32 $_size_execute0_lowered;
	s2 =	sadd.s32 s2, s4;
	[dreg:$0x0] =	wrdreg $0x0  }
0xa8: {  	s4 =	sshll.u32 s28, $0x1;
	[dreg:$0x2] =	wrdreg s2  }
0xa9: {  	[dreg:$0x3] =	wrdreg s4  }
0xaa: {  	[dreg:$0x4] =	wrdreg $0xC0  }
0xab: {  	_ =	task [dreg:s6], $0x5FFFF  }
0xac: {  	[dreg:$0x1] =	wrdreg $0xFFFFFFFF  }
0xad: {  	[dreg:$0x0] =	wrdreg $0x60  }
0xae: {  	[dreg:$0x2] =	wrdreg s24  }
0xaf: {  	[dreg:$0x3] =	wrdreg $0x90000  }
0xb0: {  	[dreg:$0x4] =	wrdreg $0x9  }
0xb1: {  	_ =	task.clear_ibuf [dreg:s6], $0x5FFFF;
	_ =	strace $0x9000004C  }
0xb2: {  	s29 =	simm.s32 $0x9;
	_ =	strace $0x8000004E  }
0xb3: {  	_ =	swait.ge [sflag:s29], $0x1  }
0xb4: {  	[sflag:s29] =	ssyncadd.s32 $0xFFFFFFFF  }
0xb5: {  	_ =	strace $0x9000004E  }
0xb6: {  	_ =	sfence  }
0xb7: {  	s30 =	sld [smem:$0x0];
	_ =	sdelay $0x2  }
0xb8: {  	s31 =	sshll.u32 s1, $0xD;
	s1 =	sshrl.u32 s1, $0x2  }
0xb9: {  	s3 =	sand.u32 $0x4000, s31;
	s1 =	sadd.s32 s1, s30  }
0xba: {  	s0 =	sor.u32 s3, s0;
	s1 =	sshll.u32 s1, $0x11  }
0xbb: {  	s0 =	sor.u32 s1, s0  }
0xbc: {  	s0 =	sadd.s32 $0x8F2B, s0  }
0xbd: {  	[sflag:s0] =	ssyncadd.remote.s32 $0x1  }
0xbe: {  	_ =	sfence.sel $0xFFFF  }
0xbf: {  	[dreg:$0x0] =	wrdreg $0xFFFFFFFF;
	(pc) =	sbr.abs _section_cstart, $3  }
0xc0: {  	[dreg:$0x1] =	wrdreg $0xFFFFFFFF  }
0xc1: {  	_ =	task.clear_ibuf [dreg:s6], $0x2FFFF;
	_ =	strace $0x9FFFFFFF  }
0xc2: {  	(tm) =	ssettm $0x7FFFFFFF  }
0xc3: {  	_ =	shalt  }
tec
execute0_lowered:
.L_overlay_start_1:
0x0: {  	(tag) =	ssettag $0x1  }
0x1: {  	s0 =	srdreg.scid;
	s1 =	rddreg [dreg:$0x0]  }
0x2: {  	s8 =	stileid.u32;
	s2 =	rddreg [dreg:$0x1];
	s3 =	simm.s32 $0x0  }
0x3: {  	s14 =	simm.s32 $0x100;
	s16 =	simm.s32 $0x200;
	s18 =	simm.s32 $0x180  }
0x4: {  	s19 =	simm.s32 $0x300;
	[smem:$0x7FF] =	sst s3;
	s9 =	sadd.s32 $0x5600, s1  }
0x5: {  	s20 =	simm.s32 $0x280;
	_ =	strace $0x8000004D;
	[dreg:$0xf] =	wrdreg s9  }
0x6: {  	s21 =	simm.s32 $0x400;
	s22 =	simm.s32 $0x380;
	[dreg:$0x4] =	wrdreg s14  }
0x7: {  	s23 =	simm.s32 $0x500;
	s24 =	simm.s32 $0x480;
	[dreg:$0x5] =	wrdreg s16  }
0x8: {  	s25 =	simm.s32 $0x600;
	s28 =	simm.s32 $0xB00;
	[dreg:$0x6] =	wrdreg s18  }
0x9: {  	s29 =	simm.s32 $0xA80;
	s4 =	smul.u32 $0xA000, s8;
	[dreg:$0x7] =	wrdreg s19  }
0xa: {  	s30 =	simm.s32 $0xC00;
	s6 =	smul.u32 $0x2800, s8;
	[dreg:$0x8] =	wrdreg s20  }
0xb: {  	s0 =	sand.u32 $0x1, s0;
	s8 =	smul.u32 $0x50000, s8;
	[dreg:$0x9] =	wrdreg s21  }
0xc: {  	s31 =	simm.s32 $0xB80;
	s5 =	smul.u32 $0x5000, s0;
	[dreg:$0xa] =	wrdreg s22  }
0xd: {  	s26 =	smul.u32 $0x28000, s0;
	s0 =	ssub.s32 $0x2, s0;
	[dreg:$0xb] =	wrdreg s23  }
0xe: {  	s14 =	simm.s32 $0x3;
	s16 =	simm.s32 $0x5000;
	[dreg:$0xc] =	wrdreg s24  }
0xf: {  	s18 =	simm.s32 $0x2;
	[dreg:$0xd] =	wrdreg s25;
	s19 =	simm.s32 $0x700  }
0x10: {  	s20 =	simm.s32 $0x680;
	s21 =	simm.s32 $0x800;
	s22 =	simm.s32 $0x780  }
0x11: {  	s23 =	simm.s32 $0x900;
	s24 =	simm.s32 $0x880;
	s25 =	simm.s32 $0xA00  }
0x12: {  	s9 =	sshrl.u32 s8, $0x2;
	s10 =	sshrl.u32 s0, $0x1;
	s8 =	simm.s32 $0xF00  }
0x13: {  	s4 =	sadd.s32 s5, s4;
	s5 =	sadd.s32 s6, s26;
	s26 =	simm.s32 $0x580  }
0x14: {  	s12 =	sadd.s32 s9, s2;
	s0 =	ssub.s32 s0, s10;
	[dreg:$0xe] =	wrdreg s26  }
0x15: {  	s9 =	simm.s32 $0xE80;
	s11 =	sadd.s32 $0x4000, s12;
	[dreg:$0x10] =	wrdreg s12  }
0x16: {  	s10 =	simm.s32 $0xF80;
	s6 =	sadd.s32 $0x8000, s12;
	[dreg:$0x11] =	wrdreg s11  }
0x17: {  	s7 =	sshrl.u32 s4, $0x3;
	s15 =	sadd.s32 $0xC000, s12;
	[dreg:$0x12] =	wrdreg s6  }
0x18: {  	s4 =	sadd.s32 $0x5E00, s1;
	s17 =	sadd.s32 $0x10000, s12;
	[dreg:$0x13] =	wrdreg s15  }
0x19: {  	s0 =	smax.u32 s0, $0x1;
	s26 =	simm.s32 $0x980;
	[dreg:$0x14] =	wrdreg s17  }
0x1a: {  	s7 =	sadd.s32 s7, s1;
	s1 =	sadd.s32 s5, s1;
	[dreg:$0x16] =	wrdreg s0  }
0x1b: {  	s15 =	simm.s32 $0x80;
	s17 =	simm.s32 $0x1;
	s0 =	simm.s32 $0xC80  }
0x1c: {  	s5 =	simm.s32 $0xE00;
	s11 =	simm.s32 $0x0;
	s13 =	sadd.s32 $0x56600, s7  }
0x1d: {  	s1 =	sadd.s32 $0x6A600, s1;
	s7 =	simm.s32 $0xD80;
	[dreg:$0x3] =	wrdreg s13  }
0x1e: {  	[dreg:$0x15] =	wrdreg s1;
	s13 =	simm.s32 $0x1000;
	s1 =	simm.s32 $0xD00  }
.LBB2_1:
0x1f: {  	[dreg:$0x17] =	wrdreg s11  }
0x20: {  	s6 =	rddreg [dreg:$0xf]  }
0x21: {  	[tilespmem:s13], [sflag:$0x3] =	stream.linear.gather [hbm4b:s6+s3], $0x4000, $0x38;
	[tilespmem:$0x1D000] =	vst v63  }
0x22: {  	_ =	swait.ge [sflag:s14], $0x4000  }
0x23: {  	[sflag:s14] =	ssyncset.done $0x0  }
0x24: {  	[sflag:s14] =	ssyncadd.s32 $0xFFFFC000  }
0x25: {  	[spmem:s12] =	stream.linear.scatter [tilespmem:s13], [sflag:$0x3], $0x4000, $0x38;
	[tilespmem:$0x1D000] =	vst v63  }
0x26: {  	_ =	swait.ge [sflag:s14], $0x4000  }
0x27: {  	[sflag:s14] =	ssyncset.done $0x0  }
0x28: {  	s11 =	rddreg [dreg:$0x11];
	[sflag:s14] =	ssyncadd.s32 $0xFFFFC000  }
0x29: {  	[spmem:s11] =	stream.linear.scatter [tilespmem:s13], [sflag:$0x3], $0x4000, $0x38;
	[tilespmem:$0x1D000] =	vst v63  }
0x2a: {  	_ =	swait.ge [sflag:s14], $0x4000  }
0x2b: {  	[sflag:s14] =	ssyncset.done $0x0  }
0x2c: {  	s12 =	rddreg [dreg:$0x12];
	[sflag:s14] =	ssyncadd.s32 $0xFFFFC000  }
0x2d: {  	[spmem:s12] =	stream.linear.scatter [tilespmem:s13], [sflag:$0x3], $0x4000, $0x38;
	[tilespmem:$0x1D000] =	vst v63  }
0x2e: {  	_ =	swait.ge [sflag:s14], $0x4000  }
0x2f: {  	[sflag:s14] =	ssyncset.done $0x0  }
0x30: {  	s11 =	rddreg [dreg:$0x13];
	[sflag:s14] =	ssyncadd.s32 $0xFFFFC000  }
0x31: {  	[spmem:s11] =	stream.linear.scatter [tilespmem:s13], [sflag:$0x3], $0x4000, $0x38;
	[tilespmem:$0x1D000] =	vst v63  }
0x32: {  	_ =	swait.ge [sflag:s14], $0x4000  }
0x33: {  	[sflag:s14] =	ssyncset.done $0x0  }
0x34: {  	s12 =	rddreg [dreg:$0x14];
	[sflag:s14] =	ssyncadd.s32 $0xFFFFC000  }
0x35: {  	[spmem:s12] =	stream.linear.scatter [tilespmem:s13], [sflag:$0x3], $0x4000, $0x38;
	[tilespmem:$0x1D000] =	vst v63  }
0x36: {  	_ =	swait.ge [sflag:s14], $0x4000  }
0x37: {  	[sflag:s14] =	ssyncset.done $0x0  }
0x38: {  	[sflag:s14] =	ssyncadd.s32 $0xFFFFC000  }
0x39: {  	[bflag:$0x0] =	sbarrier.arrive $0xFFFF  }
0x3a: {  	s6 =	rddreg [dreg:$0x3]  }
0x3b: {  	s12 =	sadd.s32 $0x0, s6  }
0x3c: {  	[tilespmem:s3], [sflag:$0x3] =	stream.linear.gather [hbm4b:s12+s3], $0x1000, $0x38;
	[tilespmem:$0x1D000] =	vst v63  }
0x3d: {  	_ =	swait.ge [sflag:s14], $0x1000  }
0x3e: {  	[sflag:s14] =	ssyncset.done $0x0  }
0x3f: {  	[sflag:s14] =	ssyncadd.s32 $0xFFFFF000  }
0x40: {  	[tilespmem:s13], [sflag:$0x1] =	stream.indirect.gather [hbm4b:s4+s15], $0x80, s3, s15, $0xb8;
	[tilespmem:$0x1D000] =	vst v63  }
0x41: {  	s11 =	rddreg [dreg:$0x4]  }
0x42: {  	[tilespmem:s16], [sflag:$0x2] =	stream.indirect.gather [hbm4b:s4+s15], $0x80, s11, s15, $0xb8;
	[tilespmem:$0x1D000] =	vst v63  }
0x43: {  	_ =	swait.ge [sflag:s17], $0x4000  }
0x44: {  	[sflag:s17] =	ssyncset.done $0x0  }
0x45: {  	[sflag:s17] =	ssyncadd.s32 $0xFFFFC000  }
0x46: {  	[spmem:s2] =	stream.indirect.scatter.add.f32 [tilespmem:s13], [sflag:$0x3], $0x80, s15, s15, $0xb8;
	[tilespmem:$0x1D000] =	vst v63  }
0x47: {  	_ =	swait.ge [sflag:s14], $0x4000  }
0x48: {  	[sflag:s14] =	ssyncset.done $0x0  }
0x49: {  	s6 =	rddreg [dreg:$0x5];
	[sflag:s14] =	ssyncadd.s32 $0xFFFFC000  }
0x4a: {  	[tilespmem:s13], [sflag:$0x1] =	stream.indirect.gather [hbm4b:s4+s15], $0x80, s6, s15, $0xb8;
	[tilespmem:$0x1D000] =	vst v63  }
0x4b: {  	_ =	swait.ge [sflag:s18], $0x4000  }
0x4c: {  	[sflag:s18] =	ssyncset.done $0x0  }
0x4d: {  	s11 =	rddreg [dreg:$0x6];
	[sflag:s18] =	ssyncadd.s32 $0xFFFFC000  }
0x4e: {  	[spmem:s2] =	stream.indirect.scatter.add.f32 [tilespmem:s16], [sflag:$0x3], $0x80, s11, s15, $0xb8;
	[tilespmem:$0x1D000] =	vst v63  }
0x4f: {  	_ =	swait.ge [sflag:s14], $0x4000  }
0x50: {  	[sflag:s14] =	ssyncset.done $0x0  }
0x51: {  	s6 =	rddreg [dreg:$0x7];
	[sflag:s14] =	ssyncadd.s32 $0xFFFFC000  }
0x52: {  	[tilespmem:s16], [sflag:$0x2] =	stream.indirect.gather [hbm4b:s4+s15], $0x80, s6, s15, $0xb8;
	[tilespmem:$0x1D000] =	vst v63  }
0x53: {  	_ =	swait.ge [sflag:s17], $0x4000  }
0x54: {  	[sflag:s17] =	ssyncset.done $0x0  }
0x55: {  	s11 =	rddreg [dreg:$0x8];
	[sflag:s17] =	ssyncadd.s32 $0xFFFFC000  }
0x56: {  	[spmem:s2] =	stream.indirect.scatter.add.f32 [tilespmem:s13], [sflag:$0x3], $0x80, s11, s15, $0xb8;
	[tilespmem:$0x1D000] =	vst v63  }
0x57: {  	_ =	swait.ge [sflag:s14], $0x4000  }
0x58: {  	[sflag:s14] =	ssyncset.done $0x0  }
0x59: {  	s6 =	rddreg [dreg:$0x9];
	[sflag:s14] =	ssyncadd.s32 $0xFFFFC000  }
0x5a: {  	[tilespmem:s13], [sflag:$0x1] =	stream.indirect.gather [hbm4b:s4+s15], $0x80, s6, s15, $0xb8;
	[tilespmem:$0x1D000] =	vst v63  }
0x5b: {  	_ =	swait.ge [sflag:s18], $0x4000  }
0x5c: {  	[sflag:s18] =	ssyncset.done $0x0  }
0x5d: {  	s11 =	rddreg [dreg:$0xa];
	[sflag:s18] =	ssyncadd.s32 $0xFFFFC000  }
0x5e: {  	[spmem:s2] =	stream.indirect.scatter.add.f32 [tilespmem:s16], [sflag:$0x3], $0x80, s11, s15, $0xb8;
	[tilespmem:$0x1D000] =	vst v63  }
0x5f: {  	_ =	swait.ge [sflag:s14], $0x4000  }
0x60: {  	[sflag:s14] =	ssyncset.done $0x0  }
0x61: {  	s6 =	rddreg [dreg:$0xb];
	[sflag:s14] =	ssyncadd.s32 $0xFFFFC000  }
0x62: {  	[tilespmem:s16], [sflag:$0x2] =	stream.indirect.gather [hbm4b:s4+s15], $0x80, s6, s15, $0xb8;
	[tilespmem:$0x1D000] =	vst v63  }
0x63: {  	_ =	swait.ge [sflag:s17], $0x4000  }
0x64: {  	[sflag:s17] =	ssyncset.done $0x0  }
0x65: {  	s11 =	rddreg [dreg:$0xc];
	[sflag:s17] =	ssyncadd.s32 $0xFFFFC000  }
0x66: {  	[spmem:s2] =	stream.indirect.scatter.add.f32 [tilespmem:s13], [sflag:$0x3], $0x80, s11, s15, $0xb8;
	[tilespmem:$0x1D000] =	vst v63  }
0x67: {  	_ =	swait.ge [sflag:s14], $0x4000  }
0x68: {  	[sflag:s14] =	ssyncset.done $0x0  }
0x69: {  	s6 =	rddreg [dreg:$0xd];
	[sflag:s14] =	ssyncadd.s32 $0xFFFFC000  }
0x6a: {  	[tilespmem:s13], [sflag:$0x1] =	stream.indirect.gather [hbm4b:s4+s15], $0x80, s6, s15, $0xb8;
	[tilespmem:$0x1D000] =	vst v63  }
0x6b: {  	_ =	swait.ge [sflag:s18], $0x4000  }
0x6c: {  	[sflag:s18] =	ssyncset.done $0x0  }
0x6d: {  	s11 =	rddreg [dreg:$0xe];
	[sflag:s18] =	ssyncadd.s32 $0xFFFFC000  }
0x6e: {  	[spmem:s2] =	stream.indirect.scatter.add.f32 [tilespmem:s16], [sflag:$0x3], $0x80, s11, s15, $0xb8;
	[tilespmem:$0x1D000] =	vst v63  }
0x6f: {  	_ =	swait.ge [sflag:s14], $0x4000  }
0x70: {  	[sflag:s14] =	ssyncset.done $0x0  }
0x71: {  	[sflag:s14] =	ssyncadd.s32 $0xFFFFC000  }
0x72: {  	[tilespmem:s16], [sflag:$0x2] =	stream.indirect.gather [hbm4b:s4+s15], $0x80, s19, s15, $0xb8;
	[tilespmem:$0x1D000] =	vst v63  }
0x73: {  	_ =	swait.ge [sflag:s17], $0x4000  }
0x74: {  	[sflag:s17] =	ssyncset.done $0x0  }
0x75: {  	[sflag:s17] =	ssyncadd.s32 $0xFFFFC000  }
0x76: {  	[spmem:s2] =	stream.indirect.scatter.add.f32 [tilespmem:s13], [sflag:$0x3], $0x80, s20, s15, $0xb8;
	[tilespmem:$0x1D000] =	vst v63  }
0x77: {  	_ =	swait.ge [sflag:s14], $0x4000  }
0x78: {  	[sflag:s14] =	ssyncset.done $0x0  }
0x79: {  	[sflag:s14] =	ssyncadd.s32 $0xFFFFC000  }
0x7a: {  	[tilespmem:s13], [sflag:$0x1] =	stream.indirect.gather [hbm4b:s4+s15], $0x80, s21, s15, $0xb8;
	[tilespmem:$0x1D000] =	vst v63  }
0x7b: {  	_ =	swait.ge [sflag:s18], $0x4000  }
0x7c: {  	[sflag:s18] =	ssyncset.done $0x0  }
0x7d: {  	[sflag:s18] =	ssyncadd.s32 $0xFFFFC000  }
0x7e: {  	[spmem:s2] =	stream.indirect.scatter.add.f32 [tilespmem:s16], [sflag:$0x3], $0x80, s22, s15, $0xb8;
	[tilespmem:$0x1D000] =	vst v63  }
0x7f: {  	_ =	swait.ge [sflag:s14], $0x4000  }
0x80: {  	[sflag:s14] =	ssyncset.done $0x0  }
0x81: {  	[sflag:s14] =	ssyncadd.s32 $0xFFFFC000  }
0x82: {  	[tilespmem:s16], [sflag:$0x2] =	stream.indirect.gather [hbm4b:s4+s15], $0x80, s23, s15, $0xb8;
	[tilespmem:$0x1D000] =	vst v63  }
0x83: {  	_ =	swait.ge [sflag:s17], $0x4000  }
0x84: {  	[sflag:s17] =	ssyncset.done $0x0  }
0x85: {  	[sflag:s17] =	ssyncadd.s32 $0xFFFFC000  }
0x86: {  	[spmem:s2] =	stream.indirect.scatter.add.f32 [tilespmem:s13], [sflag:$0x3], $0x80, s24, s15, $0xb8;
	[tilespmem:$0x1D000] =	vst v63  }
0x87: {  	_ =	swait.ge [sflag:s14], $0x4000  }
0x88: {  	[sflag:s14] =	ssyncset.done $0x0  }
0x89: {  	[sflag:s14] =	ssyncadd.s32 $0xFFFFC000  }
0x8a: {  	[tilespmem:s13], [sflag:$0x1] =	stream.indirect.gather [hbm4b:s4+s15], $0x80, s25, s15, $0xb8;
	[tilespmem:$0x1D000] =	vst v63  }
0x8b: {  	_ =	swait.ge [sflag:s18], $0x4000  }
0x8c: {  	[sflag:s18] =	ssyncset.done $0x0  }
0x8d: {  	[sflag:s18] =	ssyncadd.s32 $0xFFFFC000  }
0x8e: {  	[spmem:s2] =	stream.indirect.scatter.add.f32 [tilespmem:s16], [sflag:$0x3], $0x80, s26, s15, $0xb8;
	[tilespmem:$0x1D000] =	vst v63  }
0x8f: {  	_ =	swait.ge [sflag:s14], $0x4000  }
0x90: {  	[sflag:s14] =	ssyncset.done $0x0  }
0x91: {  	[sflag:s14] =	ssyncadd.s32 $0xFFFFC000  }
0x92: {  	[tilespmem:s16], [sflag:$0x2] =	stream.indirect.gather [hbm4b:s4+s15], $0x80, s28, s15, $0xb8;
	[tilespmem:$0x1D000] =	vst v63  }
0x93: {  	_ =	swait.ge [sflag:s17], $0x4000  }
0x94: {  	[sflag:s17] =	ssyncset.done $0x0  }
0x95: {  	[sflag:s17] =	ssyncadd.s32 $0xFFFFC000  }
0x96: {  	[spmem:s2] =	stream.indirect.scatter.add.f32 [tilespmem:s13], [sflag:$0x3], $0x80, s29, s15, $0xb8;
	[tilespmem:$0x1D000] =	vst v63  }
0x97: {  	_ =	swait.ge [sflag:s14], $0x4000  }
0x98: {  	[sflag:s14] =	ssyncset.done $0x0  }
0x99: {  	[sflag:s14] =	ssyncadd.s32 $0xFFFFC000  }
0x9a: {  	[tilespmem:s13], [sflag:$0x1] =	stream.indirect.gather [hbm4b:s4+s15], $0x80, s30, s15, $0xb8;
	[tilespmem:$0x1D000] =	vst v63  }
0x9b: {  	_ =	swait.ge [sflag:s18], $0x4000  }
0x9c: {  	[sflag:s18] =	ssyncset.done $0x0  }
0x9d: {  	[sflag:s18] =	ssyncadd.s32 $0xFFFFC000  }
0x9e: {  	[spmem:s2] =	stream.indirect.scatter.add.f32 [tilespmem:s16], [sflag:$0x3], $0x80, s31, s15, $0xb8;
	[tilespmem:$0x1D000] =	vst v63  }
0x9f: {  	_ =	swait.ge [sflag:s14], $0x4000  }
0xa0: {  	[sflag:s14] =	ssyncset.done $0x0  }
0xa1: {  	[sflag:s14] =	ssyncadd.s32 $0xFFFFC000  }
0xa2: {  	[tilespmem:s16], [sflag:$0x2] =	stream.indirect.gather [hbm4b:s4+s15], $0x80, s1, s15, $0xb8;
	[tilespmem:$0x1D000] =	vst v63  }
0xa3: {  	_ =	swait.ge [sflag:s17], $0x4000  }
0xa4: {  	[sflag:s17] =	ssyncset.done $0x0  }
0xa5: {  	[sflag:s17] =	ssyncadd.s32 $0xFFFFC000  }
0xa6: {  	[spmem:s2] =	stream.indirect.scatter.add.f32 [tilespmem:s13], [sflag:$0x3], $0x80, s0, s15, $0xb8;
	[tilespmem:$0x1D000] =	vst v63  }
0xa7: {  	_ =	swait.ge [sflag:s14], $0x4000  }
0xa8: {  	[sflag:s14] =	ssyncset.done $0x0  }
0xa9: {  	[sflag:s14] =	ssyncadd.s32 $0xFFFFC000  }
0xaa: {  	[tilespmem:s13], [sflag:$0x1] =	stream.indirect.gather [hbm4b:s4+s15], $0x80, s5, s15, $0xb8;
	[tilespmem:$0x1D000] =	vst v63  }
0xab: {  	_ =	swait.ge [sflag:s18], $0x4000  }
0xac: {  	[sflag:s18] =	ssyncset.done $0x0  }
0xad: {  	[sflag:s18] =	ssyncadd.s32 $0xFFFFC000  }
0xae: {  	[spmem:s2] =	stream.indirect.scatter.add.f32 [tilespmem:s16], [sflag:$0x3], $0x80, s7, s15, $0xb8;
	[tilespmem:$0x1D000] =	vst v63  }
0xaf: {  	_ =	swait.ge [sflag:s14], $0x4000  }
0xb0: {  	[sflag:s14] =	ssyncset.done $0x0  }
0xb1: {  	[sflag:s14] =	ssyncadd.s32 $0xFFFFC000  }
0xb2: {  	[tilespmem:s16], [sflag:$0x2] =	stream.indirect.gather [hbm4b:s4+s15], $0x80, s8, s15, $0xb8;
	[tilespmem:$0x1D000] =	vst v63  }
0xb3: {  	_ =	swait.ge [sflag:s17], $0x4000  }
0xb4: {  	[sflag:s17] =	ssyncset.done $0x0  }
0xb5: {  	[sflag:s17] =	ssyncadd.s32 $0xFFFFC000  }
0xb6: {  	[spmem:s2] =	stream.indirect.scatter.add.f32 [tilespmem:s13], [sflag:$0x3], $0x80, s9, s15, $0xb8;
	[tilespmem:$0x1D000] =	vst v63  }
0xb7: {  	_ =	swait.ge [sflag:s14], $0x4000  }
0xb8: {  	[sflag:s14] =	ssyncset.done $0x0  }
0xb9: {  	[sflag:s14] =	ssyncadd.s32 $0xFFFFC000  }
0xba: {  	_ =	swait.ge [sflag:s18], $0x4000  }
0xbb: {  	[sflag:s18] =	ssyncset.done $0x0  }
0xbc: {  	[sflag:s18] =	ssyncadd.s32 $0xFFFFC000  }
0xbd: {  	[spmem:s2] =	stream.indirect.scatter.add.f32 [tilespmem:s16], [sflag:$0x3], $0x80, s10, s15, $0xb8;
	[tilespmem:$0x1D000] =	vst v63  }
0xbe: {  	s12 =	simm.s32 $0x200;
	_ =	swait.ge [sflag:s14], $0x4000  }
.LBB2_2:
0xbf: {  	s6 =	rddreg [dreg:$0x3];
	s11 =	smov.u32 s12;
	[sflag:s14] =	ssyncset.done $0x0  }
0xc0: {  	s6 =	sadd.s32 s11, s6;
	[sflag:s14] =	ssyncadd.s32 $0xFFFFC000  }
0xc1: {  	[tilespmem:s3], [sflag:$0x3] =	stream.linear.gather [hbm4b:s6+s3], $0x1000, $0x38;
	[tilespmem:$0x1D000] =	vst v63  }
0xc2: {  	_ =	swait.ge [sflag:s14], $0x1000  }
0xc3: {  	[sflag:s14] =	ssyncset.done $0x0  }
0xc4: {  	[sflag:s14] =	ssyncadd.s32 $0xFFFFF000  }
0xc5: {  	[tilespmem:s13], [sflag:$0x1] =	stream.indirect.gather [hbm4b:s4+s15], $0x80, s3, s15, $0xb8;
	[tilespmem:$0x1D000] =	vst v63  }
0xc6: {  	s11 =	rddreg [dreg:$0x4]  }
0xc7: {  	[tilespmem:s16], [sflag:$0x2] =	stream.indirect.gather [hbm4b:s4+s15], $0x80, s11, s15, $0xb8;
	[tilespmem:$0x1D000] =	vst v63  }
0xc8: {  	_ =	swait.ge [sflag:s17], $0x4000  }
0xc9: {  	[sflag:s17] =	ssyncset.done $0x0  }
0xca: {  	[sflag:s17] =	ssyncadd.s32 $0xFFFFC000  }
0xcb: {  	[spmem:s2] =	stream.indirect.scatter.add.f32 [tilespmem:s13], [sflag:$0x3], $0x80, s15, s15, $0xb8;
	[tilespmem:$0x1D000] =	vst v63  }
0xcc: {  	_ =	swait.ge [sflag:s14], $0x4000  }
0xcd: {  	[sflag:s14] =	ssyncset.done $0x0  }
0xce: {  	s11 =	rddreg [dreg:$0x5];
	[sflag:s14] =	ssyncadd.s32 $0xFFFFC000  }
0xcf: {  	[tilespmem:s13], [sflag:$0x1] =	stream.indirect.gather [hbm4b:s4+s15], $0x80, s11, s15, $0xb8;
	[tilespmem:$0x1D000] =	vst v63  }
0xd0: {  	_ =	swait.ge [sflag:s18], $0x4000  }
0xd1: {  	[sflag:s18] =	ssyncset.done $0x0  }
0xd2: {  	s11 =	rddreg [dreg:$0x6];
	[sflag:s18] =	ssyncadd.s32 $0xFFFFC000  }
0xd3: {  	[spmem:s2] =	stream.indirect.scatter.add.f32 [tilespmem:s16], [sflag:$0x3], $0x80, s11, s15, $0xb8;
	[tilespmem:$0x1D000] =	vst v63  }
0xd4: {  	_ =	swait.ge [sflag:s14], $0x4000  }
0xd5: {  	[sflag:s14] =	ssyncset.done $0x0  }
0xd6: {  	s11 =	rddreg [dreg:$0x7];
	[sflag:s14] =	ssyncadd.s32 $0xFFFFC000  }
0xd7: {  	[tilespmem:s16], [sflag:$0x2] =	stream.indirect.gather [hbm4b:s4+s15], $0x80, s11, s15, $0xb8;
	[tilespmem:$0x1D000] =	vst v63  }
0xd8: {  	_ =	swait.ge [sflag:s17], $0x4000  }
0xd9: {  	[sflag:s17] =	ssyncset.done $0x0  }
0xda: {  	s11 =	rddreg [dreg:$0x8];
	[sflag:s17] =	ssyncadd.s32 $0xFFFFC000  }
0xdb: {  	[spmem:s2] =	stream.indirect.scatter.add.f32 [tilespmem:s13], [sflag:$0x3], $0x80, s11, s15, $0xb8;
	[tilespmem:$0x1D000] =	vst v63  }
0xdc: {  	_ =	swait.ge [sflag:s14], $0x4000  }
0xdd: {  	[sflag:s14] =	ssyncset.done $0x0  }
0xde: {  	s11 =	rddreg [dreg:$0x9];
	[sflag:s14] =	ssyncadd.s32 $0xFFFFC000  }
0xdf: {  	[tilespmem:s13], [sflag:$0x1] =	stream.indirect.gather [hbm4b:s4+s15], $0x80, s11, s15, $0xb8;
	[tilespmem:$0x1D000] =	vst v63  }
0xe0: {  	_ =	swait.ge [sflag:s18], $0x4000  }
0xe1: {  	[sflag:s18] =	ssyncset.done $0x0  }
0xe2: {  	s11 =	rddreg [dreg:$0xa];
	[sflag:s18] =	ssyncadd.s32 $0xFFFFC000  }
0xe3: {  	[spmem:s2] =	stream.indirect.scatter.add.f32 [tilespmem:s16], [sflag:$0x3], $0x80, s11, s15, $0xb8;
	[tilespmem:$0x1D000] =	vst v63  }
0xe4: {  	_ =	swait.ge [sflag:s14], $0x4000  }
0xe5: {  	[sflag:s14] =	ssyncset.done $0x0  }
0xe6: {  	s11 =	rddreg [dreg:$0xb];
	[sflag:s14] =	ssyncadd.s32 $0xFFFFC000  }
0xe7: {  	[tilespmem:s16], [sflag:$0x2] =	stream.indirect.gather [hbm4b:s4+s15], $0x80, s11, s15, $0xb8;
	[tilespmem:$0x1D000] =	vst v63  }
0xe8: {  	_ =	swait.ge [sflag:s17], $0x4000  }
0xe9: {  	[sflag:s17] =	ssyncset.done $0x0  }
0xea: {  	s11 =	rddreg [dreg:$0xc];
	[sflag:s17] =	ssyncadd.s32 $0xFFFFC000  }
0xeb: {  	[spmem:s2] =	stream.indirect.scatter.add.f32 [tilespmem:s13], [sflag:$0x3], $0x80, s11, s15, $0xb8;
	[tilespmem:$0x1D000] =	vst v63  }
0xec: {  	_ =	swait.ge [sflag:s14], $0x4000  }
0xed: {  	[sflag:s14] =	ssyncset.done $0x0  }
0xee: {  	s11 =	rddreg [dreg:$0xd];
	[sflag:s14] =	ssyncadd.s32 $0xFFFFC000  }
0xef: {  	[tilespmem:s13], [sflag:$0x1] =	stream.indirect.gather [hbm4b:s4+s15], $0x80, s11, s15, $0xb8;
	[tilespmem:$0x1D000] =	vst v63  }
0xf0: {  	_ =	swait.ge [sflag:s18], $0x4000  }
0xf1: {  	[sflag:s18] =	ssyncset.done $0x0  }
0xf2: {  	s11 =	rddreg [dreg:$0xe];
	[sflag:s18] =	ssyncadd.s32 $0xFFFFC000  }
0xf3: {  	[spmem:s2] =	stream.indirect.scatter.add.f32 [tilespmem:s16], [sflag:$0x3], $0x80, s11, s15, $0xb8;
	[tilespmem:$0x1D000] =	vst v63  }
0xf4: {  	_ =	swait.ge [sflag:s14], $0x4000  }
0xf5: {  	[sflag:s14] =	ssyncset.done $0x0  }
0xf6: {  	[sflag:s14] =	ssyncadd.s32 $0xFFFFC000  }
0xf7: {  	[tilespmem:s16], [sflag:$0x2] =	stream.indirect.gather [hbm4b:s4+s15], $0x80, s19, s15, $0xb8;
	[tilespmem:$0x1D000] =	vst v63  }
0xf8: {  	_ =	swait.ge [sflag:s17], $0x4000  }
0xf9: {  	[sflag:s17] =	ssyncset.done $0x0  }
0xfa: {  	[sflag:s17] =	ssyncadd.s32 $0xFFFFC000  }
0xfb: {  	[spmem:s2] =	stream.indirect.scatter.add.f32 [tilespmem:s13], [sflag:$0x3], $0x80, s20, s15, $0xb8;
	[tilespmem:$0x1D000] =	vst v63  }
0xfc: {  	_ =	swait.ge [sflag:s14], $0x4000  }
0xfd: {  	[sflag:s14] =	ssyncset.done $0x0  }
0xfe: {  	[sflag:s14] =	ssyncadd.s32 $0xFFFFC000  }
0xff: {  	[tilespmem:s13], [sflag:$0x1] =	stream.indirect.gather [hbm4b:s4+s15], $0x80, s21, s15, $0xb8;
	[tilespmem:$0x1D000] =	vst v63  }
0x100: {  	_ =	swait.ge [sflag:s18], $0x4000  }
0x101: {  	[sflag:s18] =	ssyncset.done $0x0  }
0x102: {  	[sflag:s18] =	ssyncadd.s32 $0xFFFFC000  }
0x103: {  	[spmem:s2] =	stream.indirect.scatter.add.f32 [tilespmem:s16], [sflag:$0x3], $0x80, s22, s15, $0xb8;
	[tilespmem:$0x1D000] =	vst v63  }
0x104: {  	_ =	swait.ge [sflag:s14], $0x4000  }
0x105: {  	[sflag:s14] =	ssyncset.done $0x0  }
0x106: {  	[sflag:s14] =	ssyncadd.s32 $0xFFFFC000  }
0x107: {  	[tilespmem:s16], [sflag:$0x2] =	stream.indirect.gather [hbm4b:s4+s15], $0x80, s23, s15, $0xb8;
	[tilespmem:$0x1D000] =	vst v63  }
0x108: {  	_ =	swait.ge [sflag:s17], $0x4000  }
0x109: {  	[sflag:s17] =	ssyncset.done $0x0  }
0x10a: {  	[sflag:s17] =	ssyncadd.s32 $0xFFFFC000  }
0x10b: {  	[spmem:s2] =	stream.indirect.scatter.add.f32 [tilespmem:s13], [sflag:$0x3], $0x80, s24, s15, $0xb8;
	[tilespmem:$0x1D000] =	vst v63  }
0x10c: {  	_ =	swait.ge [sflag:s14], $0x4000  }
0x10d: {  	[sflag:s14] =	ssyncset.done $0x0  }
0x10e: {  	[sflag:s14] =	ssyncadd.s32 $0xFFFFC000  }
0x10f: {  	[tilespmem:s13], [sflag:$0x1] =	stream.indirect.gather [hbm4b:s4+s15], $0x80, s25, s15, $0xb8;
	[tilespmem:$0x1D000] =	vst v63  }
0x110: {  	_ =	swait.ge [sflag:s18], $0x4000  }
0x111: {  	[sflag:s18] =	ssyncset.done $0x0  }
0x112: {  	[sflag:s18] =	ssyncadd.s32 $0xFFFFC000  }
0x113: {  	[spmem:s2] =	stream.indirect.scatter.add.f32 [tilespmem:s16], [sflag:$0x3], $0x80, s26, s15, $0xb8;
	[tilespmem:$0x1D000] =	vst v63  }
0x114: {  	_ =	swait.ge [sflag:s14], $0x4000  }
0x115: {  	[sflag:s14] =	ssyncset.done $0x0  }
0x116: {  	[sflag:s14] =	ssyncadd.s32 $0xFFFFC000  }
0x117: {  	[tilespmem:s16], [sflag:$0x2] =	stream.indirect.gather [hbm4b:s4+s15], $0x80, s28, s15, $0xb8;
	[tilespmem:$0x1D000] =	vst v63  }
0x118: {  	_ =	swait.ge [sflag:s17], $0x4000  }
0x119: {  	[sflag:s17] =	ssyncset.done $0x0  }
0x11a: {  	[sflag:s17] =	ssyncadd.s32 $0xFFFFC000  }
0x11b: {  	[spmem:s2] =	stream.indirect.scatter.add.f32 [tilespmem:s13], [sflag:$0x3], $0x80, s29, s15, $0xb8;
	[tilespmem:$0x1D000] =	vst v63  }
0x11c: {  	_ =	swait.ge [sflag:s14], $0x4000  }
0x11d: {  	[sflag:s14] =	ssyncset.done $0x0  }
0x11e: {  	[sflag:s14] =	ssyncadd.s32 $0xFFFFC000  }
0x11f: {  	[tilespmem:s13], [sflag:$0x1] =	stream.indirect.gather [hbm4b:s4+s15], $0x80, s30, s15, $0xb8;
	[tilespmem:$0x1D000] =	vst v63  }
0x120: {  	_ =	swait.ge [sflag:s18], $0x4000  }
0x121: {  	[sflag:s18] =	ssyncset.done $0x0  }
0x122: {  	[sflag:s18] =	ssyncadd.s32 $0xFFFFC000  }
0x123: {  	[spmem:s2] =	stream.indirect.scatter.add.f32 [tilespmem:s16], [sflag:$0x3], $0x80, s31, s15, $0xb8;
	[tilespmem:$0x1D000] =	vst v63  }
0x124: {  	_ =	swait.ge [sflag:s14], $0x4000  }
0x125: {  	[sflag:s14] =	ssyncset.done $0x0  }
0x126: {  	[sflag:s14] =	ssyncadd.s32 $0xFFFFC000  }
0x127: {  	[tilespmem:s16], [sflag:$0x2] =	stream.indirect.gather [hbm4b:s4+s15], $0x80, s1, s15, $0xb8;
	[tilespmem:$0x1D000] =	vst v63  }
0x128: {  	_ =	swait.ge [sflag:s17], $0x4000  }
0x129: {  	[sflag:s17] =	ssyncset.done $0x0  }
0x12a: {  	[sflag:s17] =	ssyncadd.s32 $0xFFFFC000  }
0x12b: {  	[spmem:s2] =	stream.indirect.scatter.add.f32 [tilespmem:s13], [sflag:$0x3], $0x80, s0, s15, $0xb8;
	[tilespmem:$0x1D000] =	vst v63  }
0x12c: {  	_ =	swait.ge [sflag:s14], $0x4000  }
0x12d: {  	[sflag:s14] =	ssyncset.done $0x0  }
0x12e: {  	[sflag:s14] =	ssyncadd.s32 $0xFFFFC000  }
0x12f: {  	[tilespmem:s13], [sflag:$0x1] =	stream.indirect.gather [hbm4b:s4+s15], $0x80, s5, s15, $0xb8;
	[tilespmem:$0x1D000] =	vst v63  }
0x130: {  	_ =	swait.ge [sflag:s18], $0x4000  }
0x131: {  	[sflag:s18] =	ssyncset.done $0x0  }
0x132: {  	[sflag:s18] =	ssyncadd.s32 $0xFFFFC000  }
0x133: {  	[spmem:s2] =	stream.indirect.scatter.add.f32 [tilespmem:s16], [sflag:$0x3], $0x80, s7, s15, $0xb8;
	[tilespmem:$0x1D000] =	vst v63  }
0x134: {  	_ =	swait.ge [sflag:s14], $0x4000  }
0x135: {  	[sflag:s14] =	ssyncset.done $0x0  }
0x136: {  	[sflag:s14] =	ssyncadd.s32 $0xFFFFC000  }
0x137: {  	[tilespmem:s16], [sflag:$0x2] =	stream.indirect.gather [hbm4b:s4+s15], $0x80, s8, s15, $0xb8;
	[tilespmem:$0x1D000] =	vst v63  }
0x138: {  	_ =	swait.ge [sflag:s17], $0x4000  }
0x139: {  	[sflag:s17] =	ssyncset.done $0x0  }
0x13a: {  	[sflag:s17] =	ssyncadd.s32 $0xFFFFC000  }
0x13b: {  	[spmem:s2] =	stream.indirect.scatter.add.f32 [tilespmem:s13], [sflag:$0x3], $0x80, s9, s15, $0xb8;
	[tilespmem:$0x1D000] =	vst v63  }
0x13c: {  	_ =	swait.ge [sflag:s14], $0x4000  }
0x13d: {  	[sflag:s14] =	ssyncset.done $0x0  }
0x13e: {  	p0 =	sne.s32 s12, $0x800;
	[sflag:s14] =	ssyncadd.s32 $0xFFFFC000  }
.Ltmp0:
0x13f: {  	_ =	swait.ge [sflag:s18], $0x4000;
	(pc) =	sbr.rel @p0 .LBB2_2-.Ltmp0, $4  }
0x140: {  	[sflag:s18] =	ssyncset.done $0x0  }
0x141: {  	[sflag:s18] =	ssyncadd.s32 $0xFFFFC000  }
0x142: {  	[spmem:s2] =	stream.indirect.scatter.add.f32 [tilespmem:s16], [sflag:$0x3], $0x80, s10, s15, $0xb8;
	[tilespmem:$0x1D000] =	vst v63  }
0x143: {  	s12 =	sadd.s32 $0x200, s12;
	_ =	swait.ge [sflag:s14], $0x4000  }
0x144: {  	[sflag:s14] =	ssyncset.done $0x0;
	s6 =	stileid.u32  }
0x145: {  	[sflag:s14] =	ssyncadd.s32 $0xFFFFC000;
	s6 =	sshll.u32 s6, $0x6  }
0x146: {  	[bflag:$0x0] =	sbarrier.arrive $0xFFFF;
	s6 =	sor.u32 $0x1C03, s6  }
0x147: {  	[dreg:$0x18] =	wrdreg s6  }
0x148: {  	s12 =	rddreg [dreg:$0x10]  }
0x149: {  	s11 =	sshrl.u32 s12, $0x3;
	s12 =	rddreg [dreg:$0x15]  }
0x14a: {  	s6 =	rddreg [dreg:$0x18]  }
0x14b: {  	[hbm:s12], [sflag:s6] =	dma.local [spmem:s11], $0x2800  }
0x14c: {  	s12 =	rddreg [dreg:$0x10];
	_ =	swait.ge [sflag:s14], $0x2800  }
0x14d: {  	s6 =	rddreg [dreg:$0x17]  }
0x14e: {  	s11 =	sadd.s32 $0x1, s6;
	s6 =	rddreg [dreg:$0x16]  }
0x14f: {  	p0 =	sne.s32 s11, s6  }
.Ltmp1:
0x150: {  	_ = 	snop;
	(pc) =	sbr.rel @p0 .LBB2_1-.Ltmp1, $3  }
0x151: {  	_ =	sdelay $0x1  }
0x152: {  	[sflag:s14] =	ssyncset.done $0x0  }
0x153: {  	[sflag:s14] =	ssyncadd.s32 $0xFFFFD800  }
0x154: {  	_ =	sfence.sel $0x180000  }
0x155: {  	[bflag:$0x0] =	sbarrier.arrive $0xFFFF  }
0x156: {  	_ =	strace $0x9000004D  }
0x157: {  	s0 =	stileid.u32;
	[bflag:$0x2] =	sbarrier.arrive $0xFFFF  }
0x158: {  	p0 =	sne.s32 s0, $0x0;
	s0 =	rddreg [dreg:$0x2]  }
0x159: {  	s0 =	sadd.s32 @!p0 $0x100000, s0  }
0x15a: {  	[sflag:s0] =	ssyncadd.tile.s32 @!p0 $0x1;
	_ =	shalt  }
.Lfunc_end2:
_tile_overlayer_lowered:
.L_overlay_start_2:
0x15b: {  	(tag) =	ssettag $0x2  }
0x15c: {  	s0 =	rddreg [dreg:$0x0];
	s2 =	stileid.u32  }
0x15d: {  	s1 =	rddreg [dreg:$0x1];
	p0 =	sne.s32 s2, $0x0  }
0x15e: {  	s3 =	rddreg [dreg:$0x2];
	[bflag:$0x3] =	sbarrier.arrive $0xFFFF;
	s2 =	simm.s32 @!p0 $0x1C03  }
0x15f: {  	[timem:s3], [sflag:s2] =	dma.local @!p0 [hbm:s0], s1  }
0x160: {  	s0 =	simm.s32 @!p0 $0x3  }
0x161: {  	_ =	swait.ge @!p0 [sflag:s0], s1  }
0x162: {  	s1 =	ssub.s32 @!p0 $0x0, s1;
	[sflag:s0] =	ssyncset.done @!p0 $0x0  }
0x163: {  	[sflag:s0] =	ssyncadd.s32 @!p0 s1  }
0x164: {  	[bflag:$0x3] =	sbarrier.arrive $0xFFFF  }
0x165: {  	_ =	shalt  }

// kernel: kernel.19.cloned.1.call-start
scs
__scs_entry_jumppad:
0x0: {  	(pc) =	sbr.rel $0x88, $3  }
0x1: {  	(tag) =	ssettag $0x0;
	lr =	simm.s32 $0x1  }
0x2: {  	[smem:$0x3F8F] =	sst lr;
	_ =	strace $0xD0000000  }
0x3: {  	_ = 	snop  }
0x4: {  	_ = 	snop  }
0x5: {  	_ = 	snop  }
0x6: {  	_ = 	snop  }
0x7: {  	_ = 	snop  }
__scs_overlays_trampoline_lowered:
0x8: {  	[smem:$0x3F9E] =	sst s0  }
0x9: {  	[smem:$0x3F9F] =	sst s1  }
0xa: {  	[smem:$0x3FA0] =	sst s2  }
0xb: {  	[smem:$0x3FA1] =	sst s3  }
0xc: {  	[smem:$0x3FA2] =	sst s4  }
0xd: {  	[smem:$0x3FA3] =	sst s5  }
0xe: {  	[smem:$0x3FA4] =	sst s6  }
0xf: {  	[smem:$0x3FA5] =	sst s7  }
0x10: {  	[smem:$0x3FA6] =	sst s8  }
0x11: {  	[smem:$0x3FA7] =	sst s9;
	s0 =	simm.s32 @!p0 $0x0  }
0x12: {  	s1 =	sld [smem:$0x3F8D];
	s0 =	simm.s32 @p0 $0x1  }
0x13: {  	[smem:$0x3FA8] =	sst s0;
	s0 =	simm.s32 @!p1 $0x0  }
0x14: {  	s2 =	sld [smem:$0x3F8C];
	s0 =	simm.s32 @p1 $0x1  }
0x15: {  	[smem:$0x3FA9] =	sst s0;
	s0 =	simm.s32 @!p2 $0x0  }
0x16: {  	s3 =	sld [smem:$0x3FDB];
	s0 =	simm.s32 @p2 $0x1  }
0x17: {  	s4 =	simm.s32 $0x1BF5;
	[smem:$0x3FAB] =	sst s0  }
0x18: {  	s0 =	sld [smem:$0x3F8E];
	_ =	swait.ge [sflag:s4], $0x0  }
0x19: {  	s7 =	sld [smem:$0x3F8F]  }
0x1a: {  	s8 =	sadd.s32 $0xFFFFE003, lr  }
0x1b: {  	s9 =	sadd.s32 $0xFFFFFEF7, lr;
	s5 =	simm.s32 $0xFFFFFFFF;
	p2 =	slt.u32 s8, $0xFFFFF086  }
0x1c: {  	p1 =	slt.u32 s9, $0xF7A;
	s5 =	simm.s32 @!p2 $0x0  }
0x1d: {  	s5 =	simm.s32 @p1 $0x1;
	p0 =	seq.s32 s7, s2  }
0x1e: {  	s7 =	smul.u32 @!p0 $0xF7A, s2;
	p2 =	seq.s32 @!p0 s5, $0x0  }
0x1f: {  	s9 =	smul.u32 $0xF7A, s1;
	s8 =	simm.s32 @!p0 $0x1BF5;
	p2 =	por !p2, p0  }
0x20: {  	[sflag:s8] =	ssyncset.s32 @!p0 $0xFFFFF086;
	s6 =	sadd.s32 @!p0 s3, s7;
	s7 =	simm.s32 @!p0 $0x108  }
0x21: {  	s3 =	sadd.s32 s3, s9;
	s6 =	sadd.s32 @!p0 $0x88, s6;
	s7 =	simm.s32 @p2 $0x1082  }
0x22: {  	[simem:s7], [sflag:s8] =	dma.local @!p0 [hbm:s6], $0xF7A  }
0x23: {  	s9 =	sor.u32 $0xD0000000, s2;
	s6 =	simm.s32 $0x108;
	_ =	swait.ge @!p0 [sflag:s8], $0x0  }
0x24: {  	s3 =	sadd.s32 $0x88, s3;
	s6 =	simm.s32 @!p1 $0x1082;
	[sflag:s4] =	ssyncset.s32 $0xFFFFF086  }
0x25: {  	[simem:s6], [sflag:s4] =	dma.local [hbm:s3], $0xF7A  }
0x26: {  	[smem:$0x3F8F] =	sst s1;
	(tag) =	ssettag s2;
	_ =	strace s9  }
0x27: {  	s1 =	sld [smem:$0x3F9F]  }
0x28: {  	s2 =	sld [smem:$0x3FA0]  }
0x29: {  	s4 =	sld [smem:$0x3FA2]  }
0x2a: {  	p0 =	seq.s32 s5, $0x0;
	s5 =	sld [smem:$0x3FA3]  }
0x2b: {  	s6 =	sld [smem:$0x3FA4]  }
0x2c: {  	s7 =	sld [smem:$0x3FA5]  }
0x2d: {  	s3 =	simm.s32 $0x108;
	s8 =	sld [smem:$0x3FA6]  }
0x2e: {  	s3 =	simm.s32 @!p0 $0x1082;
	s9 =	sld [smem:$0x3FA7]  }
0x2f: {  	lr =	sadd.s32 s0, s3;
	s0 =	sld [smem:$0x3F9E]  }
0x30: {  	s3 =	sld [smem:$0x3FA1]  }
0x31: {  	[smem:$0x3FAA] =	sst s10  }
0x32: {  	s10 =	sld [smem:$0x3FA8];
	_ =	sdelay $0x3  }
0x33: {  	p0 =	seq.s32 s10, $0x1;
	s10 =	sld [smem:$0x3FAA];
	_ =	sdelay $0x3  }
0x34: {  	[smem:$0x3FAA] =	sst s10  }
0x35: {  	s10 =	sld [smem:$0x3FA9];
	_ =	sdelay $0x3  }
0x36: {  	p1 =	seq.s32 s10, $0x1;
	s10 =	sld [smem:$0x3FAA];
	_ =	sdelay $0x3  }
0x37: {  	[smem:$0x3FAA] =	sst s10  }
0x38: {  	s10 =	sld [smem:$0x3FAB]  }
0x39: {  	_ = 	snop;
	(pc) =	sbr.ind lr, $3  }
0x3a: {  	_ = 	snop  }
0x3b: {  	_ = 	snop  }
0x3c: {  	p2 =	seq.s32 s10, $0x1;
	s10 =	sld [smem:$0x3FAA]  }
0x3d: {  	_ =	shalt  }
0x3e: {  	_ =	shalt  }
0x3f: {  	_ =	shalt  }
0x40: {  	_ =	shalt  }
0x41: {  	_ =	shalt  }
0x42: {  	_ =	shalt  }
0x43: {  	_ =	shalt  }
0x44: {  	_ =	shalt  }
0x45: {  	_ =	shalt  }
0x46: {  	_ =	shalt  }
0x47: {  	_ =	shalt  }
0x48: {  	_ =	shalt  }
0x49: {  	_ =	shalt  }
0x4a: {  	_ =	shalt  }
0x4b: {  	_ =	shalt  }
0x4c: {  	_ =	shalt  }
0x4d: {  	_ =	shalt  }
0x4e: {  	_ =	shalt  }
0x4f: {  	_ =	shalt  }
0x50: {  	_ =	shalt  }
0x51: {  	_ =	shalt  }
0x52: {  	_ =	shalt  }
0x53: {  	_ =	shalt  }
0x54: {  	_ =	shalt  }
0x55: {  	_ =	shalt  }
0x56: {  	_ =	shalt  }
0x57: {  	_ =	shalt  }
0x58: {  	_ =	shalt  }
0x59: {  	_ =	shalt  }
0x5a: {  	_ =	shalt  }
0x5b: {  	_ =	shalt  }
0x5c: {  	_ =	shalt  }
0x5d: {  	_ =	shalt  }
0x5e: {  	_ =	shalt  }
0x5f: {  	_ =	shalt  }
0x60: {  	_ =	shalt  }
0x61: {  	_ =	shalt  }
0x62: {  	_ =	shalt  }
0x63: {  	_ =	shalt  }
0x64: {  	_ =	shalt  }
0x65: {  	_ =	shalt  }
0x66: {  	_ =	shalt  }
0x67: {  	_ =	shalt  }
0x68: {  	_ =	shalt  }
0x69: {  	_ =	shalt  }
0x6a: {  	_ =	shalt  }
0x6b: {  	_ =	shalt  }
0x6c: {  	_ =	shalt  }
0x6d: {  	_ =	shalt  }
0x6e: {  	_ =	shalt  }
0x6f: {  	_ =	shalt  }
0x70: {  	_ =	shalt  }
0x71: {  	_ =	shalt  }
0x72: {  	_ =	shalt  }
0x73: {  	_ =	shalt  }
0x74: {  	_ =	shalt  }
0x75: {  	_ =	shalt  }
0x76: {  	_ =	shalt  }
0x77: {  	_ =	shalt  }
0x78: {  	_ =	shalt  }
0x79: {  	_ =	shalt  }
0x7a: {  	_ =	shalt  }
0x7b: {  	_ =	shalt  }
0x7c: {  	_ =	shalt  }
0x7d: {  	_ =	shalt  }
0x7e: {  	_ =	shalt  }
0x7f: {  	_ =	shalt  }
0x80: {  	_ =	shalt  }
0x81: {  	_ =	shalt  }
0x82: {  	_ =	shalt  }
0x83: {  	_ =	shalt  }
0x84: {  	_ =	shalt  }
0x85: {  	_ =	shalt  }
0x86: {  	_ =	shalt  }
0x87: {  	_ =	shalt  }
.Lfunc_end0:
.L_simem_size_0:
called_computation.3_lowered:
.L_overlay_start_0:
0x88: {  	s2 =	sld [smem:$0x3FD9]  }
0x89: {  	s3 =	sld [smem:$0x3FFE];
	_ =	sdelay $0x1  }
0x8a: {  	s1 =	srdreg.scid  }
0x8b: {  	s0 =	sand.u32 $0x1, s1  }
0x8c: {  	s16 =	sshll.u32 s0, $0xA;
	s2 =	sadd.s32 s3, s2  }
0x8d: {  	s2 =	sadd.s32 s2, s16  }
0x8e: {  	[smem:$0x3FB6] =	sst s2  }
0x8f: {  	_ = 	snop  }
0x90: {  	(tm) =	ssettm $0x1  }
0x91: {  	s17 =	sld [smem:$0x3FFB];
	_ =	sdelay $0x3  }
0x92: {  	_ =	strace s17  }
0x93: {  	s2 =	sld [smem:$0x3FFC];
	_ =	sdelay $0x3  }
0x94: {  	_ =	strace s2  }
0x95: {  	s2 =	sld [smem:$0x3FFD];
	_ =	sdelay $0x3  }
0x96: {  	_ =	strace s2  }
0x97: {  	_ =	strace $0x8FFFFFFF  }
0x98: {  	s18 =	sld [smem:$0x3FDB];
	_ =	sdelay $0x1  }
0x99: {  	s19 =	simm.s32 $_scs_section_size  }
0x9a: {  	s4 =	simm.s32 $_size__tile_overlayer_lowered;
	s5 =	simm.s32 $_tile_overlayer_lowered  }
0x9b: {  	s22 =	simm.s32 $0x1BFF;
	s21 =	sshll.u32 s5, $0x1;
	s2 =	sadd.s32 s19, s18  }
0x9c: {  	s6 =	simm.s32 $0x0;
	s20 =	sshll.u32 s4, $0x1;
	s4 =	sadd.s32 s21, s2  }
0x9d: {  	[timem:s6], [sflag:s22] =	dma.local [hbm:s4], s20  }
0x9e: {  	_ =	swait.ge [sflag:s22], s20  }
0x9f: {  	s3 =	ssub.s32 $0x0, s20;
	[sflag:s22] =	ssyncset.done $0x0  }
0xa0: {  	[sflag:s22] =	ssyncadd.s32 s3;
	_ =	sdelay $0x1  }
0xa1: {  	s23 =	simm.s32 $0x1B8B  }
0xa2: {  	_ =	swait.ge [sflag:s23], $0x1  }
0xa3: {  	[sflag:s23] =	ssyncset.done $0x0  }
0xa4: {  	s25 =	simm.s32 $0x1B8E;
	s24 =	sld [smem:$0x3FFE];
	[sflag:s23] =	ssyncadd.s32 $0xFFFFFFFF  }
0xa5: {  	s26 =	simm.s32 $execute0_lowered;
	[smem:$0x3FD2] =	sst s25  }
0xa6: {  	s4 =	sshll.u32 s26, $0x1;
	_ =	strace $0x8000004F;
	[dreg:$0x1] =	wrdreg $0xFFFFFFFF  }
0xa7: {  	s28 =	simm.s32 $_size_execute0_lowered;
	s2 =	sadd.s32 s2, s4;
	[dreg:$0x0] =	wrdreg $0x0  }
0xa8: {  	s4 =	sshll.u32 s28, $0x1;
	[dreg:$0x2] =	wrdreg s2  }
0xa9: {  	[dreg:$0x3] =	wrdreg s4  }
0xaa: {  	[dreg:$0x4] =	wrdreg $0xC0  }
0xab: {  	_ =	task [dreg:s6], $0x5FFFF  }
0xac: {  	[dreg:$0x1] =	wrdreg $0xFFFFFFFF  }
0xad: {  	[dreg:$0x0] =	wrdreg $0x60  }
0xae: {  	[dreg:$0x2] =	wrdreg s24  }
0xaf: {  	[dreg:$0x3] =	wrdreg $0x90000  }
0xb0: {  	[dreg:$0x4] =	wrdreg $0x9  }
0xb1: {  	_ =	task.clear_ibuf [dreg:s6], $0x5FFFF;
	_ =	strace $0x9000004F  }
0xb2: {  	s29 =	simm.s32 $0x9;
	_ =	strace $0x80000051  }
0xb3: {  	_ =	swait.ge [sflag:s29], $0x1  }
0xb4: {  	[sflag:s29] =	ssyncadd.s32 $0xFFFFFFFF  }
0xb5: {  	_ =	strace $0x90000051  }
0xb6: {  	_ =	sfence  }
0xb7: {  	s30 =	sld [smem:$0x0];
	_ =	sdelay $0x2  }
0xb8: {  	s31 =	sshll.u32 s1, $0xD;
	s1 =	sshrl.u32 s1, $0x2  }
0xb9: {  	s3 =	sand.u32 $0x4000, s31;
	s1 =	sadd.s32 s1, s30  }
0xba: {  	s0 =	sor.u32 s3, s0;
	s1 =	sshll.u32 s1, $0x11  }
0xbb: {  	s0 =	sor.u32 s1, s0  }
0xbc: {  	s0 =	sadd.s32 $0x8F2B, s0  }
0xbd: {  	[sflag:s0] =	ssyncadd.remote.s32 $0x1  }
0xbe: {  	_ =	sfence.sel $0xFFFF  }
0xbf: {  	[dreg:$0x0] =	wrdreg $0xFFFFFFFF;
	(pc) =	sbr.abs _section_cstart, $3  }
0xc0: {  	[dreg:$0x1] =	wrdreg $0xFFFFFFFF  }
0xc1: {  	_ =	task.clear_ibuf [dreg:s6], $0x2FFFF;
	_ =	strace $0x9FFFFFFF  }
0xc2: {  	(tm) =	ssettm $0x7FFFFFFF  }
0xc3: {  	_ =	shalt  }
tec
execute0_lowered:
.L_overlay_start_1:
0x0: {  	(tag) =	ssettag $0x1  }
0x1: {  	s0 =	srdreg.scid;
	s1 =	rddreg [dreg:$0x0]  }
0x2: {  	s8 =	stileid.u32;
	s2 =	rddreg [dreg:$0x1];
	s3 =	simm.s32 $0x0  }
0x3: {  	s14 =	simm.s32 $0x100;
	s16 =	simm.s32 $0x200;
	s18 =	simm.s32 $0x180  }
0x4: {  	s19 =	simm.s32 $0x300;
	[smem:$0x7FF] =	sst s3;
	s9 =	sadd.s32 $0x5600, s1  }
0x5: {  	s20 =	simm.s32 $0x280;
	_ =	strace $0x80000050;
	[dreg:$0xf] =	wrdreg s9  }
0x6: {  	s21 =	simm.s32 $0x400;
	s22 =	simm.s32 $0x380;
	[dreg:$0x4] =	wrdreg s14  }
0x7: {  	s23 =	simm.s32 $0x500;
	s24 =	simm.s32 $0x480;
	[dreg:$0x5] =	wrdreg s16  }
0x8: {  	s25 =	simm.s32 $0x600;
	s28 =	simm.s32 $0xB00;
	[dreg:$0x6] =	wrdreg s18  }
0x9: {  	s29 =	simm.s32 $0xA80;
	s4 =	smul.u32 $0xA000, s8;
	[dreg:$0x7] =	wrdreg s19  }
0xa: {  	s30 =	simm.s32 $0xC00;
	s6 =	smul.u32 $0x2800, s8;
	[dreg:$0x8] =	wrdreg s20  }
0xb: {  	s0 =	sand.u32 $0x1, s0;
	s8 =	smul.u32 $0x50000, s8;
	[dreg:$0x9] =	wrdreg s21  }
0xc: {  	s31 =	simm.s32 $0xB80;
	s5 =	smul.u32 $0x5000, s0;
	[dreg:$0xa] =	wrdreg s22  }
0xd: {  	s26 =	smul.u32 $0x28000, s0;
	s0 =	ssub.s32 $0x2, s0;
	[dreg:$0xb] =	wrdreg s23  }
0xe: {  	s14 =	simm.s32 $0x3;
	s16 =	simm.s32 $0x5000;
	[dreg:$0xc] =	wrdreg s24  }
0xf: {  	s18 =	simm.s32 $0x2;
	[dreg:$0xd] =	wrdreg s25;
	s19 =	simm.s32 $0x700  }
0x10: {  	s20 =	simm.s32 $0x680;
	s21 =	simm.s32 $0x800;
	s22 =	simm.s32 $0x780  }
0x11: {  	s23 =	simm.s32 $0x900;
	s24 =	simm.s32 $0x880;
	s25 =	simm.s32 $0xA00  }
0x12: {  	s9 =	sshrl.u32 s8, $0x2;
	s10 =	sshrl.u32 s0, $0x1;
	s8 =	simm.s32 $0xF00  }
0x13: {  	s4 =	sadd.s32 s5, s4;
	s5 =	sadd.s32 s6, s26;
	s26 =	simm.s32 $0x580  }
0x14: {  	s12 =	sadd.s32 s9, s2;
	s0 =	ssub.s32 s0, s10;
	[dreg:$0xe] =	wrdreg s26  }
0x15: {  	s9 =	simm.s32 $0xE80;
	s11 =	sadd.s32 $0x4000, s12;
	[dreg:$0x10] =	wrdreg s12  }
0x16: {  	s10 =	simm.s32 $0xF80;
	s6 =	sadd.s32 $0x8000, s12;
	[dreg:$0x11] =	wrdreg s11  }
0x17: {  	s7 =	sshrl.u32 s4, $0x3;
	s15 =	sadd.s32 $0xC000, s12;
	[dreg:$0x12] =	wrdreg s6  }
0x18: {  	s4 =	sadd.s32 $0x5E00, s1;
	s17 =	sadd.s32 $0x10000, s12;
	[dreg:$0x13] =	wrdreg s15  }
0x19: {  	s0 =	smax.u32 s0, $0x1;
	s26 =	simm.s32 $0x980;
	[dreg:$0x14] =	wrdreg s17  }
0x1a: {  	s7 =	sadd.s32 s7, s1;
	s1 =	sadd.s32 s5, s1;
	[dreg:$0x16] =	wrdreg s0  }
0x1b: {  	s15 =	simm.s32 $0x80;
	s17 =	simm.s32 $0x1;
	s0 =	simm.s32 $0xC80  }
0x1c: {  	s5 =	simm.s32 $0xE00;
	s11 =	simm.s32 $0x0;
	s13 =	sadd.s32 $0x56600, s7  }
0x1d: {  	s1 =	sadd.s32 $0x6A600, s1;
	s7 =	simm.s32 $0xD80;
	[dreg:$0x3] =	wrdreg s13  }
0x1e: {  	[dreg:$0x15] =	wrdreg s1;
	s13 =	simm.s32 $0x1000;
	s1 =	simm.s32 $0xD00  }
.LBB2_1:
0x1f: {  	[dreg:$0x17] =	wrdreg s11  }
0x20: {  	s6 =	rddreg [dreg:$0xf]  }
0x21: {  	[tilespmem:s13], [sflag:$0x3] =	stream.linear.gather [hbm4b:s6+s3], $0x4000, $0x38;
	[tilespmem:$0x1D000] =	vst v63  }
0x22: {  	_ =	swait.ge [sflag:s14], $0x4000  }
0x23: {  	[sflag:s14] =	ssyncset.done $0x0  }
0x24: {  	[sflag:s14] =	ssyncadd.s32 $0xFFFFC000  }
0x25: {  	[spmem:s12] =	stream.linear.scatter [tilespmem:s13], [sflag:$0x3], $0x4000, $0x38;
	[tilespmem:$0x1D000] =	vst v63  }
0x26: {  	_ =	swait.ge [sflag:s14], $0x4000  }
0x27: {  	[sflag:s14] =	ssyncset.done $0x0  }
0x28: {  	s11 =	rddreg [dreg:$0x11];
	[sflag:s14] =	ssyncadd.s32 $0xFFFFC000  }
0x29: {  	[spmem:s11] =	stream.linear.scatter [tilespmem:s13], [sflag:$0x3], $0x4000, $0x38;
	[tilespmem:$0x1D000] =	vst v63  }
0x2a: {  	_ =	swait.ge [sflag:s14], $0x4000  }
0x2b: {  	[sflag:s14] =	ssyncset.done $0x0  }
0x2c: {  	s12 =	rddreg [dreg:$0x12];
	[sflag:s14] =	ssyncadd.s32 $0xFFFFC000  }
0x2d: {  	[spmem:s12] =	stream.linear.scatter [tilespmem:s13], [sflag:$0x3], $0x4000, $0x38;
	[tilespmem:$0x1D000] =	vst v63  }
0x2e: {  	_ =	swait.ge [sflag:s14], $0x4000  }
0x2f: {  	[sflag:s14] =	ssyncset.done $0x0  }
0x30: {  	s11 =	rddreg [dreg:$0x13];
	[sflag:s14] =	ssyncadd.s32 $0xFFFFC000  }
0x31: {  	[spmem:s11] =	stream.linear.scatter [tilespmem:s13], [sflag:$0x3], $0x4000, $0x38;
	[tilespmem:$0x1D000] =	vst v63  }
0x32: {  	_ =	swait.ge [sflag:s14], $0x4000  }
0x33: {  	[sflag:s14] =	ssyncset.done $0x0  }
0x34: {  	s12 =	rddreg [dreg:$0x14];
	[sflag:s14] =	ssyncadd.s32 $0xFFFFC000  }
0x35: {  	[spmem:s12] =	stream.linear.scatter [tilespmem:s13], [sflag:$0x3], $0x4000, $0x38;
	[tilespmem:$0x1D000] =	vst v63  }
0x36: {  	_ =	swait.ge [sflag:s14], $0x4000  }
0x37: {  	[sflag:s14] =	ssyncset.done $0x0  }
0x38: {  	[sflag:s14] =	ssyncadd.s32 $0xFFFFC000  }
0x39: {  	[bflag:$0x0] =	sbarrier.arrive $0xFFFF  }
0x3a: {  	s6 =	rddreg [dreg:$0x3]  }
0x3b: {  	s12 =	sadd.s32 $0x0, s6  }
0x3c: {  	[tilespmem:s3], [sflag:$0x3] =	stream.linear.gather [hbm4b:s12+s3], $0x1000, $0x38;
	[tilespmem:$0x1D000] =	vst v63  }
0x3d: {  	_ =	swait.ge [sflag:s14], $0x1000  }
0x3e: {  	[sflag:s14] =	ssyncset.done $0x0  }
0x3f: {  	[sflag:s14] =	ssyncadd.s32 $0xFFFFF000  }
0x40: {  	[tilespmem:s13], [sflag:$0x1] =	stream.indirect.gather [hbm4b:s4+s15], $0x80, s3, s15, $0xb8;
	[tilespmem:$0x1D000] =	vst v63  }
0x41: {  	s11 =	rddreg [dreg:$0x4]  }
0x42: {  	[tilespmem:s16], [sflag:$0x2] =	stream.indirect.gather [hbm4b:s4+s15], $0x80, s11, s15, $0xb8;
	[tilespmem:$0x1D000] =	vst v63  }
0x43: {  	_ =	swait.ge [sflag:s17], $0x4000  }
0x44: {  	[sflag:s17] =	ssyncset.done $0x0  }
0x45: {  	[sflag:s17] =	ssyncadd.s32 $0xFFFFC000  }
0x46: {  	[spmem:s2] =	stream.indirect.scatter.add.f32 [tilespmem:s13], [sflag:$0x3], $0x80, s15, s15, $0xb8;
	[tilespmem:$0x1D000] =	vst v63  }
0x47: {  	_ =	swait.ge [sflag:s14], $0x4000  }
0x48: {  	[sflag:s14] =	ssyncset.done $0x0  }
0x49: {  	s6 =	rddreg [dreg:$0x5];
	[sflag:s14] =	ssyncadd.s32 $0xFFFFC000  }
0x4a: {  	[tilespmem:s13], [sflag:$0x1] =	stream.indirect.gather [hbm4b:s4+s15], $0x80, s6, s15, $0xb8;
	[tilespmem:$0x1D000] =	vst v63  }
0x4b: {  	_ =	swait.ge [sflag:s18], $0x4000  }
0x4c: {  	[sflag:s18] =	ssyncset.done $0x0  }
0x4d: {  	s11 =	rddreg [dreg:$0x6];
	[sflag:s18] =	ssyncadd.s32 $0xFFFFC000  }
0x4e: {  	[spmem:s2] =	stream.indirect.scatter.add.f32 [tilespmem:s16], [sflag:$0x3], $0x80, s11, s15, $0xb8;
	[tilespmem:$0x1D000] =	vst v63  }
0x4f: {  	_ =	swait.ge [sflag:s14], $0x4000  }
0x50: {  	[sflag:s14] =	ssyncset.done $0x0  }
0x51: {  	s6 =	rddreg [dreg:$0x7];
	[sflag:s14] =	ssyncadd.s32 $0xFFFFC000  }
0x52: {  	[tilespmem:s16], [sflag:$0x2] =	stream.indirect.gather [hbm4b:s4+s15], $0x80, s6, s15, $0xb8;
	[tilespmem:$0x1D000] =	vst v63  }
0x53: {  	_ =	swait.ge [sflag:s17], $0x4000  }
0x54: {  	[sflag:s17] =	ssyncset.done $0x0  }
0x55: {  	s11 =	rddreg [dreg:$0x8];
	[sflag:s17] =	ssyncadd.s32 $0xFFFFC000  }
0x56: {  	[spmem:s2] =	stream.indirect.scatter.add.f32 [tilespmem:s13], [sflag:$0x3], $0x80, s11, s15, $0xb8;
	[tilespmem:$0x1D000] =	vst v63  }
0x57: {  	_ =	swait.ge [sflag:s14], $0x4000  }
0x58: {  	[sflag:s14] =	ssyncset.done $0x0  }
0x59: {  	s6 =	rddreg [dreg:$0x9];
	[sflag:s14] =	ssyncadd.s32 $0xFFFFC000  }
0x5a: {  	[tilespmem:s13], [sflag:$0x1] =	stream.indirect.gather [hbm4b:s4+s15], $0x80, s6, s15, $0xb8;
	[tilespmem:$0x1D000] =	vst v63  }
0x5b: {  	_ =	swait.ge [sflag:s18], $0x4000  }
0x5c: {  	[sflag:s18] =	ssyncset.done $0x0  }
0x5d: {  	s11 =	rddreg [dreg:$0xa];
	[sflag:s18] =	ssyncadd.s32 $0xFFFFC000  }
0x5e: {  	[spmem:s2] =	stream.indirect.scatter.add.f32 [tilespmem:s16], [sflag:$0x3], $0x80, s11, s15, $0xb8;
	[tilespmem:$0x1D000] =	vst v63  }
0x5f: {  	_ =	swait.ge [sflag:s14], $0x4000  }
0x60: {  	[sflag:s14] =	ssyncset.done $0x0  }
0x61: {  	s6 =	rddreg [dreg:$0xb];
	[sflag:s14] =	ssyncadd.s32 $0xFFFFC000  }
0x62: {  	[tilespmem:s16], [sflag:$0x2] =	stream.indirect.gather [hbm4b:s4+s15], $0x80, s6, s15, $0xb8;
	[tilespmem:$0x1D000] =	vst v63  }
0x63: {  	_ =	swait.ge [sflag:s17], $0x4000  }
0x64: {  	[sflag:s17] =	ssyncset.done $0x0  }
0x65: {  	s11 =	rddreg [dreg:$0xc];
	[sflag:s17] =	ssyncadd.s32 $0xFFFFC000  }
0x66: {  	[spmem:s2] =	stream.indirect.scatter.add.f32 [tilespmem:s13], [sflag:$0x3], $0x80, s11, s15, $0xb8;
	[tilespmem:$0x1D000] =	vst v63  }
0x67: {  	_ =	swait.ge [sflag:s14], $0x4000  }
0x68: {  	[sflag:s14] =	ssyncset.done $0x0  }
0x69: {  	s6 =	rddreg [dreg:$0xd];
	[sflag:s14] =	ssyncadd.s32 $0xFFFFC000  }
0x6a: {  	[tilespmem:s13], [sflag:$0x1] =	stream.indirect.gather [hbm4b:s4+s15], $0x80, s6, s15, $0xb8;
	[tilespmem:$0x1D000] =	vst v63  }
0x6b: {  	_ =	swait.ge [sflag:s18], $0x4000  }
0x6c: {  	[sflag:s18] =	ssyncset.done $0x0  }
0x6d: {  	s11 =	rddreg [dreg:$0xe];
	[sflag:s18] =	ssyncadd.s32 $0xFFFFC000  }
0x6e: {  	[spmem:s2] =	stream.indirect.scatter.add.f32 [tilespmem:s16], [sflag:$0x3], $0x80, s11, s15, $0xb8;
	[tilespmem:$0x1D000] =	vst v63  }
0x6f: {  	_ =	swait.ge [sflag:s14], $0x4000  }
0x70: {  	[sflag:s14] =	ssyncset.done $0x0  }
0x71: {  	[sflag:s14] =	ssyncadd.s32 $0xFFFFC000  }
0x72: {  	[tilespmem:s16], [sflag:$0x2] =	stream.indirect.gather [hbm4b:s4+s15], $0x80, s19, s15, $0xb8;
	[tilespmem:$0x1D000] =	vst v63  }
0x73: {  	_ =	swait.ge [sflag:s17], $0x4000  }
0x74: {  	[sflag:s17] =	ssyncset.done $0x0  }
0x75: {  	[sflag:s17] =	ssyncadd.s32 $0xFFFFC000  }
0x76: {  	[spmem:s2] =	stream.indirect.scatter.add.f32 [tilespmem:s13], [sflag:$0x3], $0x80, s20, s15, $0xb8;
	[tilespmem:$0x1D000] =	vst v63  }
0x77: {  	_ =	swait.ge [sflag:s14], $0x4000  }
0x78: {  	[sflag:s14] =	ssyncset.done $0x0  }
0x79: {  	[sflag:s14] =	ssyncadd.s32 $0xFFFFC000  }
0x7a: {  	[tilespmem:s13], [sflag:$0x1] =	stream.indirect.gather [hbm4b:s4+s15], $0x80, s21, s15, $0xb8;
	[tilespmem:$0x1D000] =	vst v63  }
0x7b: {  	_ =	swait.ge [sflag:s18], $0x4000  }
0x7c: {  	[sflag:s18] =	ssyncset.done $0x0  }
0x7d: {  	[sflag:s18] =	ssyncadd.s32 $0xFFFFC000  }
0x7e: {  	[spmem:s2] =	stream.indirect.scatter.add.f32 [tilespmem:s16], [sflag:$0x3], $0x80, s22, s15, $0xb8;
	[tilespmem:$0x1D000] =	vst v63  }
0x7f: {  	_ =	swait.ge [sflag:s14], $0x4000  }
0x80: {  	[sflag:s14] =	ssyncset.done $0x0  }
0x81: {  	[sflag:s14] =	ssyncadd.s32 $0xFFFFC000  }
0x82: {  	[tilespmem:s16], [sflag:$0x2] =	stream.indirect.gather [hbm4b:s4+s15], $0x80, s23, s15, $0xb8;
	[tilespmem:$0x1D000] =	vst v63  }
0x83: {  	_ =	swait.ge [sflag:s17], $0x4000  }
0x84: {  	[sflag:s17] =	ssyncset.done $0x0  }
0x85: {  	[sflag:s17] =	ssyncadd.s32 $0xFFFFC000  }
0x86: {  	[spmem:s2] =	stream.indirect.scatter.add.f32 [tilespmem:s13], [sflag:$0x3], $0x80, s24, s15, $0xb8;
	[tilespmem:$0x1D000] =	vst v63  }
0x87: {  	_ =	swait.ge [sflag:s14], $0x4000  }
0x88: {  	[sflag:s14] =	ssyncset.done $0x0  }
0x89: {  	[sflag:s14] =	ssyncadd.s32 $0xFFFFC000  }
0x8a: {  	[tilespmem:s13], [sflag:$0x1] =	stream.indirect.gather [hbm4b:s4+s15], $0x80, s25, s15, $0xb8;
	[tilespmem:$0x1D000] =	vst v63  }
0x8b: {  	_ =	swait.ge [sflag:s18], $0x4000  }
0x8c: {  	[sflag:s18] =	ssyncset.done $0x0  }
0x8d: {  	[sflag:s18] =	ssyncadd.s32 $0xFFFFC000  }
0x8e: {  	[spmem:s2] =	stream.indirect.scatter.add.f32 [tilespmem:s16], [sflag:$0x3], $0x80, s26, s15, $0xb8;
	[tilespmem:$0x1D000] =	vst v63  }
0x8f: {  	_ =	swait.ge [sflag:s14], $0x4000  }
0x90: {  	[sflag:s14] =	ssyncset.done $0x0  }
0x91: {  	[sflag:s14] =	ssyncadd.s32 $0xFFFFC000  }
0x92: {  	[tilespmem:s16], [sflag:$0x2] =	stream.indirect.gather [hbm4b:s4+s15], $0x80, s28, s15, $0xb8;
	[tilespmem:$0x1D000] =	vst v63  }
0x93: {  	_ =	swait.ge [sflag:s17], $0x4000  }
0x94: {  	[sflag:s17] =	ssyncset.done $0x0  }
0x95: {  	[sflag:s17] =	ssyncadd.s32 $0xFFFFC000  }
0x96: {  	[spmem:s2] =	stream.indirect.scatter.add.f32 [tilespmem:s13], [sflag:$0x3], $0x80, s29, s15, $0xb8;
	[tilespmem:$0x1D000] =	vst v63  }
0x97: {  	_ =	swait.ge [sflag:s14], $0x4000  }
0x98: {  	[sflag:s14] =	ssyncset.done $0x0  }
0x99: {  	[sflag:s14] =	ssyncadd.s32 $0xFFFFC000  }
0x9a: {  	[tilespmem:s13], [sflag:$0x1] =	stream.indirect.gather [hbm4b:s4+s15], $0x80, s30, s15, $0xb8;
	[tilespmem:$0x1D000] =	vst v63  }
0x9b: {  	_ =	swait.ge [sflag:s18], $0x4000  }
0x9c: {  	[sflag:s18] =	ssyncset.done $0x0  }
0x9d: {  	[sflag:s18] =	ssyncadd.s32 $0xFFFFC000  }
0x9e: {  	[spmem:s2] =	stream.indirect.scatter.add.f32 [tilespmem:s16], [sflag:$0x3], $0x80, s31, s15, $0xb8;
	[tilespmem:$0x1D000] =	vst v63  }
0x9f: {  	_ =	swait.ge [sflag:s14], $0x4000  }
0xa0: {  	[sflag:s14] =	ssyncset.done $0x0  }
0xa1: {  	[sflag:s14] =	ssyncadd.s32 $0xFFFFC000  }
0xa2: {  	[tilespmem:s16], [sflag:$0x2] =	stream.indirect.gather [hbm4b:s4+s15], $0x80, s1, s15, $0xb8;
	[tilespmem:$0x1D000] =	vst v63  }
0xa3: {  	_ =	swait.ge [sflag:s17], $0x4000  }
0xa4: {  	[sflag:s17] =	ssyncset.done $0x0  }
0xa5: {  	[sflag:s17] =	ssyncadd.s32 $0xFFFFC000  }
0xa6: {  	[spmem:s2] =	stream.indirect.scatter.add.f32 [tilespmem:s13], [sflag:$0x3], $0x80, s0, s15, $0xb8;
	[tilespmem:$0x1D000] =	vst v63  }
0xa7: {  	_ =	swait.ge [sflag:s14], $0x4000  }
0xa8: {  	[sflag:s14] =	ssyncset.done $0x0  }
0xa9: {  	[sflag:s14] =	ssyncadd.s32 $0xFFFFC000  }
0xaa: {  	[tilespmem:s13], [sflag:$0x1] =	stream.indirect.gather [hbm4b:s4+s15], $0x80, s5, s15, $0xb8;
	[tilespmem:$0x1D000] =	vst v63  }
0xab: {  	_ =	swait.ge [sflag:s18], $0x4000  }
0xac: {  	[sflag:s18] =	ssyncset.done $0x0  }
0xad: {  	[sflag:s18] =	ssyncadd.s32 $0xFFFFC000  }
0xae: {  	[spmem:s2] =	stream.indirect.scatter.add.f32 [tilespmem:s16], [sflag:$0x3], $0x80, s7, s15, $0xb8;
	[tilespmem:$0x1D000] =	vst v63  }
0xaf: {  	_ =	swait.ge [sflag:s14], $0x4000  }
0xb0: {  	[sflag:s14] =	ssyncset.done $0x0  }
0xb1: {  	[sflag:s14] =	ssyncadd.s32 $0xFFFFC000  }
0xb2: {  	[tilespmem:s16], [sflag:$0x2] =	stream.indirect.gather [hbm4b:s4+s15], $0x80, s8, s15, $0xb8;
	[tilespmem:$0x1D000] =	vst v63  }
0xb3: {  	_ =	swait.ge [sflag:s17], $0x4000  }
0xb4: {  	[sflag:s17] =	ssyncset.done $0x0  }
0xb5: {  	[sflag:s17] =	ssyncadd.s32 $0xFFFFC000  }
0xb6: {  	[spmem:s2] =	stream.indirect.scatter.add.f32 [tilespmem:s13], [sflag:$0x3], $0x80, s9, s15, $0xb8;
	[tilespmem:$0x1D000] =	vst v63  }
0xb7: {  	_ =	swait.ge [sflag:s14], $0x4000  }
0xb8: {  	[sflag:s14] =	ssyncset.done $0x0  }
0xb9: {  	[sflag:s14] =	ssyncadd.s32 $0xFFFFC000  }
0xba: {  	_ =	swait.ge [sflag:s18], $0x4000  }
0xbb: {  	[sflag:s18] =	ssyncset.done $0x0  }
0xbc: {  	[sflag:s18] =	ssyncadd.s32 $0xFFFFC000  }
0xbd: {  	[spmem:s2] =	stream.indirect.scatter.add.f32 [tilespmem:s16], [sflag:$0x3], $0x80, s10, s15, $0xb8;
	[tilespmem:$0x1D000] =	vst v63  }
0xbe: {  	s12 =	simm.s32 $0x200;
	_ =	swait.ge [sflag:s14], $0x4000  }
.LBB2_2:
0xbf: {  	s6 =	rddreg [dreg:$0x3];
	s11 =	smov.u32 s12;
	[sflag:s14] =	ssyncset.done $0x0  }
0xc0: {  	s6 =	sadd.s32 s11, s6;
	[sflag:s14] =	ssyncadd.s32 $0xFFFFC000  }
0xc1: {  	[tilespmem:s3], [sflag:$0x3] =	stream.linear.gather [hbm4b:s6+s3], $0x1000, $0x38;
	[tilespmem:$0x1D000] =	vst v63  }
0xc2: {  	_ =	swait.ge [sflag:s14], $0x1000  }
0xc3: {  	[sflag:s14] =	ssyncset.done $0x0  }
0xc4: {  	[sflag:s14] =	ssyncadd.s32 $0xFFFFF000  }
0xc5: {  	[tilespmem:s13], [sflag:$0x1] =	stream.indirect.gather [hbm4b:s4+s15], $0x80, s3, s15, $0xb8;
	[tilespmem:$0x1D000] =	vst v63  }
0xc6: {  	s11 =	rddreg [dreg:$0x4]  }
0xc7: {  	[tilespmem:s16], [sflag:$0x2] =	stream.indirect.gather [hbm4b:s4+s15], $0x80, s11, s15, $0xb8;
	[tilespmem:$0x1D000] =	vst v63  }
0xc8: {  	_ =	swait.ge [sflag:s17], $0x4000  }
0xc9: {  	[sflag:s17] =	ssyncset.done $0x0  }
0xca: {  	[sflag:s17] =	ssyncadd.s32 $0xFFFFC000  }
0xcb: {  	[spmem:s2] =	stream.indirect.scatter.add.f32 [tilespmem:s13], [sflag:$0x3], $0x80, s15, s15, $0xb8;
	[tilespmem:$0x1D000] =	vst v63  }
0xcc: {  	_ =	swait.ge [sflag:s14], $0x4000  }
0xcd: {  	[sflag:s14] =	ssyncset.done $0x0  }
0xce: {  	s11 =	rddreg [dreg:$0x5];
	[sflag:s14] =	ssyncadd.s32 $0xFFFFC000  }
0xcf: {  	[tilespmem:s13], [sflag:$0x1] =	stream.indirect.gather [hbm4b:s4+s15], $0x80, s11, s15, $0xb8;
	[tilespmem:$0x1D000] =	vst v63  }
0xd0: {  	_ =	swait.ge [sflag:s18], $0x4000  }
0xd1: {  	[sflag:s18] =	ssyncset.done $0x0  }
0xd2: {  	s11 =	rddreg [dreg:$0x6];
	[sflag:s18] =	ssyncadd.s32 $0xFFFFC000  }
0xd3: {  	[spmem:s2] =	stream.indirect.scatter.add.f32 [tilespmem:s16], [sflag:$0x3], $0x80, s11, s15, $0xb8;
	[tilespmem:$0x1D000] =	vst v63  }
0xd4: {  	_ =	swait.ge [sflag:s14], $0x4000  }
0xd5: {  	[sflag:s14] =	ssyncset.done $0x0  }
0xd6: {  	s11 =	rddreg [dreg:$0x7];
	[sflag:s14] =	ssyncadd.s32 $0xFFFFC000  }
0xd7: {  	[tilespmem:s16], [sflag:$0x2] =	stream.indirect.gather [hbm4b:s4+s15], $0x80, s11, s15, $0xb8;
	[tilespmem:$0x1D000] =	vst v63  }
0xd8: {  	_ =	swait.ge [sflag:s17], $0x4000  }
0xd9: {  	[sflag:s17] =	ssyncset.done $0x0  }
0xda: {  	s11 =	rddreg [dreg:$0x8];
	[sflag:s17] =	ssyncadd.s32 $0xFFFFC000  }
0xdb: {  	[spmem:s2] =	stream.indirect.scatter.add.f32 [tilespmem:s13], [sflag:$0x3], $0x80, s11, s15, $0xb8;
	[tilespmem:$0x1D000] =	vst v63  }
0xdc: {  	_ =	swait.ge [sflag:s14], $0x4000  }
0xdd: {  	[sflag:s14] =	ssyncset.done $0x0  }
0xde: {  	s11 =	rddreg [dreg:$0x9];
	[sflag:s14] =	ssyncadd.s32 $0xFFFFC000  }
0xdf: {  	[tilespmem:s13], [sflag:$0x1] =	stream.indirect.gather [hbm4b:s4+s15], $0x80, s11, s15, $0xb8;
	[tilespmem:$0x1D000] =	vst v63  }
0xe0: {  	_ =	swait.ge [sflag:s18], $0x4000  }
0xe1: {  	[sflag:s18] =	ssyncset.done $0x0  }
0xe2: {  	s11 =	rddreg [dreg:$0xa];
	[sflag:s18] =	ssyncadd.s32 $0xFFFFC000  }
0xe3: {  	[spmem:s2] =	stream.indirect.scatter.add.f32 [tilespmem:s16], [sflag:$0x3], $0x80, s11, s15, $0xb8;
	[tilespmem:$0x1D000] =	vst v63  }
0xe4: {  	_ =	swait.ge [sflag:s14], $0x4000  }
0xe5: {  	[sflag:s14] =	ssyncset.done $0x0  }
0xe6: {  	s11 =	rddreg [dreg:$0xb];
	[sflag:s14] =	ssyncadd.s32 $0xFFFFC000  }
0xe7: {  	[tilespmem:s16], [sflag:$0x2] =	stream.indirect.gather [hbm4b:s4+s15], $0x80, s11, s15, $0xb8;
	[tilespmem:$0x1D000] =	vst v63  }
0xe8: {  	_ =	swait.ge [sflag:s17], $0x4000  }
0xe9: {  	[sflag:s17] =	ssyncset.done $0x0  }
0xea: {  	s11 =	rddreg [dreg:$0xc];
	[sflag:s17] =	ssyncadd.s32 $0xFFFFC000  }
0xeb: {  	[spmem:s2] =	stream.indirect.scatter.add.f32 [tilespmem:s13], [sflag:$0x3], $0x80, s11, s15, $0xb8;
	[tilespmem:$0x1D000] =	vst v63  }
0xec: {  	_ =	swait.ge [sflag:s14], $0x4000  }
0xed: {  	[sflag:s14] =	ssyncset.done $0x0  }
0xee: {  	s11 =	rddreg [dreg:$0xd];
	[sflag:s14] =	ssyncadd.s32 $0xFFFFC000  }
0xef: {  	[tilespmem:s13], [sflag:$0x1] =	stream.indirect.gather [hbm4b:s4+s15], $0x80, s11, s15, $0xb8;
	[tilespmem:$0x1D000] =	vst v63  }
0xf0: {  	_ =	swait.ge [sflag:s18], $0x4000  }
0xf1: {  	[sflag:s18] =	ssyncset.done $0x0  }
0xf2: {  	s11 =	rddreg [dreg:$0xe];
	[sflag:s18] =	ssyncadd.s32 $0xFFFFC000  }
0xf3: {  	[spmem:s2] =	stream.indirect.scatter.add.f32 [tilespmem:s16], [sflag:$0x3], $0x80, s11, s15, $0xb8;
	[tilespmem:$0x1D000] =	vst v63  }
0xf4: {  	_ =	swait.ge [sflag:s14], $0x4000  }
0xf5: {  	[sflag:s14] =	ssyncset.done $0x0  }
0xf6: {  	[sflag:s14] =	ssyncadd.s32 $0xFFFFC000  }
0xf7: {  	[tilespmem:s16], [sflag:$0x2] =	stream.indirect.gather [hbm4b:s4+s15], $0x80, s19, s15, $0xb8;
	[tilespmem:$0x1D000] =	vst v63  }
0xf8: {  	_ =	swait.ge [sflag:s17], $0x4000  }
0xf9: {  	[sflag:s17] =	ssyncset.done $0x0  }
0xfa: {  	[sflag:s17] =	ssyncadd.s32 $0xFFFFC000  }
0xfb: {  	[spmem:s2] =	stream.indirect.scatter.add.f32 [tilespmem:s13], [sflag:$0x3], $0x80, s20, s15, $0xb8;
	[tilespmem:$0x1D000] =	vst v63  }
0xfc: {  	_ =	swait.ge [sflag:s14], $0x4000  }
0xfd: {  	[sflag:s14] =	ssyncset.done $0x0  }
0xfe: {  	[sflag:s14] =	ssyncadd.s32 $0xFFFFC000  }
0xff: {  	[tilespmem:s13], [sflag:$0x1] =	stream.indirect.gather [hbm4b:s4+s15], $0x80, s21, s15, $0xb8;
	[tilespmem:$0x1D000] =	vst v63  }
0x100: {  	_ =	swait.ge [sflag:s18], $0x4000  }
0x101: {  	[sflag:s18] =	ssyncset.done $0x0  }
0x102: {  	[sflag:s18] =	ssyncadd.s32 $0xFFFFC000  }
0x103: {  	[spmem:s2] =	stream.indirect.scatter.add.f32 [tilespmem:s16], [sflag:$0x3], $0x80, s22, s15, $0xb8;
	[tilespmem:$0x1D000] =	vst v63  }
0x104: {  	_ =	swait.ge [sflag:s14], $0x4000  }
0x105: {  	[sflag:s14] =	ssyncset.done $0x0  }
0x106: {  	[sflag:s14] =	ssyncadd.s32 $0xFFFFC000  }
0x107: {  	[tilespmem:s16], [sflag:$0x2] =	stream.indirect.gather [hbm4b:s4+s15], $0x80, s23, s15, $0xb8;
	[tilespmem:$0x1D000] =	vst v63  }
0x108: {  	_ =	swait.ge [sflag:s17], $0x4000  }
0x109: {  	[sflag:s17] =	ssyncset.done $0x0  }
0x10a: {  	[sflag:s17] =	ssyncadd.s32 $0xFFFFC000  }
0x10b: {  	[spmem:s2] =	stream.indirect.scatter.add.f32 [tilespmem:s13], [sflag:$0x3], $0x80, s24, s15, $0xb8;
	[tilespmem:$0x1D000] =	vst v63  }
0x10c: {  	_ =	swait.ge [sflag:s14], $0x4000  }
0x10d: {  	[sflag:s14] =	ssyncset.done $0x0  }
0x10e: {  	[sflag:s14] =	ssyncadd.s32 $0xFFFFC000  }
0x10f: {  	[tilespmem:s13], [sflag:$0x1] =	stream.indirect.gather [hbm4b:s4+s15], $0x80, s25, s15, $0xb8;
	[tilespmem:$0x1D000] =	vst v63  }
0x110: {  	_ =	swait.ge [sflag:s18], $0x4000  }
0x111: {  	[sflag:s18] =	ssyncset.done $0x0  }
0x112: {  	[sflag:s18] =	ssyncadd.s32 $0xFFFFC000  }
0x113: {  	[spmem:s2] =	stream.indirect.scatter.add.f32 [tilespmem:s16], [sflag:$0x3], $0x80, s26, s15, $0xb8;
	[tilespmem:$0x1D000] =	vst v63  }
0x114: {  	_ =	swait.ge [sflag:s14], $0x4000  }
0x115: {  	[sflag:s14] =	ssyncset.done $0x0  }
0x116: {  	[sflag:s14] =	ssyncadd.s32 $0xFFFFC000  }
0x117: {  	[tilespmem:s16], [sflag:$0x2] =	stream.indirect.gather [hbm4b:s4+s15], $0x80, s28, s15, $0xb8;
	[tilespmem:$0x1D000] =	vst v63  }
0x118: {  	_ =	swait.ge [sflag:s17], $0x4000  }
0x119: {  	[sflag:s17] =	ssyncset.done $0x0  }
0x11a: {  	[sflag:s17] =	ssyncadd.s32 $0xFFFFC000  }
0x11b: {  	[spmem:s2] =	stream.indirect.scatter.add.f32 [tilespmem:s13], [sflag:$0x3], $0x80, s29, s15, $0xb8;
	[tilespmem:$0x1D000] =	vst v63  }
0x11c: {  	_ =	swait.ge [sflag:s14], $0x4000  }
0x11d: {  	[sflag:s14] =	ssyncset.done $0x0  }
0x11e: {  	[sflag:s14] =	ssyncadd.s32 $0xFFFFC000  }
0x11f: {  	[tilespmem:s13], [sflag:$0x1] =	stream.indirect.gather [hbm4b:s4+s15], $0x80, s30, s15, $0xb8;
	[tilespmem:$0x1D000] =	vst v63  }
0x120: {  	_ =	swait.ge [sflag:s18], $0x4000  }
0x121: {  	[sflag:s18] =	ssyncset.done $0x0  }
0x122: {  	[sflag:s18] =	ssyncadd.s32 $0xFFFFC000  }
0x123: {  	[spmem:s2] =	stream.indirect.scatter.add.f32 [tilespmem:s16], [sflag:$0x3], $0x80, s31, s15, $0xb8;
	[tilespmem:$0x1D000] =	vst v63  }
0x124: {  	_ =	swait.ge [sflag:s14], $0x4000  }
0x125: {  	[sflag:s14] =	ssyncset.done $0x0  }
0x126: {  	[sflag:s14] =	ssyncadd.s32 $0xFFFFC000  }
0x127: {  	[tilespmem:s16], [sflag:$0x2] =	stream.indirect.gather [hbm4b:s4+s15], $0x80, s1, s15, $0xb8;
	[tilespmem:$0x1D000] =	vst v63  }
0x128: {  	_ =	swait.ge [sflag:s17], $0x4000  }
0x129: {  	[sflag:s17] =	ssyncset.done $0x0  }
0x12a: {  	[sflag:s17] =	ssyncadd.s32 $0xFFFFC000  }
0x12b: {  	[spmem:s2] =	stream.indirect.scatter.add.f32 [tilespmem:s13], [sflag:$0x3], $0x80, s0, s15, $0xb8;
	[tilespmem:$0x1D000] =	vst v63  }
0x12c: {  	_ =	swait.ge [sflag:s14], $0x4000  }
0x12d: {  	[sflag:s14] =	ssyncset.done $0x0  }
0x12e: {  	[sflag:s14] =	ssyncadd.s32 $0xFFFFC000  }
0x12f: {  	[tilespmem:s13], [sflag:$0x1] =	stream.indirect.gather [hbm4b:s4+s15], $0x80, s5, s15, $0xb8;
	[tilespmem:$0x1D000] =	vst v63  }
0x130: {  	_ =	swait.ge [sflag:s18], $0x4000  }
0x131: {  	[sflag:s18] =	ssyncset.done $0x0  }
0x132: {  	[sflag:s18] =	ssyncadd.s32 $0xFFFFC000  }
0x133: {  	[spmem:s2] =	stream.indirect.scatter.add.f32 [tilespmem:s16], [sflag:$0x3], $0x80, s7, s15, $0xb8;
	[tilespmem:$0x1D000] =	vst v63  }
0x134: {  	_ =	swait.ge [sflag:s14], $0x4000  }
0x135: {  	[sflag:s14] =	ssyncset.done $0x0  }
0x136: {  	[sflag:s14] =	ssyncadd.s32 $0xFFFFC000  }
0x137: {  	[tilespmem:s16], [sflag:$0x2] =	stream.indirect.gather [hbm4b:s4+s15], $0x80, s8, s15, $0xb8;
	[tilespmem:$0x1D000] =	vst v63  }
0x138: {  	_ =	swait.ge [sflag:s17], $0x4000  }
0x139: {  	[sflag:s17] =	ssyncset.done $0x0  }
0x13a: {  	[sflag:s17] =	ssyncadd.s32 $0xFFFFC000  }
0x13b: {  	[spmem:s2] =	stream.indirect.scatter.add.f32 [tilespmem:s13], [sflag:$0x3], $0x80, s9, s15, $0xb8;
	[tilespmem:$0x1D000] =	vst v63  }
0x13c: {  	_ =	swait.ge [sflag:s14], $0x4000  }
0x13d: {  	[sflag:s14] =	ssyncset.done $0x0  }
0x13e: {  	p0 =	sne.s32 s12, $0x800;
	[sflag:s14] =	ssyncadd.s32 $0xFFFFC000  }
.Ltmp0:
0x13f: {  	_ =	swait.ge [sflag:s18], $0x4000;
	(pc) =	sbr.rel @p0 .LBB2_2-.Ltmp0, $4  }
0x140: {  	[sflag:s18] =	ssyncset.done $0x0  }
0x141: {  	[sflag:s18] =	ssyncadd.s32 $0xFFFFC000  }
0x142: {  	[spmem:s2] =	stream.indirect.scatter.add.f32 [tilespmem:s16], [sflag:$0x3], $0x80, s10, s15, $0xb8;
	[tilespmem:$0x1D000] =	vst v63  }
0x143: {  	s12 =	sadd.s32 $0x200, s12;
	_ =	swait.ge [sflag:s14], $0x4000  }
0x144: {  	[sflag:s14] =	ssyncset.done $0x0;
	s6 =	stileid.u32  }
0x145: {  	[sflag:s14] =	ssyncadd.s32 $0xFFFFC000;
	s6 =	sshll.u32 s6, $0x6  }
0x146: {  	[bflag:$0x0] =	sbarrier.arrive $0xFFFF;
	s6 =	sor.u32 $0x1C03, s6  }
0x147: {  	[dreg:$0x18] =	wrdreg s6  }
0x148: {  	s12 =	rddreg [dreg:$0x10]  }
0x149: {  	s11 =	sshrl.u32 s12, $0x3;
	s12 =	rddreg [dreg:$0x15]  }
0x14a: {  	s6 =	rddreg [dreg:$0x18]  }
0x14b: {  	[hbm:s12], [sflag:s6] =	dma.local [spmem:s11], $0x2800  }
0x14c: {  	s12 =	rddreg [dreg:$0x10];
	_ =	swait.ge [sflag:s14], $0x2800  }
0x14d: {  	s6 =	rddreg [dreg:$0x17]  }
0x14e: {  	s11 =	sadd.s32 $0x1, s6;
	s6 =	rddreg [dreg:$0x16]  }
0x14f: {  	p0 =	sne.s32 s11, s6  }
.Ltmp1:
0x150: {  	_ = 	snop;
	(pc) =	sbr.rel @p0 .LBB2_1-.Ltmp1, $3  }
0x151: {  	_ =	sdelay $0x1  }
0x152: {  	[sflag:s14] =	ssyncset.done $0x0  }
0x153: {  	[sflag:s14] =	ssyncadd.s32 $0xFFFFD800  }
0x154: {  	_ =	sfence.sel $0x180000  }
0x155: {  	[bflag:$0x0] =	sbarrier.arrive $0xFFFF  }
0x156: {  	_ =	strace $0x90000050  }
0x157: {  	s0 =	stileid.u32;
	[bflag:$0x2] =	sbarrier.arrive $0xFFFF  }
0x158: {  	p0 =	sne.s32 s0, $0x0;
	s0 =	rddreg [dreg:$0x2]  }
0x159: {  	s0 =	sadd.s32 @!p0 $0x100000, s0  }
0x15a: {  	[sflag:s0] =	ssyncadd.tile.s32 @!p0 $0x1;
	_ =	shalt  }
.Lfunc_end2:
_tile_overlayer_lowered:
.L_overlay_start_2:
0x15b: {  	(tag) =	ssettag $0x2  }
0x15c: {  	s0 =	rddreg [dreg:$0x0];
	s2 =	stileid.u32  }
0x15d: {  	s1 =	rddreg [dreg:$0x1];
	p0 =	sne.s32 s2, $0x0  }
0x15e: {  	s3 =	rddreg [dreg:$0x2];
	[bflag:$0x3] =	sbarrier.arrive $0xFFFF;
	s2 =	simm.s32 @!p0 $0x1C03  }
0x15f: {  	[timem:s3], [sflag:s2] =	dma.local @!p0 [hbm:s0], s1  }
0x160: {  	s0 =	simm.s32 @!p0 $0x3  }
0x161: {  	_ =	swait.ge @!p0 [sflag:s0], s1  }
0x162: {  	s1 =	ssub.s32 @!p0 $0x0, s1;
	[sflag:s0] =	ssyncset.done @!p0 $0x0  }
0x163: {  	[sflag:s0] =	ssyncadd.s32 @!p0 s1  }
0x164: {  	[bflag:$0x3] =	sbarrier.arrive $0xFFFF  }
0x165: {  	_ =	shalt  }

</sc_bundles>
